<compile_context>
chip_gen: v7x
topology: tpu7x:2x2x1
jax: 0.10.2.dev20260603
libtpu: 0.0.44.dev20260713+nightly
codegen_flags: <defaults>
</compile_context>

<pallas_src>
import functools

import jax
import jax.numpy as jnp
from jax import lax
from jax.experimental import pallas as pl
from jax.experimental.pallas import tpu as pltpu
from jax.experimental.pallas import tpu_sc as plsc

N = 10000
E = 320000
D = 128
H = 64
G = 64
EPS = 1e-5

W0 = 64
CW = 16

NCORES = 2
NSUB = 16
NW = NCORES * NSUB
EPW = E // NW
CH = 125
NCH = EPW // CH
RMAIN = 624
RST = 104

_PREC = lax.Precision.DEFAULT



def _make_sc_agg(W):
    mesh = plsc.VectorSubcoreMesh(core_axis_name="c", subcore_axis_name="s")

    @functools.partial(
        pl.kernel,
        mesh=mesh,
        out_type=jax.ShapeDtypeStruct((NCORES, N, W), jnp.float32),
        scratch_types=[
            pltpu.VMEM((NCH, CH), jnp.int32),
            pltpu.VMEM((NCH, CH), jnp.int32),
            pltpu.VMEM((4, CH, W), jnp.float32),
            pltpu.VMEM((8, W), jnp.float32),
            pltpu.VMEM((RST, W), jnp.float32),
            pltpu.VMEM_SHARED((N, W), jnp.float32),
            [pltpu.SemaphoreType.DMA] * 4,
        ],
        compiler_params=pltpu.CompilerParams(use_tc_tiling_on_sc=False),
    )
    def agg(p_hbm, src_hbm, dst_hbm, out_hbm, sidx, didx, rows,
            zbuf, wb, A, sems):
        cid = lax.axis_index("c")
        sid = lax.axis_index("s")
        wid = cid * NSUB + sid
        r0 = pl.multiple_of(sid * RMAIN, 8)
        t0 = pl.multiple_of(NSUB * RMAIN + sid * 8, 8)

        pltpu.sync_copy(src_hbm.at[wid], sidx)
        pltpu.sync_copy(dst_hbm.at[wid], didx)

        zeros16 = jnp.zeros((16,), jnp.float32)
        for r in range(8):
            for c in range(W // 16):
                zbuf[r, pl.ds(c * 16, 16)] = zeros16

        def zbody(j, carry):
            pltpu.sync_copy(zbuf, A.at[pl.ds(pl.multiple_of(r0 + j * 8, 8), 8)])
            return carry

        lax.fori_loop(0, RMAIN // 8, zbody, 0)

        @pl.when(sid < (N - NSUB * RMAIN) // 8)
        def _zero_tail():
            pltpu.sync_copy(zbuf, A.at[pl.ds(t0, 8)])

        plsc.subcore_barrier()

        for b in range(3):
            pltpu.async_copy(p_hbm.at[sidx.at[b]], rows.at[b], sems[b])

        def ebody(k, carry):
            i0 = 4 * k
            for b in range(4):
                i = i0 + b
                inext = lax.rem(i + 3, NCH)
                pltpu.async_copy(p_hbm.at[sidx.at[inext]],
                                 rows.at[(b + 3) % 4], sems[(b + 3) % 4])
                pltpu.make_async_copy(p_hbm.at[sidx.at[i]],
                                      rows.at[b], sems[b]).wait()
                pltpu.sync_copy(rows.at[b], A.at[didx.at[i]], add=True)
            return carry

        lax.fori_loop(0, NCH // 4, ebody, 0)

        for b in range(3):
            pltpu.make_async_copy(p_hbm.at[sidx.at[b]], rows.at[b],
                                  sems[b]).wait()

        plsc.subcore_barrier()

        def obody(j, carry):
            o = pl.multiple_of(r0 + j * RST, 8)
            pltpu.sync_copy(A.at[pl.ds(o, RST)], wb)
            pltpu.sync_copy(wb, out_hbm.at[cid, pl.ds(o, RST)])
            return carry

        lax.fori_loop(0, RMAIN // RST, obody, 0)

        @pl.when(sid < (N - NSUB * RMAIN) // 8)
        def _write_tail():
            pltpu.sync_copy(A.at[pl.ds(t0, 8)], zbuf)
            pltpu.sync_copy(zbuf, out_hbm.at[cid, pl.ds(t0, 8)])

    return agg


_sc_cache = {}


def _sc_agg80(p, src, dst):
    if W0 not in _sc_cache:
        _sc_cache[W0] = _make_sc_agg(W0)
    return _sc_cache[W0](p, src, dst)


def _make_sc_counts():
    mesh = plsc.VectorSubcoreMesh(core_axis_name="c", subcore_axis_name="s")

    @functools.partial(
        pl.kernel,
        mesh=mesh,
        out_type=jax.ShapeDtypeStruct((NCORES, N, CW), jnp.float32),
        scratch_types=[
            pltpu.VMEM((NCH, CH), jnp.int32),
            pltpu.VMEM((CH, CW), jnp.float32),
            pltpu.VMEM((8, CW), jnp.float32),
            pltpu.VMEM((RST, CW), jnp.float32),
            pltpu.VMEM_SHARED((N, CW), jnp.float32),
        ],
        compiler_params=pltpu.CompilerParams(use_tc_tiling_on_sc=False),
    )
    def cnts(dst_hbm, out_hbm, didx, ones, zbuf, wb, C):
        cid = lax.axis_index("c")
        sid = lax.axis_index("s")
        wid = cid * NSUB + sid
        r0 = pl.multiple_of(sid * RMAIN, 8)
        t0 = pl.multiple_of(NSUB * RMAIN + sid * 8, 8)

        pltpu.sync_copy(dst_hbm.at[wid], didx)

        zeros16 = jnp.zeros((16,), jnp.float32)
        ones16 = jnp.ones((16,), jnp.float32)
        for r in range(8):
            zbuf[r, pl.ds(0, 16)] = zeros16
        for r in range(CH):
            ones[r, pl.ds(0, 16)] = ones16

        def zbody(j, carry):
            pltpu.sync_copy(zbuf, C.at[pl.ds(pl.multiple_of(r0 + j * 8, 8), 8)])
            return carry

        lax.fori_loop(0, RMAIN // 8, zbody, 0)

        @pl.when(sid < (N - NSUB * RMAIN) // 8)
        def _zero_tail():
            pltpu.sync_copy(zbuf, C.at[pl.ds(t0, 8)])

        plsc.subcore_barrier()

        def cbody(i, carry):
            pltpu.sync_copy(ones, C.at[didx.at[i]], add=True)
            return carry

        lax.fori_loop(0, NCH, cbody, 0)

        plsc.subcore_barrier()

        def obody(j, carry):
            o = pl.multiple_of(r0 + j * RST, 8)
            pltpu.sync_copy(C.at[pl.ds(o, RST)], wb)
            pltpu.sync_copy(wb, out_hbm.at[cid, pl.ds(o, RST)])
            return carry

        lax.fori_loop(0, RMAIN // RST, obody, 0)

        @pl.when(sid < (N - NSUB * RMAIN) // 8)
        def _write_tail():
            pltpu.sync_copy(C.at[pl.ds(t0, 8)], zbuf)
            pltpu.sync_copy(zbuf, out_hbm.at[cid, pl.ds(t0, 8)])

    return cnts


def _sc_counts(dst):
    if "cnt" not in _sc_cache:
        _sc_cache["cnt"] = _make_sc_counts()
    return _sc_cache["cnt"](dst)



def _tc0_body(x_ref, wl_ref, wr_ref, b_ref, p_ref, q_ref):
    x = x_ref[...]
    p_ref[...] = jnp.dot(x, wl_ref[...], precision=_PREC)
    q_ref[...] = jnp.dot(x, wr_ref[...], precision=_PREC) + b_ref[...]


def _tc0(x, wl, wr, b):
    return pl.pallas_call(
        _tc0_body,
        out_shape=(
            jax.ShapeDtypeStruct((N, W0), jnp.float32),
            jax.ShapeDtypeStruct((N, H), jnp.float32),
        ),
    )(x, wl, wr, b)


def _bn_relu(h, g, be):
    mu = jnp.mean(h, axis=0, keepdims=True)
    var = jnp.mean((h - mu) * (h - mu), axis=0, keepdims=True)
    return jnp.maximum(g * (h - mu) / jnp.sqrt(var + EPS) + be, 0.0)


def _tc1_body(agg_ref, cin_ref, q_ref, g_ref, be_ref, wl_ref, wr_ref, b_ref,
              p_ref, qn_ref, cnt_ref):
    a = agg_ref[0] + agg_ref[1]
    cnt = jnp.maximum(cin_ref[0][:, :1] + cin_ref[1][:, :1], 1.0)
    h = a / cnt + q_ref[...]
    h = _bn_relu(h, g_ref[...], be_ref[...])
    p_ref[...] = jnp.dot(h, wl_ref[...], precision=_PREC)
    qn_ref[...] = jnp.dot(h, wr_ref[...], precision=_PREC) + b_ref[...]
    cnt_ref[...] = cnt


def _tc1(agg, cin, q, g, be, wl, wr, b):
    return pl.pallas_call(
        _tc1_body,
        out_shape=(
            jax.ShapeDtypeStruct((N, W0), jnp.float32),
            jax.ShapeDtypeStruct((N, H), jnp.float32),
            jax.ShapeDtypeStruct((N, 1), jnp.float32),
        ),
    )(agg, cin, q, g, be, wl, wr, b)


def _tc2_body(agg_ref, cnt_ref, q_ref, g_ref, be_ref, wl_ref, wr_ref, b_ref,
              p_ref, qn_ref):
    a = agg_ref[0] + agg_ref[1]
    h = a / cnt_ref[...] + q_ref[...]
    h = _bn_relu(h, g_ref[...], be_ref[...])
    p_ref[...] = jnp.dot(h, wl_ref[...], precision=_PREC)
    qn_ref[...] = jnp.dot(h, wr_ref[...], precision=_PREC) + b_ref[...]


def _tc2(agg, cnt, q, g, be, wl, wr, b):
    return pl.pallas_call(
        _tc2_body,
        out_shape=(
            jax.ShapeDtypeStruct((N, W0), jnp.float32),
            jax.ShapeDtypeStruct((N, H), jnp.float32),
        ),
    )(agg, cnt, q, g, be, wl, wr, b)


def _tc3_body(agg_ref, cnt_ref, q_ref, g_ref, be_ref, batch_ref,
              wa_ref, ba_ref, wb_ref, bb_ref, out_ref):
    a = agg_ref[0] + agg_ref[1]
    h = a / cnt_ref[...] + q_ref[...]
    h = _bn_relu(h, g_ref[...], be_ref[...])
    gid = lax.broadcasted_iota(jnp.int32, (1, G), 1)
    m = (batch_ref[...] == gid).astype(jnp.float32)
    sums = lax.dot_general(m, h, (((0,), (0,)), ((), ())),
                           precision=_PREC)
    ones = jnp.ones((N, 1), jnp.float32)
    pcnt = lax.dot_general(m, ones, (((0,), (0,)), ((), ())),
                           precision=_PREC)
    emb = sums / jnp.maximum(pcnt, 1.0)
    z = jnp.maximum(jnp.dot(emb, wa_ref[...], precision=_PREC) + ba_ref[...],
                    0.0)
    out_ref[...] = jnp.dot(z, wb_ref[...], precision=_PREC) + bb_ref[...]


def _tc3(agg, cnt, q, g, be, batch2, wa, ba, wb, bb):
    return pl.pallas_call(
        _tc3_body,
        out_shape=jax.ShapeDtypeStruct((G, 2), jnp.float32),
    )(agg, cnt, q, g, be, batch2, wa, ba, wb, bb)



def kernel(x, edge_index, batch, Wl0, Wr0, b0, g0, be0, Wl1, Wr1, b1, g1, be1,
           Wl2, Wr2, b2, g2, be2, Wa, ba, Wb, bb):
    src = edge_index[0].reshape(NW, NCH, CH)
    dst = edge_index[1].reshape(NW, NCH, CH)
    batch2 = batch.reshape(N, 1)
    b0r, g0r, be0r = b0.reshape(1, H), g0.reshape(1, H), be0.reshape(1, H)
    b1r, g1r, be1r = b1.reshape(1, H), g1.reshape(1, H), be1.reshape(1, H)
    b2r, g2r, be2r = b2.reshape(1, H), g2.reshape(1, H), be2.reshape(1, H)
    bar = ba.reshape(1, H // 2)
    bbr = bb.reshape(1, 2)

    p0, q0 = _tc0(x, Wl0, Wr0, b0r)
    cnts = _sc_counts(dst)
    agg0 = _sc_agg80(p0, src, dst)
    p1, q1, cnt = _tc1(agg0, cnts, q0, g0r, be0r, Wl1, Wr1, b1r)
    agg1 = _sc_agg80(p1, src, dst)
    p2, q2 = _tc2(agg1, cnt, q1, g1r, be1r, Wl2, Wr2, b2r)
    agg2 = _sc_agg80(p2, src, dst)
    out = _tc3(agg2, cnt, q2, g2r, be2r, batch2, Wa, bar, Wb, bbr)
    return out

# --- scband reference (transcript-rebuilt; emitter-appended) ---
"""Pipeline reference for scband-sagemalware-classifier-84129819394427 (READ-ONLY COPY).

The authoritative reference and input builder live on the scoring server;
editing this copy changes nothing except your own understanding.
"""

import jax, jax.numpy as jnp
import numpy as np

N = 10000
E = 320000
D = 128
H = 64
G = 64
EPS = 1e-5


def setup_inputs(seed: int = 0) -> dict:
    key = jax.random.key(seed)
    ks = jax.random.split(key, 32)
    inp = {}
    inp["x"] = jax.random.normal(ks[0], (N, D), dtype=jnp.float32)
    inp["edge_index"] = jax.random.randint(ks[1], (2, E), 0, N, dtype=jnp.int32)
    inp["batch"] = jnp.sort(jax.random.randint(ks[2], (N,), 0, G, dtype=jnp.int32))
    # SAGEConv layer 0: in=D, out=H
    inp["Wl0"] = jax.random.normal(ks[3], (D, H), dtype=jnp.float32) * 0.05
    inp["Wr0"] = jax.random.normal(ks[4], (D, H), dtype=jnp.float32) * 0.05
    inp["b0"] = jnp.zeros((H,), dtype=jnp.float32)
    inp["g0"] = jnp.ones((H,), dtype=jnp.float32)
    inp["be0"] = jnp.zeros((H,), dtype=jnp.float32)
    # SAGEConv layer 1: in=H, out=H
    inp["Wl1"] = jax.random.normal(ks[5], (H, H), dtype=jnp.float32) * 0.05
    inp["Wr1"] = jax.random.normal(ks[6], (H, H), dtype=jnp.float32) * 0.05
    inp["b1"] = jnp.zeros((H,), dtype=jnp.float32)
    inp["g1"] = jnp.ones((H,), dtype=jnp.float32)
    inp["be1"] = jnp.zeros((H,), dtype=jnp.float32)
    # SAGEConv layer 2: in=H, out=H
    inp["Wl2"] = jax.random.normal(ks[7], (H, H), dtype=jnp.float32) * 0.05
    inp["Wr2"] = jax.random.normal(ks[8], (H, H), dtype=jnp.float32) * 0.05
    inp["b2"] = jnp.zeros((H,), dtype=jnp.float32)
    inp["g2"] = jnp.ones((H,), dtype=jnp.float32)
    inp["be2"] = jnp.zeros((H,), dtype=jnp.float32)
    # classifier: Linear(H, H//2) -> ReLU -> Linear(H//2, 2)
    inp["Wa"] = jax.random.normal(ks[9], (H, H // 2), dtype=jnp.float32) * 0.05
    inp["ba"] = jnp.zeros((H // 2,), dtype=jnp.float32)
    inp["Wb"] = jax.random.normal(ks[10], (H // 2, 2), dtype=jnp.float32) * 0.05
    inp["bb"] = jnp.zeros((2,), dtype=jnp.float32)
    return inp


def _sage_conv(x, src, dst, Wl, Wr, b):
    # PyG SAGEConv with mean aggregation: out = lin_l(mean_{j in N(i)} x_j) + lin_r(x_i)
    msgs = x[src]
    agg = jax.ops.segment_sum(msgs, dst, num_segments=N)
    cnt = jax.ops.segment_sum(jnp.ones((src.shape[0],), jnp.float32), dst, num_segments=N)
    agg = agg / jnp.maximum(cnt, 1.0)[:, None]
    return agg @ Wl + x @ Wr + b


def _batch_norm(h, g, be):
    mu = jnp.mean(h, axis=0)
    var = jnp.var(h, axis=0)
    return g * (h - mu) / jnp.sqrt(var + EPS) + be


def reference(x, edge_index, batch, Wl0, Wr0, b0, g0, be0, Wl1, Wr1, b1, g1, be1, Wl2, Wr2, b2, g2, be2, Wa, ba, Wb, bb):
    src = edge_index[0]
    dst = edge_index[1]
    h = x
    for (Wl, Wr, b, g, be) in ((Wl0, Wr0, b0, g0, be0), (Wl1, Wr1, b1, g1, be1), (Wl2, Wr2, b2, g2, be2)):
        h = _sage_conv(h, src, dst, Wl, Wr, b)
        h = _batch_norm(h, g, be)
        h = jax.nn.relu(h)
        # dropout is identity in deterministic reference
    # global_mean_pool over graphs
    sums = jax.ops.segment_sum(h, batch, num_segments=G)
    cnts = jax.ops.segment_sum(jnp.ones((N,), jnp.float32), batch, num_segments=G)
    emb = sums / jnp.maximum(cnts, 1.0)[:, None]
    out = jax.nn.relu(emb @ Wa + ba) @ Wb + bb
    return out

if __name__ == "__main__":
    import jax
    _d = setup_inputs()
    print(jax.jit(kernel)(*tuple(_d.values())))

</pallas_src>

<mosaic_0001>
#map = affine_map<(d0, d1) -> (0, 0)>
#map1 = affine_map<(d0, d1) -> (0, 0, 0)>
module attributes {stable_mosaic.version = 14 : i64} {
  func.func @agg(%arg0: i32, %arg1: i32, %arg2: memref<10000x64xf32, #tpu.memory_space<hbm>>, %arg3: memref<32x80x125xi32, #tpu.memory_space<hbm>>, %arg4: memref<32x80x125xi32, #tpu.memory_space<hbm>>, %arg5: memref<2x10000x64xf32, #tpu.memory_space<hbm>>, %arg6: memref<80x125xi32, #tpu.memory_space<vmem>>, %arg7: memref<80x125xi32, #tpu.memory_space<vmem>>, %arg8: memref<4x125x64xf32, #tpu.memory_space<vmem>>, %arg9: memref<8x64xf32, #tpu.memory_space<vmem>>, %arg10: memref<104x64xf32, #tpu.memory_space<vmem>>, %arg11: memref<10000x64xf32, #tpu.memory_space<vmem_shared>>, %arg12: memref<!tpu.dma_semaphore, #tpu.memory_space<semaphore_mem>>, %arg13: memref<!tpu.dma_semaphore, #tpu.memory_space<semaphore_mem>>, %arg14: memref<!tpu.dma_semaphore, #tpu.memory_space<semaphore_mem>>, %arg15: memref<!tpu.dma_semaphore, #tpu.memory_space<semaphore_mem>>) attributes {dimension_semantics = [#tpu.dimension_semantics<core_parallel>, #tpu.dimension_semantics<subcore_parallel>], iteration_bounds = array<i64: 2, 16>, scalar_prefetch = 0 : i64, scratch_operands = 10 : i64, tpu.core_type = #tpu.core_type<sc_vector_subcore>, window_params = [{transform_indices = #map}, {transform_indices = #map1}, {transform_indices = #map1}, {transform_indices = #map1}]} {
    %mul3A = arith.constant 16 : i32
    %mul3A_0 = arith.muli %arg0, %mul3A : i32
    %add3A = arith.addi %mul3A_0, %arg1 : i32
    %mul3A_1 = arith.constant 624 : i32
    %mul3A_2 = arith.muli %arg1, %mul3A_1 : i32
    %multiple_of3A = tpu.assume_multiple %mul3A_2, 8 : i32
    %mul3A_3 = arith.constant 8 : i32
    %mul3A_4 = arith.muli %arg1, %mul3A_3 : i32
    %add3A_5 = arith.constant 9984 : i32
    %add3A_6 = arith.addi %add3A_5, %mul3A_4 : i32
    %multiple_of3A_7 = tpu.assume_multiple %add3A_6, 8 : i32
    "tpu.region"() ({
      %run_scoped3A = tpu.sem_alloc : memref<!tpu.dma_semaphore, #tpu.memory_space<semaphore_mem>>
      %dma_start3A_295 = arith.constant 0 : i32
      %dma_start3A_296 = arith.constant 0 : i32
      %dma_start3A_297 = tpu.memref_slice %arg3[%add3A, %dma_start3A_295, %dma_start3A_296] : memref<32x80x125xi32, #tpu.memory_space<hbm>> -> memref<1x80x125xi32, #tpu.memory_space<hbm>>
      %dma_start3A_298 = tpu.memref_squeeze %dma_start3A_297 : memref<1x80x125xi32, #tpu.memory_space<hbm>> -> memref<80x125xi32, #tpu.memory_space<hbm>>
      %dma_start3A_299 = arith.constant 0 : i32
      %dma_start3A_300 = arith.constant 0 : i32
      %dma_start3A_301 = tpu.memref_slice %arg3[%add3A, %dma_start3A_299, %dma_start3A_300] : memref<32x80x125xi32, #tpu.memory_space<hbm>> -> memref<1x80x125xi32, #tpu.memory_space<hbm>>
      %dma_start3A_302 = tpu.memref_squeeze %dma_start3A_301 : memref<1x80x125xi32, #tpu.memory_space<hbm>> -> memref<80x125xi32, #tpu.memory_space<hbm>>
      tpu.enqueue_dma source(%dma_start3A_302 : memref<80x125xi32, #tpu.memory_space<hbm>>) target(%arg6 : memref<80x125xi32, #tpu.memory_space<vmem>>) target_semaphore(%run_scoped3A : memref<!tpu.dma_semaphore, #tpu.memory_space<semaphore_mem>>)
      %dma_wait3A_303 = arith.constant 0 : i32
      %dma_wait3A_304 = arith.constant 0 : i32
      %dma_wait3A_305 = tpu.memref_slice %arg3[%add3A, %dma_wait3A_303, %dma_wait3A_304] : memref<32x80x125xi32, #tpu.memory_space<hbm>> -> memref<1x80x125xi32, #tpu.memory_space<hbm>>
      %dma_wait3A_306 = tpu.memref_squeeze %dma_wait3A_305 : memref<1x80x125xi32, #tpu.memory_space<hbm>> -> memref<80x125xi32, #tpu.memory_space<hbm>>
      %dma_wait3A_307 = arith.constant 0 : i32
      %dma_wait3A_308 = arith.constant 0 : i32
      %dma_wait3A_309 = tpu.memref_slice %arg3[%add3A, %dma_wait3A_307, %dma_wait3A_308] : memref<32x80x125xi32, #tpu.memory_space<hbm>> -> memref<1x80x125xi32, #tpu.memory_space<hbm>>
      %dma_wait3A_310 = tpu.memref_squeeze %dma_wait3A_309 : memref<1x80x125xi32, #tpu.memory_space<hbm>> -> memref<80x125xi32, #tpu.memory_space<hbm>>
      tpu.wait_dma2 semaphore(%run_scoped3A : memref<!tpu.dma_semaphore, #tpu.memory_space<semaphore_mem>>) src(%dma_wait3A_310 : memref<80x125xi32, #tpu.memory_space<hbm>>) dst(%arg6 : memref<80x125xi32, #tpu.memory_space<vmem>>)
      tpu.yield
    }) : () -> ()
    "tpu.region"() ({
      %run_scoped3A = tpu.sem_alloc : memref<!tpu.dma_semaphore, #tpu.memory_space<semaphore_mem>>
      %dma_start3A_295 = arith.constant 0 : i32
      %dma_start3A_296 = arith.constant 0 : i32
      %dma_start3A_297 = tpu.memref_slice %arg4[%add3A, %dma_start3A_295, %dma_start3A_296] : memref<32x80x125xi32, #tpu.memory_space<hbm>> -> memref<1x80x125xi32, #tpu.memory_space<hbm>>
      %dma_start3A_298 = tpu.memref_squeeze %dma_start3A_297 : memref<1x80x125xi32, #tpu.memory_space<hbm>> -> memref<80x125xi32, #tpu.memory_space<hbm>>
      %dma_start3A_299 = arith.constant 0 : i32
      %dma_start3A_300 = arith.constant 0 : i32
      %dma_start3A_301 = tpu.memref_slice %arg4[%add3A, %dma_start3A_299, %dma_start3A_300] : memref<32x80x125xi32, #tpu.memory_space<hbm>> -> memref<1x80x125xi32, #tpu.memory_space<hbm>>
      %dma_start3A_302 = tpu.memref_squeeze %dma_start3A_301 : memref<1x80x125xi32, #tpu.memory_space<hbm>> -> memref<80x125xi32, #tpu.memory_space<hbm>>
      tpu.enqueue_dma source(%dma_start3A_302 : memref<80x125xi32, #tpu.memory_space<hbm>>) target(%arg7 : memref<80x125xi32, #tpu.memory_space<vmem>>) target_semaphore(%run_scoped3A : memref<!tpu.dma_semaphore, #tpu.memory_space<semaphore_mem>>)
      %dma_wait3A_303 = arith.constant 0 : i32
      %dma_wait3A_304 = arith.constant 0 : i32
      %dma_wait3A_305 = tpu.memref_slice %arg4[%add3A, %dma_wait3A_303, %dma_wait3A_304] : memref<32x80x125xi32, #tpu.memory_space<hbm>> -> memref<1x80x125xi32, #tpu.memory_space<hbm>>
      %dma_wait3A_306 = tpu.memref_squeeze %dma_wait3A_305 : memref<1x80x125xi32, #tpu.memory_space<hbm>> -> memref<80x125xi32, #tpu.memory_space<hbm>>
      %dma_wait3A_307 = arith.constant 0 : i32
      %dma_wait3A_308 = arith.constant 0 : i32
      %dma_wait3A_309 = tpu.memref_slice %arg4[%add3A, %dma_wait3A_307, %dma_wait3A_308] : memref<32x80x125xi32, #tpu.memory_space<hbm>> -> memref<1x80x125xi32, #tpu.memory_space<hbm>>
      %dma_wait3A_310 = tpu.memref_squeeze %dma_wait3A_309 : memref<1x80x125xi32, #tpu.memory_space<hbm>> -> memref<80x125xi32, #tpu.memory_space<hbm>>
      tpu.wait_dma2 semaphore(%run_scoped3A : memref<!tpu.dma_semaphore, #tpu.memory_space<semaphore_mem>>) src(%dma_wait3A_310 : memref<80x125xi32, #tpu.memory_space<hbm>>) dst(%arg7 : memref<80x125xi32, #tpu.memory_space<vmem>>)
      tpu.yield
    }) : () -> ()
    %broadcast_in_dim3A = arith.constant 0.000000e+00 : f32
    %broadcast_in_dim3A_8 = vector.broadcast %broadcast_in_dim3A : f32 to vector<16xf32>
    %swap3A = arith.constant 0 : i32
    %swap3A_9 = arith.index_cast %swap3A : i32 to index
    %swap3A_10 = arith.constant 0 : index
    %swap3A_11 = tpu.vector_load %arg9[%swap3A_9, %swap3A_10] {strides = array<i32>} : memref<8x64xf32, #tpu.memory_space<vmem>>, vector<1x16xf32>,
    %swap3A_12 = vector.shape_cast %swap3A_11 : vector<1x16xf32> to vector<16xf32>
    %swap3A_13 = vector.shape_cast %broadcast_in_dim3A_8 : vector<16xf32> to vector<1x16xf32>
    tpu.vector_store %arg9[%swap3A_9, %swap3A_10], %swap3A_13 {strides = array<i32>} : memref<8x64xf32, #tpu.memory_space<vmem>>, vector<1x16xf32>,
    %swap3A_14 = arith.constant 0 : i32
    %swap3A_15 = arith.index_cast %swap3A_14 : i32 to index
    %swap3A_16 = arith.constant 16 : index
    %swap3A_17 = tpu.vector_load %arg9[%swap3A_15, %swap3A_16] {strides = array<i32>} : memref<8x64xf32, #tpu.memory_space<vmem>>, vector<1x16xf32>,
    %swap3A_18 = vector.shape_cast %swap3A_17 : vector<1x16xf32> to vector<16xf32>
    %swap3A_19 = vector.shape_cast %broadcast_in_dim3A_8 : vector<16xf32> to vector<1x16xf32>
    tpu.vector_store %arg9[%swap3A_15, %swap3A_16], %swap3A_19 {strides = array<i32>} : memref<8x64xf32, #tpu.memory_space<vmem>>, vector<1x16xf32>,
    %swap3A_20 = arith.constant 0 : i32
    %swap3A_21 = arith.index_cast %swap3A_20 : i32 to index
    %swap3A_22 = arith.constant 32 : index
    %swap3A_23 = tpu.vector_load %arg9[%swap3A_21, %swap3A_22] {strides = array<i32>} : memref<8x64xf32, #tpu.memory_space<vmem>>, vector<1x16xf32>,
    %swap3A_24 = vector.shape_cast %swap3A_23 : vector<1x16xf32> to vector<16xf32>
    %swap3A_25 = vector.shape_cast %broadcast_in_dim3A_8 : vector<16xf32> to vector<1x16xf32>
    tpu.vector_store %arg9[%swap3A_21, %swap3A_22], %swap3A_25 {strides = array<i32>} : memref<8x64xf32, #tpu.memory_space<vmem>>, vector<1x16xf32>,
    %swap3A_26 = arith.constant 0 : i32
    %swap3A_27 = arith.index_cast %swap3A_26 : i32 to index
    %swap3A_28 = arith.constant 48 : index
    %swap3A_29 = tpu.vector_load %arg9[%swap3A_27, %swap3A_28] {strides = array<i32>} : memref<8x64xf32, #tpu.memory_space<vmem>>, vector<1x16xf32>,
    %swap3A_30 = vector.shape_cast %swap3A_29 : vector<1x16xf32> to vector<16xf32>
    %swap3A_31 = vector.shape_cast %broadcast_in_dim3A_8 : vector<16xf32> to vector<1x16xf32>
    tpu.vector_store %arg9[%swap3A_27, %swap3A_28], %swap3A_31 {strides = array<i32>} : memref<8x64xf32, #tpu.memory_space<vmem>>, vector<1x16xf32>,
    %swap3A_32 = arith.constant 1 : i32
    %swap3A_33 = arith.index_cast %swap3A_32 : i32 to index
    %swap3A_34 = arith.constant 0 : index
    %swap3A_35 = tpu.vector_load %arg9[%swap3A_33, %swap3A_34] {strides = array<i32>} : memref<8x64xf32, #tpu.memory_space<vmem>>, vector<1x16xf32>,
    %swap3A_36 = vector.shape_cast %swap3A_35 : vector<1x16xf32> to vector<16xf32>
    %swap3A_37 = vector.shape_cast %broadcast_in_dim3A_8 : vector<16xf32> to vector<1x16xf32>
    tpu.vector_store %arg9[%swap3A_33, %swap3A_34], %swap3A_37 {strides = array<i32>} : memref<8x64xf32, #tpu.memory_space<vmem>>, vector<1x16xf32>,
    %swap3A_38 = arith.constant 1 : i32
    %swap3A_39 = arith.index_cast %swap3A_38 : i32 to index
    %swap3A_40 = arith.constant 16 : index
    %swap3A_41 = tpu.vector_load %arg9[%swap3A_39, %swap3A_40] {strides = array<i32>} : memref<8x64xf32, #tpu.memory_space<vmem>>, vector<1x16xf32>,
    %swap3A_42 = vector.shape_cast %swap3A_41 : vector<1x16xf32> to vector<16xf32>
    %swap3A_43 = vector.shape_cast %broadcast_in_dim3A_8 : vector<16xf32> to vector<1x16xf32>
    tpu.vector_store %arg9[%swap3A_39, %swap3A_40], %swap3A_43 {strides = array<i32>} : memref<8x64xf32, #tpu.memory_space<vmem>>, vector<1x16xf32>,
    %swap3A_44 = arith.constant 1 : i32
    %swap3A_45 = arith.index_cast %swap3A_44 : i32 to index
    %swap3A_46 = arith.constant 32 : index
    %swap3A_47 = tpu.vector_load %arg9[%swap3A_45, %swap3A_46] {strides = array<i32>} : memref<8x64xf32, #tpu.memory_space<vmem>>, vector<1x16xf32>,
    %swap3A_48 = vector.shape_cast %swap3A_47 : vector<1x16xf32> to vector<16xf32>
    %swap3A_49 = vector.shape_cast %broadcast_in_dim3A_8 : vector<16xf32> to vector<1x16xf32>
    tpu.vector_store %arg9[%swap3A_45, %swap3A_46], %swap3A_49 {strides = array<i32>} : memref<8x64xf32, #tpu.memory_space<vmem>>, vector<1x16xf32>,
    %swap3A_50 = arith.constant 1 : i32
    %swap3A_51 = arith.index_cast %swap3A_50 : i32 to index
    %swap3A_52 = arith.constant 48 : index
    %swap3A_53 = tpu.vector_load %arg9[%swap3A_51, %swap3A_52] {strides = array<i32>} : memref<8x64xf32, #tpu.memory_space<vmem>>, vector<1x16xf32>,
    %swap3A_54 = vector.shape_cast %swap3A_53 : vector<1x16xf32> to vector<16xf32>
    %swap3A_55 = vector.shape_cast %broadcast_in_dim3A_8 : vector<16xf32> to vector<1x16xf32>
    tpu.vector_store %arg9[%swap3A_51, %swap3A_52], %swap3A_55 {strides = array<i32>} : memref<8x64xf32, #tpu.memory_space<vmem>>, vector<1x16xf32>,
    %swap3A_56 = arith.constant 2 : i32
    %swap3A_57 = arith.index_cast %swap3A_56 : i32 to index
    %swap3A_58 = arith.constant 0 : index
    %swap3A_59 = tpu.vector_load %arg9[%swap3A_57, %swap3A_58] {strides = array<i32>} : memref<8x64xf32, #tpu.memory_space<vmem>>, vector<1x16xf32>,
    %swap3A_60 = vector.shape_cast %swap3A_59 : vector<1x16xf32> to vector<16xf32>
    %swap3A_61 = vector.shape_cast %broadcast_in_dim3A_8 : vector<16xf32> to vector<1x16xf32>
    tpu.vector_store %arg9[%swap3A_57, %swap3A_58], %swap3A_61 {strides = array<i32>} : memref<8x64xf32, #tpu.memory_space<vmem>>, vector<1x16xf32>,
    %swap3A_62 = arith.constant 2 : i32
    %swap3A_63 = arith.index_cast %swap3A_62 : i32 to index
    %swap3A_64 = arith.constant 16 : index
    %swap3A_65 = tpu.vector_load %arg9[%swap3A_63, %swap3A_64] {strides = array<i32>} : memref<8x64xf32, #tpu.memory_space<vmem>>, vector<1x16xf32>,
    %swap3A_66 = vector.shape_cast %swap3A_65 : vector<1x16xf32> to vector<16xf32>
    %swap3A_67 = vector.shape_cast %broadcast_in_dim3A_8 : vector<16xf32> to vector<1x16xf32>
    tpu.vector_store %arg9[%swap3A_63, %swap3A_64], %swap3A_67 {strides = array<i32>} : memref<8x64xf32, #tpu.memory_space<vmem>>, vector<1x16xf32>,
    %swap3A_68 = arith.constant 2 : i32
    %swap3A_69 = arith.index_cast %swap3A_68 : i32 to index
    %swap3A_70 = arith.constant 32 : index
    %swap3A_71 = tpu.vector_load %arg9[%swap3A_69, %swap3A_70] {strides = array<i32>} : memref<8x64xf32, #tpu.memory_space<vmem>>, vector<1x16xf32>,
    %swap3A_72 = vector.shape_cast %swap3A_71 : vector<1x16xf32> to vector<16xf32>
    %swap3A_73 = vector.shape_cast %broadcast_in_dim3A_8 : vector<16xf32> to vector<1x16xf32>
    tpu.vector_store %arg9[%swap3A_69, %swap3A_70], %swap3A_73 {strides = array<i32>} : memref<8x64xf32, #tpu.memory_space<vmem>>, vector<1x16xf32>,
    %swap3A_74 = arith.constant 2 : i32
    %swap3A_75 = arith.index_cast %swap3A_74 : i32 to index
    %swap3A_76 = arith.constant 48 : index
    %swap3A_77 = tpu.vector_load %arg9[%swap3A_75, %swap3A_76] {strides = array<i32>} : memref<8x64xf32, #tpu.memory_space<vmem>>, vector<1x16xf32>,
    %swap3A_78 = vector.shape_cast %swap3A_77 : vector<1x16xf32> to vector<16xf32>
    %swap3A_79 = vector.shape_cast %broadcast_in_dim3A_8 : vector<16xf32> to vector<1x16xf32>
    tpu.vector_store %arg9[%swap3A_75, %swap3A_76], %swap3A_79 {strides = array<i32>} : memref<8x64xf32, #tpu.memory_space<vmem>>, vector<1x16xf32>,
    %swap3A_80 = arith.constant 3 : i32
    %swap3A_81 = arith.index_cast %swap3A_80 : i32 to index
    %swap3A_82 = arith.constant 0 : index
    %swap3A_83 = tpu.vector_load %arg9[%swap3A_81, %swap3A_82] {strides = array<i32>} : memref<8x64xf32, #tpu.memory_space<vmem>>, vector<1x16xf32>,
    %swap3A_84 = vector.shape_cast %swap3A_83 : vector<1x16xf32> to vector<16xf32>
    %swap3A_85 = vector.shape_cast %broadcast_in_dim3A_8 : vector<16xf32> to vector<1x16xf32>
    tpu.vector_store %arg9[%swap3A_81, %swap3A_82], %swap3A_85 {strides = array<i32>} : memref<8x64xf32, #tpu.memory_space<vmem>>, vector<1x16xf32>,
    %swap3A_86 = arith.constant 3 : i32
    %swap3A_87 = arith.index_cast %swap3A_86 : i32 to index
    %swap3A_88 = arith.constant 16 : index
    %swap3A_89 = tpu.vector_load %arg9[%swap3A_87, %swap3A_88] {strides = array<i32>} : memref<8x64xf32, #tpu.memory_space<vmem>>, vector<1x16xf32>,
    %swap3A_90 = vector.shape_cast %swap3A_89 : vector<1x16xf32> to vector<16xf32>
    %swap3A_91 = vector.shape_cast %broadcast_in_dim3A_8 : vector<16xf32> to vector<1x16xf32>
    tpu.vector_store %arg9[%swap3A_87, %swap3A_88], %swap3A_91 {strides = array<i32>} : memref<8x64xf32, #tpu.memory_space<vmem>>, vector<1x16xf32>,
    %swap3A_92 = arith.constant 3 : i32
    %swap3A_93 = arith.index_cast %swap3A_92 : i32 to index
    %swap3A_94 = arith.constant 32 : index
    %swap3A_95 = tpu.vector_load %arg9[%swap3A_93, %swap3A_94] {strides = array<i32>} : memref<8x64xf32, #tpu.memory_space<vmem>>, vector<1x16xf32>,
    %swap3A_96 = vector.shape_cast %swap3A_95 : vector<1x16xf32> to vector<16xf32>
    %swap3A_97 = vector.shape_cast %broadcast_in_dim3A_8 : vector<16xf32> to vector<1x16xf32>
    tpu.vector_store %arg9[%swap3A_93, %swap3A_94], %swap3A_97 {strides = array<i32>} : memref<8x64xf32, #tpu.memory_space<vmem>>, vector<1x16xf32>,
    %swap3A_98 = arith.constant 3 : i32
    %swap3A_99 = arith.index_cast %swap3A_98 : i32 to index
    %swap3A_100 = arith.constant 48 : index
    %swap3A_101 = tpu.vector_load %arg9[%swap3A_99, %swap3A_100] {strides = array<i32>} : memref<8x64xf32, #tpu.memory_space<vmem>>, vector<1x16xf32>,
    %swap3A_102 = vector.shape_cast %swap3A_101 : vector<1x16xf32> to vector<16xf32>
    %swap3A_103 = vector.shape_cast %broadcast_in_dim3A_8 : vector<16xf32> to vector<1x16xf32>
    tpu.vector_store %arg9[%swap3A_99, %swap3A_100], %swap3A_103 {strides = array<i32>} : memref<8x64xf32, #tpu.memory_space<vmem>>, vector<1x16xf32>,
    %swap3A_104 = arith.constant 4 : i32
    %swap3A_105 = arith.index_cast %swap3A_104 : i32 to index
    %swap3A_106 = arith.constant 0 : index
    %swap3A_107 = tpu.vector_load %arg9[%swap3A_105, %swap3A_106] {strides = array<i32>} : memref<8x64xf32, #tpu.memory_space<vmem>>, vector<1x16xf32>,
    %swap3A_108 = vector.shape_cast %swap3A_107 : vector<1x16xf32> to vector<16xf32>
    %swap3A_109 = vector.shape_cast %broadcast_in_dim3A_8 : vector<16xf32> to vector<1x16xf32>
    tpu.vector_store %arg9[%swap3A_105, %swap3A_106], %swap3A_109 {strides = array<i32>} : memref<8x64xf32, #tpu.memory_space<vmem>>, vector<1x16xf32>,
    %swap3A_110 = arith.constant 4 : i32
    %swap3A_111 = arith.index_cast %swap3A_110 : i32 to index
    %swap3A_112 = arith.constant 16 : index
    %swap3A_113 = tpu.vector_load %arg9[%swap3A_111, %swap3A_112] {strides = array<i32>} : memref<8x64xf32, #tpu.memory_space<vmem>>, vector<1x16xf32>,
    %swap3A_114 = vector.shape_cast %swap3A_113 : vector<1x16xf32> to vector<16xf32>
    %swap3A_115 = vector.shape_cast %broadcast_in_dim3A_8 : vector<16xf32> to vector<1x16xf32>
    tpu.vector_store %arg9[%swap3A_111, %swap3A_112], %swap3A_115 {strides = array<i32>} : memref<8x64xf32, #tpu.memory_space<vmem>>, vector<1x16xf32>,
    %swap3A_116 = arith.constant 4 : i32
    %swap3A_117 = arith.index_cast %swap3A_116 : i32 to index
    %swap3A_118 = arith.constant 32 : index
    %swap3A_119 = tpu.vector_load %arg9[%swap3A_117, %swap3A_118] {strides = array<i32>} : memref<8x64xf32, #tpu.memory_space<vmem>>, vector<1x16xf32>,
    %swap3A_120 = vector.shape_cast %swap3A_119 : vector<1x16xf32> to vector<16xf32>
    %swap3A_121 = vector.shape_cast %broadcast_in_dim3A_8 : vector<16xf32> to vector<1x16xf32>
    tpu.vector_store %arg9[%swap3A_117, %swap3A_118], %swap3A_121 {strides = array<i32>} : memref<8x64xf32, #tpu.memory_space<vmem>>, vector<1x16xf32>,
    %swap3A_122 = arith.constant 4 : i32
    %swap3A_123 = arith.index_cast %swap3A_122 : i32 to index
    %swap3A_124 = arith.constant 48 : index
    %swap3A_125 = tpu.vector_load %arg9[%swap3A_123, %swap3A_124] {strides = array<i32>} : memref<8x64xf32, #tpu.memory_space<vmem>>, vector<1x16xf32>,
    %swap3A_126 = vector.shape_cast %swap3A_125 : vector<1x16xf32> to vector<16xf32>
    %swap3A_127 = vector.shape_cast %broadcast_in_dim3A_8 : vector<16xf32> to vector<1x16xf32>
    tpu.vector_store %arg9[%swap3A_123, %swap3A_124], %swap3A_127 {strides = array<i32>} : memref<8x64xf32, #tpu.memory_space<vmem>>, vector<1x16xf32>,
    %swap3A_128 = arith.constant 5 : i32
    %swap3A_129 = arith.index_cast %swap3A_128 : i32 to index
    %swap3A_130 = arith.constant 0 : index
    %swap3A_131 = tpu.vector_load %arg9[%swap3A_129, %swap3A_130] {strides = array<i32>} : memref<8x64xf32, #tpu.memory_space<vmem>>, vector<1x16xf32>,
    %swap3A_132 = vector.shape_cast %swap3A_131 : vector<1x16xf32> to vector<16xf32>
    %swap3A_133 = vector.shape_cast %broadcast_in_dim3A_8 : vector<16xf32> to vector<1x16xf32>
    tpu.vector_store %arg9[%swap3A_129, %swap3A_130], %swap3A_133 {strides = array<i32>} : memref<8x64xf32, #tpu.memory_space<vmem>>, vector<1x16xf32>,
    %swap3A_134 = arith.constant 5 : i32
    %swap3A_135 = arith.index_cast %swap3A_134 : i32 to index
    %swap3A_136 = arith.constant 16 : index
    %swap3A_137 = tpu.vector_load %arg9[%swap3A_135, %swap3A_136] {strides = array<i32>} : memref<8x64xf32, #tpu.memory_space<vmem>>, vector<1x16xf32>,
    %swap3A_138 = vector.shape_cast %swap3A_137 : vector<1x16xf32> to vector<16xf32>
    %swap3A_139 = vector.shape_cast %broadcast_in_dim3A_8 : vector<16xf32> to vector<1x16xf32>
    tpu.vector_store %arg9[%swap3A_135, %swap3A_136], %swap3A_139 {strides = array<i32>} : memref<8x64xf32, #tpu.memory_space<vmem>>, vector<1x16xf32>,
    %swap3A_140 = arith.constant 5 : i32
    %swap3A_141 = arith.index_cast %swap3A_140 : i32 to index
    %swap3A_142 = arith.constant 32 : index
    %swap3A_143 = tpu.vector_load %arg9[%swap3A_141, %swap3A_142] {strides = array<i32>} : memref<8x64xf32, #tpu.memory_space<vmem>>, vector<1x16xf32>,
    %swap3A_144 = vector.shape_cast %swap3A_143 : vector<1x16xf32> to vector<16xf32>
    %swap3A_145 = vector.shape_cast %broadcast_in_dim3A_8 : vector<16xf32> to vector<1x16xf32>
    tpu.vector_store %arg9[%swap3A_141, %swap3A_142], %swap3A_145 {strides = array<i32>} : memref<8x64xf32, #tpu.memory_space<vmem>>, vector<1x16xf32>,
    %swap3A_146 = arith.constant 5 : i32
    %swap3A_147 = arith.index_cast %swap3A_146 : i32 to index
    %swap3A_148 = arith.constant 48 : index
    %swap3A_149 = tpu.vector_load %arg9[%swap3A_147, %swap3A_148] {strides = array<i32>} : memref<8x64xf32, #tpu.memory_space<vmem>>, vector<1x16xf32>,
    %swap3A_150 = vector.shape_cast %swap3A_149 : vector<1x16xf32> to vector<16xf32>
    %swap3A_151 = vector.shape_cast %broadcast_in_dim3A_8 : vector<16xf32> to vector<1x16xf32>
    tpu.vector_store %arg9[%swap3A_147, %swap3A_148], %swap3A_151 {strides = array<i32>} : memref<8x64xf32, #tpu.memory_space<vmem>>, vector<1x16xf32>,
    %swap3A_152 = arith.constant 6 : i32
    %swap3A_153 = arith.index_cast %swap3A_152 : i32 to index
    %swap3A_154 = arith.constant 0 : index
    %swap3A_155 = tpu.vector_load %arg9[%swap3A_153, %swap3A_154] {strides = array<i32>} : memref<8x64xf32, #tpu.memory_space<vmem>>, vector<1x16xf32>,
    %swap3A_156 = vector.shape_cast %swap3A_155 : vector<1x16xf32> to vector<16xf32>
    %swap3A_157 = vector.shape_cast %broadcast_in_dim3A_8 : vector<16xf32> to vector<1x16xf32>
    tpu.vector_store %arg9[%swap3A_153, %swap3A_154], %swap3A_157 {strides = array<i32>} : memref<8x64xf32, #tpu.memory_space<vmem>>, vector<1x16xf32>,
    %swap3A_158 = arith.constant 6 : i32
    %swap3A_159 = arith.index_cast %swap3A_158 : i32 to index
    %swap3A_160 = arith.constant 16 : index
    %swap3A_161 = tpu.vector_load %arg9[%swap3A_159, %swap3A_160] {strides = array<i32>} : memref<8x64xf32, #tpu.memory_space<vmem>>, vector<1x16xf32>,
    %swap3A_162 = vector.shape_cast %swap3A_161 : vector<1x16xf32> to vector<16xf32>
    %swap3A_163 = vector.shape_cast %broadcast_in_dim3A_8 : vector<16xf32> to vector<1x16xf32>
    tpu.vector_store %arg9[%swap3A_159, %swap3A_160], %swap3A_163 {strides = array<i32>} : memref<8x64xf32, #tpu.memory_space<vmem>>, vector<1x16xf32>,
    %swap3A_164 = arith.constant 6 : i32
    %swap3A_165 = arith.index_cast %swap3A_164 : i32 to index
    %swap3A_166 = arith.constant 32 : index
    %swap3A_167 = tpu.vector_load %arg9[%swap3A_165, %swap3A_166] {strides = array<i32>} : memref<8x64xf32, #tpu.memory_space<vmem>>, vector<1x16xf32>,
    %swap3A_168 = vector.shape_cast %swap3A_167 : vector<1x16xf32> to vector<16xf32>
    %swap3A_169 = vector.shape_cast %broadcast_in_dim3A_8 : vector<16xf32> to vector<1x16xf32>
    tpu.vector_store %arg9[%swap3A_165, %swap3A_166], %swap3A_169 {strides = array<i32>} : memref<8x64xf32, #tpu.memory_space<vmem>>, vector<1x16xf32>,
    %swap3A_170 = arith.constant 6 : i32
    %swap3A_171 = arith.index_cast %swap3A_170 : i32 to index
    %swap3A_172 = arith.constant 48 : index
    %swap3A_173 = tpu.vector_load %arg9[%swap3A_171, %swap3A_172] {strides = array<i32>} : memref<8x64xf32, #tpu.memory_space<vmem>>, vector<1x16xf32>,
    %swap3A_174 = vector.shape_cast %swap3A_173 : vector<1x16xf32> to vector<16xf32>
    %swap3A_175 = vector.shape_cast %broadcast_in_dim3A_8 : vector<16xf32> to vector<1x16xf32>
    tpu.vector_store %arg9[%swap3A_171, %swap3A_172], %swap3A_175 {strides = array<i32>} : memref<8x64xf32, #tpu.memory_space<vmem>>, vector<1x16xf32>,
    %swap3A_176 = arith.constant 7 : i32
    %swap3A_177 = arith.index_cast %swap3A_176 : i32 to index
    %swap3A_178 = arith.constant 0 : index
    %swap3A_179 = tpu.vector_load %arg9[%swap3A_177, %swap3A_178] {strides = array<i32>} : memref<8x64xf32, #tpu.memory_space<vmem>>, vector<1x16xf32>,
    %swap3A_180 = vector.shape_cast %swap3A_179 : vector<1x16xf32> to vector<16xf32>
    %swap3A_181 = vector.shape_cast %broadcast_in_dim3A_8 : vector<16xf32> to vector<1x16xf32>
    tpu.vector_store %arg9[%swap3A_177, %swap3A_178], %swap3A_181 {strides = array<i32>} : memref<8x64xf32, #tpu.memory_space<vmem>>, vector<1x16xf32>,
    %swap3A_182 = arith.constant 7 : i32
    %swap3A_183 = arith.index_cast %swap3A_182 : i32 to index
    %swap3A_184 = arith.constant 16 : index
    %swap3A_185 = tpu.vector_load %arg9[%swap3A_183, %swap3A_184] {strides = array<i32>} : memref<8x64xf32, #tpu.memory_space<vmem>>, vector<1x16xf32>,
    %swap3A_186 = vector.shape_cast %swap3A_185 : vector<1x16xf32> to vector<16xf32>
    %swap3A_187 = vector.shape_cast %broadcast_in_dim3A_8 : vector<16xf32> to vector<1x16xf32>
    tpu.vector_store %arg9[%swap3A_183, %swap3A_184], %swap3A_187 {strides = array<i32>} : memref<8x64xf32, #tpu.memory_space<vmem>>, vector<1x16xf32>,
    %swap3A_188 = arith.constant 7 : i32
    %swap3A_189 = arith.index_cast %swap3A_188 : i32 to index
    %swap3A_190 = arith.constant 32 : index
    %swap3A_191 = tpu.vector_load %arg9[%swap3A_189, %swap3A_190] {strides = array<i32>} : memref<8x64xf32, #tpu.memory_space<vmem>>, vector<1x16xf32>,
    %swap3A_192 = vector.shape_cast %swap3A_191 : vector<1x16xf32> to vector<16xf32>
    %swap3A_193 = vector.shape_cast %broadcast_in_dim3A_8 : vector<16xf32> to vector<1x16xf32>
    tpu.vector_store %arg9[%swap3A_189, %swap3A_190], %swap3A_193 {strides = array<i32>} : memref<8x64xf32, #tpu.memory_space<vmem>>, vector<1x16xf32>,
    %swap3A_194 = arith.constant 7 : i32
    %swap3A_195 = arith.index_cast %swap3A_194 : i32 to index
    %swap3A_196 = arith.constant 48 : index
    %swap3A_197 = tpu.vector_load %arg9[%swap3A_195, %swap3A_196] {strides = array<i32>} : memref<8x64xf32, #tpu.memory_space<vmem>>, vector<1x16xf32>,
    %swap3A_198 = vector.shape_cast %swap3A_197 : vector<1x16xf32> to vector<16xf32>
    %swap3A_199 = vector.shape_cast %broadcast_in_dim3A_8 : vector<16xf32> to vector<1x16xf32>
    tpu.vector_store %arg9[%swap3A_195, %swap3A_196], %swap3A_199 {strides = array<i32>} : memref<8x64xf32, #tpu.memory_space<vmem>>, vector<1x16xf32>,
    %scan3A = arith.constant 0 : i32
    %scan3A_200 = arith.constant 0 : i32
    %scan3A_201 = arith.constant 78 : i32
    %scan3A_202 = arith.addi %scan3A_200, %scan3A_201 : i32
    %scan3A_203 = arith.constant 1 : i32
    scf.for %scan3A_295 = %scan3A_200 to %scan3A_202 step %scan3A_203  : i32 {
      %mul3A_296 = arith.constant 8 : i32
      %mul3A_297 = arith.muli %scan3A_295, %mul3A_296 : i32
      %add3A_298 = arith.addi %multiple_of3A, %mul3A_297 : i32
      %multiple_of3A_299 = tpu.assume_multiple %add3A_298, 8 : i32
      "tpu.region"() ({
        %run_scoped3A = tpu.sem_alloc : memref<!tpu.dma_semaphore, #tpu.memory_space<semaphore_mem>>
        %dma_start3A_300 = arith.constant 0 : i32
        %dma_start3A_301 = tpu.memref_slice %arg11[%multiple_of3A_299, %dma_start3A_300] : memref<10000x64xf32, #tpu.memory_space<vmem_shared>> -> memref<8x64xf32, #tpu.memory_space<vmem_shared>>
        %dma_start3A_302 = arith.constant 0 : i32
        %dma_start3A_303 = tpu.memref_slice %arg11[%multiple_of3A_299, %dma_start3A_302] : memref<10000x64xf32, #tpu.memory_space<vmem_shared>> -> memref<8x64xf32, #tpu.memory_space<vmem_shared>>
        tpu.enqueue_dma source(%arg9 : memref<8x64xf32, #tpu.memory_space<vmem>>) target(%dma_start3A_303 : memref<8x64xf32, #tpu.memory_space<vmem_shared>>) target_semaphore(%run_scoped3A : memref<!tpu.dma_semaphore, #tpu.memory_space<semaphore_mem>>)
        %dma_wait3A_304 = arith.constant 0 : i32
        %dma_wait3A_305 = tpu.memref_slice %arg11[%multiple_of3A_299, %dma_wait3A_304] : memref<10000x64xf32, #tpu.memory_space<vmem_shared>> -> memref<8x64xf32, #tpu.memory_space<vmem_shared>>
        %dma_wait3A_306 = arith.constant 0 : i32
        %dma_wait3A_307 = tpu.memref_slice %arg11[%multiple_of3A_299, %dma_wait3A_306] : memref<10000x64xf32, #tpu.memory_space<vmem_shared>> -> memref<8x64xf32, #tpu.memory_space<vmem_shared>>
        tpu.wait_dma2 semaphore(%run_scoped3A : memref<!tpu.dma_semaphore, #tpu.memory_space<semaphore_mem>>) src(%arg9 : memref<8x64xf32, #tpu.memory_space<vmem>>) dst(%dma_wait3A_307 : memref<8x64xf32, #tpu.memory_space<vmem_shared>>)
        tpu.yield
      }) : () -> ()
    }
    %scan3A_204 = arith.constant 78 : i32
    %lt3A = arith.constant 2 : i32
    %lt3A_205 = arith.cmpi slt, %arg1, %lt3A : i32
    %convert_element_type3A = arith.extui %lt3A_205 : i1 to i32
    %cond3A = arith.constant 0 : i32
    %cond3A_206 = arith.cmpi ne, %convert_element_type3A, %cond3A : i32
    scf.if %cond3A_206 {
      "tpu.region"() ({
        %run_scoped3A = tpu.sem_alloc : memref<!tpu.dma_semaphore, #tpu.memory_space<semaphore_mem>>
        %dma_start3A_295 = arith.constant 0 : i32
        %dma_start3A_296 = tpu.memref_slice %arg11[%multiple_of3A_7, %dma_start3A_295] : memref<10000x64xf32, #tpu.memory_space<vmem_shared>> -> memref<8x64xf32, #tpu.memory_space<vmem_shared>>
        %dma_start3A_297 = arith.constant 0 : i32
        %dma_start3A_298 = tpu.memref_slice %arg11[%multiple_of3A_7, %dma_start3A_297] : memref<10000x64xf32, #tpu.memory_space<vmem_shared>> -> memref<8x64xf32, #tpu.memory_space<vmem_shared>>
        tpu.enqueue_dma source(%arg9 : memref<8x64xf32, #tpu.memory_space<vmem>>) target(%dma_start3A_298 : memref<8x64xf32, #tpu.memory_space<vmem_shared>>) target_semaphore(%run_scoped3A : memref<!tpu.dma_semaphore, #tpu.memory_space<semaphore_mem>>)
        %dma_wait3A_299 = arith.constant 0 : i32
        %dma_wait3A_300 = tpu.memref_slice %arg11[%multiple_of3A_7, %dma_wait3A_299] : memref<10000x64xf32, #tpu.memory_space<vmem_shared>> -> memref<8x64xf32, #tpu.memory_space<vmem_shared>>
        %dma_wait3A_301 = arith.constant 0 : i32
        %dma_wait3A_302 = tpu.memref_slice %arg11[%multiple_of3A_7, %dma_wait3A_301] : memref<10000x64xf32, #tpu.memory_space<vmem_shared>> -> memref<8x64xf32, #tpu.memory_space<vmem_shared>>
        tpu.wait_dma2 semaphore(%run_scoped3A : memref<!tpu.dma_semaphore, #tpu.memory_space<semaphore_mem>>) src(%arg9 : memref<8x64xf32, #tpu.memory_space<vmem>>) dst(%dma_wait3A_302 : memref<8x64xf32, #tpu.memory_space<vmem_shared>>)
        tpu.yield
      }) : () -> ()
    } else {
    }
    %barrier3A = arith.constant 0 : index
    tpu.barrier barrier_id(%barrier3A)
    %dma_start3A = arith.constant 0 : i32
    %dma_start3A_207 = arith.constant 0 : i32
    %dma_start3A_208 = arith.constant 0 : i32
    %dma_start3A_209 = arith.constant 0 : i32
    %dma_start3A_210 = tpu.memref_slice %arg8[%dma_start3A_207, %dma_start3A_208, %dma_start3A_209] : memref<4x125x64xf32, #tpu.memory_space<vmem>> -> memref<1x125x64xf32, #tpu.memory_space<vmem>>
    %dma_start3A_211 = tpu.memref_squeeze %dma_start3A_210 : memref<1x125x64xf32, #tpu.memory_space<vmem>> -> memref<125x64xf32, #tpu.memory_space<vmem>>
    %dma_start3A_212 = arith.constant 0 : i32
    %dma_start3A_213 = tpu.memref_slice %arg6[%dma_start3A, %dma_start3A_212] : memref<80x125xi32, #tpu.memory_space<vmem>> -> memref<1x125xi32, #tpu.memory_space<vmem>>
    %dma_start3A_214 = tpu.memref_squeeze %dma_start3A_213 : memref<1x125xi32, #tpu.memory_space<vmem>> -> memref<125xi32, #tpu.memory_space<vmem>>
    %dma_start3A_215 = arith.constant 0 : i32
    %dma_start3A_216 = arith.constant 0 : i32
    %dma_start3A_217 = tpu.memref_slice %arg2[%dma_start3A_215, %dma_start3A_216] : memref<10000x64xf32, #tpu.memory_space<hbm>> -> memref<10000x64xf32, #tpu.memory_space<hbm>>
    tpu.enqueue_indirect_dma source(%dma_start3A_217 : memref<10000x64xf32, #tpu.memory_space<hbm>>) target(%dma_start3A_211 : memref<125x64xf32, #tpu.memory_space<vmem>>) offsets(%dma_start3A_214 : memref<125xi32, #tpu.memory_space<vmem>>) semaphore(%arg12 : memref<!tpu.dma_semaphore, #tpu.memory_space<semaphore_mem>>)
    %dma_start3A_218 = arith.constant 1 : i32
    %dma_start3A_219 = arith.constant 1 : i32
    %dma_start3A_220 = arith.constant 0 : i32
    %dma_start3A_221 = arith.constant 0 : i32
    %dma_start3A_222 = tpu.memref_slice %arg8[%dma_start3A_219, %dma_start3A_220, %dma_start3A_221] : memref<4x125x64xf32, #tpu.memory_space<vmem>> -> memref<1x125x64xf32, #tpu.memory_space<vmem>>
    %dma_start3A_223 = tpu.memref_squeeze %dma_start3A_222 : memref<1x125x64xf32, #tpu.memory_space<vmem>> -> memref<125x64xf32, #tpu.memory_space<vmem>>
    %dma_start3A_224 = arith.constant 0 : i32
    %dma_start3A_225 = tpu.memref_slice %arg6[%dma_start3A_218, %dma_start3A_224] : memref<80x125xi32, #tpu.memory_space<vmem>> -> memref<1x125xi32, #tpu.memory_space<vmem>>
    %dma_start3A_226 = tpu.memref_squeeze %dma_start3A_225 : memref<1x125xi32, #tpu.memory_space<vmem>> -> memref<125xi32, #tpu.memory_space<vmem>>
    %dma_start3A_227 = arith.constant 0 : i32
    %dma_start3A_228 = arith.constant 0 : i32
    %dma_start3A_229 = tpu.memref_slice %arg2[%dma_start3A_227, %dma_start3A_228] : memref<10000x64xf32, #tpu.memory_space<hbm>> -> memref<10000x64xf32, #tpu.memory_space<hbm>>
    tpu.enqueue_indirect_dma source(%dma_start3A_229 : memref<10000x64xf32, #tpu.memory_space<hbm>>) target(%dma_start3A_223 : memref<125x64xf32, #tpu.memory_space<vmem>>) offsets(%dma_start3A_226 : memref<125xi32, #tpu.memory_space<vmem>>) semaphore(%arg13 : memref<!tpu.dma_semaphore, #tpu.memory_space<semaphore_mem>>)
    %dma_start3A_230 = arith.constant 2 : i32
    %dma_start3A_231 = arith.constant 2 : i32
    %dma_start3A_232 = arith.constant 0 : i32
    %dma_start3A_233 = arith.constant 0 : i32
    %dma_start3A_234 = tpu.memref_slice %arg8[%dma_start3A_231, %dma_start3A_232, %dma_start3A_233] : memref<4x125x64xf32, #tpu.memory_space<vmem>> -> memref<1x125x64xf32, #tpu.memory_space<vmem>>
    %dma_start3A_235 = tpu.memref_squeeze %dma_start3A_234 : memref<1x125x64xf32, #tpu.memory_space<vmem>> -> memref<125x64xf32, #tpu.memory_space<vmem>>
    %dma_start3A_236 = arith.constant 0 : i32
    %dma_start3A_237 = tpu.memref_slice %arg6[%dma_start3A_230, %dma_start3A_236] : memref<80x125xi32, #tpu.memory_space<vmem>> -> memref<1x125xi32, #tpu.memory_space<vmem>>
    %dma_start3A_238 = tpu.memref_squeeze %dma_start3A_237 : memref<1x125xi32, #tpu.memory_space<vmem>> -> memref<125xi32, #tpu.memory_space<vmem>>
    %dma_start3A_239 = arith.constant 0 : i32
    %dma_start3A_240 = arith.constant 0 : i32
    %dma_start3A_241 = tpu.memref_slice %arg2[%dma_start3A_239, %dma_start3A_240] : memref<10000x64xf32, #tpu.memory_space<hbm>> -> memref<10000x64xf32, #tpu.memory_space<hbm>>
    tpu.enqueue_indirect_dma source(%dma_start3A_241 : memref<10000x64xf32, #tpu.memory_space<hbm>>) target(%dma_start3A_235 : memref<125x64xf32, #tpu.memory_space<vmem>>) offsets(%dma_start3A_238 : memref<125xi32, #tpu.memory_space<vmem>>) semaphore(%arg14 : memref<!tpu.dma_semaphore, #tpu.memory_space<semaphore_mem>>)
    %scan3A_242 = arith.constant 0 : i32
    %scan3A_243 = arith.constant 0 : i32
    %scan3A_244 = arith.constant 20 : i32
    %scan3A_245 = arith.addi %scan3A_243, %scan3A_244 : i32
    %scan3A_246 = arith.constant 1 : i32
    scf.for %scan3A_295 = %scan3A_243 to %scan3A_245 step %scan3A_246  : i32 {
      %mul3A_296 = arith.constant 4 : i32
      %mul3A_297 = arith.muli %mul3A_296, %scan3A_295 : i32
      %add3A_298 = arith.constant 0 : i32
      %add3A_299 = arith.addi %mul3A_297, %add3A_298 : i32
      %add3A_300 = arith.constant 3 : i32
      %add3A_301 = arith.addi %add3A_299, %add3A_300 : i32
      %rem3A = arith.constant 80 : i32
      %rem3A_302 = arith.remsi %add3A_301, %rem3A : i32
      %dma_start3A_303 = arith.constant 3 : i32
      %dma_start3A_304 = arith.constant 0 : i32
      %dma_start3A_305 = arith.constant 0 : i32
      %dma_start3A_306 = tpu.memref_slice %arg8[%dma_start3A_303, %dma_start3A_304, %dma_start3A_305] : memref<4x125x64xf32, #tpu.memory_space<vmem>> -> memref<1x125x64xf32, #tpu.memory_space<vmem>>
      %dma_start3A_307 = tpu.memref_squeeze %dma_start3A_306 : memref<1x125x64xf32, #tpu.memory_space<vmem>> -> memref<125x64xf32, #tpu.memory_space<vmem>>
      %dma_start3A_308 = arith.constant 0 : i32
      %dma_start3A_309 = tpu.memref_slice %arg6[%rem3A_302, %dma_start3A_308] : memref<80x125xi32, #tpu.memory_space<vmem>> -> memref<1x125xi32, #tpu.memory_space<vmem>>
      %dma_start3A_310 = tpu.memref_squeeze %dma_start3A_309 : memref<1x125xi32, #tpu.memory_space<vmem>> -> memref<125xi32, #tpu.memory_space<vmem>>
      %dma_start3A_311 = arith.constant 0 : i32
      %dma_start3A_312 = arith.constant 0 : i32
      %dma_start3A_313 = tpu.memref_slice %arg2[%dma_start3A_311, %dma_start3A_312] : memref<10000x64xf32, #tpu.memory_space<hbm>> -> memref<10000x64xf32, #tpu.memory_space<hbm>>
      tpu.enqueue_indirect_dma source(%dma_start3A_313 : memref<10000x64xf32, #tpu.memory_space<hbm>>) target(%dma_start3A_307 : memref<125x64xf32, #tpu.memory_space<vmem>>) offsets(%dma_start3A_310 : memref<125xi32, #tpu.memory_space<vmem>>) semaphore(%arg15 : memref<!tpu.dma_semaphore, #tpu.memory_space<semaphore_mem>>)
      %dma_wait3A_314 = arith.constant 0 : i32
      %dma_wait3A_315 = arith.constant 0 : i32
      %dma_wait3A_316 = arith.constant 0 : i32
      %dma_wait3A_317 = tpu.memref_slice %arg8[%dma_wait3A_314, %dma_wait3A_315, %dma_wait3A_316] : memref<4x125x64xf32, #tpu.memory_space<vmem>> -> memref<1x125x64xf32, #tpu.memory_space<vmem>>
      %dma_wait3A_318 = tpu.memref_squeeze %dma_wait3A_317 : memref<1x125x64xf32, #tpu.memory_space<vmem>> -> memref<125x64xf32, #tpu.memory_space<vmem>>
      %dma_wait3A_319 = arith.constant 0 : i32
      %dma_wait3A_320 = tpu.memref_slice %arg6[%add3A_299, %dma_wait3A_319] : memref<80x125xi32, #tpu.memory_space<vmem>> -> memref<1x125xi32, #tpu.memory_space<vmem>>
      %dma_wait3A_321 = tpu.memref_squeeze %dma_wait3A_320 : memref<1x125xi32, #tpu.memory_space<vmem>> -> memref<125xi32, #tpu.memory_space<vmem>>
      %dma_wait3A_322 = arith.constant 0 : i32
      %dma_wait3A_323 = arith.constant 0 : i32
      %dma_wait3A_324 = tpu.memref_slice %arg2[%dma_wait3A_322, %dma_wait3A_323] : memref<10000x64xf32, #tpu.memory_space<hbm>> -> memref<10000x64xf32, #tpu.memory_space<hbm>>
      tpu.wait_indirect_dma semaphore(%arg12 : memref<!tpu.dma_semaphore, #tpu.memory_space<semaphore_mem>>) src(%dma_wait3A_324 : memref<10000x64xf32, #tpu.memory_space<hbm>>) dst(%dma_wait3A_318 : memref<125x64xf32, #tpu.memory_space<vmem>>)
      %run_scoped3A = arith.constant 0 : i32
      "tpu.region"() ({
        %run_scoped3A_412 = tpu.sem_alloc : memref<!tpu.dma_semaphore, #tpu.memory_space<semaphore_mem>>
        %dma_start3A_413 = arith.constant 0 : i32
        %dma_start3A_414 = arith.constant 0 : i32
        %dma_start3A_415 = tpu.memref_slice %arg8[%run_scoped3A, %dma_start3A_413, %dma_start3A_414] : memref<4x125x64xf32, #tpu.memory_space<vmem>> -> memref<1x125x64xf32, #tpu.memory_space<vmem>>
        %dma_start3A_416 = tpu.memref_squeeze %dma_start3A_415 : memref<1x125x64xf32, #tpu.memory_space<vmem>> -> memref<125x64xf32, #tpu.memory_space<vmem>>
        %dma_start3A_417 = arith.constant 0 : i32
        %dma_start3A_418 = tpu.memref_slice %arg7[%add3A_299, %dma_start3A_417] : memref<80x125xi32, #tpu.memory_space<vmem>> -> memref<1x125xi32, #tpu.memory_space<vmem>>
        %dma_start3A_419 = tpu.memref_squeeze %dma_start3A_418 : memref<1x125xi32, #tpu.memory_space<vmem>> -> memref<125xi32, #tpu.memory_space<vmem>>
        %dma_start3A_420 = arith.constant 0 : i32
        %dma_start3A_421 = arith.constant 0 : i32
        %dma_start3A_422 = tpu.memref_slice %arg11[%dma_start3A_420, %dma_start3A_421] : memref<10000x64xf32, #tpu.memory_space<vmem_shared>> -> memref<10000x64xf32, #tpu.memory_space<vmem_shared>>
        tpu.enqueue_indirect_dma source(%dma_start3A_416 : memref<125x64xf32, #tpu.memory_space<vmem>>) target(%dma_start3A_422 : memref<10000x64xf32, #tpu.memory_space<vmem_shared>>) offsets(%dma_start3A_419 : memref<125xi32, #tpu.memory_space<vmem>>) semaphore(%run_scoped3A_412 : memref<!tpu.dma_semaphore, #tpu.memory_space<semaphore_mem>>) {add = true}
        %dma_wait3A_423 = arith.constant 0 : i32
        %dma_wait3A_424 = arith.constant 0 : i32
        %dma_wait3A_425 = tpu.memref_slice %arg8[%run_scoped3A, %dma_wait3A_423, %dma_wait3A_424] : memref<4x125x64xf32, #tpu.memory_space<vmem>> -> memref<1x125x64xf32, #tpu.memory_space<vmem>>
        %dma_wait3A_426 = tpu.memref_squeeze %dma_wait3A_425 : memref<1x125x64xf32, #tpu.memory_space<vmem>> -> memref<125x64xf32, #tpu.memory_space<vmem>>
        %dma_wait3A_427 = arith.constant 0 : i32
        %dma_wait3A_428 = tpu.memref_slice %arg7[%add3A_299, %dma_wait3A_427] : memref<80x125xi32, #tpu.memory_space<vmem>> -> memref<1x125xi32, #tpu.memory_space<vmem>>
        %dma_wait3A_429 = tpu.memref_squeeze %dma_wait3A_428 : memref<1x125xi32, #tpu.memory_space<vmem>> -> memref<125xi32, #tpu.memory_space<vmem>>
        %dma_wait3A_430 = arith.constant 0 : i32
        %dma_wait3A_431 = arith.constant 0 : i32
        %dma_wait3A_432 = tpu.memref_slice %arg11[%dma_wait3A_430, %dma_wait3A_431] : memref<10000x64xf32, #tpu.memory_space<vmem_shared>> -> memref<10000x64xf32, #tpu.memory_space<vmem_shared>>
        tpu.wait_indirect_dma semaphore(%run_scoped3A_412 : memref<!tpu.dma_semaphore, #tpu.memory_space<semaphore_mem>>) src(%dma_wait3A_426 : memref<125x64xf32, #tpu.memory_space<vmem>>) dst(%dma_wait3A_432 : memref<10000x64xf32, #tpu.memory_space<vmem_shared>>)
        tpu.yield
      }) : () -> ()
      %add3A_325 = arith.constant 1 : i32
      %add3A_326 = arith.addi %mul3A_297, %add3A_325 : i32
      %add3A_327 = arith.constant 3 : i32
      %add3A_328 = arith.addi %add3A_326, %add3A_327 : i32
      %rem3A_329 = arith.constant 80 : i32
      %rem3A_330 = arith.remsi %add3A_328, %rem3A_329 : i32
      %dma_start3A_331 = arith.constant 0 : i32
      %dma_start3A_332 = arith.constant 0 : i32
      %dma_start3A_333 = arith.constant 0 : i32
      %dma_start3A_334 = tpu.memref_slice %arg8[%dma_start3A_331, %dma_start3A_332, %dma_start3A_333] : memref<4x125x64xf32, #tpu.memory_space<vmem>> -> memref<1x125x64xf32, #tpu.memory_space<vmem>>
      %dma_start3A_335 = tpu.memref_squeeze %dma_start3A_334 : memref<1x125x64xf32, #tpu.memory_space<vmem>> -> memref<125x64xf32, #tpu.memory_space<vmem>>
      %dma_start3A_336 = arith.constant 0 : i32
      %dma_start3A_337 = tpu.memref_slice %arg6[%rem3A_330, %dma_start3A_336] : memref<80x125xi32, #tpu.memory_space<vmem>> -> memref<1x125xi32, #tpu.memory_space<vmem>>
      %dma_start3A_338 = tpu.memref_squeeze %dma_start3A_337 : memref<1x125xi32, #tpu.memory_space<vmem>> -> memref<125xi32, #tpu.memory_space<vmem>>
      %dma_start3A_339 = arith.constant 0 : i32
      %dma_start3A_340 = arith.constant 0 : i32
      %dma_start3A_341 = tpu.memref_slice %arg2[%dma_start3A_339, %dma_start3A_340] : memref<10000x64xf32, #tpu.memory_space<hbm>> -> memref<10000x64xf32, #tpu.memory_space<hbm>>
      tpu.enqueue_indirect_dma source(%dma_start3A_341 : memref<10000x64xf32, #tpu.memory_space<hbm>>) target(%dma_start3A_335 : memref<125x64xf32, #tpu.memory_space<vmem>>) offsets(%dma_start3A_338 : memref<125xi32, #tpu.memory_space<vmem>>) semaphore(%arg12 : memref<!tpu.dma_semaphore, #tpu.memory_space<semaphore_mem>>)
      %dma_wait3A_342 = arith.constant 1 : i32
      %dma_wait3A_343 = arith.constant 0 : i32
      %dma_wait3A_344 = arith.constant 0 : i32
      %dma_wait3A_345 = tpu.memref_slice %arg8[%dma_wait3A_342, %dma_wait3A_343, %dma_wait3A_344] : memref<4x125x64xf32, #tpu.memory_space<vmem>> -> memref<1x125x64xf32, #tpu.memory_space<vmem>>
      %dma_wait3A_346 = tpu.memref_squeeze %dma_wait3A_345 : memref<1x125x64xf32, #tpu.memory_space<vmem>> -> memref<125x64xf32, #tpu.memory_space<vmem>>
      %dma_wait3A_347 = arith.constant 0 : i32
      %dma_wait3A_348 = tpu.memref_slice %arg6[%add3A_326, %dma_wait3A_347] : memref<80x125xi32, #tpu.memory_space<vmem>> -> memref<1x125xi32, #tpu.memory_space<vmem>>
      %dma_wait3A_349 = tpu.memref_squeeze %dma_wait3A_348 : memref<1x125xi32, #tpu.memory_space<vmem>> -> memref<125xi32, #tpu.memory_space<vmem>>
      %dma_wait3A_350 = arith.constant 0 : i32
      %dma_wait3A_351 = arith.constant 0 : i32
      %dma_wait3A_352 = tpu.memref_slice %arg2[%dma_wait3A_350, %dma_wait3A_351] : memref<10000x64xf32, #tpu.memory_space<hbm>> -> memref<10000x64xf32, #tpu.memory_space<hbm>>
      tpu.wait_indirect_dma semaphore(%arg13 : memref<!tpu.dma_semaphore, #tpu.memory_space<semaphore_mem>>) src(%dma_wait3A_352 : memref<10000x64xf32, #tpu.memory_space<hbm>>) dst(%dma_wait3A_346 : memref<125x64xf32, #tpu.memory_space<vmem>>)
      %run_scoped3A_353 = arith.constant 1 : i32
      "tpu.region"() ({
        %run_scoped3A_412 = tpu.sem_alloc : memref<!tpu.dma_semaphore, #tpu.memory_space<semaphore_mem>>
        %dma_start3A_413 = arith.constant 0 : i32
        %dma_start3A_414 = arith.constant 0 : i32
        %dma_start3A_415 = tpu.memref_slice %arg8[%run_scoped3A_353, %dma_start3A_413, %dma_start3A_414] : memref<4x125x64xf32, #tpu.memory_space<vmem>> -> memref<1x125x64xf32, #tpu.memory_space<vmem>>
        %dma_start3A_416 = tpu.memref_squeeze %dma_start3A_415 : memref<1x125x64xf32, #tpu.memory_space<vmem>> -> memref<125x64xf32, #tpu.memory_space<vmem>>
        %dma_start3A_417 = arith.constant 0 : i32
        %dma_start3A_418 = tpu.memref_slice %arg7[%add3A_326, %dma_start3A_417] : memref<80x125xi32, #tpu.memory_space<vmem>> -> memref<1x125xi32, #tpu.memory_space<vmem>>
        %dma_start3A_419 = tpu.memref_squeeze %dma_start3A_418 : memref<1x125xi32, #tpu.memory_space<vmem>> -> memref<125xi32, #tpu.memory_space<vmem>>
        %dma_start3A_420 = arith.constant 0 : i32
        %dma_start3A_421 = arith.constant 0 : i32
        %dma_start3A_422 = tpu.memref_slice %arg11[%dma_start3A_420, %dma_start3A_421] : memref<10000x64xf32, #tpu.memory_space<vmem_shared>> -> memref<10000x64xf32, #tpu.memory_space<vmem_shared>>
        tpu.enqueue_indirect_dma source(%dma_start3A_416 : memref<125x64xf32, #tpu.memory_space<vmem>>) target(%dma_start3A_422 : memref<10000x64xf32, #tpu.memory_space<vmem_shared>>) offsets(%dma_start3A_419 : memref<125xi32, #tpu.memory_space<vmem>>) semaphore(%run_scoped3A_412 : memref<!tpu.dma_semaphore, #tpu.memory_space<semaphore_mem>>) {add = true}
        %dma_wait3A_423 = arith.constant 0 : i32
        %dma_wait3A_424 = arith.constant 0 : i32
        %dma_wait3A_425 = tpu.memref_slice %arg8[%run_scoped3A_353, %dma_wait3A_423, %dma_wait3A_424] : memref<4x125x64xf32, #tpu.memory_space<vmem>> -> memref<1x125x64xf32, #tpu.memory_space<vmem>>
        %dma_wait3A_426 = tpu.memref_squeeze %dma_wait3A_425 : memref<1x125x64xf32, #tpu.memory_space<vmem>> -> memref<125x64xf32, #tpu.memory_space<vmem>>
        %dma_wait3A_427 = arith.constant 0 : i32
        %dma_wait3A_428 = tpu.memref_slice %arg7[%add3A_326, %dma_wait3A_427] : memref<80x125xi32, #tpu.memory_space<vmem>> -> memref<1x125xi32, #tpu.memory_space<vmem>>
        %dma_wait3A_429 = tpu.memref_squeeze %dma_wait3A_428 : memref<1x125xi32, #tpu.memory_space<vmem>> -> memref<125xi32, #tpu.memory_space<vmem>>
        %dma_wait3A_430 = arith.constant 0 : i32
        %dma_wait3A_431 = arith.constant 0 : i32
        %dma_wait3A_432 = tpu.memref_slice %arg11[%dma_wait3A_430, %dma_wait3A_431] : memref<10000x64xf32, #tpu.memory_space<vmem_shared>> -> memref<10000x64xf32, #tpu.memory_space<vmem_shared>>
        tpu.wait_indirect_dma semaphore(%run_scoped3A_412 : memref<!tpu.dma_semaphore, #tpu.memory_space<semaphore_mem>>) src(%dma_wait3A_426 : memref<125x64xf32, #tpu.memory_space<vmem>>) dst(%dma_wait3A_432 : memref<10000x64xf32, #tpu.memory_space<vmem_shared>>)
        tpu.yield
      }) : () -> ()
      %add3A_354 = arith.constant 2 : i32
      %add3A_355 = arith.addi %mul3A_297, %add3A_354 : i32
      %add3A_356 = arith.constant 3 : i32
      %add3A_357 = arith.addi %add3A_355, %add3A_356 : i32
      %rem3A_358 = arith.constant 80 : i32
      %rem3A_359 = arith.remsi %add3A_357, %rem3A_358 : i32
      %dma_start3A_360 = arith.constant 1 : i32
      %dma_start3A_361 = arith.constant 0 : i32
      %dma_start3A_362 = arith.constant 0 : i32
      %dma_start3A_363 = tpu.memref_slice %arg8[%dma_start3A_360, %dma_start3A_361, %dma_start3A_362] : memref<4x125x64xf32, #tpu.memory_space<vmem>> -> memref<1x125x64xf32, #tpu.memory_space<vmem>>
      %dma_start3A_364 = tpu.memref_squeeze %dma_start3A_363 : memref<1x125x64xf32, #tpu.memory_space<vmem>> -> memref<125x64xf32, #tpu.memory_space<vmem>>
      %dma_start3A_365 = arith.constant 0 : i32
      %dma_start3A_366 = tpu.memref_slice %arg6[%rem3A_359, %dma_start3A_365] : memref<80x125xi32, #tpu.memory_space<vmem>> -> memref<1x125xi32, #tpu.memory_space<vmem>>
      %dma_start3A_367 = tpu.memref_squeeze %dma_start3A_366 : memref<1x125xi32, #tpu.memory_space<vmem>> -> memref<125xi32, #tpu.memory_space<vmem>>
      %dma_start3A_368 = arith.constant 0 : i32
      %dma_start3A_369 = arith.constant 0 : i32
      %dma_start3A_370 = tpu.memref_slice %arg2[%dma_start3A_368, %dma_start3A_369] : memref<10000x64xf32, #tpu.memory_space<hbm>> -> memref<10000x64xf32, #tpu.memory_space<hbm>>
      tpu.enqueue_indirect_dma source(%dma_start3A_370 : memref<10000x64xf32, #tpu.memory_space<hbm>>) target(%dma_start3A_364 : memref<125x64xf32, #tpu.memory_space<vmem>>) offsets(%dma_start3A_367 : memref<125xi32, #tpu.memory_space<vmem>>) semaphore(%arg13 : memref<!tpu.dma_semaphore, #tpu.memory_space<semaphore_mem>>)
      %dma_wait3A_371 = arith.constant 2 : i32
      %dma_wait3A_372 = arith.constant 0 : i32
      %dma_wait3A_373 = arith.constant 0 : i32
      %dma_wait3A_374 = tpu.memref_slice %arg8[%dma_wait3A_371, %dma_wait3A_372, %dma_wait3A_373] : memref<4x125x64xf32, #tpu.memory_space<vmem>> -> memref<1x125x64xf32, #tpu.memory_space<vmem>>
      %dma_wait3A_375 = tpu.memref_squeeze %dma_wait3A_374 : memref<1x125x64xf32, #tpu.memory_space<vmem>> -> memref<125x64xf32, #tpu.memory_space<vmem>>
      %dma_wait3A_376 = arith.constant 0 : i32
      %dma_wait3A_377 = tpu.memref_slice %arg6[%add3A_355, %dma_wait3A_376] : memref<80x125xi32, #tpu.memory_space<vmem>> -> memref<1x125xi32, #tpu.memory_space<vmem>>
      %dma_wait3A_378 = tpu.memref_squeeze %dma_wait3A_377 : memref<1x125xi32, #tpu.memory_space<vmem>> -> memref<125xi32, #tpu.memory_space<vmem>>
      %dma_wait3A_379 = arith.constant 0 : i32
      %dma_wait3A_380 = arith.constant 0 : i32
      %dma_wait3A_381 = tpu.memref_slice %arg2[%dma_wait3A_379, %dma_wait3A_380] : memref<10000x64xf32, #tpu.memory_space<hbm>> -> memref<10000x64xf32, #tpu.memory_space<hbm>>
      tpu.wait_indirect_dma semaphore(%arg14 : memref<!tpu.dma_semaphore, #tpu.memory_space<semaphore_mem>>) src(%dma_wait3A_381 : memref<10000x64xf32, #tpu.memory_space<hbm>>) dst(%dma_wait3A_375 : memref<125x64xf32, #tpu.memory_space<vmem>>)
      %run_scoped3A_382 = arith.constant 2 : i32
      "tpu.region"() ({
        %run_scoped3A_412 = tpu.sem_alloc : memref<!tpu.dma_semaphore, #tpu.memory_space<semaphore_mem>>
        %dma_start3A_413 = arith.constant 0 : i32
        %dma_start3A_414 = arith.constant 0 : i32
        %dma_start3A_415 = tpu.memref_slice %arg8[%run_scoped3A_382, %dma_start3A_413, %dma_start3A_414] : memref<4x125x64xf32, #tpu.memory_space<vmem>> -> memref<1x125x64xf32, #tpu.memory_space<vmem>>
        %dma_start3A_416 = tpu.memref_squeeze %dma_start3A_415 : memref<1x125x64xf32, #tpu.memory_space<vmem>> -> memref<125x64xf32, #tpu.memory_space<vmem>>
        %dma_start3A_417 = arith.constant 0 : i32
        %dma_start3A_418 = tpu.memref_slice %arg7[%add3A_355, %dma_start3A_417] : memref<80x125xi32, #tpu.memory_space<vmem>> -> memref<1x125xi32, #tpu.memory_space<vmem>>
        %dma_start3A_419 = tpu.memref_squeeze %dma_start3A_418 : memref<1x125xi32, #tpu.memory_space<vmem>> -> memref<125xi32, #tpu.memory_space<vmem>>
        %dma_start3A_420 = arith.constant 0 : i32
        %dma_start3A_421 = arith.constant 0 : i32
        %dma_start3A_422 = tpu.memref_slice %arg11[%dma_start3A_420, %dma_start3A_421] : memref<10000x64xf32, #tpu.memory_space<vmem_shared>> -> memref<10000x64xf32, #tpu.memory_space<vmem_shared>>
        tpu.enqueue_indirect_dma source(%dma_start3A_416 : memref<125x64xf32, #tpu.memory_space<vmem>>) target(%dma_start3A_422 : memref<10000x64xf32, #tpu.memory_space<vmem_shared>>) offsets(%dma_start3A_419 : memref<125xi32, #tpu.memory_space<vmem>>) semaphore(%run_scoped3A_412 : memref<!tpu.dma_semaphore, #tpu.memory_space<semaphore_mem>>) {add = true}
        %dma_wait3A_423 = arith.constant 0 : i32
        %dma_wait3A_424 = arith.constant 0 : i32
        %dma_wait3A_425 = tpu.memref_slice %arg8[%run_scoped3A_382, %dma_wait3A_423, %dma_wait3A_424] : memref<4x125x64xf32, #tpu.memory_space<vmem>> -> memref<1x125x64xf32, #tpu.memory_space<vmem>>
        %dma_wait3A_426 = tpu.memref_squeeze %dma_wait3A_425 : memref<1x125x64xf32, #tpu.memory_space<vmem>> -> memref<125x64xf32, #tpu.memory_space<vmem>>
        %dma_wait3A_427 = arith.constant 0 : i32
        %dma_wait3A_428 = tpu.memref_slice %arg7[%add3A_355, %dma_wait3A_427] : memref<80x125xi32, #tpu.memory_space<vmem>> -> memref<1x125xi32, #tpu.memory_space<vmem>>
        %dma_wait3A_429 = tpu.memref_squeeze %dma_wait3A_428 : memref<1x125xi32, #tpu.memory_space<vmem>> -> memref<125xi32, #tpu.memory_space<vmem>>
        %dma_wait3A_430 = arith.constant 0 : i32
        %dma_wait3A_431 = arith.constant 0 : i32
        %dma_wait3A_432 = tpu.memref_slice %arg11[%dma_wait3A_430, %dma_wait3A_431] : memref<10000x64xf32, #tpu.memory_space<vmem_shared>> -> memref<10000x64xf32, #tpu.memory_space<vmem_shared>>
        tpu.wait_indirect_dma semaphore(%run_scoped3A_412 : memref<!tpu.dma_semaphore, #tpu.memory_space<semaphore_mem>>) src(%dma_wait3A_426 : memref<125x64xf32, #tpu.memory_space<vmem>>) dst(%dma_wait3A_432 : memref<10000x64xf32, #tpu.memory_space<vmem_shared>>)
        tpu.yield
      }) : () -> ()
      %add3A_383 = arith.constant 3 : i32
      %add3A_384 = arith.addi %mul3A_297, %add3A_383 : i32
      %add3A_385 = arith.constant 3 : i32
      %add3A_386 = arith.addi %add3A_384, %add3A_385 : i32
      %rem3A_387 = arith.constant 80 : i32
      %rem3A_388 = arith.remsi %add3A_386, %rem3A_387 : i32
      %dma_start3A_389 = arith.constant 2 : i32
      %dma_start3A_390 = arith.constant 0 : i32
      %dma_start3A_391 = arith.constant 0 : i32
      %dma_start3A_392 = tpu.memref_slice %arg8[%dma_start3A_389, %dma_start3A_390, %dma_start3A_391] : memref<4x125x64xf32, #tpu.memory_space<vmem>> -> memref<1x125x64xf32, #tpu.memory_space<vmem>>
      %dma_start3A_393 = tpu.memref_squeeze %dma_start3A_392 : memref<1x125x64xf32, #tpu.memory_space<vmem>> -> memref<125x64xf32, #tpu.memory_space<vmem>>
      %dma_start3A_394 = arith.constant 0 : i32
      %dma_start3A_395 = tpu.memref_slice %arg6[%rem3A_388, %dma_start3A_394] : memref<80x125xi32, #tpu.memory_space<vmem>> -> memref<1x125xi32, #tpu.memory_space<vmem>>
      %dma_start3A_396 = tpu.memref_squeeze %dma_start3A_395 : memref<1x125xi32, #tpu.memory_space<vmem>> -> memref<125xi32, #tpu.memory_space<vmem>>
      %dma_start3A_397 = arith.constant 0 : i32
      %dma_start3A_398 = arith.constant 0 : i32
      %dma_start3A_399 = tpu.memref_slice %arg2[%dma_start3A_397, %dma_start3A_398] : memref<10000x64xf32, #tpu.memory_space<hbm>> -> memref<10000x64xf32, #tpu.memory_space<hbm>>
      tpu.enqueue_indirect_dma source(%dma_start3A_399 : memref<10000x64xf32, #tpu.memory_space<hbm>>) target(%dma_start3A_393 : memref<125x64xf32, #tpu.memory_space<vmem>>) offsets(%dma_start3A_396 : memref<125xi32, #tpu.memory_space<vmem>>) semaphore(%arg14 : memref<!tpu.dma_semaphore, #tpu.memory_space<semaphore_mem>>)
      %dma_wait3A_400 = arith.constant 3 : i32
      %dma_wait3A_401 = arith.constant 0 : i32
      %dma_wait3A_402 = arith.constant 0 : i32
      %dma_wait3A_403 = tpu.memref_slice %arg8[%dma_wait3A_400, %dma_wait3A_401, %dma_wait3A_402] : memref<4x125x64xf32, #tpu.memory_space<vmem>> -> memref<1x125x64xf32, #tpu.memory_space<vmem>>
      %dma_wait3A_404 = tpu.memref_squeeze %dma_wait3A_403 : memref<1x125x64xf32, #tpu.memory_space<vmem>> -> memref<125x64xf32, #tpu.memory_space<vmem>>
      %dma_wait3A_405 = arith.constant 0 : i32
      %dma_wait3A_406 = tpu.memref_slice %arg6[%add3A_384, %dma_wait3A_405] : memref<80x125xi32, #tpu.memory_space<vmem>> -> memref<1x125xi32, #tpu.memory_space<vmem>>
      %dma_wait3A_407 = tpu.memref_squeeze %dma_wait3A_406 : memref<1x125xi32, #tpu.memory_space<vmem>> -> memref<125xi32, #tpu.memory_space<vmem>>
      %dma_wait3A_408 = arith.constant 0 : i32
      %dma_wait3A_409 = arith.constant 0 : i32
      %dma_wait3A_410 = tpu.memref_slice %arg2[%dma_wait3A_408, %dma_wait3A_409] : memref<10000x64xf32, #tpu.memory_space<hbm>> -> memref<10000x64xf32, #tpu.memory_space<hbm>>
      tpu.wait_indirect_dma semaphore(%arg15 : memref<!tpu.dma_semaphore, #tpu.memory_space<semaphore_mem>>) src(%dma_wait3A_410 : memref<10000x64xf32, #tpu.memory_space<hbm>>) dst(%dma_wait3A_404 : memref<125x64xf32, #tpu.memory_space<vmem>>)
      %run_scoped3A_411 = arith.constant 3 : i32
      "tpu.region"() ({
        %run_scoped3A_412 = tpu.sem_alloc : memref<!tpu.dma_semaphore, #tpu.memory_space<semaphore_mem>>
        %dma_start3A_413 = arith.constant 0 : i32
        %dma_start3A_414 = arith.constant 0 : i32
        %dma_start3A_415 = tpu.memref_slice %arg8[%run_scoped3A_411, %dma_start3A_413, %dma_start3A_414] : memref<4x125x64xf32, #tpu.memory_space<vmem>> -> memref<1x125x64xf32, #tpu.memory_space<vmem>>
        %dma_start3A_416 = tpu.memref_squeeze %dma_start3A_415 : memref<1x125x64xf32, #tpu.memory_space<vmem>> -> memref<125x64xf32, #tpu.memory_space<vmem>>
        %dma_start3A_417 = arith.constant 0 : i32
        %dma_start3A_418 = tpu.memref_slice %arg7[%add3A_384, %dma_start3A_417] : memref<80x125xi32, #tpu.memory_space<vmem>> -> memref<1x125xi32, #tpu.memory_space<vmem>>
        %dma_start3A_419 = tpu.memref_squeeze %dma_start3A_418 : memref<1x125xi32, #tpu.memory_space<vmem>> -> memref<125xi32, #tpu.memory_space<vmem>>
        %dma_start3A_420 = arith.constant 0 : i32
        %dma_start3A_421 = arith.constant 0 : i32
        %dma_start3A_422 = tpu.memref_slice %arg11[%dma_start3A_420, %dma_start3A_421] : memref<10000x64xf32, #tpu.memory_space<vmem_shared>> -> memref<10000x64xf32, #tpu.memory_space<vmem_shared>>
        tpu.enqueue_indirect_dma source(%dma_start3A_416 : memref<125x64xf32, #tpu.memory_space<vmem>>) target(%dma_start3A_422 : memref<10000x64xf32, #tpu.memory_space<vmem_shared>>) offsets(%dma_start3A_419 : memref<125xi32, #tpu.memory_space<vmem>>) semaphore(%run_scoped3A_412 : memref<!tpu.dma_semaphore, #tpu.memory_space<semaphore_mem>>) {add = true}
        %dma_wait3A_423 = arith.constant 0 : i32
        %dma_wait3A_424 = arith.constant 0 : i32
        %dma_wait3A_425 = tpu.memref_slice %arg8[%run_scoped3A_411, %dma_wait3A_423, %dma_wait3A_424] : memref<4x125x64xf32, #tpu.memory_space<vmem>> -> memref<1x125x64xf32, #tpu.memory_space<vmem>>
        %dma_wait3A_426 = tpu.memref_squeeze %dma_wait3A_425 : memref<1x125x64xf32, #tpu.memory_space<vmem>> -> memref<125x64xf32, #tpu.memory_space<vmem>>
        %dma_wait3A_427 = arith.constant 0 : i32
        %dma_wait3A_428 = tpu.memref_slice %arg7[%add3A_384, %dma_wait3A_427] : memref<80x125xi32, #tpu.memory_space<vmem>> -> memref<1x125xi32, #tpu.memory_space<vmem>>
        %dma_wait3A_429 = tpu.memref_squeeze %dma_wait3A_428 : memref<1x125xi32, #tpu.memory_space<vmem>> -> memref<125xi32, #tpu.memory_space<vmem>>
        %dma_wait3A_430 = arith.constant 0 : i32
        %dma_wait3A_431 = arith.constant 0 : i32
        %dma_wait3A_432 = tpu.memref_slice %arg11[%dma_wait3A_430, %dma_wait3A_431] : memref<10000x64xf32, #tpu.memory_space<vmem_shared>> -> memref<10000x64xf32, #tpu.memory_space<vmem_shared>>
        tpu.wait_indirect_dma semaphore(%run_scoped3A_412 : memref<!tpu.dma_semaphore, #tpu.memory_space<semaphore_mem>>) src(%dma_wait3A_426 : memref<125x64xf32, #tpu.memory_space<vmem>>) dst(%dma_wait3A_432 : memref<10000x64xf32, #tpu.memory_space<vmem_shared>>)
        tpu.yield
      }) : () -> ()
    }
    %scan3A_247 = arith.constant 20 : i32
    %dma_wait3A = arith.constant 0 : i32
    %dma_wait3A_248 = arith.constant 0 : i32
    %dma_wait3A_249 = arith.constant 0 : i32
    %dma_wait3A_250 = arith.constant 0 : i32
    %dma_wait3A_251 = tpu.memref_slice %arg8[%dma_wait3A_248, %dma_wait3A_249, %dma_wait3A_250] : memref<4x125x64xf32, #tpu.memory_space<vmem>> -> memref<1x125x64xf32, #tpu.memory_space<vmem>>
    %dma_wait3A_252 = tpu.memref_squeeze %dma_wait3A_251 : memref<1x125x64xf32, #tpu.memory_space<vmem>> -> memref<125x64xf32, #tpu.memory_space<vmem>>
    %dma_wait3A_253 = arith.constant 0 : i32
    %dma_wait3A_254 = tpu.memref_slice %arg6[%dma_wait3A, %dma_wait3A_253] : memref<80x125xi32, #tpu.memory_space<vmem>> -> memref<1x125xi32, #tpu.memory_space<vmem>>
    %dma_wait3A_255 = tpu.memref_squeeze %dma_wait3A_254 : memref<1x125xi32, #tpu.memory_space<vmem>> -> memref<125xi32, #tpu.memory_space<vmem>>
    %dma_wait3A_256 = arith.constant 0 : i32
    %dma_wait3A_257 = arith.constant 0 : i32
    %dma_wait3A_258 = tpu.memref_slice %arg2[%dma_wait3A_256, %dma_wait3A_257] : memref<10000x64xf32, #tpu.memory_space<hbm>> -> memref<10000x64xf32, #tpu.memory_space<hbm>>
    tpu.wait_indirect_dma semaphore(%arg12 : memref<!tpu.dma_semaphore, #tpu.memory_space<semaphore_mem>>) src(%dma_wait3A_258 : memref<10000x64xf32, #tpu.memory_space<hbm>>) dst(%dma_wait3A_252 : memref<125x64xf32, #tpu.memory_space<vmem>>)
    %dma_wait3A_259 = arith.constant 1 : i32
    %dma_wait3A_260 = arith.constant 1 : i32
    %dma_wait3A_261 = arith.constant 0 : i32
    %dma_wait3A_262 = arith.constant 0 : i32
    %dma_wait3A_263 = tpu.memref_slice %arg8[%dma_wait3A_260, %dma_wait3A_261, %dma_wait3A_262] : memref<4x125x64xf32, #tpu.memory_space<vmem>> -> memref<1x125x64xf32, #tpu.memory_space<vmem>>
    %dma_wait3A_264 = tpu.memref_squeeze %dma_wait3A_263 : memref<1x125x64xf32, #tpu.memory_space<vmem>> -> memref<125x64xf32, #tpu.memory_space<vmem>>
    %dma_wait3A_265 = arith.constant 0 : i32
    %dma_wait3A_266 = tpu.memref_slice %arg6[%dma_wait3A_259, %dma_wait3A_265] : memref<80x125xi32, #tpu.memory_space<vmem>> -> memref<1x125xi32, #tpu.memory_space<vmem>>
    %dma_wait3A_267 = tpu.memref_squeeze %dma_wait3A_266 : memref<1x125xi32, #tpu.memory_space<vmem>> -> memref<125xi32, #tpu.memory_space<vmem>>
    %dma_wait3A_268 = arith.constant 0 : i32
    %dma_wait3A_269 = arith.constant 0 : i32
    %dma_wait3A_270 = tpu.memref_slice %arg2[%dma_wait3A_268, %dma_wait3A_269] : memref<10000x64xf32, #tpu.memory_space<hbm>> -> memref<10000x64xf32, #tpu.memory_space<hbm>>
    tpu.wait_indirect_dma semaphore(%arg13 : memref<!tpu.dma_semaphore, #tpu.memory_space<semaphore_mem>>) src(%dma_wait3A_270 : memref<10000x64xf32, #tpu.memory_space<hbm>>) dst(%dma_wait3A_264 : memref<125x64xf32, #tpu.memory_space<vmem>>)
    %dma_wait3A_271 = arith.constant 2 : i32
    %dma_wait3A_272 = arith.constant 2 : i32
    %dma_wait3A_273 = arith.constant 0 : i32
    %dma_wait3A_274 = arith.constant 0 : i32
    %dma_wait3A_275 = tpu.memref_slice %arg8[%dma_wait3A_272, %dma_wait3A_273, %dma_wait3A_274] : memref<4x125x64xf32, #tpu.memory_space<vmem>> -> memref<1x125x64xf32, #tpu.memory_space<vmem>>
    %dma_wait3A_276 = tpu.memref_squeeze %dma_wait3A_275 : memref<1x125x64xf32, #tpu.memory_space<vmem>> -> memref<125x64xf32, #tpu.memory_space<vmem>>
    %dma_wait3A_277 = arith.constant 0 : i32
    %dma_wait3A_278 = tpu.memref_slice %arg6[%dma_wait3A_271, %dma_wait3A_277] : memref<80x125xi32, #tpu.memory_space<vmem>> -> memref<1x125xi32, #tpu.memory_space<vmem>>
    %dma_wait3A_279 = tpu.memref_squeeze %dma_wait3A_278 : memref<1x125xi32, #tpu.memory_space<vmem>> -> memref<125xi32, #tpu.memory_space<vmem>>
    %dma_wait3A_280 = arith.constant 0 : i32
    %dma_wait3A_281 = arith.constant 0 : i32
    %dma_wait3A_282 = tpu.memref_slice %arg2[%dma_wait3A_280, %dma_wait3A_281] : memref<10000x64xf32, #tpu.memory_space<hbm>> -> memref<10000x64xf32, #tpu.memory_space<hbm>>
    tpu.wait_indirect_dma semaphore(%arg14 : memref<!tpu.dma_semaphore, #tpu.memory_space<semaphore_mem>>) src(%dma_wait3A_282 : memref<10000x64xf32, #tpu.memory_space<hbm>>) dst(%dma_wait3A_276 : memref<125x64xf32, #tpu.memory_space<vmem>>)
    %barrier3A_283 = arith.constant 0 : index
    tpu.barrier barrier_id(%barrier3A_283)
    %scan3A_284 = arith.constant 0 : i32
    %scan3A_285 = arith.constant 0 : i32
    %scan3A_286 = arith.constant 6 : i32
    %scan3A_287 = arith.addi %scan3A_285, %scan3A_286 : i32
    %scan3A_288 = arith.constant 1 : i32
    scf.for %scan3A_295 = %scan3A_285 to %scan3A_287 step %scan3A_288  : i32 {
      %mul3A_296 = arith.constant 104 : i32
      %mul3A_297 = arith.muli %scan3A_295, %mul3A_296 : i32
      %add3A_298 = arith.addi %multiple_of3A, %mul3A_297 : i32
      %multiple_of3A_299 = tpu.assume_multiple %add3A_298, 8 : i32
      "tpu.region"() ({
        %run_scoped3A = tpu.sem_alloc : memref<!tpu.dma_semaphore, #tpu.memory_space<semaphore_mem>>
        %dma_start3A_300 = arith.constant 0 : i32
        %dma_start3A_301 = tpu.memref_slice %arg11[%multiple_of3A_299, %dma_start3A_300] : memref<10000x64xf32, #tpu.memory_space<vmem_shared>> -> memref<104x64xf32, #tpu.memory_space<vmem_shared>>
        %dma_start3A_302 = arith.constant 0 : i32
        %dma_start3A_303 = tpu.memref_slice %arg11[%multiple_of3A_299, %dma_start3A_302] : memref<10000x64xf32, #tpu.memory_space<vmem_shared>> -> memref<104x64xf32, #tpu.memory_space<vmem_shared>>
        tpu.enqueue_dma source(%dma_start3A_303 : memref<104x64xf32, #tpu.memory_space<vmem_shared>>) target(%arg10 : memref<104x64xf32, #tpu.memory_space<vmem>>) target_semaphore(%run_scoped3A : memref<!tpu.dma_semaphore, #tpu.memory_space<semaphore_mem>>)
        %dma_wait3A_304 = arith.constant 0 : i32
        %dma_wait3A_305 = tpu.memref_slice %arg11[%multiple_of3A_299, %dma_wait3A_304] : memref<10000x64xf32, #tpu.memory_space<vmem_shared>> -> memref<104x64xf32, #tpu.memory_space<vmem_shared>>
        %dma_wait3A_306 = arith.constant 0 : i32
        %dma_wait3A_307 = tpu.memref_slice %arg11[%multiple_of3A_299, %dma_wait3A_306] : memref<10000x64xf32, #tpu.memory_space<vmem_shared>> -> memref<104x64xf32, #tpu.memory_space<vmem_shared>>
        tpu.wait_dma2 semaphore(%run_scoped3A : memref<!tpu.dma_semaphore, #tpu.memory_space<semaphore_mem>>) src(%dma_wait3A_307 : memref<104x64xf32, #tpu.memory_space<vmem_shared>>) dst(%arg10 : memref<104x64xf32, #tpu.memory_space<vmem>>)
        tpu.yield
      }) : () -> ()
      "tpu.region"() ({
        %run_scoped3A = tpu.sem_alloc : memref<!tpu.dma_semaphore, #tpu.memory_space<semaphore_mem>>
        %dma_start3A_300 = arith.constant 0 : i32
        %dma_start3A_301 = tpu.memref_slice %arg5[%arg0, %multiple_of3A_299, %dma_start3A_300] : memref<2x10000x64xf32, #tpu.memory_space<hbm>> -> memref<1x104x64xf32, #tpu.memory_space<hbm>>
        %dma_start3A_302 = tpu.memref_squeeze %dma_start3A_301 : memref<1x104x64xf32, #tpu.memory_space<hbm>> -> memref<104x64xf32, #tpu.memory_space<hbm>>
        %dma_start3A_303 = arith.constant 0 : i32
        %dma_start3A_304 = tpu.memref_slice %arg5[%arg0, %multiple_of3A_299, %dma_start3A_303] : memref<2x10000x64xf32, #tpu.memory_space<hbm>> -> memref<1x104x64xf32, #tpu.memory_space<hbm>>
        %dma_start3A_305 = tpu.memref_squeeze %dma_start3A_304 : memref<1x104x64xf32, #tpu.memory_space<hbm>> -> memref<104x64xf32, #tpu.memory_space<hbm>>
        tpu.enqueue_dma source(%arg10 : memref<104x64xf32, #tpu.memory_space<vmem>>) target(%dma_start3A_305 : memref<104x64xf32, #tpu.memory_space<hbm>>) target_semaphore(%run_scoped3A : memref<!tpu.dma_semaphore, #tpu.memory_space<semaphore_mem>>)
        %dma_wait3A_306 = arith.constant 0 : i32
        %dma_wait3A_307 = tpu.memref_slice %arg5[%arg0, %multiple_of3A_299, %dma_wait3A_306] : memref<2x10000x64xf32, #tpu.memory_space<hbm>> -> memref<1x104x64xf32, #tpu.memory_space<hbm>>
        %dma_wait3A_308 = tpu.memref_squeeze %dma_wait3A_307 : memref<1x104x64xf32, #tpu.memory_space<hbm>> -> memref<104x64xf32, #tpu.memory_space<hbm>>
        %dma_wait3A_309 = arith.constant 0 : i32
        %dma_wait3A_310 = tpu.memref_slice %arg5[%arg0, %multiple_of3A_299, %dma_wait3A_309] : memref<2x10000x64xf32, #tpu.memory_space<hbm>> -> memref<1x104x64xf32, #tpu.memory_space<hbm>>
        %dma_wait3A_311 = tpu.memref_squeeze %dma_wait3A_310 : memref<1x104x64xf32, #tpu.memory_space<hbm>> -> memref<104x64xf32, #tpu.memory_space<hbm>>
        tpu.wait_dma2 semaphore(%run_scoped3A : memref<!tpu.dma_semaphore, #tpu.memory_space<semaphore_mem>>) src(%arg10 : memref<104x64xf32, #tpu.memory_space<vmem>>) dst(%dma_wait3A_311 : memref<104x64xf32, #tpu.memory_space<hbm>>)
        tpu.yield
      }) : () -> ()
    }
    %scan3A_289 = arith.constant 6 : i32
    %lt3A_290 = arith.constant 2 : i32
    %lt3A_291 = arith.cmpi slt, %arg1, %lt3A_290 : i32
    %convert_element_type3A_292 = arith.extui %lt3A_291 : i1 to i32
    %cond3A_293 = arith.constant 0 : i32
    %cond3A_294 = arith.cmpi ne, %convert_element_type3A_292, %cond3A_293 : i32
    scf.if %cond3A_294 {
      "tpu.region"() ({
        %run_scoped3A = tpu.sem_alloc : memref<!tpu.dma_semaphore, #tpu.memory_space<semaphore_mem>>
        %dma_start3A_295 = arith.constant 0 : i32
        %dma_start3A_296 = tpu.memref_slice %arg11[%multiple_of3A_7, %dma_start3A_295] : memref<10000x64xf32, #tpu.memory_space<vmem_shared>> -> memref<8x64xf32, #tpu.memory_space<vmem_shared>>
        %dma_start3A_297 = arith.constant 0 : i32
        %dma_start3A_298 = tpu.memref_slice %arg11[%multiple_of3A_7, %dma_start3A_297] : memref<10000x64xf32, #tpu.memory_space<vmem_shared>> -> memref<8x64xf32, #tpu.memory_space<vmem_shared>>
        tpu.enqueue_dma source(%dma_start3A_298 : memref<8x64xf32, #tpu.memory_space<vmem_shared>>) target(%arg9 : memref<8x64xf32, #tpu.memory_space<vmem>>) target_semaphore(%run_scoped3A : memref<!tpu.dma_semaphore, #tpu.memory_space<semaphore_mem>>)
        %dma_wait3A_299 = arith.constant 0 : i32
        %dma_wait3A_300 = tpu.memref_slice %arg11[%multiple_of3A_7, %dma_wait3A_299] : memref<10000x64xf32, #tpu.memory_space<vmem_shared>> -> memref<8x64xf32, #tpu.memory_space<vmem_shared>>
        %dma_wait3A_301 = arith.constant 0 : i32
        %dma_wait3A_302 = tpu.memref_slice %arg11[%multiple_of3A_7, %dma_wait3A_301] : memref<10000x64xf32, #tpu.memory_space<vmem_shared>> -> memref<8x64xf32, #tpu.memory_space<vmem_shared>>
        tpu.wait_dma2 semaphore(%run_scoped3A : memref<!tpu.dma_semaphore, #tpu.memory_space<semaphore_mem>>) src(%dma_wait3A_302 : memref<8x64xf32, #tpu.memory_space<vmem_shared>>) dst(%arg9 : memref<8x64xf32, #tpu.memory_space<vmem>>)
        tpu.yield
      }) : () -> ()
      "tpu.region"() ({
        %run_scoped3A = tpu.sem_alloc : memref<!tpu.dma_semaphore, #tpu.memory_space<semaphore_mem>>
        %dma_start3A_295 = arith.constant 0 : i32
        %dma_start3A_296 = tpu.memref_slice %arg5[%arg0, %multiple_of3A_7, %dma_start3A_295] : memref<2x10000x64xf32, #tpu.memory_space<hbm>> -> memref<1x8x64xf32, #tpu.memory_space<hbm>>
        %dma_start3A_297 = tpu.memref_squeeze %dma_start3A_296 : memref<1x8x64xf32, #tpu.memory_space<hbm>> -> memref<8x64xf32, #tpu.memory_space<hbm>>
        %dma_start3A_298 = arith.constant 0 : i32
        %dma_start3A_299 = tpu.memref_slice %arg5[%arg0, %multiple_of3A_7, %dma_start3A_298] : memref<2x10000x64xf32, #tpu.memory_space<hbm>> -> memref<1x8x64xf32, #tpu.memory_space<hbm>>
        %dma_start3A_300 = tpu.memref_squeeze %dma_start3A_299 : memref<1x8x64xf32, #tpu.memory_space<hbm>> -> memref<8x64xf32, #tpu.memory_space<hbm>>
        tpu.enqueue_dma source(%arg9 : memref<8x64xf32, #tpu.memory_space<vmem>>) target(%dma_start3A_300 : memref<8x64xf32, #tpu.memory_space<hbm>>) target_semaphore(%run_scoped3A : memref<!tpu.dma_semaphore, #tpu.memory_space<semaphore_mem>>)
        %dma_wait3A_301 = arith.constant 0 : i32
        %dma_wait3A_302 = tpu.memref_slice %arg5[%arg0, %multiple_of3A_7, %dma_wait3A_301] : memref<2x10000x64xf32, #tpu.memory_space<hbm>> -> memref<1x8x64xf32, #tpu.memory_space<hbm>>
        %dma_wait3A_303 = tpu.memref_squeeze %dma_wait3A_302 : memref<1x8x64xf32, #tpu.memory_space<hbm>> -> memref<8x64xf32, #tpu.memory_space<hbm>>
        %dma_wait3A_304 = arith.constant 0 : i32
        %dma_wait3A_305 = tpu.memref_slice %arg5[%arg0, %multiple_of3A_7, %dma_wait3A_304] : memref<2x10000x64xf32, #tpu.memory_space<hbm>> -> memref<1x8x64xf32, #tpu.memory_space<hbm>>
        %dma_wait3A_306 = tpu.memref_squeeze %dma_wait3A_305 : memref<1x8x64xf32, #tpu.memory_space<hbm>> -> memref<8x64xf32, #tpu.memory_space<hbm>>
        tpu.wait_dma2 semaphore(%run_scoped3A : memref<!tpu.dma_semaphore, #tpu.memory_space<semaphore_mem>>) src(%arg9 : memref<8x64xf32, #tpu.memory_space<vmem>>) dst(%dma_wait3A_306 : memref<8x64xf32, #tpu.memory_space<hbm>>)
        tpu.yield
      }) : () -> ()
    } else {
    }
    return
  }
}

#map = affine_map<(d0, d1) -> (0, 0, 0)>
module attributes {stable_mosaic.version = 14 : i64} {
  func.func @cnts(%arg0: i32, %arg1: i32, %arg2: memref<32x80x125xi32, #tpu.memory_space<hbm>>, %arg3: memref<2x10000x16xf32, #tpu.memory_space<hbm>>, %arg4: memref<80x125xi32, #tpu.memory_space<vmem>>, %arg5: memref<125x16xf32, #tpu.memory_space<vmem>>, %arg6: memref<8x16xf32, #tpu.memory_space<vmem>>, %arg7: memref<104x16xf32, #tpu.memory_space<vmem>>, %arg8: memref<10000x16xf32, #tpu.memory_space<vmem_shared>>) attributes {dimension_semantics = [#tpu.dimension_semantics<core_parallel>, #tpu.dimension_semantics<subcore_parallel>], iteration_bounds = array<i64: 2, 16>, scalar_prefetch = 0 : i64, scratch_operands = 5 : i64, tpu.core_type = #tpu.core_type<sc_vector_subcore>, window_params = [{transform_indices = #map}, {transform_indices = #map}]} {
    %mul3A = arith.constant 16 : i32
    %mul3A_0 = arith.muli %arg0, %mul3A : i32
    %add3A = arith.addi %mul3A_0, %arg1 : i32
    %mul3A_1 = arith.constant 624 : i32
    %mul3A_2 = arith.muli %arg1, %mul3A_1 : i32
    %multiple_of3A = tpu.assume_multiple %mul3A_2, 8 : i32
    %mul3A_3 = arith.constant 8 : i32
    %mul3A_4 = arith.muli %arg1, %mul3A_3 : i32
    %add3A_5 = arith.constant 9984 : i32
    %add3A_6 = arith.addi %add3A_5, %mul3A_4 : i32
    %multiple_of3A_7 = tpu.assume_multiple %add3A_6, 8 : i32
    "tpu.region"() ({
      %run_scoped3A = tpu.sem_alloc : memref<!tpu.dma_semaphore, #tpu.memory_space<semaphore_mem>>
      %dma_start3A = arith.constant 0 : i32
      %dma_start3A_833 = arith.constant 0 : i32
      %dma_start3A_834 = tpu.memref_slice %arg2[%add3A, %dma_start3A, %dma_start3A_833] : memref<32x80x125xi32, #tpu.memory_space<hbm>> -> memref<1x80x125xi32, #tpu.memory_space<hbm>>
      %dma_start3A_835 = tpu.memref_squeeze %dma_start3A_834 : memref<1x80x125xi32, #tpu.memory_space<hbm>> -> memref<80x125xi32, #tpu.memory_space<hbm>>
      %dma_start3A_836 = arith.constant 0 : i32
      %dma_start3A_837 = arith.constant 0 : i32
      %dma_start3A_838 = tpu.memref_slice %arg2[%add3A, %dma_start3A_836, %dma_start3A_837] : memref<32x80x125xi32, #tpu.memory_space<hbm>> -> memref<1x80x125xi32, #tpu.memory_space<hbm>>
      %dma_start3A_839 = tpu.memref_squeeze %dma_start3A_838 : memref<1x80x125xi32, #tpu.memory_space<hbm>> -> memref<80x125xi32, #tpu.memory_space<hbm>>
      tpu.enqueue_dma source(%dma_start3A_839 : memref<80x125xi32, #tpu.memory_space<hbm>>) target(%arg4 : memref<80x125xi32, #tpu.memory_space<vmem>>) target_semaphore(%run_scoped3A : memref<!tpu.dma_semaphore, #tpu.memory_space<semaphore_mem>>)
      %dma_wait3A = arith.constant 0 : i32
      %dma_wait3A_840 = arith.constant 0 : i32
      %dma_wait3A_841 = tpu.memref_slice %arg2[%add3A, %dma_wait3A, %dma_wait3A_840] : memref<32x80x125xi32, #tpu.memory_space<hbm>> -> memref<1x80x125xi32, #tpu.memory_space<hbm>>
      %dma_wait3A_842 = tpu.memref_squeeze %dma_wait3A_841 : memref<1x80x125xi32, #tpu.memory_space<hbm>> -> memref<80x125xi32, #tpu.memory_space<hbm>>
      %dma_wait3A_843 = arith.constant 0 : i32
      %dma_wait3A_844 = arith.constant 0 : i32
      %dma_wait3A_845 = tpu.memref_slice %arg2[%add3A, %dma_wait3A_843, %dma_wait3A_844] : memref<32x80x125xi32, #tpu.memory_space<hbm>> -> memref<1x80x125xi32, #tpu.memory_space<hbm>>
      %dma_wait3A_846 = tpu.memref_squeeze %dma_wait3A_845 : memref<1x80x125xi32, #tpu.memory_space<hbm>> -> memref<80x125xi32, #tpu.memory_space<hbm>>
      tpu.wait_dma2 semaphore(%run_scoped3A : memref<!tpu.dma_semaphore, #tpu.memory_space<semaphore_mem>>) src(%dma_wait3A_846 : memref<80x125xi32, #tpu.memory_space<hbm>>) dst(%arg4 : memref<80x125xi32, #tpu.memory_space<vmem>>)
      tpu.yield
    }) : () -> ()
    %broadcast_in_dim3A = arith.constant 0.000000e+00 : f32
    %broadcast_in_dim3A_8 = vector.broadcast %broadcast_in_dim3A : f32 to vector<16xf32>
    %broadcast_in_dim3A_9 = arith.constant 1.000000e+00 : f32
    %broadcast_in_dim3A_10 = vector.broadcast %broadcast_in_dim3A_9 : f32 to vector<16xf32>
    %swap3A = arith.constant 0 : i32
    %swap3A_11 = arith.index_cast %swap3A : i32 to index
    %swap3A_12 = arith.constant 0 : index
    %swap3A_13 = tpu.vector_load %arg6[%swap3A_11, %swap3A_12] {strides = array<i32>} : memref<8x16xf32, #tpu.memory_space<vmem>>, vector<1x16xf32>,
    %swap3A_14 = vector.shape_cast %swap3A_13 : vector<1x16xf32> to vector<16xf32>
    %swap3A_15 = vector.shape_cast %broadcast_in_dim3A_8 : vector<16xf32> to vector<1x16xf32>
    tpu.vector_store %arg6[%swap3A_11, %swap3A_12], %swap3A_15 {strides = array<i32>} : memref<8x16xf32, #tpu.memory_space<vmem>>, vector<1x16xf32>,
    %swap3A_16 = arith.constant 1 : i32
    %swap3A_17 = arith.index_cast %swap3A_16 : i32 to index
    %swap3A_18 = arith.constant 0 : index
    %swap3A_19 = tpu.vector_load %arg6[%swap3A_17, %swap3A_18] {strides = array<i32>} : memref<8x16xf32, #tpu.memory_space<vmem>>, vector<1x16xf32>,
    %swap3A_20 = vector.shape_cast %swap3A_19 : vector<1x16xf32> to vector<16xf32>
    %swap3A_21 = vector.shape_cast %broadcast_in_dim3A_8 : vector<16xf32> to vector<1x16xf32>
    tpu.vector_store %arg6[%swap3A_17, %swap3A_18], %swap3A_21 {strides = array<i32>} : memref<8x16xf32, #tpu.memory_space<vmem>>, vector<1x16xf32>,
    %swap3A_22 = arith.constant 2 : i32
    %swap3A_23 = arith.index_cast %swap3A_22 : i32 to index
    %swap3A_24 = arith.constant 0 : index
    %swap3A_25 = tpu.vector_load %arg6[%swap3A_23, %swap3A_24] {strides = array<i32>} : memref<8x16xf32, #tpu.memory_space<vmem>>, vector<1x16xf32>,
    %swap3A_26 = vector.shape_cast %swap3A_25 : vector<1x16xf32> to vector<16xf32>
    %swap3A_27 = vector.shape_cast %broadcast_in_dim3A_8 : vector<16xf32> to vector<1x16xf32>
    tpu.vector_store %arg6[%swap3A_23, %swap3A_24], %swap3A_27 {strides = array<i32>} : memref<8x16xf32, #tpu.memory_space<vmem>>, vector<1x16xf32>,
    %swap3A_28 = arith.constant 3 : i32
    %swap3A_29 = arith.index_cast %swap3A_28 : i32 to index
    %swap3A_30 = arith.constant 0 : index
    %swap3A_31 = tpu.vector_load %arg6[%swap3A_29, %swap3A_30] {strides = array<i32>} : memref<8x16xf32, #tpu.memory_space<vmem>>, vector<1x16xf32>,
    %swap3A_32 = vector.shape_cast %swap3A_31 : vector<1x16xf32> to vector<16xf32>
    %swap3A_33 = vector.shape_cast %broadcast_in_dim3A_8 : vector<16xf32> to vector<1x16xf32>
    tpu.vector_store %arg6[%swap3A_29, %swap3A_30], %swap3A_33 {strides = array<i32>} : memref<8x16xf32, #tpu.memory_space<vmem>>, vector<1x16xf32>,
    %swap3A_34 = arith.constant 4 : i32
    %swap3A_35 = arith.index_cast %swap3A_34 : i32 to index
    %swap3A_36 = arith.constant 0 : index
    %swap3A_37 = tpu.vector_load %arg6[%swap3A_35, %swap3A_36] {strides = array<i32>} : memref<8x16xf32, #tpu.memory_space<vmem>>, vector<1x16xf32>,
    %swap3A_38 = vector.shape_cast %swap3A_37 : vector<1x16xf32> to vector<16xf32>
    %swap3A_39 = vector.shape_cast %broadcast_in_dim3A_8 : vector<16xf32> to vector<1x16xf32>
    tpu.vector_store %arg6[%swap3A_35, %swap3A_36], %swap3A_39 {strides = array<i32>} : memref<8x16xf32, #tpu.memory_space<vmem>>, vector<1x16xf32>,
    %swap3A_40 = arith.constant 5 : i32
    %swap3A_41 = arith.index_cast %swap3A_40 : i32 to index
    %swap3A_42 = arith.constant 0 : index
    %swap3A_43 = tpu.vector_load %arg6[%swap3A_41, %swap3A_42] {strides = array<i32>} : memref<8x16xf32, #tpu.memory_space<vmem>>, vector<1x16xf32>,
    %swap3A_44 = vector.shape_cast %swap3A_43 : vector<1x16xf32> to vector<16xf32>
    %swap3A_45 = vector.shape_cast %broadcast_in_dim3A_8 : vector<16xf32> to vector<1x16xf32>
    tpu.vector_store %arg6[%swap3A_41, %swap3A_42], %swap3A_45 {strides = array<i32>} : memref<8x16xf32, #tpu.memory_space<vmem>>, vector<1x16xf32>,
    %swap3A_46 = arith.constant 6 : i32
    %swap3A_47 = arith.index_cast %swap3A_46 : i32 to index
    %swap3A_48 = arith.constant 0 : index
    %swap3A_49 = tpu.vector_load %arg6[%swap3A_47, %swap3A_48] {strides = array<i32>} : memref<8x16xf32, #tpu.memory_space<vmem>>, vector<1x16xf32>,
    %swap3A_50 = vector.shape_cast %swap3A_49 : vector<1x16xf32> to vector<16xf32>
    %swap3A_51 = vector.shape_cast %broadcast_in_dim3A_8 : vector<16xf32> to vector<1x16xf32>
    tpu.vector_store %arg6[%swap3A_47, %swap3A_48], %swap3A_51 {strides = array<i32>} : memref<8x16xf32, #tpu.memory_space<vmem>>, vector<1x16xf32>,
    %swap3A_52 = arith.constant 7 : i32
    %swap3A_53 = arith.index_cast %swap3A_52 : i32 to index
    %swap3A_54 = arith.constant 0 : index
    %swap3A_55 = tpu.vector_load %arg6[%swap3A_53, %swap3A_54] {strides = array<i32>} : memref<8x16xf32, #tpu.memory_space<vmem>>, vector<1x16xf32>,
    %swap3A_56 = vector.shape_cast %swap3A_55 : vector<1x16xf32> to vector<16xf32>
    %swap3A_57 = vector.shape_cast %broadcast_in_dim3A_8 : vector<16xf32> to vector<1x16xf32>
    tpu.vector_store %arg6[%swap3A_53, %swap3A_54], %swap3A_57 {strides = array<i32>} : memref<8x16xf32, #tpu.memory_space<vmem>>, vector<1x16xf32>,
    %swap3A_58 = arith.constant 0 : i32
    %swap3A_59 = arith.index_cast %swap3A_58 : i32 to index
    %swap3A_60 = arith.constant 0 : index
    %swap3A_61 = tpu.vector_load %arg5[%swap3A_59, %swap3A_60] {strides = array<i32>} : memref<125x16xf32, #tpu.memory_space<vmem>>, vector<1x16xf32>,
    %swap3A_62 = vector.shape_cast %swap3A_61 : vector<1x16xf32> to vector<16xf32>
    %swap3A_63 = vector.shape_cast %broadcast_in_dim3A_10 : vector<16xf32> to vector<1x16xf32>
    tpu.vector_store %arg5[%swap3A_59, %swap3A_60], %swap3A_63 {strides = array<i32>} : memref<125x16xf32, #tpu.memory_space<vmem>>, vector<1x16xf32>,
    %swap3A_64 = arith.constant 1 : i32
    %swap3A_65 = arith.index_cast %swap3A_64 : i32 to index
    %swap3A_66 = arith.constant 0 : index
    %swap3A_67 = tpu.vector_load %arg5[%swap3A_65, %swap3A_66] {strides = array<i32>} : memref<125x16xf32, #tpu.memory_space<vmem>>, vector<1x16xf32>,
    %swap3A_68 = vector.shape_cast %swap3A_67 : vector<1x16xf32> to vector<16xf32>
    %swap3A_69 = vector.shape_cast %broadcast_in_dim3A_10 : vector<16xf32> to vector<1x16xf32>
    tpu.vector_store %arg5[%swap3A_65, %swap3A_66], %swap3A_69 {strides = array<i32>} : memref<125x16xf32, #tpu.memory_space<vmem>>, vector<1x16xf32>,
    %swap3A_70 = arith.constant 2 : i32
    %swap3A_71 = arith.index_cast %swap3A_70 : i32 to index
    %swap3A_72 = arith.constant 0 : index
    %swap3A_73 = tpu.vector_load %arg5[%swap3A_71, %swap3A_72] {strides = array<i32>} : memref<125x16xf32, #tpu.memory_space<vmem>>, vector<1x16xf32>,
    %swap3A_74 = vector.shape_cast %swap3A_73 : vector<1x16xf32> to vector<16xf32>
    %swap3A_75 = vector.shape_cast %broadcast_in_dim3A_10 : vector<16xf32> to vector<1x16xf32>
    tpu.vector_store %arg5[%swap3A_71, %swap3A_72], %swap3A_75 {strides = array<i32>} : memref<125x16xf32, #tpu.memory_space<vmem>>, vector<1x16xf32>,
    %swap3A_76 = arith.constant 3 : i32
    %swap3A_77 = arith.index_cast %swap3A_76 : i32 to index
    %swap3A_78 = arith.constant 0 : index
    %swap3A_79 = tpu.vector_load %arg5[%swap3A_77, %swap3A_78] {strides = array<i32>} : memref<125x16xf32, #tpu.memory_space<vmem>>, vector<1x16xf32>,
    %swap3A_80 = vector.shape_cast %swap3A_79 : vector<1x16xf32> to vector<16xf32>
    %swap3A_81 = vector.shape_cast %broadcast_in_dim3A_10 : vector<16xf32> to vector<1x16xf32>
    tpu.vector_store %arg5[%swap3A_77, %swap3A_78], %swap3A_81 {strides = array<i32>} : memref<125x16xf32, #tpu.memory_space<vmem>>, vector<1x16xf32>,
    %swap3A_82 = arith.constant 4 : i32
    %swap3A_83 = arith.index_cast %swap3A_82 : i32 to index
    %swap3A_84 = arith.constant 0 : index
    %swap3A_85 = tpu.vector_load %arg5[%swap3A_83, %swap3A_84] {strides = array<i32>} : memref<125x16xf32, #tpu.memory_space<vmem>>, vector<1x16xf32>,
    %swap3A_86 = vector.shape_cast %swap3A_85 : vector<1x16xf32> to vector<16xf32>
    %swap3A_87 = vector.shape_cast %broadcast_in_dim3A_10 : vector<16xf32> to vector<1x16xf32>
    tpu.vector_store %arg5[%swap3A_83, %swap3A_84], %swap3A_87 {strides = array<i32>} : memref<125x16xf32, #tpu.memory_space<vmem>>, vector<1x16xf32>,
    %swap3A_88 = arith.constant 5 : i32
    %swap3A_89 = arith.index_cast %swap3A_88 : i32 to index
    %swap3A_90 = arith.constant 0 : index
    %swap3A_91 = tpu.vector_load %arg5[%swap3A_89, %swap3A_90] {strides = array<i32>} : memref<125x16xf32, #tpu.memory_space<vmem>>, vector<1x16xf32>,
    %swap3A_92 = vector.shape_cast %swap3A_91 : vector<1x16xf32> to vector<16xf32>
    %swap3A_93 = vector.shape_cast %broadcast_in_dim3A_10 : vector<16xf32> to vector<1x16xf32>
    tpu.vector_store %arg5[%swap3A_89, %swap3A_90], %swap3A_93 {strides = array<i32>} : memref<125x16xf32, #tpu.memory_space<vmem>>, vector<1x16xf32>,
    %swap3A_94 = arith.constant 6 : i32
    %swap3A_95 = arith.index_cast %swap3A_94 : i32 to index
    %swap3A_96 = arith.constant 0 : index
    %swap3A_97 = tpu.vector_load %arg5[%swap3A_95, %swap3A_96] {strides = array<i32>} : memref<125x16xf32, #tpu.memory_space<vmem>>, vector<1x16xf32>,
    %swap3A_98 = vector.shape_cast %swap3A_97 : vector<1x16xf32> to vector<16xf32>
    %swap3A_99 = vector.shape_cast %broadcast_in_dim3A_10 : vector<16xf32> to vector<1x16xf32>
    tpu.vector_store %arg5[%swap3A_95, %swap3A_96], %swap3A_99 {strides = array<i32>} : memref<125x16xf32, #tpu.memory_space<vmem>>, vector<1x16xf32>,
    %swap3A_100 = arith.constant 7 : i32
    %swap3A_101 = arith.index_cast %swap3A_100 : i32 to index
    %swap3A_102 = arith.constant 0 : index
    %swap3A_103 = tpu.vector_load %arg5[%swap3A_101, %swap3A_102] {strides = array<i32>} : memref<125x16xf32, #tpu.memory_space<vmem>>, vector<1x16xf32>,
    %swap3A_104 = vector.shape_cast %swap3A_103 : vector<1x16xf32> to vector<16xf32>
    %swap3A_105 = vector.shape_cast %broadcast_in_dim3A_10 : vector<16xf32> to vector<1x16xf32>
    tpu.vector_store %arg5[%swap3A_101, %swap3A_102], %swap3A_105 {strides = array<i32>} : memref<125x16xf32, #tpu.memory_space<vmem>>, vector<1x16xf32>,
    %swap3A_106 = arith.constant 8 : i32
    %swap3A_107 = arith.index_cast %swap3A_106 : i32 to index
    %swap3A_108 = arith.constant 0 : index
    %swap3A_109 = tpu.vector_load %arg5[%swap3A_107, %swap3A_108] {strides = array<i32>} : memref<125x16xf32, #tpu.memory_space<vmem>>, vector<1x16xf32>,
    %swap3A_110 = vector.shape_cast %swap3A_109 : vector<1x16xf32> to vector<16xf32>
    %swap3A_111 = vector.shape_cast %broadcast_in_dim3A_10 : vector<16xf32> to vector<1x16xf32>
    tpu.vector_store %arg5[%swap3A_107, %swap3A_108], %swap3A_111 {strides = array<i32>} : memref<125x16xf32, #tpu.memory_space<vmem>>, vector<1x16xf32>,
    %swap3A_112 = arith.constant 9 : i32
    %swap3A_113 = arith.index_cast %swap3A_112 : i32 to index
    %swap3A_114 = arith.constant 0 : index
    %swap3A_115 = tpu.vector_load %arg5[%swap3A_113, %swap3A_114] {strides = array<i32>} : memref<125x16xf32, #tpu.memory_space<vmem>>, vector<1x16xf32>,
    %swap3A_116 = vector.shape_cast %swap3A_115 : vector<1x16xf32> to vector<16xf32>
    %swap3A_117 = vector.shape_cast %broadcast_in_dim3A_10 : vector<16xf32> to vector<1x16xf32>
    tpu.vector_store %arg5[%swap3A_113, %swap3A_114], %swap3A_117 {strides = array<i32>} : memref<125x16xf32, #tpu.memory_space<vmem>>, vector<1x16xf32>,
    %swap3A_118 = arith.constant 10 : i32
    %swap3A_119 = arith.index_cast %swap3A_118 : i32 to index
    %swap3A_120 = arith.constant 0 : index
    %swap3A_121 = tpu.vector_load %arg5[%swap3A_119, %swap3A_120] {strides = array<i32>} : memref<125x16xf32, #tpu.memory_space<vmem>>, vector<1x16xf32>,
    %swap3A_122 = vector.shape_cast %swap3A_121 : vector<1x16xf32> to vector<16xf32>
    %swap3A_123 = vector.shape_cast %broadcast_in_dim3A_10 : vector<16xf32> to vector<1x16xf32>
    tpu.vector_store %arg5[%swap3A_119, %swap3A_120], %swap3A_123 {strides = array<i32>} : memref<125x16xf32, #tpu.memory_space<vmem>>, vector<1x16xf32>,
    %swap3A_124 = arith.constant 11 : i32
    %swap3A_125 = arith.index_cast %swap3A_124 : i32 to index
    %swap3A_126 = arith.constant 0 : index
    %swap3A_127 = tpu.vector_load %arg5[%swap3A_125, %swap3A_126] {strides = array<i32>} : memref<125x16xf32, #tpu.memory_space<vmem>>, vector<1x16xf32>,
    %swap3A_128 = vector.shape_cast %swap3A_127 : vector<1x16xf32> to vector<16xf32>
    %swap3A_129 = vector.shape_cast %broadcast_in_dim3A_10 : vector<16xf32> to vector<1x16xf32>
    tpu.vector_store %arg5[%swap3A_125, %swap3A_126], %swap3A_129 {strides = array<i32>} : memref<125x16xf32, #tpu.memory_space<vmem>>, vector<1x16xf32>,
    %swap3A_130 = arith.constant 12 : i32
    %swap3A_131 = arith.index_cast %swap3A_130 : i32 to index
    %swap3A_132 = arith.constant 0 : index
    %swap3A_133 = tpu.vector_load %arg5[%swap3A_131, %swap3A_132] {strides = array<i32>} : memref<125x16xf32, #tpu.memory_space<vmem>>, vector<1x16xf32>,
    %swap3A_134 = vector.shape_cast %swap3A_133 : vector<1x16xf32> to vector<16xf32>
    %swap3A_135 = vector.shape_cast %broadcast_in_dim3A_10 : vector<16xf32> to vector<1x16xf32>
    tpu.vector_store %arg5[%swap3A_131, %swap3A_132], %swap3A_135 {strides = array<i32>} : memref<125x16xf32, #tpu.memory_space<vmem>>, vector<1x16xf32>,
    %swap3A_136 = arith.constant 13 : i32
    %swap3A_137 = arith.index_cast %swap3A_136 : i32 to index
    %swap3A_138 = arith.constant 0 : index
    %swap3A_139 = tpu.vector_load %arg5[%swap3A_137, %swap3A_138] {strides = array<i32>} : memref<125x16xf32, #tpu.memory_space<vmem>>, vector<1x16xf32>,
    %swap3A_140 = vector.shape_cast %swap3A_139 : vector<1x16xf32> to vector<16xf32>
    %swap3A_141 = vector.shape_cast %broadcast_in_dim3A_10 : vector<16xf32> to vector<1x16xf32>
    tpu.vector_store %arg5[%swap3A_137, %swap3A_138], %swap3A_141 {strides = array<i32>} : memref<125x16xf32, #tpu.memory_space<vmem>>, vector<1x16xf32>,
    %swap3A_142 = arith.constant 14 : i32
    %swap3A_143 = arith.index_cast %swap3A_142 : i32 to index
    %swap3A_144 = arith.constant 0 : index
    %swap3A_145 = tpu.vector_load %arg5[%swap3A_143, %swap3A_144] {strides = array<i32>} : memref<125x16xf32, #tpu.memory_space<vmem>>, vector<1x16xf32>,
    %swap3A_146 = vector.shape_cast %swap3A_145 : vector<1x16xf32> to vector<16xf32>
    %swap3A_147 = vector.shape_cast %broadcast_in_dim3A_10 : vector<16xf32> to vector<1x16xf32>
    tpu.vector_store %arg5[%swap3A_143, %swap3A_144], %swap3A_147 {strides = array<i32>} : memref<125x16xf32, #tpu.memory_space<vmem>>, vector<1x16xf32>,
    %swap3A_148 = arith.constant 15 : i32
    %swap3A_149 = arith.index_cast %swap3A_148 : i32 to index
    %swap3A_150 = arith.constant 0 : index
    %swap3A_151 = tpu.vector_load %arg5[%swap3A_149, %swap3A_150] {strides = array<i32>} : memref<125x16xf32, #tpu.memory_space<vmem>>, vector<1x16xf32>,
    %swap3A_152 = vector.shape_cast %swap3A_151 : vector<1x16xf32> to vector<16xf32>
    %swap3A_153 = vector.shape_cast %broadcast_in_dim3A_10 : vector<16xf32> to vector<1x16xf32>
    tpu.vector_store %arg5[%swap3A_149, %swap3A_150], %swap3A_153 {strides = array<i32>} : memref<125x16xf32, #tpu.memory_space<vmem>>, vector<1x16xf32>,
    %swap3A_154 = arith.constant 16 : i32
    %swap3A_155 = arith.index_cast %swap3A_154 : i32 to index
    %swap3A_156 = arith.constant 0 : index
    %swap3A_157 = tpu.vector_load %arg5[%swap3A_155, %swap3A_156] {strides = array<i32>} : memref<125x16xf32, #tpu.memory_space<vmem>>, vector<1x16xf32>,
    %swap3A_158 = vector.shape_cast %swap3A_157 : vector<1x16xf32> to vector<16xf32>
    %swap3A_159 = vector.shape_cast %broadcast_in_dim3A_10 : vector<16xf32> to vector<1x16xf32>
    tpu.vector_store %arg5[%swap3A_155, %swap3A_156], %swap3A_159 {strides = array<i32>} : memref<125x16xf32, #tpu.memory_space<vmem>>, vector<1x16xf32>,
    %swap3A_160 = arith.constant 17 : i32
    %swap3A_161 = arith.index_cast %swap3A_160 : i32 to index
    %swap3A_162 = arith.constant 0 : index
    %swap3A_163 = tpu.vector_load %arg5[%swap3A_161, %swap3A_162] {strides = array<i32>} : memref<125x16xf32, #tpu.memory_space<vmem>>, vector<1x16xf32>,
    %swap3A_164 = vector.shape_cast %swap3A_163 : vector<1x16xf32> to vector<16xf32>
    %swap3A_165 = vector.shape_cast %broadcast_in_dim3A_10 : vector<16xf32> to vector<1x16xf32>
    tpu.vector_store %arg5[%swap3A_161, %swap3A_162], %swap3A_165 {strides = array<i32>} : memref<125x16xf32, #tpu.memory_space<vmem>>, vector<1x16xf32>,
    %swap3A_166 = arith.constant 18 : i32
    %swap3A_167 = arith.index_cast %swap3A_166 : i32 to index
    %swap3A_168 = arith.constant 0 : index
    %swap3A_169 = tpu.vector_load %arg5[%swap3A_167, %swap3A_168] {strides = array<i32>} : memref<125x16xf32, #tpu.memory_space<vmem>>, vector<1x16xf32>,
    %swap3A_170 = vector.shape_cast %swap3A_169 : vector<1x16xf32> to vector<16xf32>
    %swap3A_171 = vector.shape_cast %broadcast_in_dim3A_10 : vector<16xf32> to vector<1x16xf32>
    tpu.vector_store %arg5[%swap3A_167, %swap3A_168], %swap3A_171 {strides = array<i32>} : memref<125x16xf32, #tpu.memory_space<vmem>>, vector<1x16xf32>,
    %swap3A_172 = arith.constant 19 : i32
    %swap3A_173 = arith.index_cast %swap3A_172 : i32 to index
    %swap3A_174 = arith.constant 0 : index
    %swap3A_175 = tpu.vector_load %arg5[%swap3A_173, %swap3A_174] {strides = array<i32>} : memref<125x16xf32, #tpu.memory_space<vmem>>, vector<1x16xf32>,
    %swap3A_176 = vector.shape_cast %swap3A_175 : vector<1x16xf32> to vector<16xf32>
    %swap3A_177 = vector.shape_cast %broadcast_in_dim3A_10 : vector<16xf32> to vector<1x16xf32>
    tpu.vector_store %arg5[%swap3A_173, %swap3A_174], %swap3A_177 {strides = array<i32>} : memref<125x16xf32, #tpu.memory_space<vmem>>, vector<1x16xf32>,
    %swap3A_178 = arith.constant 20 : i32
    %swap3A_179 = arith.index_cast %swap3A_178 : i32 to index
    %swap3A_180 = arith.constant 0 : index
    %swap3A_181 = tpu.vector_load %arg5[%swap3A_179, %swap3A_180] {strides = array<i32>} : memref<125x16xf32, #tpu.memory_space<vmem>>, vector<1x16xf32>,
    %swap3A_182 = vector.shape_cast %swap3A_181 : vector<1x16xf32> to vector<16xf32>
    %swap3A_183 = vector.shape_cast %broadcast_in_dim3A_10 : vector<16xf32> to vector<1x16xf32>
    tpu.vector_store %arg5[%swap3A_179, %swap3A_180], %swap3A_183 {strides = array<i32>} : memref<125x16xf32, #tpu.memory_space<vmem>>, vector<1x16xf32>,
    %swap3A_184 = arith.constant 21 : i32
    %swap3A_185 = arith.index_cast %swap3A_184 : i32 to index
    %swap3A_186 = arith.constant 0 : index
    %swap3A_187 = tpu.vector_load %arg5[%swap3A_185, %swap3A_186] {strides = array<i32>} : memref<125x16xf32, #tpu.memory_space<vmem>>, vector<1x16xf32>,
    %swap3A_188 = vector.shape_cast %swap3A_187 : vector<1x16xf32> to vector<16xf32>
    %swap3A_189 = vector.shape_cast %broadcast_in_dim3A_10 : vector<16xf32> to vector<1x16xf32>
    tpu.vector_store %arg5[%swap3A_185, %swap3A_186], %swap3A_189 {strides = array<i32>} : memref<125x16xf32, #tpu.memory_space<vmem>>, vector<1x16xf32>,
    %swap3A_190 = arith.constant 22 : i32
    %swap3A_191 = arith.index_cast %swap3A_190 : i32 to index
    %swap3A_192 = arith.constant 0 : index
    %swap3A_193 = tpu.vector_load %arg5[%swap3A_191, %swap3A_192] {strides = array<i32>} : memref<125x16xf32, #tpu.memory_space<vmem>>, vector<1x16xf32>,
    %swap3A_194 = vector.shape_cast %swap3A_193 : vector<1x16xf32> to vector<16xf32>
    %swap3A_195 = vector.shape_cast %broadcast_in_dim3A_10 : vector<16xf32> to vector<1x16xf32>
    tpu.vector_store %arg5[%swap3A_191, %swap3A_192], %swap3A_195 {strides = array<i32>} : memref<125x16xf32, #tpu.memory_space<vmem>>, vector<1x16xf32>,
    %swap3A_196 = arith.constant 23 : i32
    %swap3A_197 = arith.index_cast %swap3A_196 : i32 to index
    %swap3A_198 = arith.constant 0 : index
    %swap3A_199 = tpu.vector_load %arg5[%swap3A_197, %swap3A_198] {strides = array<i32>} : memref<125x16xf32, #tpu.memory_space<vmem>>, vector<1x16xf32>,
    %swap3A_200 = vector.shape_cast %swap3A_199 : vector<1x16xf32> to vector<16xf32>
    %swap3A_201 = vector.shape_cast %broadcast_in_dim3A_10 : vector<16xf32> to vector<1x16xf32>
    tpu.vector_store %arg5[%swap3A_197, %swap3A_198], %swap3A_201 {strides = array<i32>} : memref<125x16xf32, #tpu.memory_space<vmem>>, vector<1x16xf32>,
    %swap3A_202 = arith.constant 24 : i32
    %swap3A_203 = arith.index_cast %swap3A_202 : i32 to index
    %swap3A_204 = arith.constant 0 : index
    %swap3A_205 = tpu.vector_load %arg5[%swap3A_203, %swap3A_204] {strides = array<i32>} : memref<125x16xf32, #tpu.memory_space<vmem>>, vector<1x16xf32>,
    %swap3A_206 = vector.shape_cast %swap3A_205 : vector<1x16xf32> to vector<16xf32>
    %swap3A_207 = vector.shape_cast %broadcast_in_dim3A_10 : vector<16xf32> to vector<1x16xf32>
    tpu.vector_store %arg5[%swap3A_203, %swap3A_204], %swap3A_207 {strides = array<i32>} : memref<125x16xf32, #tpu.memory_space<vmem>>, vector<1x16xf32>,
    %swap3A_208 = arith.constant 25 : i32
    %swap3A_209 = arith.index_cast %swap3A_208 : i32 to index
    %swap3A_210 = arith.constant 0 : index
    %swap3A_211 = tpu.vector_load %arg5[%swap3A_209, %swap3A_210] {strides = array<i32>} : memref<125x16xf32, #tpu.memory_space<vmem>>, vector<1x16xf32>,
    %swap3A_212 = vector.shape_cast %swap3A_211 : vector<1x16xf32> to vector<16xf32>
    %swap3A_213 = vector.shape_cast %broadcast_in_dim3A_10 : vector<16xf32> to vector<1x16xf32>
    tpu.vector_store %arg5[%swap3A_209, %swap3A_210], %swap3A_213 {strides = array<i32>} : memref<125x16xf32, #tpu.memory_space<vmem>>, vector<1x16xf32>,
    %swap3A_214 = arith.constant 26 : i32
    %swap3A_215 = arith.index_cast %swap3A_214 : i32 to index
    %swap3A_216 = arith.constant 0 : index
    %swap3A_217 = tpu.vector_load %arg5[%swap3A_215, %swap3A_216] {strides = array<i32>} : memref<125x16xf32, #tpu.memory_space<vmem>>, vector<1x16xf32>,
    %swap3A_218 = vector.shape_cast %swap3A_217 : vector<1x16xf32> to vector<16xf32>
    %swap3A_219 = vector.shape_cast %broadcast_in_dim3A_10 : vector<16xf32> to vector<1x16xf32>
    tpu.vector_store %arg5[%swap3A_215, %swap3A_216], %swap3A_219 {strides = array<i32>} : memref<125x16xf32, #tpu.memory_space<vmem>>, vector<1x16xf32>,
    %swap3A_220 = arith.constant 27 : i32
    %swap3A_221 = arith.index_cast %swap3A_220 : i32 to index
    %swap3A_222 = arith.constant 0 : index
    %swap3A_223 = tpu.vector_load %arg5[%swap3A_221, %swap3A_222] {strides = array<i32>} : memref<125x16xf32, #tpu.memory_space<vmem>>, vector<1x16xf32>,
    %swap3A_224 = vector.shape_cast %swap3A_223 : vector<1x16xf32> to vector<16xf32>
    %swap3A_225 = vector.shape_cast %broadcast_in_dim3A_10 : vector<16xf32> to vector<1x16xf32>
    tpu.vector_store %arg5[%swap3A_221, %swap3A_222], %swap3A_225 {strides = array<i32>} : memref<125x16xf32, #tpu.memory_space<vmem>>, vector<1x16xf32>,
    %swap3A_226 = arith.constant 28 : i32
    %swap3A_227 = arith.index_cast %swap3A_226 : i32 to index
    %swap3A_228 = arith.constant 0 : index
    %swap3A_229 = tpu.vector_load %arg5[%swap3A_227, %swap3A_228] {strides = array<i32>} : memref<125x16xf32, #tpu.memory_space<vmem>>, vector<1x16xf32>,
    %swap3A_230 = vector.shape_cast %swap3A_229 : vector<1x16xf32> to vector<16xf32>
    %swap3A_231 = vector.shape_cast %broadcast_in_dim3A_10 : vector<16xf32> to vector<1x16xf32>
    tpu.vector_store %arg5[%swap3A_227, %swap3A_228], %swap3A_231 {strides = array<i32>} : memref<125x16xf32, #tpu.memory_space<vmem>>, vector<1x16xf32>,
    %swap3A_232 = arith.constant 29 : i32
    %swap3A_233 = arith.index_cast %swap3A_232 : i32 to index
    %swap3A_234 = arith.constant 0 : index
    %swap3A_235 = tpu.vector_load %arg5[%swap3A_233, %swap3A_234] {strides = array<i32>} : memref<125x16xf32, #tpu.memory_space<vmem>>, vector<1x16xf32>,
    %swap3A_236 = vector.shape_cast %swap3A_235 : vector<1x16xf32> to vector<16xf32>
    %swap3A_237 = vector.shape_cast %broadcast_in_dim3A_10 : vector<16xf32> to vector<1x16xf32>
    tpu.vector_store %arg5[%swap3A_233, %swap3A_234], %swap3A_237 {strides = array<i32>} : memref<125x16xf32, #tpu.memory_space<vmem>>, vector<1x16xf32>,
    %swap3A_238 = arith.constant 30 : i32
    %swap3A_239 = arith.index_cast %swap3A_238 : i32 to index
    %swap3A_240 = arith.constant 0 : index
    %swap3A_241 = tpu.vector_load %arg5[%swap3A_239, %swap3A_240] {strides = array<i32>} : memref<125x16xf32, #tpu.memory_space<vmem>>, vector<1x16xf32>,
    %swap3A_242 = vector.shape_cast %swap3A_241 : vector<1x16xf32> to vector<16xf32>
    %swap3A_243 = vector.shape_cast %broadcast_in_dim3A_10 : vector<16xf32> to vector<1x16xf32>
    tpu.vector_store %arg5[%swap3A_239, %swap3A_240], %swap3A_243 {strides = array<i32>} : memref<125x16xf32, #tpu.memory_space<vmem>>, vector<1x16xf32>,
    %swap3A_244 = arith.constant 31 : i32
    %swap3A_245 = arith.index_cast %swap3A_244 : i32 to index
    %swap3A_246 = arith.constant 0 : index
    %swap3A_247 = tpu.vector_load %arg5[%swap3A_245, %swap3A_246] {strides = array<i32>} : memref<125x16xf32, #tpu.memory_space<vmem>>, vector<1x16xf32>,
    %swap3A_248 = vector.shape_cast %swap3A_247 : vector<1x16xf32> to vector<16xf32>
    %swap3A_249 = vector.shape_cast %broadcast_in_dim3A_10 : vector<16xf32> to vector<1x16xf32>
    tpu.vector_store %arg5[%swap3A_245, %swap3A_246], %swap3A_249 {strides = array<i32>} : memref<125x16xf32, #tpu.memory_space<vmem>>, vector<1x16xf32>,
    %swap3A_250 = arith.constant 32 : i32
    %swap3A_251 = arith.index_cast %swap3A_250 : i32 to index
    %swap3A_252 = arith.constant 0 : index
    %swap3A_253 = tpu.vector_load %arg5[%swap3A_251, %swap3A_252] {strides = array<i32>} : memref<125x16xf32, #tpu.memory_space<vmem>>, vector<1x16xf32>,
    %swap3A_254 = vector.shape_cast %swap3A_253 : vector<1x16xf32> to vector<16xf32>
    %swap3A_255 = vector.shape_cast %broadcast_in_dim3A_10 : vector<16xf32> to vector<1x16xf32>
    tpu.vector_store %arg5[%swap3A_251, %swap3A_252], %swap3A_255 {strides = array<i32>} : memref<125x16xf32, #tpu.memory_space<vmem>>, vector<1x16xf32>,
    %swap3A_256 = arith.constant 33 : i32
    %swap3A_257 = arith.index_cast %swap3A_256 : i32 to index
    %swap3A_258 = arith.constant 0 : index
    %swap3A_259 = tpu.vector_load %arg5[%swap3A_257, %swap3A_258] {strides = array<i32>} : memref<125x16xf32, #tpu.memory_space<vmem>>, vector<1x16xf32>,
    %swap3A_260 = vector.shape_cast %swap3A_259 : vector<1x16xf32> to vector<16xf32>
    %swap3A_261 = vector.shape_cast %broadcast_in_dim3A_10 : vector<16xf32> to vector<1x16xf32>
    tpu.vector_store %arg5[%swap3A_257, %swap3A_258], %swap3A_261 {strides = array<i32>} : memref<125x16xf32, #tpu.memory_space<vmem>>, vector<1x16xf32>,
    %swap3A_262 = arith.constant 34 : i32
    %swap3A_263 = arith.index_cast %swap3A_262 : i32 to index
    %swap3A_264 = arith.constant 0 : index
    %swap3A_265 = tpu.vector_load %arg5[%swap3A_263, %swap3A_264] {strides = array<i32>} : memref<125x16xf32, #tpu.memory_space<vmem>>, vector<1x16xf32>,
    %swap3A_266 = vector.shape_cast %swap3A_265 : vector<1x16xf32> to vector<16xf32>
    %swap3A_267 = vector.shape_cast %broadcast_in_dim3A_10 : vector<16xf32> to vector<1x16xf32>
    tpu.vector_store %arg5[%swap3A_263, %swap3A_264], %swap3A_267 {strides = array<i32>} : memref<125x16xf32, #tpu.memory_space<vmem>>, vector<1x16xf32>,
    %swap3A_268 = arith.constant 35 : i32
    %swap3A_269 = arith.index_cast %swap3A_268 : i32 to index
    %swap3A_270 = arith.constant 0 : index
    %swap3A_271 = tpu.vector_load %arg5[%swap3A_269, %swap3A_270] {strides = array<i32>} : memref<125x16xf32, #tpu.memory_space<vmem>>, vector<1x16xf32>,
    %swap3A_272 = vector.shape_cast %swap3A_271 : vector<1x16xf32> to vector<16xf32>
    %swap3A_273 = vector.shape_cast %broadcast_in_dim3A_10 : vector<16xf32> to vector<1x16xf32>
    tpu.vector_store %arg5[%swap3A_269, %swap3A_270], %swap3A_273 {strides = array<i32>} : memref<125x16xf32, #tpu.memory_space<vmem>>, vector<1x16xf32>,
    %swap3A_274 = arith.constant 36 : i32
    %swap3A_275 = arith.index_cast %swap3A_274 : i32 to index
    %swap3A_276 = arith.constant 0 : index
    %swap3A_277 = tpu.vector_load %arg5[%swap3A_275, %swap3A_276] {strides = array<i32>} : memref<125x16xf32, #tpu.memory_space<vmem>>, vector<1x16xf32>,
    %swap3A_278 = vector.shape_cast %swap3A_277 : vector<1x16xf32> to vector<16xf32>
    %swap3A_279 = vector.shape_cast %broadcast_in_dim3A_10 : vector<16xf32> to vector<1x16xf32>
    tpu.vector_store %arg5[%swap3A_275, %swap3A_276], %swap3A_279 {strides = array<i32>} : memref<125x16xf32, #tpu.memory_space<vmem>>, vector<1x16xf32>,
    %swap3A_280 = arith.constant 37 : i32
    %swap3A_281 = arith.index_cast %swap3A_280 : i32 to index
    %swap3A_282 = arith.constant 0 : index
    %swap3A_283 = tpu.vector_load %arg5[%swap3A_281, %swap3A_282] {strides = array<i32>} : memref<125x16xf32, #tpu.memory_space<vmem>>, vector<1x16xf32>,
    %swap3A_284 = vector.shape_cast %swap3A_283 : vector<1x16xf32> to vector<16xf32>
    %swap3A_285 = vector.shape_cast %broadcast_in_dim3A_10 : vector<16xf32> to vector<1x16xf32>
    tpu.vector_store %arg5[%swap3A_281, %swap3A_282], %swap3A_285 {strides = array<i32>} : memref<125x16xf32, #tpu.memory_space<vmem>>, vector<1x16xf32>,
    %swap3A_286 = arith.constant 38 : i32
    %swap3A_287 = arith.index_cast %swap3A_286 : i32 to index
    %swap3A_288 = arith.constant 0 : index
    %swap3A_289 = tpu.vector_load %arg5[%swap3A_287, %swap3A_288] {strides = array<i32>} : memref<125x16xf32, #tpu.memory_space<vmem>>, vector<1x16xf32>,
    %swap3A_290 = vector.shape_cast %swap3A_289 : vector<1x16xf32> to vector<16xf32>
    %swap3A_291 = vector.shape_cast %broadcast_in_dim3A_10 : vector<16xf32> to vector<1x16xf32>
    tpu.vector_store %arg5[%swap3A_287, %swap3A_288], %swap3A_291 {strides = array<i32>} : memref<125x16xf32, #tpu.memory_space<vmem>>, vector<1x16xf32>,
    %swap3A_292 = arith.constant 39 : i32
    %swap3A_293 = arith.index_cast %swap3A_292 : i32 to index
    %swap3A_294 = arith.constant 0 : index
    %swap3A_295 = tpu.vector_load %arg5[%swap3A_293, %swap3A_294] {strides = array<i32>} : memref<125x16xf32, #tpu.memory_space<vmem>>, vector<1x16xf32>,
    %swap3A_296 = vector.shape_cast %swap3A_295 : vector<1x16xf32> to vector<16xf32>
    %swap3A_297 = vector.shape_cast %broadcast_in_dim3A_10 : vector<16xf32> to vector<1x16xf32>
    tpu.vector_store %arg5[%swap3A_293, %swap3A_294], %swap3A_297 {strides = array<i32>} : memref<125x16xf32, #tpu.memory_space<vmem>>, vector<1x16xf32>,
    %swap3A_298 = arith.constant 40 : i32
    %swap3A_299 = arith.index_cast %swap3A_298 : i32 to index
    %swap3A_300 = arith.constant 0 : index
    %swap3A_301 = tpu.vector_load %arg5[%swap3A_299, %swap3A_300] {strides = array<i32>} : memref<125x16xf32, #tpu.memory_space<vmem>>, vector<1x16xf32>,
    %swap3A_302 = vector.shape_cast %swap3A_301 : vector<1x16xf32> to vector<16xf32>
    %swap3A_303 = vector.shape_cast %broadcast_in_dim3A_10 : vector<16xf32> to vector<1x16xf32>
    tpu.vector_store %arg5[%swap3A_299, %swap3A_300], %swap3A_303 {strides = array<i32>} : memref<125x16xf32, #tpu.memory_space<vmem>>, vector<1x16xf32>,
    %swap3A_304 = arith.constant 41 : i32
    %swap3A_305 = arith.index_cast %swap3A_304 : i32 to index
    %swap3A_306 = arith.constant 0 : index
    %swap3A_307 = tpu.vector_load %arg5[%swap3A_305, %swap3A_306] {strides = array<i32>} : memref<125x16xf32, #tpu.memory_space<vmem>>, vector<1x16xf32>,
    %swap3A_308 = vector.shape_cast %swap3A_307 : vector<1x16xf32> to vector<16xf32>
    %swap3A_309 = vector.shape_cast %broadcast_in_dim3A_10 : vector<16xf32> to vector<1x16xf32>
    tpu.vector_store %arg5[%swap3A_305, %swap3A_306], %swap3A_309 {strides = array<i32>} : memref<125x16xf32, #tpu.memory_space<vmem>>, vector<1x16xf32>,
    %swap3A_310 = arith.constant 42 : i32
    %swap3A_311 = arith.index_cast %swap3A_310 : i32 to index
    %swap3A_312 = arith.constant 0 : index
    %swap3A_313 = tpu.vector_load %arg5[%swap3A_311, %swap3A_312] {strides = array<i32>} : memref<125x16xf32, #tpu.memory_space<vmem>>, vector<1x16xf32>,
    %swap3A_314 = vector.shape_cast %swap3A_313 : vector<1x16xf32> to vector<16xf32>
    %swap3A_315 = vector.shape_cast %broadcast_in_dim3A_10 : vector<16xf32> to vector<1x16xf32>
    tpu.vector_store %arg5[%swap3A_311, %swap3A_312], %swap3A_315 {strides = array<i32>} : memref<125x16xf32, #tpu.memory_space<vmem>>, vector<1x16xf32>,
    %swap3A_316 = arith.constant 43 : i32
    %swap3A_317 = arith.index_cast %swap3A_316 : i32 to index
    %swap3A_318 = arith.constant 0 : index
    %swap3A_319 = tpu.vector_load %arg5[%swap3A_317, %swap3A_318] {strides = array<i32>} : memref<125x16xf32, #tpu.memory_space<vmem>>, vector<1x16xf32>,
    %swap3A_320 = vector.shape_cast %swap3A_319 : vector<1x16xf32> to vector<16xf32>
    %swap3A_321 = vector.shape_cast %broadcast_in_dim3A_10 : vector<16xf32> to vector<1x16xf32>
    tpu.vector_store %arg5[%swap3A_317, %swap3A_318], %swap3A_321 {strides = array<i32>} : memref<125x16xf32, #tpu.memory_space<vmem>>, vector<1x16xf32>,
    %swap3A_322 = arith.constant 44 : i32
    %swap3A_323 = arith.index_cast %swap3A_322 : i32 to index
    %swap3A_324 = arith.constant 0 : index
    %swap3A_325 = tpu.vector_load %arg5[%swap3A_323, %swap3A_324] {strides = array<i32>} : memref<125x16xf32, #tpu.memory_space<vmem>>, vector<1x16xf32>,
    %swap3A_326 = vector.shape_cast %swap3A_325 : vector<1x16xf32> to vector<16xf32>
    %swap3A_327 = vector.shape_cast %broadcast_in_dim3A_10 : vector<16xf32> to vector<1x16xf32>
    tpu.vector_store %arg5[%swap3A_323, %swap3A_324], %swap3A_327 {strides = array<i32>} : memref<125x16xf32, #tpu.memory_space<vmem>>, vector<1x16xf32>,
    %swap3A_328 = arith.constant 45 : i32
    %swap3A_329 = arith.index_cast %swap3A_328 : i32 to index
    %swap3A_330 = arith.constant 0 : index
    %swap3A_331 = tpu.vector_load %arg5[%swap3A_329, %swap3A_330] {strides = array<i32>} : memref<125x16xf32, #tpu.memory_space<vmem>>, vector<1x16xf32>,
    %swap3A_332 = vector.shape_cast %swap3A_331 : vector<1x16xf32> to vector<16xf32>
    %swap3A_333 = vector.shape_cast %broadcast_in_dim3A_10 : vector<16xf32> to vector<1x16xf32>
    tpu.vector_store %arg5[%swap3A_329, %swap3A_330], %swap3A_333 {strides = array<i32>} : memref<125x16xf32, #tpu.memory_space<vmem>>, vector<1x16xf32>,
    %swap3A_334 = arith.constant 46 : i32
    %swap3A_335 = arith.index_cast %swap3A_334 : i32 to index
    %swap3A_336 = arith.constant 0 : index
    %swap3A_337 = tpu.vector_load %arg5[%swap3A_335, %swap3A_336] {strides = array<i32>} : memref<125x16xf32, #tpu.memory_space<vmem>>, vector<1x16xf32>,
    %swap3A_338 = vector.shape_cast %swap3A_337 : vector<1x16xf32> to vector<16xf32>
    %swap3A_339 = vector.shape_cast %broadcast_in_dim3A_10 : vector<16xf32> to vector<1x16xf32>
    tpu.vector_store %arg5[%swap3A_335, %swap3A_336], %swap3A_339 {strides = array<i32>} : memref<125x16xf32, #tpu.memory_space<vmem>>, vector<1x16xf32>,
    %swap3A_340 = arith.constant 47 : i32
    %swap3A_341 = arith.index_cast %swap3A_340 : i32 to index
    %swap3A_342 = arith.constant 0 : index
    %swap3A_343 = tpu.vector_load %arg5[%swap3A_341, %swap3A_342] {strides = array<i32>} : memref<125x16xf32, #tpu.memory_space<vmem>>, vector<1x16xf32>,
    %swap3A_344 = vector.shape_cast %swap3A_343 : vector<1x16xf32> to vector<16xf32>
    %swap3A_345 = vector.shape_cast %broadcast_in_dim3A_10 : vector<16xf32> to vector<1x16xf32>
    tpu.vector_store %arg5[%swap3A_341, %swap3A_342], %swap3A_345 {strides = array<i32>} : memref<125x16xf32, #tpu.memory_space<vmem>>, vector<1x16xf32>,
    %swap3A_346 = arith.constant 48 : i32
    %swap3A_347 = arith.index_cast %swap3A_346 : i32 to index
    %swap3A_348 = arith.constant 0 : index
    %swap3A_349 = tpu.vector_load %arg5[%swap3A_347, %swap3A_348] {strides = array<i32>} : memref<125x16xf32, #tpu.memory_space<vmem>>, vector<1x16xf32>,
    %swap3A_350 = vector.shape_cast %swap3A_349 : vector<1x16xf32> to vector<16xf32>
    %swap3A_351 = vector.shape_cast %broadcast_in_dim3A_10 : vector<16xf32> to vector<1x16xf32>
    tpu.vector_store %arg5[%swap3A_347, %swap3A_348], %swap3A_351 {strides = array<i32>} : memref<125x16xf32, #tpu.memory_space<vmem>>, vector<1x16xf32>,
    %swap3A_352 = arith.constant 49 : i32
    %swap3A_353 = arith.index_cast %swap3A_352 : i32 to index
    %swap3A_354 = arith.constant 0 : index
    %swap3A_355 = tpu.vector_load %arg5[%swap3A_353, %swap3A_354] {strides = array<i32>} : memref<125x16xf32, #tpu.memory_space<vmem>>, vector<1x16xf32>,
    %swap3A_356 = vector.shape_cast %swap3A_355 : vector<1x16xf32> to vector<16xf32>
    %swap3A_357 = vector.shape_cast %broadcast_in_dim3A_10 : vector<16xf32> to vector<1x16xf32>
    tpu.vector_store %arg5[%swap3A_353, %swap3A_354], %swap3A_357 {strides = array<i32>} : memref<125x16xf32, #tpu.memory_space<vmem>>, vector<1x16xf32>,
    %swap3A_358 = arith.constant 50 : i32
    %swap3A_359 = arith.index_cast %swap3A_358 : i32 to index
    %swap3A_360 = arith.constant 0 : index
    %swap3A_361 = tpu.vector_load %arg5[%swap3A_359, %swap3A_360] {strides = array<i32>} : memref<125x16xf32, #tpu.memory_space<vmem>>, vector<1x16xf32>,
    %swap3A_362 = vector.shape_cast %swap3A_361 : vector<1x16xf32> to vector<16xf32>
    %swap3A_363 = vector.shape_cast %broadcast_in_dim3A_10 : vector<16xf32> to vector<1x16xf32>
    tpu.vector_store %arg5[%swap3A_359, %swap3A_360], %swap3A_363 {strides = array<i32>} : memref<125x16xf32, #tpu.memory_space<vmem>>, vector<1x16xf32>,
    %swap3A_364 = arith.constant 51 : i32
    %swap3A_365 = arith.index_cast %swap3A_364 : i32 to index
    %swap3A_366 = arith.constant 0 : index
    %swap3A_367 = tpu.vector_load %arg5[%swap3A_365, %swap3A_366] {strides = array<i32>} : memref<125x16xf32, #tpu.memory_space<vmem>>, vector<1x16xf32>,
    %swap3A_368 = vector.shape_cast %swap3A_367 : vector<1x16xf32> to vector<16xf32>
    %swap3A_369 = vector.shape_cast %broadcast_in_dim3A_10 : vector<16xf32> to vector<1x16xf32>
    tpu.vector_store %arg5[%swap3A_365, %swap3A_366], %swap3A_369 {strides = array<i32>} : memref<125x16xf32, #tpu.memory_space<vmem>>, vector<1x16xf32>,
    %swap3A_370 = arith.constant 52 : i32
    %swap3A_371 = arith.index_cast %swap3A_370 : i32 to index
    %swap3A_372 = arith.constant 0 : index
    %swap3A_373 = tpu.vector_load %arg5[%swap3A_371, %swap3A_372] {strides = array<i32>} : memref<125x16xf32, #tpu.memory_space<vmem>>, vector<1x16xf32>,
    %swap3A_374 = vector.shape_cast %swap3A_373 : vector<1x16xf32> to vector<16xf32>
    %swap3A_375 = vector.shape_cast %broadcast_in_dim3A_10 : vector<16xf32> to vector<1x16xf32>
    tpu.vector_store %arg5[%swap3A_371, %swap3A_372], %swap3A_375 {strides = array<i32>} : memref<125x16xf32, #tpu.memory_space<vmem>>, vector<1x16xf32>,
    %swap3A_376 = arith.constant 53 : i32
    %swap3A_377 = arith.index_cast %swap3A_376 : i32 to index
    %swap3A_378 = arith.constant 0 : index
    %swap3A_379 = tpu.vector_load %arg5[%swap3A_377, %swap3A_378] {strides = array<i32>} : memref<125x16xf32, #tpu.memory_space<vmem>>, vector<1x16xf32>,
    %swap3A_380 = vector.shape_cast %swap3A_379 : vector<1x16xf32> to vector<16xf32>
    %swap3A_381 = vector.shape_cast %broadcast_in_dim3A_10 : vector<16xf32> to vector<1x16xf32>
    tpu.vector_store %arg5[%swap3A_377, %swap3A_378], %swap3A_381 {strides = array<i32>} : memref<125x16xf32, #tpu.memory_space<vmem>>, vector<1x16xf32>,
    %swap3A_382 = arith.constant 54 : i32
    %swap3A_383 = arith.index_cast %swap3A_382 : i32 to index
    %swap3A_384 = arith.constant 0 : index
    %swap3A_385 = tpu.vector_load %arg5[%swap3A_383, %swap3A_384] {strides = array<i32>} : memref<125x16xf32, #tpu.memory_space<vmem>>, vector<1x16xf32>,
    %swap3A_386 = vector.shape_cast %swap3A_385 : vector<1x16xf32> to vector<16xf32>
    %swap3A_387 = vector.shape_cast %broadcast_in_dim3A_10 : vector<16xf32> to vector<1x16xf32>
    tpu.vector_store %arg5[%swap3A_383, %swap3A_384], %swap3A_387 {strides = array<i32>} : memref<125x16xf32, #tpu.memory_space<vmem>>, vector<1x16xf32>,
    %swap3A_388 = arith.constant 55 : i32
    %swap3A_389 = arith.index_cast %swap3A_388 : i32 to index
    %swap3A_390 = arith.constant 0 : index
    %swap3A_391 = tpu.vector_load %arg5[%swap3A_389, %swap3A_390] {strides = array<i32>} : memref<125x16xf32, #tpu.memory_space<vmem>>, vector<1x16xf32>,
    %swap3A_392 = vector.shape_cast %swap3A_391 : vector<1x16xf32> to vector<16xf32>
    %swap3A_393 = vector.shape_cast %broadcast_in_dim3A_10 : vector<16xf32> to vector<1x16xf32>
    tpu.vector_store %arg5[%swap3A_389, %swap3A_390], %swap3A_393 {strides = array<i32>} : memref<125x16xf32, #tpu.memory_space<vmem>>, vector<1x16xf32>,
    %swap3A_394 = arith.constant 56 : i32
    %swap3A_395 = arith.index_cast %swap3A_394 : i32 to index
    %swap3A_396 = arith.constant 0 : index
    %swap3A_397 = tpu.vector_load %arg5[%swap3A_395, %swap3A_396] {strides = array<i32>} : memref<125x16xf32, #tpu.memory_space<vmem>>, vector<1x16xf32>,
    %swap3A_398 = vector.shape_cast %swap3A_397 : vector<1x16xf32> to vector<16xf32>
    %swap3A_399 = vector.shape_cast %broadcast_in_dim3A_10 : vector<16xf32> to vector<1x16xf32>
    tpu.vector_store %arg5[%swap3A_395, %swap3A_396], %swap3A_399 {strides = array<i32>} : memref<125x16xf32, #tpu.memory_space<vmem>>, vector<1x16xf32>,
    %swap3A_400 = arith.constant 57 : i32
    %swap3A_401 = arith.index_cast %swap3A_400 : i32 to index
    %swap3A_402 = arith.constant 0 : index
    %swap3A_403 = tpu.vector_load %arg5[%swap3A_401, %swap3A_402] {strides = array<i32>} : memref<125x16xf32, #tpu.memory_space<vmem>>, vector<1x16xf32>,
    %swap3A_404 = vector.shape_cast %swap3A_403 : vector<1x16xf32> to vector<16xf32>
    %swap3A_405 = vector.shape_cast %broadcast_in_dim3A_10 : vector<16xf32> to vector<1x16xf32>
    tpu.vector_store %arg5[%swap3A_401, %swap3A_402], %swap3A_405 {strides = array<i32>} : memref<125x16xf32, #tpu.memory_space<vmem>>, vector<1x16xf32>,
    %swap3A_406 = arith.constant 58 : i32
    %swap3A_407 = arith.index_cast %swap3A_406 : i32 to index
    %swap3A_408 = arith.constant 0 : index
    %swap3A_409 = tpu.vector_load %arg5[%swap3A_407, %swap3A_408] {strides = array<i32>} : memref<125x16xf32, #tpu.memory_space<vmem>>, vector<1x16xf32>,
    %swap3A_410 = vector.shape_cast %swap3A_409 : vector<1x16xf32> to vector<16xf32>
    %swap3A_411 = vector.shape_cast %broadcast_in_dim3A_10 : vector<16xf32> to vector<1x16xf32>
    tpu.vector_store %arg5[%swap3A_407, %swap3A_408], %swap3A_411 {strides = array<i32>} : memref<125x16xf32, #tpu.memory_space<vmem>>, vector<1x16xf32>,
    %swap3A_412 = arith.constant 59 : i32
    %swap3A_413 = arith.index_cast %swap3A_412 : i32 to index
    %swap3A_414 = arith.constant 0 : index
    %swap3A_415 = tpu.vector_load %arg5[%swap3A_413, %swap3A_414] {strides = array<i32>} : memref<125x16xf32, #tpu.memory_space<vmem>>, vector<1x16xf32>,
    %swap3A_416 = vector.shape_cast %swap3A_415 : vector<1x16xf32> to vector<16xf32>
    %swap3A_417 = vector.shape_cast %broadcast_in_dim3A_10 : vector<16xf32> to vector<1x16xf32>
    tpu.vector_store %arg5[%swap3A_413, %swap3A_414], %swap3A_417 {strides = array<i32>} : memref<125x16xf32, #tpu.memory_space<vmem>>, vector<1x16xf32>,
    %swap3A_418 = arith.constant 60 : i32
    %swap3A_419 = arith.index_cast %swap3A_418 : i32 to index
    %swap3A_420 = arith.constant 0 : index
    %swap3A_421 = tpu.vector_load %arg5[%swap3A_419, %swap3A_420] {strides = array<i32>} : memref<125x16xf32, #tpu.memory_space<vmem>>, vector<1x16xf32>,
    %swap3A_422 = vector.shape_cast %swap3A_421 : vector<1x16xf32> to vector<16xf32>
    %swap3A_423 = vector.shape_cast %broadcast_in_dim3A_10 : vector<16xf32> to vector<1x16xf32>
    tpu.vector_store %arg5[%swap3A_419, %swap3A_420], %swap3A_423 {strides = array<i32>} : memref<125x16xf32, #tpu.memory_space<vmem>>, vector<1x16xf32>,
    %swap3A_424 = arith.constant 61 : i32
    %swap3A_425 = arith.index_cast %swap3A_424 : i32 to index
    %swap3A_426 = arith.constant 0 : index
    %swap3A_427 = tpu.vector_load %arg5[%swap3A_425, %swap3A_426] {strides = array<i32>} : memref<125x16xf32, #tpu.memory_space<vmem>>, vector<1x16xf32>,
    %swap3A_428 = vector.shape_cast %swap3A_427 : vector<1x16xf32> to vector<16xf32>
    %swap3A_429 = vector.shape_cast %broadcast_in_dim3A_10 : vector<16xf32> to vector<1x16xf32>
    tpu.vector_store %arg5[%swap3A_425, %swap3A_426], %swap3A_429 {strides = array<i32>} : memref<125x16xf32, #tpu.memory_space<vmem>>, vector<1x16xf32>,
    %swap3A_430 = arith.constant 62 : i32
    %swap3A_431 = arith.index_cast %swap3A_430 : i32 to index
    %swap3A_432 = arith.constant 0 : index
    %swap3A_433 = tpu.vector_load %arg5[%swap3A_431, %swap3A_432] {strides = array<i32>} : memref<125x16xf32, #tpu.memory_space<vmem>>, vector<1x16xf32>,
    %swap3A_434 = vector.shape_cast %swap3A_433 : vector<1x16xf32> to vector<16xf32>
    %swap3A_435 = vector.shape_cast %broadcast_in_dim3A_10 : vector<16xf32> to vector<1x16xf32>
    tpu.vector_store %arg5[%swap3A_431, %swap3A_432], %swap3A_435 {strides = array<i32>} : memref<125x16xf32, #tpu.memory_space<vmem>>, vector<1x16xf32>,
    %swap3A_436 = arith.constant 63 : i32
    %swap3A_437 = arith.index_cast %swap3A_436 : i32 to index
    %swap3A_438 = arith.constant 0 : index
    %swap3A_439 = tpu.vector_load %arg5[%swap3A_437, %swap3A_438] {strides = array<i32>} : memref<125x16xf32, #tpu.memory_space<vmem>>, vector<1x16xf32>,
    %swap3A_440 = vector.shape_cast %swap3A_439 : vector<1x16xf32> to vector<16xf32>
    %swap3A_441 = vector.shape_cast %broadcast_in_dim3A_10 : vector<16xf32> to vector<1x16xf32>
    tpu.vector_store %arg5[%swap3A_437, %swap3A_438], %swap3A_441 {strides = array<i32>} : memref<125x16xf32, #tpu.memory_space<vmem>>, vector<1x16xf32>,
    %swap3A_442 = arith.constant 64 : i32
    %swap3A_443 = arith.index_cast %swap3A_442 : i32 to index
    %swap3A_444 = arith.constant 0 : index
    %swap3A_445 = tpu.vector_load %arg5[%swap3A_443, %swap3A_444] {strides = array<i32>} : memref<125x16xf32, #tpu.memory_space<vmem>>, vector<1x16xf32>,
    %swap3A_446 = vector.shape_cast %swap3A_445 : vector<1x16xf32> to vector<16xf32>
    %swap3A_447 = vector.shape_cast %broadcast_in_dim3A_10 : vector<16xf32> to vector<1x16xf32>
    tpu.vector_store %arg5[%swap3A_443, %swap3A_444], %swap3A_447 {strides = array<i32>} : memref<125x16xf32, #tpu.memory_space<vmem>>, vector<1x16xf32>,
    %swap3A_448 = arith.constant 65 : i32
    %swap3A_449 = arith.index_cast %swap3A_448 : i32 to index
    %swap3A_450 = arith.constant 0 : index
    %swap3A_451 = tpu.vector_load %arg5[%swap3A_449, %swap3A_450] {strides = array<i32>} : memref<125x16xf32, #tpu.memory_space<vmem>>, vector<1x16xf32>,
    %swap3A_452 = vector.shape_cast %swap3A_451 : vector<1x16xf32> to vector<16xf32>
    %swap3A_453 = vector.shape_cast %broadcast_in_dim3A_10 : vector<16xf32> to vector<1x16xf32>
    tpu.vector_store %arg5[%swap3A_449, %swap3A_450], %swap3A_453 {strides = array<i32>} : memref<125x16xf32, #tpu.memory_space<vmem>>, vector<1x16xf32>,
    %swap3A_454 = arith.constant 66 : i32
    %swap3A_455 = arith.index_cast %swap3A_454 : i32 to index
    %swap3A_456 = arith.constant 0 : index
    %swap3A_457 = tpu.vector_load %arg5[%swap3A_455, %swap3A_456] {strides = array<i32>} : memref<125x16xf32, #tpu.memory_space<vmem>>, vector<1x16xf32>,
    %swap3A_458 = vector.shape_cast %swap3A_457 : vector<1x16xf32> to vector<16xf32>
    %swap3A_459 = vector.shape_cast %broadcast_in_dim3A_10 : vector<16xf32> to vector<1x16xf32>
    tpu.vector_store %arg5[%swap3A_455, %swap3A_456], %swap3A_459 {strides = array<i32>} : memref<125x16xf32, #tpu.memory_space<vmem>>, vector<1x16xf32>,
    %swap3A_460 = arith.constant 67 : i32
    %swap3A_461 = arith.index_cast %swap3A_460 : i32 to index
    %swap3A_462 = arith.constant 0 : index
    %swap3A_463 = tpu.vector_load %arg5[%swap3A_461, %swap3A_462] {strides = array<i32>} : memref<125x16xf32, #tpu.memory_space<vmem>>, vector<1x16xf32>,
    %swap3A_464 = vector.shape_cast %swap3A_463 : vector<1x16xf32> to vector<16xf32>
    %swap3A_465 = vector.shape_cast %broadcast_in_dim3A_10 : vector<16xf32> to vector<1x16xf32>
    tpu.vector_store %arg5[%swap3A_461, %swap3A_462], %swap3A_465 {strides = array<i32>} : memref<125x16xf32, #tpu.memory_space<vmem>>, vector<1x16xf32>,
    %swap3A_466 = arith.constant 68 : i32
    %swap3A_467 = arith.index_cast %swap3A_466 : i32 to index
    %swap3A_468 = arith.constant 0 : index
    %swap3A_469 = tpu.vector_load %arg5[%swap3A_467, %swap3A_468] {strides = array<i32>} : memref<125x16xf32, #tpu.memory_space<vmem>>, vector<1x16xf32>,
    %swap3A_470 = vector.shape_cast %swap3A_469 : vector<1x16xf32> to vector<16xf32>
    %swap3A_471 = vector.shape_cast %broadcast_in_dim3A_10 : vector<16xf32> to vector<1x16xf32>
    tpu.vector_store %arg5[%swap3A_467, %swap3A_468], %swap3A_471 {strides = array<i32>} : memref<125x16xf32, #tpu.memory_space<vmem>>, vector<1x16xf32>,
    %swap3A_472 = arith.constant 69 : i32
    %swap3A_473 = arith.index_cast %swap3A_472 : i32 to index
    %swap3A_474 = arith.constant 0 : index
    %swap3A_475 = tpu.vector_load %arg5[%swap3A_473, %swap3A_474] {strides = array<i32>} : memref<125x16xf32, #tpu.memory_space<vmem>>, vector<1x16xf32>,
    %swap3A_476 = vector.shape_cast %swap3A_475 : vector<1x16xf32> to vector<16xf32>
    %swap3A_477 = vector.shape_cast %broadcast_in_dim3A_10 : vector<16xf32> to vector<1x16xf32>
    tpu.vector_store %arg5[%swap3A_473, %swap3A_474], %swap3A_477 {strides = array<i32>} : memref<125x16xf32, #tpu.memory_space<vmem>>, vector<1x16xf32>,
    %swap3A_478 = arith.constant 70 : i32
    %swap3A_479 = arith.index_cast %swap3A_478 : i32 to index
    %swap3A_480 = arith.constant 0 : index
    %swap3A_481 = tpu.vector_load %arg5[%swap3A_479, %swap3A_480] {strides = array<i32>} : memref<125x16xf32, #tpu.memory_space<vmem>>, vector<1x16xf32>,
    %swap3A_482 = vector.shape_cast %swap3A_481 : vector<1x16xf32> to vector<16xf32>
    %swap3A_483 = vector.shape_cast %broadcast_in_dim3A_10 : vector<16xf32> to vector<1x16xf32>
    tpu.vector_store %arg5[%swap3A_479, %swap3A_480], %swap3A_483 {strides = array<i32>} : memref<125x16xf32, #tpu.memory_space<vmem>>, vector<1x16xf32>,
    %swap3A_484 = arith.constant 71 : i32
    %swap3A_485 = arith.index_cast %swap3A_484 : i32 to index
    %swap3A_486 = arith.constant 0 : index
    %swap3A_487 = tpu.vector_load %arg5[%swap3A_485, %swap3A_486] {strides = array<i32>} : memref<125x16xf32, #tpu.memory_space<vmem>>, vector<1x16xf32>,
    %swap3A_488 = vector.shape_cast %swap3A_487 : vector<1x16xf32> to vector<16xf32>
    %swap3A_489 = vector.shape_cast %broadcast_in_dim3A_10 : vector<16xf32> to vector<1x16xf32>
    tpu.vector_store %arg5[%swap3A_485, %swap3A_486], %swap3A_489 {strides = array<i32>} : memref<125x16xf32, #tpu.memory_space<vmem>>, vector<1x16xf32>,
    %swap3A_490 = arith.constant 72 : i32
    %swap3A_491 = arith.index_cast %swap3A_490 : i32 to index
    %swap3A_492 = arith.constant 0 : index
    %swap3A_493 = tpu.vector_load %arg5[%swap3A_491, %swap3A_492] {strides = array<i32>} : memref<125x16xf32, #tpu.memory_space<vmem>>, vector<1x16xf32>,
    %swap3A_494 = vector.shape_cast %swap3A_493 : vector<1x16xf32> to vector<16xf32>
    %swap3A_495 = vector.shape_cast %broadcast_in_dim3A_10 : vector<16xf32> to vector<1x16xf32>
    tpu.vector_store %arg5[%swap3A_491, %swap3A_492], %swap3A_495 {strides = array<i32>} : memref<125x16xf32, #tpu.memory_space<vmem>>, vector<1x16xf32>,
    %swap3A_496 = arith.constant 73 : i32
    %swap3A_497 = arith.index_cast %swap3A_496 : i32 to index
    %swap3A_498 = arith.constant 0 : index
    %swap3A_499 = tpu.vector_load %arg5[%swap3A_497, %swap3A_498] {strides = array<i32>} : memref<125x16xf32, #tpu.memory_space<vmem>>, vector<1x16xf32>,
    %swap3A_500 = vector.shape_cast %swap3A_499 : vector<1x16xf32> to vector<16xf32>
    %swap3A_501 = vector.shape_cast %broadcast_in_dim3A_10 : vector<16xf32> to vector<1x16xf32>
    tpu.vector_store %arg5[%swap3A_497, %swap3A_498], %swap3A_501 {strides = array<i32>} : memref<125x16xf32, #tpu.memory_space<vmem>>, vector<1x16xf32>,
    %swap3A_502 = arith.constant 74 : i32
    %swap3A_503 = arith.index_cast %swap3A_502 : i32 to index
    %swap3A_504 = arith.constant 0 : index
    %swap3A_505 = tpu.vector_load %arg5[%swap3A_503, %swap3A_504] {strides = array<i32>} : memref<125x16xf32, #tpu.memory_space<vmem>>, vector<1x16xf32>,
    %swap3A_506 = vector.shape_cast %swap3A_505 : vector<1x16xf32> to vector<16xf32>
    %swap3A_507 = vector.shape_cast %broadcast_in_dim3A_10 : vector<16xf32> to vector<1x16xf32>
    tpu.vector_store %arg5[%swap3A_503, %swap3A_504], %swap3A_507 {strides = array<i32>} : memref<125x16xf32, #tpu.memory_space<vmem>>, vector<1x16xf32>,
    %swap3A_508 = arith.constant 75 : i32
    %swap3A_509 = arith.index_cast %swap3A_508 : i32 to index
    %swap3A_510 = arith.constant 0 : index
    %swap3A_511 = tpu.vector_load %arg5[%swap3A_509, %swap3A_510] {strides = array<i32>} : memref<125x16xf32, #tpu.memory_space<vmem>>, vector<1x16xf32>,
    %swap3A_512 = vector.shape_cast %swap3A_511 : vector<1x16xf32> to vector<16xf32>
    %swap3A_513 = vector.shape_cast %broadcast_in_dim3A_10 : vector<16xf32> to vector<1x16xf32>
    tpu.vector_store %arg5[%swap3A_509, %swap3A_510], %swap3A_513 {strides = array<i32>} : memref<125x16xf32, #tpu.memory_space<vmem>>, vector<1x16xf32>,
    %swap3A_514 = arith.constant 76 : i32
    %swap3A_515 = arith.index_cast %swap3A_514 : i32 to index
    %swap3A_516 = arith.constant 0 : index
    %swap3A_517 = tpu.vector_load %arg5[%swap3A_515, %swap3A_516] {strides = array<i32>} : memref<125x16xf32, #tpu.memory_space<vmem>>, vector<1x16xf32>,
    %swap3A_518 = vector.shape_cast %swap3A_517 : vector<1x16xf32> to vector<16xf32>
    %swap3A_519 = vector.shape_cast %broadcast_in_dim3A_10 : vector<16xf32> to vector<1x16xf32>
    tpu.vector_store %arg5[%swap3A_515, %swap3A_516], %swap3A_519 {strides = array<i32>} : memref<125x16xf32, #tpu.memory_space<vmem>>, vector<1x16xf32>,
    %swap3A_520 = arith.constant 77 : i32
    %swap3A_521 = arith.index_cast %swap3A_520 : i32 to index
    %swap3A_522 = arith.constant 0 : index
    %swap3A_523 = tpu.vector_load %arg5[%swap3A_521, %swap3A_522] {strides = array<i32>} : memref<125x16xf32, #tpu.memory_space<vmem>>, vector<1x16xf32>,
    %swap3A_524 = vector.shape_cast %swap3A_523 : vector<1x16xf32> to vector<16xf32>
    %swap3A_525 = vector.shape_cast %broadcast_in_dim3A_10 : vector<16xf32> to vector<1x16xf32>
    tpu.vector_store %arg5[%swap3A_521, %swap3A_522], %swap3A_525 {strides = array<i32>} : memref<125x16xf32, #tpu.memory_space<vmem>>, vector<1x16xf32>,
    %swap3A_526 = arith.constant 78 : i32
    %swap3A_527 = arith.index_cast %swap3A_526 : i32 to index
    %swap3A_528 = arith.constant 0 : index
    %swap3A_529 = tpu.vector_load %arg5[%swap3A_527, %swap3A_528] {strides = array<i32>} : memref<125x16xf32, #tpu.memory_space<vmem>>, vector<1x16xf32>,
    %swap3A_530 = vector.shape_cast %swap3A_529 : vector<1x16xf32> to vector<16xf32>
    %swap3A_531 = vector.shape_cast %broadcast_in_dim3A_10 : vector<16xf32> to vector<1x16xf32>
    tpu.vector_store %arg5[%swap3A_527, %swap3A_528], %swap3A_531 {strides = array<i32>} : memref<125x16xf32, #tpu.memory_space<vmem>>, vector<1x16xf32>,
    %swap3A_532 = arith.constant 79 : i32
    %swap3A_533 = arith.index_cast %swap3A_532 : i32 to index
    %swap3A_534 = arith.constant 0 : index
    %swap3A_535 = tpu.vector_load %arg5[%swap3A_533, %swap3A_534] {strides = array<i32>} : memref<125x16xf32, #tpu.memory_space<vmem>>, vector<1x16xf32>,
    %swap3A_536 = vector.shape_cast %swap3A_535 : vector<1x16xf32> to vector<16xf32>
    %swap3A_537 = vector.shape_cast %broadcast_in_dim3A_10 : vector<16xf32> to vector<1x16xf32>
    tpu.vector_store %arg5[%swap3A_533, %swap3A_534], %swap3A_537 {strides = array<i32>} : memref<125x16xf32, #tpu.memory_space<vmem>>, vector<1x16xf32>,
    %swap3A_538 = arith.constant 80 : i32
    %swap3A_539 = arith.index_cast %swap3A_538 : i32 to index
    %swap3A_540 = arith.constant 0 : index
    %swap3A_541 = tpu.vector_load %arg5[%swap3A_539, %swap3A_540] {strides = array<i32>} : memref<125x16xf32, #tpu.memory_space<vmem>>, vector<1x16xf32>,
    %swap3A_542 = vector.shape_cast %swap3A_541 : vector<1x16xf32> to vector<16xf32>
    %swap3A_543 = vector.shape_cast %broadcast_in_dim3A_10 : vector<16xf32> to vector<1x16xf32>
    tpu.vector_store %arg5[%swap3A_539, %swap3A_540], %swap3A_543 {strides = array<i32>} : memref<125x16xf32, #tpu.memory_space<vmem>>, vector<1x16xf32>,
    %swap3A_544 = arith.constant 81 : i32
    %swap3A_545 = arith.index_cast %swap3A_544 : i32 to index
    %swap3A_546 = arith.constant 0 : index
    %swap3A_547 = tpu.vector_load %arg5[%swap3A_545, %swap3A_546] {strides = array<i32>} : memref<125x16xf32, #tpu.memory_space<vmem>>, vector<1x16xf32>,
    %swap3A_548 = vector.shape_cast %swap3A_547 : vector<1x16xf32> to vector<16xf32>
    %swap3A_549 = vector.shape_cast %broadcast_in_dim3A_10 : vector<16xf32> to vector<1x16xf32>
    tpu.vector_store %arg5[%swap3A_545, %swap3A_546], %swap3A_549 {strides = array<i32>} : memref<125x16xf32, #tpu.memory_space<vmem>>, vector<1x16xf32>,
    %swap3A_550 = arith.constant 82 : i32
    %swap3A_551 = arith.index_cast %swap3A_550 : i32 to index
    %swap3A_552 = arith.constant 0 : index
    %swap3A_553 = tpu.vector_load %arg5[%swap3A_551, %swap3A_552] {strides = array<i32>} : memref<125x16xf32, #tpu.memory_space<vmem>>, vector<1x16xf32>,
    %swap3A_554 = vector.shape_cast %swap3A_553 : vector<1x16xf32> to vector<16xf32>
    %swap3A_555 = vector.shape_cast %broadcast_in_dim3A_10 : vector<16xf32> to vector<1x16xf32>
    tpu.vector_store %arg5[%swap3A_551, %swap3A_552], %swap3A_555 {strides = array<i32>} : memref<125x16xf32, #tpu.memory_space<vmem>>, vector<1x16xf32>,
    %swap3A_556 = arith.constant 83 : i32
    %swap3A_557 = arith.index_cast %swap3A_556 : i32 to index
    %swap3A_558 = arith.constant 0 : index
    %swap3A_559 = tpu.vector_load %arg5[%swap3A_557, %swap3A_558] {strides = array<i32>} : memref<125x16xf32, #tpu.memory_space<vmem>>, vector<1x16xf32>,
    %swap3A_560 = vector.shape_cast %swap3A_559 : vector<1x16xf32> to vector<16xf32>
    %swap3A_561 = vector.shape_cast %broadcast_in_dim3A_10 : vector<16xf32> to vector<1x16xf32>
    tpu.vector_store %arg5[%swap3A_557, %swap3A_558], %swap3A_561 {strides = array<i32>} : memref<125x16xf32, #tpu.memory_space<vmem>>, vector<1x16xf32>,
    %swap3A_562 = arith.constant 84 : i32
    %swap3A_563 = arith.index_cast %swap3A_562 : i32 to index
    %swap3A_564 = arith.constant 0 : index
    %swap3A_565 = tpu.vector_load %arg5[%swap3A_563, %swap3A_564] {strides = array<i32>} : memref<125x16xf32, #tpu.memory_space<vmem>>, vector<1x16xf32>,
    %swap3A_566 = vector.shape_cast %swap3A_565 : vector<1x16xf32> to vector<16xf32>
    %swap3A_567 = vector.shape_cast %broadcast_in_dim3A_10 : vector<16xf32> to vector<1x16xf32>
    tpu.vector_store %arg5[%swap3A_563, %swap3A_564], %swap3A_567 {strides = array<i32>} : memref<125x16xf32, #tpu.memory_space<vmem>>, vector<1x16xf32>,
    %swap3A_568 = arith.constant 85 : i32
    %swap3A_569 = arith.index_cast %swap3A_568 : i32 to index
    %swap3A_570 = arith.constant 0 : index
    %swap3A_571 = tpu.vector_load %arg5[%swap3A_569, %swap3A_570] {strides = array<i32>} : memref<125x16xf32, #tpu.memory_space<vmem>>, vector<1x16xf32>,
    %swap3A_572 = vector.shape_cast %swap3A_571 : vector<1x16xf32> to vector<16xf32>
    %swap3A_573 = vector.shape_cast %broadcast_in_dim3A_10 : vector<16xf32> to vector<1x16xf32>
    tpu.vector_store %arg5[%swap3A_569, %swap3A_570], %swap3A_573 {strides = array<i32>} : memref<125x16xf32, #tpu.memory_space<vmem>>, vector<1x16xf32>,
    %swap3A_574 = arith.constant 86 : i32
    %swap3A_575 = arith.index_cast %swap3A_574 : i32 to index
    %swap3A_576 = arith.constant 0 : index
    %swap3A_577 = tpu.vector_load %arg5[%swap3A_575, %swap3A_576] {strides = array<i32>} : memref<125x16xf32, #tpu.memory_space<vmem>>, vector<1x16xf32>,
    %swap3A_578 = vector.shape_cast %swap3A_577 : vector<1x16xf32> to vector<16xf32>
    %swap3A_579 = vector.shape_cast %broadcast_in_dim3A_10 : vector<16xf32> to vector<1x16xf32>
    tpu.vector_store %arg5[%swap3A_575, %swap3A_576], %swap3A_579 {strides = array<i32>} : memref<125x16xf32, #tpu.memory_space<vmem>>, vector<1x16xf32>,
    %swap3A_580 = arith.constant 87 : i32
    %swap3A_581 = arith.index_cast %swap3A_580 : i32 to index
    %swap3A_582 = arith.constant 0 : index
    %swap3A_583 = tpu.vector_load %arg5[%swap3A_581, %swap3A_582] {strides = array<i32>} : memref<125x16xf32, #tpu.memory_space<vmem>>, vector<1x16xf32>,
    %swap3A_584 = vector.shape_cast %swap3A_583 : vector<1x16xf32> to vector<16xf32>
    %swap3A_585 = vector.shape_cast %broadcast_in_dim3A_10 : vector<16xf32> to vector<1x16xf32>
    tpu.vector_store %arg5[%swap3A_581, %swap3A_582], %swap3A_585 {strides = array<i32>} : memref<125x16xf32, #tpu.memory_space<vmem>>, vector<1x16xf32>,
    %swap3A_586 = arith.constant 88 : i32
    %swap3A_587 = arith.index_cast %swap3A_586 : i32 to index
    %swap3A_588 = arith.constant 0 : index
    %swap3A_589 = tpu.vector_load %arg5[%swap3A_587, %swap3A_588] {strides = array<i32>} : memref<125x16xf32, #tpu.memory_space<vmem>>, vector<1x16xf32>,
    %swap3A_590 = vector.shape_cast %swap3A_589 : vector<1x16xf32> to vector<16xf32>
    %swap3A_591 = vector.shape_cast %broadcast_in_dim3A_10 : vector<16xf32> to vector<1x16xf32>
    tpu.vector_store %arg5[%swap3A_587, %swap3A_588], %swap3A_591 {strides = array<i32>} : memref<125x16xf32, #tpu.memory_space<vmem>>, vector<1x16xf32>,
    %swap3A_592 = arith.constant 89 : i32
    %swap3A_593 = arith.index_cast %swap3A_592 : i32 to index
    %swap3A_594 = arith.constant 0 : index
    %swap3A_595 = tpu.vector_load %arg5[%swap3A_593, %swap3A_594] {strides = array<i32>} : memref<125x16xf32, #tpu.memory_space<vmem>>, vector<1x16xf32>,
    %swap3A_596 = vector.shape_cast %swap3A_595 : vector<1x16xf32> to vector<16xf32>
    %swap3A_597 = vector.shape_cast %broadcast_in_dim3A_10 : vector<16xf32> to vector<1x16xf32>
    tpu.vector_store %arg5[%swap3A_593, %swap3A_594], %swap3A_597 {strides = array<i32>} : memref<125x16xf32, #tpu.memory_space<vmem>>, vector<1x16xf32>,
    %swap3A_598 = arith.constant 90 : i32
    %swap3A_599 = arith.index_cast %swap3A_598 : i32 to index
    %swap3A_600 = arith.constant 0 : index
    %swap3A_601 = tpu.vector_load %arg5[%swap3A_599, %swap3A_600] {strides = array<i32>} : memref<125x16xf32, #tpu.memory_space<vmem>>, vector<1x16xf32>,
    %swap3A_602 = vector.shape_cast %swap3A_601 : vector<1x16xf32> to vector<16xf32>
    %swap3A_603 = vector.shape_cast %broadcast_in_dim3A_10 : vector<16xf32> to vector<1x16xf32>
    tpu.vector_store %arg5[%swap3A_599, %swap3A_600], %swap3A_603 {strides = array<i32>} : memref<125x16xf32, #tpu.memory_space<vmem>>, vector<1x16xf32>,
    %swap3A_604 = arith.constant 91 : i32
    %swap3A_605 = arith.index_cast %swap3A_604 : i32 to index
    %swap3A_606 = arith.constant 0 : index
    %swap3A_607 = tpu.vector_load %arg5[%swap3A_605, %swap3A_606] {strides = array<i32>} : memref<125x16xf32, #tpu.memory_space<vmem>>, vector<1x16xf32>,
    %swap3A_608 = vector.shape_cast %swap3A_607 : vector<1x16xf32> to vector<16xf32>
    %swap3A_609 = vector.shape_cast %broadcast_in_dim3A_10 : vector<16xf32> to vector<1x16xf32>
    tpu.vector_store %arg5[%swap3A_605, %swap3A_606], %swap3A_609 {strides = array<i32>} : memref<125x16xf32, #tpu.memory_space<vmem>>, vector<1x16xf32>,
    %swap3A_610 = arith.constant 92 : i32
    %swap3A_611 = arith.index_cast %swap3A_610 : i32 to index
    %swap3A_612 = arith.constant 0 : index
    %swap3A_613 = tpu.vector_load %arg5[%swap3A_611, %swap3A_612] {strides = array<i32>} : memref<125x16xf32, #tpu.memory_space<vmem>>, vector<1x16xf32>,
    %swap3A_614 = vector.shape_cast %swap3A_613 : vector<1x16xf32> to vector<16xf32>
    %swap3A_615 = vector.shape_cast %broadcast_in_dim3A_10 : vector<16xf32> to vector<1x16xf32>
    tpu.vector_store %arg5[%swap3A_611, %swap3A_612], %swap3A_615 {strides = array<i32>} : memref<125x16xf32, #tpu.memory_space<vmem>>, vector<1x16xf32>,
    %swap3A_616 = arith.constant 93 : i32
    %swap3A_617 = arith.index_cast %swap3A_616 : i32 to index
    %swap3A_618 = arith.constant 0 : index
    %swap3A_619 = tpu.vector_load %arg5[%swap3A_617, %swap3A_618] {strides = array<i32>} : memref<125x16xf32, #tpu.memory_space<vmem>>, vector<1x16xf32>,
    %swap3A_620 = vector.shape_cast %swap3A_619 : vector<1x16xf32> to vector<16xf32>
    %swap3A_621 = vector.shape_cast %broadcast_in_dim3A_10 : vector<16xf32> to vector<1x16xf32>
    tpu.vector_store %arg5[%swap3A_617, %swap3A_618], %swap3A_621 {strides = array<i32>} : memref<125x16xf32, #tpu.memory_space<vmem>>, vector<1x16xf32>,
    %swap3A_622 = arith.constant 94 : i32
    %swap3A_623 = arith.index_cast %swap3A_622 : i32 to index
    %swap3A_624 = arith.constant 0 : index
    %swap3A_625 = tpu.vector_load %arg5[%swap3A_623, %swap3A_624] {strides = array<i32>} : memref<125x16xf32, #tpu.memory_space<vmem>>, vector<1x16xf32>,
    %swap3A_626 = vector.shape_cast %swap3A_625 : vector<1x16xf32> to vector<16xf32>
    %swap3A_627 = vector.shape_cast %broadcast_in_dim3A_10 : vector<16xf32> to vector<1x16xf32>
    tpu.vector_store %arg5[%swap3A_623, %swap3A_624], %swap3A_627 {strides = array<i32>} : memref<125x16xf32, #tpu.memory_space<vmem>>, vector<1x16xf32>,
    %swap3A_628 = arith.constant 95 : i32
    %swap3A_629 = arith.index_cast %swap3A_628 : i32 to index
    %swap3A_630 = arith.constant 0 : index
    %swap3A_631 = tpu.vector_load %arg5[%swap3A_629, %swap3A_630] {strides = array<i32>} : memref<125x16xf32, #tpu.memory_space<vmem>>, vector<1x16xf32>,
    %swap3A_632 = vector.shape_cast %swap3A_631 : vector<1x16xf32> to vector<16xf32>
    %swap3A_633 = vector.shape_cast %broadcast_in_dim3A_10 : vector<16xf32> to vector<1x16xf32>
    tpu.vector_store %arg5[%swap3A_629, %swap3A_630], %swap3A_633 {strides = array<i32>} : memref<125x16xf32, #tpu.memory_space<vmem>>, vector<1x16xf32>,
    %swap3A_634 = arith.constant 96 : i32
    %swap3A_635 = arith.index_cast %swap3A_634 : i32 to index
    %swap3A_636 = arith.constant 0 : index
    %swap3A_637 = tpu.vector_load %arg5[%swap3A_635, %swap3A_636] {strides = array<i32>} : memref<125x16xf32, #tpu.memory_space<vmem>>, vector<1x16xf32>,
    %swap3A_638 = vector.shape_cast %swap3A_637 : vector<1x16xf32> to vector<16xf32>
    %swap3A_639 = vector.shape_cast %broadcast_in_dim3A_10 : vector<16xf32> to vector<1x16xf32>
    tpu.vector_store %arg5[%swap3A_635, %swap3A_636], %swap3A_639 {strides = array<i32>} : memref<125x16xf32, #tpu.memory_space<vmem>>, vector<1x16xf32>,
    %swap3A_640 = arith.constant 97 : i32
    %swap3A_641 = arith.index_cast %swap3A_640 : i32 to index
    %swap3A_642 = arith.constant 0 : index
    %swap3A_643 = tpu.vector_load %arg5[%swap3A_641, %swap3A_642] {strides = array<i32>} : memref<125x16xf32, #tpu.memory_space<vmem>>, vector<1x16xf32>,
    %swap3A_644 = vector.shape_cast %swap3A_643 : vector<1x16xf32> to vector<16xf32>
    %swap3A_645 = vector.shape_cast %broadcast_in_dim3A_10 : vector<16xf32> to vector<1x16xf32>
    tpu.vector_store %arg5[%swap3A_641, %swap3A_642], %swap3A_645 {strides = array<i32>} : memref<125x16xf32, #tpu.memory_space<vmem>>, vector<1x16xf32>,
    %swap3A_646 = arith.constant 98 : i32
    %swap3A_647 = arith.index_cast %swap3A_646 : i32 to index
    %swap3A_648 = arith.constant 0 : index
    %swap3A_649 = tpu.vector_load %arg5[%swap3A_647, %swap3A_648] {strides = array<i32>} : memref<125x16xf32, #tpu.memory_space<vmem>>, vector<1x16xf32>,
    %swap3A_650 = vector.shape_cast %swap3A_649 : vector<1x16xf32> to vector<16xf32>
    %swap3A_651 = vector.shape_cast %broadcast_in_dim3A_10 : vector<16xf32> to vector<1x16xf32>
    tpu.vector_store %arg5[%swap3A_647, %swap3A_648], %swap3A_651 {strides = array<i32>} : memref<125x16xf32, #tpu.memory_space<vmem>>, vector<1x16xf32>,
    %swap3A_652 = arith.constant 99 : i32
    %swap3A_653 = arith.index_cast %swap3A_652 : i32 to index
    %swap3A_654 = arith.constant 0 : index
    %swap3A_655 = tpu.vector_load %arg5[%swap3A_653, %swap3A_654] {strides = array<i32>} : memref<125x16xf32, #tpu.memory_space<vmem>>, vector<1x16xf32>,
    %swap3A_656 = vector.shape_cast %swap3A_655 : vector<1x16xf32> to vector<16xf32>
    %swap3A_657 = vector.shape_cast %broadcast_in_dim3A_10 : vector<16xf32> to vector<1x16xf32>
    tpu.vector_store %arg5[%swap3A_653, %swap3A_654], %swap3A_657 {strides = array<i32>} : memref<125x16xf32, #tpu.memory_space<vmem>>, vector<1x16xf32>,
    %swap3A_658 = arith.constant 100 : i32
    %swap3A_659 = arith.index_cast %swap3A_658 : i32 to index
    %swap3A_660 = arith.constant 0 : index
    %swap3A_661 = tpu.vector_load %arg5[%swap3A_659, %swap3A_660] {strides = array<i32>} : memref<125x16xf32, #tpu.memory_space<vmem>>, vector<1x16xf32>,
    %swap3A_662 = vector.shape_cast %swap3A_661 : vector<1x16xf32> to vector<16xf32>
    %swap3A_663 = vector.shape_cast %broadcast_in_dim3A_10 : vector<16xf32> to vector<1x16xf32>
    tpu.vector_store %arg5[%swap3A_659, %swap3A_660], %swap3A_663 {strides = array<i32>} : memref<125x16xf32, #tpu.memory_space<vmem>>, vector<1x16xf32>,
    %swap3A_664 = arith.constant 101 : i32
    %swap3A_665 = arith.index_cast %swap3A_664 : i32 to index
    %swap3A_666 = arith.constant 0 : index
    %swap3A_667 = tpu.vector_load %arg5[%swap3A_665, %swap3A_666] {strides = array<i32>} : memref<125x16xf32, #tpu.memory_space<vmem>>, vector<1x16xf32>,
    %swap3A_668 = vector.shape_cast %swap3A_667 : vector<1x16xf32> to vector<16xf32>
    %swap3A_669 = vector.shape_cast %broadcast_in_dim3A_10 : vector<16xf32> to vector<1x16xf32>
    tpu.vector_store %arg5[%swap3A_665, %swap3A_666], %swap3A_669 {strides = array<i32>} : memref<125x16xf32, #tpu.memory_space<vmem>>, vector<1x16xf32>,
    %swap3A_670 = arith.constant 102 : i32
    %swap3A_671 = arith.index_cast %swap3A_670 : i32 to index
    %swap3A_672 = arith.constant 0 : index
    %swap3A_673 = tpu.vector_load %arg5[%swap3A_671, %swap3A_672] {strides = array<i32>} : memref<125x16xf32, #tpu.memory_space<vmem>>, vector<1x16xf32>,
    %swap3A_674 = vector.shape_cast %swap3A_673 : vector<1x16xf32> to vector<16xf32>
    %swap3A_675 = vector.shape_cast %broadcast_in_dim3A_10 : vector<16xf32> to vector<1x16xf32>
    tpu.vector_store %arg5[%swap3A_671, %swap3A_672], %swap3A_675 {strides = array<i32>} : memref<125x16xf32, #tpu.memory_space<vmem>>, vector<1x16xf32>,
    %swap3A_676 = arith.constant 103 : i32
    %swap3A_677 = arith.index_cast %swap3A_676 : i32 to index
    %swap3A_678 = arith.constant 0 : index
    %swap3A_679 = tpu.vector_load %arg5[%swap3A_677, %swap3A_678] {strides = array<i32>} : memref<125x16xf32, #tpu.memory_space<vmem>>, vector<1x16xf32>,
    %swap3A_680 = vector.shape_cast %swap3A_679 : vector<1x16xf32> to vector<16xf32>
    %swap3A_681 = vector.shape_cast %broadcast_in_dim3A_10 : vector<16xf32> to vector<1x16xf32>
    tpu.vector_store %arg5[%swap3A_677, %swap3A_678], %swap3A_681 {strides = array<i32>} : memref<125x16xf32, #tpu.memory_space<vmem>>, vector<1x16xf32>,
    %swap3A_682 = arith.constant 104 : i32
    %swap3A_683 = arith.index_cast %swap3A_682 : i32 to index
    %swap3A_684 = arith.constant 0 : index
    %swap3A_685 = tpu.vector_load %arg5[%swap3A_683, %swap3A_684] {strides = array<i32>} : memref<125x16xf32, #tpu.memory_space<vmem>>, vector<1x16xf32>,
    %swap3A_686 = vector.shape_cast %swap3A_685 : vector<1x16xf32> to vector<16xf32>
    %swap3A_687 = vector.shape_cast %broadcast_in_dim3A_10 : vector<16xf32> to vector<1x16xf32>
    tpu.vector_store %arg5[%swap3A_683, %swap3A_684], %swap3A_687 {strides = array<i32>} : memref<125x16xf32, #tpu.memory_space<vmem>>, vector<1x16xf32>,
    %swap3A_688 = arith.constant 105 : i32
    %swap3A_689 = arith.index_cast %swap3A_688 : i32 to index
    %swap3A_690 = arith.constant 0 : index
    %swap3A_691 = tpu.vector_load %arg5[%swap3A_689, %swap3A_690] {strides = array<i32>} : memref<125x16xf32, #tpu.memory_space<vmem>>, vector<1x16xf32>,
    %swap3A_692 = vector.shape_cast %swap3A_691 : vector<1x16xf32> to vector<16xf32>
    %swap3A_693 = vector.shape_cast %broadcast_in_dim3A_10 : vector<16xf32> to vector<1x16xf32>
    tpu.vector_store %arg5[%swap3A_689, %swap3A_690], %swap3A_693 {strides = array<i32>} : memref<125x16xf32, #tpu.memory_space<vmem>>, vector<1x16xf32>,
    %swap3A_694 = arith.constant 106 : i32
    %swap3A_695 = arith.index_cast %swap3A_694 : i32 to index
    %swap3A_696 = arith.constant 0 : index
    %swap3A_697 = tpu.vector_load %arg5[%swap3A_695, %swap3A_696] {strides = array<i32>} : memref<125x16xf32, #tpu.memory_space<vmem>>, vector<1x16xf32>,
    %swap3A_698 = vector.shape_cast %swap3A_697 : vector<1x16xf32> to vector<16xf32>
    %swap3A_699 = vector.shape_cast %broadcast_in_dim3A_10 : vector<16xf32> to vector<1x16xf32>
    tpu.vector_store %arg5[%swap3A_695, %swap3A_696], %swap3A_699 {strides = array<i32>} : memref<125x16xf32, #tpu.memory_space<vmem>>, vector<1x16xf32>,
    %swap3A_700 = arith.constant 107 : i32
    %swap3A_701 = arith.index_cast %swap3A_700 : i32 to index
    %swap3A_702 = arith.constant 0 : index
    %swap3A_703 = tpu.vector_load %arg5[%swap3A_701, %swap3A_702] {strides = array<i32>} : memref<125x16xf32, #tpu.memory_space<vmem>>, vector<1x16xf32>,
    %swap3A_704 = vector.shape_cast %swap3A_703 : vector<1x16xf32> to vector<16xf32>
    %swap3A_705 = vector.shape_cast %broadcast_in_dim3A_10 : vector<16xf32> to vector<1x16xf32>
    tpu.vector_store %arg5[%swap3A_701, %swap3A_702], %swap3A_705 {strides = array<i32>} : memref<125x16xf32, #tpu.memory_space<vmem>>, vector<1x16xf32>,
    %swap3A_706 = arith.constant 108 : i32
    %swap3A_707 = arith.index_cast %swap3A_706 : i32 to index
    %swap3A_708 = arith.constant 0 : index
    %swap3A_709 = tpu.vector_load %arg5[%swap3A_707, %swap3A_708] {strides = array<i32>} : memref<125x16xf32, #tpu.memory_space<vmem>>, vector<1x16xf32>,
    %swap3A_710 = vector.shape_cast %swap3A_709 : vector<1x16xf32> to vector<16xf32>
    %swap3A_711 = vector.shape_cast %broadcast_in_dim3A_10 : vector<16xf32> to vector<1x16xf32>
    tpu.vector_store %arg5[%swap3A_707, %swap3A_708], %swap3A_711 {strides = array<i32>} : memref<125x16xf32, #tpu.memory_space<vmem>>, vector<1x16xf32>,
    %swap3A_712 = arith.constant 109 : i32
    %swap3A_713 = arith.index_cast %swap3A_712 : i32 to index
    %swap3A_714 = arith.constant 0 : index
    %swap3A_715 = tpu.vector_load %arg5[%swap3A_713, %swap3A_714] {strides = array<i32>} : memref<125x16xf32, #tpu.memory_space<vmem>>, vector<1x16xf32>,
    %swap3A_716 = vector.shape_cast %swap3A_715 : vector<1x16xf32> to vector<16xf32>
    %swap3A_717 = vector.shape_cast %broadcast_in_dim3A_10 : vector<16xf32> to vector<1x16xf32>
    tpu.vector_store %arg5[%swap3A_713, %swap3A_714], %swap3A_717 {strides = array<i32>} : memref<125x16xf32, #tpu.memory_space<vmem>>, vector<1x16xf32>,
    %swap3A_718 = arith.constant 110 : i32
    %swap3A_719 = arith.index_cast %swap3A_718 : i32 to index
    %swap3A_720 = arith.constant 0 : index
    %swap3A_721 = tpu.vector_load %arg5[%swap3A_719, %swap3A_720] {strides = array<i32>} : memref<125x16xf32, #tpu.memory_space<vmem>>, vector<1x16xf32>,
    %swap3A_722 = vector.shape_cast %swap3A_721 : vector<1x16xf32> to vector<16xf32>
    %swap3A_723 = vector.shape_cast %broadcast_in_dim3A_10 : vector<16xf32> to vector<1x16xf32>
    tpu.vector_store %arg5[%swap3A_719, %swap3A_720], %swap3A_723 {strides = array<i32>} : memref<125x16xf32, #tpu.memory_space<vmem>>, vector<1x16xf32>,
    %swap3A_724 = arith.constant 111 : i32
    %swap3A_725 = arith.index_cast %swap3A_724 : i32 to index
    %swap3A_726 = arith.constant 0 : index
    %swap3A_727 = tpu.vector_load %arg5[%swap3A_725, %swap3A_726] {strides = array<i32>} : memref<125x16xf32, #tpu.memory_space<vmem>>, vector<1x16xf32>,
    %swap3A_728 = vector.shape_cast %swap3A_727 : vector<1x16xf32> to vector<16xf32>
    %swap3A_729 = vector.shape_cast %broadcast_in_dim3A_10 : vector<16xf32> to vector<1x16xf32>
    tpu.vector_store %arg5[%swap3A_725, %swap3A_726], %swap3A_729 {strides = array<i32>} : memref<125x16xf32, #tpu.memory_space<vmem>>, vector<1x16xf32>,
    %swap3A_730 = arith.constant 112 : i32
    %swap3A_731 = arith.index_cast %swap3A_730 : i32 to index
    %swap3A_732 = arith.constant 0 : index
    %swap3A_733 = tpu.vector_load %arg5[%swap3A_731, %swap3A_732] {strides = array<i32>} : memref<125x16xf32, #tpu.memory_space<vmem>>, vector<1x16xf32>,
    %swap3A_734 = vector.shape_cast %swap3A_733 : vector<1x16xf32> to vector<16xf32>
    %swap3A_735 = vector.shape_cast %broadcast_in_dim3A_10 : vector<16xf32> to vector<1x16xf32>
    tpu.vector_store %arg5[%swap3A_731, %swap3A_732], %swap3A_735 {strides = array<i32>} : memref<125x16xf32, #tpu.memory_space<vmem>>, vector<1x16xf32>,
    %swap3A_736 = arith.constant 113 : i32
    %swap3A_737 = arith.index_cast %swap3A_736 : i32 to index
    %swap3A_738 = arith.constant 0 : index
    %swap3A_739 = tpu.vector_load %arg5[%swap3A_737, %swap3A_738] {strides = array<i32>} : memref<125x16xf32, #tpu.memory_space<vmem>>, vector<1x16xf32>,
    %swap3A_740 = vector.shape_cast %swap3A_739 : vector<1x16xf32> to vector<16xf32>
    %swap3A_741 = vector.shape_cast %broadcast_in_dim3A_10 : vector<16xf32> to vector<1x16xf32>
    tpu.vector_store %arg5[%swap3A_737, %swap3A_738], %swap3A_741 {strides = array<i32>} : memref<125x16xf32, #tpu.memory_space<vmem>>, vector<1x16xf32>,
    %swap3A_742 = arith.constant 114 : i32
    %swap3A_743 = arith.index_cast %swap3A_742 : i32 to index
    %swap3A_744 = arith.constant 0 : index
    %swap3A_745 = tpu.vector_load %arg5[%swap3A_743, %swap3A_744] {strides = array<i32>} : memref<125x16xf32, #tpu.memory_space<vmem>>, vector<1x16xf32>,
    %swap3A_746 = vector.shape_cast %swap3A_745 : vector<1x16xf32> to vector<16xf32>
    %swap3A_747 = vector.shape_cast %broadcast_in_dim3A_10 : vector<16xf32> to vector<1x16xf32>
    tpu.vector_store %arg5[%swap3A_743, %swap3A_744], %swap3A_747 {strides = array<i32>} : memref<125x16xf32, #tpu.memory_space<vmem>>, vector<1x16xf32>,
    %swap3A_748 = arith.constant 115 : i32
    %swap3A_749 = arith.index_cast %swap3A_748 : i32 to index
    %swap3A_750 = arith.constant 0 : index
    %swap3A_751 = tpu.vector_load %arg5[%swap3A_749, %swap3A_750] {strides = array<i32>} : memref<125x16xf32, #tpu.memory_space<vmem>>, vector<1x16xf32>,
    %swap3A_752 = vector.shape_cast %swap3A_751 : vector<1x16xf32> to vector<16xf32>
    %swap3A_753 = vector.shape_cast %broadcast_in_dim3A_10 : vector<16xf32> to vector<1x16xf32>
    tpu.vector_store %arg5[%swap3A_749, %swap3A_750], %swap3A_753 {strides = array<i32>} : memref<125x16xf32, #tpu.memory_space<vmem>>, vector<1x16xf32>,
    %swap3A_754 = arith.constant 116 : i32
    %swap3A_755 = arith.index_cast %swap3A_754 : i32 to index
    %swap3A_756 = arith.constant 0 : index
    %swap3A_757 = tpu.vector_load %arg5[%swap3A_755, %swap3A_756] {strides = array<i32>} : memref<125x16xf32, #tpu.memory_space<vmem>>, vector<1x16xf32>,
    %swap3A_758 = vector.shape_cast %swap3A_757 : vector<1x16xf32> to vector<16xf32>
    %swap3A_759 = vector.shape_cast %broadcast_in_dim3A_10 : vector<16xf32> to vector<1x16xf32>
    tpu.vector_store %arg5[%swap3A_755, %swap3A_756], %swap3A_759 {strides = array<i32>} : memref<125x16xf32, #tpu.memory_space<vmem>>, vector<1x16xf32>,
    %swap3A_760 = arith.constant 117 : i32
    %swap3A_761 = arith.index_cast %swap3A_760 : i32 to index
    %swap3A_762 = arith.constant 0 : index
    %swap3A_763 = tpu.vector_load %arg5[%swap3A_761, %swap3A_762] {strides = array<i32>} : memref<125x16xf32, #tpu.memory_space<vmem>>, vector<1x16xf32>,
    %swap3A_764 = vector.shape_cast %swap3A_763 : vector<1x16xf32> to vector<16xf32>
    %swap3A_765 = vector.shape_cast %broadcast_in_dim3A_10 : vector<16xf32> to vector<1x16xf32>
    tpu.vector_store %arg5[%swap3A_761, %swap3A_762], %swap3A_765 {strides = array<i32>} : memref<125x16xf32, #tpu.memory_space<vmem>>, vector<1x16xf32>,
    %swap3A_766 = arith.constant 118 : i32
    %swap3A_767 = arith.index_cast %swap3A_766 : i32 to index
    %swap3A_768 = arith.constant 0 : index
    %swap3A_769 = tpu.vector_load %arg5[%swap3A_767, %swap3A_768] {strides = array<i32>} : memref<125x16xf32, #tpu.memory_space<vmem>>, vector<1x16xf32>,
    %swap3A_770 = vector.shape_cast %swap3A_769 : vector<1x16xf32> to vector<16xf32>
    %swap3A_771 = vector.shape_cast %broadcast_in_dim3A_10 : vector<16xf32> to vector<1x16xf32>
    tpu.vector_store %arg5[%swap3A_767, %swap3A_768], %swap3A_771 {strides = array<i32>} : memref<125x16xf32, #tpu.memory_space<vmem>>, vector<1x16xf32>,
    %swap3A_772 = arith.constant 119 : i32
    %swap3A_773 = arith.index_cast %swap3A_772 : i32 to index
    %swap3A_774 = arith.constant 0 : index
    %swap3A_775 = tpu.vector_load %arg5[%swap3A_773, %swap3A_774] {strides = array<i32>} : memref<125x16xf32, #tpu.memory_space<vmem>>, vector<1x16xf32>,
    %swap3A_776 = vector.shape_cast %swap3A_775 : vector<1x16xf32> to vector<16xf32>
    %swap3A_777 = vector.shape_cast %broadcast_in_dim3A_10 : vector<16xf32> to vector<1x16xf32>
    tpu.vector_store %arg5[%swap3A_773, %swap3A_774], %swap3A_777 {strides = array<i32>} : memref<125x16xf32, #tpu.memory_space<vmem>>, vector<1x16xf32>,
    %swap3A_778 = arith.constant 120 : i32
    %swap3A_779 = arith.index_cast %swap3A_778 : i32 to index
    %swap3A_780 = arith.constant 0 : index
    %swap3A_781 = tpu.vector_load %arg5[%swap3A_779, %swap3A_780] {strides = array<i32>} : memref<125x16xf32, #tpu.memory_space<vmem>>, vector<1x16xf32>,
    %swap3A_782 = vector.shape_cast %swap3A_781 : vector<1x16xf32> to vector<16xf32>
    %swap3A_783 = vector.shape_cast %broadcast_in_dim3A_10 : vector<16xf32> to vector<1x16xf32>
    tpu.vector_store %arg5[%swap3A_779, %swap3A_780], %swap3A_783 {strides = array<i32>} : memref<125x16xf32, #tpu.memory_space<vmem>>, vector<1x16xf32>,
    %swap3A_784 = arith.constant 121 : i32
    %swap3A_785 = arith.index_cast %swap3A_784 : i32 to index
    %swap3A_786 = arith.constant 0 : index
    %swap3A_787 = tpu.vector_load %arg5[%swap3A_785, %swap3A_786] {strides = array<i32>} : memref<125x16xf32, #tpu.memory_space<vmem>>, vector<1x16xf32>,
    %swap3A_788 = vector.shape_cast %swap3A_787 : vector<1x16xf32> to vector<16xf32>
    %swap3A_789 = vector.shape_cast %broadcast_in_dim3A_10 : vector<16xf32> to vector<1x16xf32>
    tpu.vector_store %arg5[%swap3A_785, %swap3A_786], %swap3A_789 {strides = array<i32>} : memref<125x16xf32, #tpu.memory_space<vmem>>, vector<1x16xf32>,
    %swap3A_790 = arith.constant 122 : i32
    %swap3A_791 = arith.index_cast %swap3A_790 : i32 to index
    %swap3A_792 = arith.constant 0 : index
    %swap3A_793 = tpu.vector_load %arg5[%swap3A_791, %swap3A_792] {strides = array<i32>} : memref<125x16xf32, #tpu.memory_space<vmem>>, vector<1x16xf32>,
    %swap3A_794 = vector.shape_cast %swap3A_793 : vector<1x16xf32> to vector<16xf32>
    %swap3A_795 = vector.shape_cast %broadcast_in_dim3A_10 : vector<16xf32> to vector<1x16xf32>
    tpu.vector_store %arg5[%swap3A_791, %swap3A_792], %swap3A_795 {strides = array<i32>} : memref<125x16xf32, #tpu.memory_space<vmem>>, vector<1x16xf32>,
    %swap3A_796 = arith.constant 123 : i32
    %swap3A_797 = arith.index_cast %swap3A_796 : i32 to index
    %swap3A_798 = arith.constant 0 : index
    %swap3A_799 = tpu.vector_load %arg5[%swap3A_797, %swap3A_798] {strides = array<i32>} : memref<125x16xf32, #tpu.memory_space<vmem>>, vector<1x16xf32>,
    %swap3A_800 = vector.shape_cast %swap3A_799 : vector<1x16xf32> to vector<16xf32>
    %swap3A_801 = vector.shape_cast %broadcast_in_dim3A_10 : vector<16xf32> to vector<1x16xf32>
    tpu.vector_store %arg5[%swap3A_797, %swap3A_798], %swap3A_801 {strides = array<i32>} : memref<125x16xf32, #tpu.memory_space<vmem>>, vector<1x16xf32>,
    %swap3A_802 = arith.constant 124 : i32
    %swap3A_803 = arith.index_cast %swap3A_802 : i32 to index
    %swap3A_804 = arith.constant 0 : index
    %swap3A_805 = tpu.vector_load %arg5[%swap3A_803, %swap3A_804] {strides = array<i32>} : memref<125x16xf32, #tpu.memory_space<vmem>>, vector<1x16xf32>,
    %swap3A_806 = vector.shape_cast %swap3A_805 : vector<1x16xf32> to vector<16xf32>
    %swap3A_807 = vector.shape_cast %broadcast_in_dim3A_10 : vector<16xf32> to vector<1x16xf32>
    tpu.vector_store %arg5[%swap3A_803, %swap3A_804], %swap3A_807 {strides = array<i32>} : memref<125x16xf32, #tpu.memory_space<vmem>>, vector<1x16xf32>,
    %scan3A = arith.constant 0 : i32
    %scan3A_808 = arith.constant 0 : i32
    %scan3A_809 = arith.constant 78 : i32
    %scan3A_810 = arith.addi %scan3A_808, %scan3A_809 : i32
    %scan3A_811 = arith.constant 1 : i32
    scf.for %scan3A_833 = %scan3A_808 to %scan3A_810 step %scan3A_811  : i32 {
      %mul3A_834 = arith.constant 8 : i32
      %mul3A_835 = arith.muli %scan3A_833, %mul3A_834 : i32
      %add3A_836 = arith.addi %multiple_of3A, %mul3A_835 : i32
      %multiple_of3A_837 = tpu.assume_multiple %add3A_836, 8 : i32
      "tpu.region"() ({
        %run_scoped3A = tpu.sem_alloc : memref<!tpu.dma_semaphore, #tpu.memory_space<semaphore_mem>>
        %dma_start3A = arith.constant 0 : i32
        %dma_start3A_838 = tpu.memref_slice %arg8[%multiple_of3A_837, %dma_start3A] : memref<10000x16xf32, #tpu.memory_space<vmem_shared>> -> memref<8x16xf32, #tpu.memory_space<vmem_shared>>
        %dma_start3A_839 = arith.constant 0 : i32
        %dma_start3A_840 = tpu.memref_slice %arg8[%multiple_of3A_837, %dma_start3A_839] : memref<10000x16xf32, #tpu.memory_space<vmem_shared>> -> memref<8x16xf32, #tpu.memory_space<vmem_shared>>
        tpu.enqueue_dma source(%arg6 : memref<8x16xf32, #tpu.memory_space<vmem>>) target(%dma_start3A_840 : memref<8x16xf32, #tpu.memory_space<vmem_shared>>) target_semaphore(%run_scoped3A : memref<!tpu.dma_semaphore, #tpu.memory_space<semaphore_mem>>)
        %dma_wait3A = arith.constant 0 : i32
        %dma_wait3A_841 = tpu.memref_slice %arg8[%multiple_of3A_837, %dma_wait3A] : memref<10000x16xf32, #tpu.memory_space<vmem_shared>> -> memref<8x16xf32, #tpu.memory_space<vmem_shared>>
        %dma_wait3A_842 = arith.constant 0 : i32
        %dma_wait3A_843 = tpu.memref_slice %arg8[%multiple_of3A_837, %dma_wait3A_842] : memref<10000x16xf32, #tpu.memory_space<vmem_shared>> -> memref<8x16xf32, #tpu.memory_space<vmem_shared>>
        tpu.wait_dma2 semaphore(%run_scoped3A : memref<!tpu.dma_semaphore, #tpu.memory_space<semaphore_mem>>) src(%arg6 : memref<8x16xf32, #tpu.memory_space<vmem>>) dst(%dma_wait3A_843 : memref<8x16xf32, #tpu.memory_space<vmem_shared>>)
        tpu.yield
      }) : () -> ()
    }
    %scan3A_812 = arith.constant 78 : i32
    %lt3A = arith.constant 2 : i32
    %lt3A_813 = arith.cmpi slt, %arg1, %lt3A : i32
    %convert_element_type3A = arith.extui %lt3A_813 : i1 to i32
    %cond3A = arith.constant 0 : i32
    %cond3A_814 = arith.cmpi ne, %convert_element_type3A, %cond3A : i32
    scf.if %cond3A_814 {
      "tpu.region"() ({
        %run_scoped3A = tpu.sem_alloc : memref<!tpu.dma_semaphore, #tpu.memory_space<semaphore_mem>>
        %dma_start3A = arith.constant 0 : i32
        %dma_start3A_833 = tpu.memref_slice %arg8[%multiple_of3A_7, %dma_start3A] : memref<10000x16xf32, #tpu.memory_space<vmem_shared>> -> memref<8x16xf32, #tpu.memory_space<vmem_shared>>
        %dma_start3A_834 = arith.constant 0 : i32
        %dma_start3A_835 = tpu.memref_slice %arg8[%multiple_of3A_7, %dma_start3A_834] : memref<10000x16xf32, #tpu.memory_space<vmem_shared>> -> memref<8x16xf32, #tpu.memory_space<vmem_shared>>
        tpu.enqueue_dma source(%arg6 : memref<8x16xf32, #tpu.memory_space<vmem>>) target(%dma_start3A_835 : memref<8x16xf32, #tpu.memory_space<vmem_shared>>) target_semaphore(%run_scoped3A : memref<!tpu.dma_semaphore, #tpu.memory_space<semaphore_mem>>)
        %dma_wait3A = arith.constant 0 : i32
        %dma_wait3A_836 = tpu.memref_slice %arg8[%multiple_of3A_7, %dma_wait3A] : memref<10000x16xf32, #tpu.memory_space<vmem_shared>> -> memref<8x16xf32, #tpu.memory_space<vmem_shared>>
        %dma_wait3A_837 = arith.constant 0 : i32
        %dma_wait3A_838 = tpu.memref_slice %arg8[%multiple_of3A_7, %dma_wait3A_837] : memref<10000x16xf32, #tpu.memory_space<vmem_shared>> -> memref<8x16xf32, #tpu.memory_space<vmem_shared>>
        tpu.wait_dma2 semaphore(%run_scoped3A : memref<!tpu.dma_semaphore, #tpu.memory_space<semaphore_mem>>) src(%arg6 : memref<8x16xf32, #tpu.memory_space<vmem>>) dst(%dma_wait3A_838 : memref<8x16xf32, #tpu.memory_space<vmem_shared>>)
        tpu.yield
      }) : () -> ()
    } else {
    }
    %barrier3A = arith.constant 0 : index
    tpu.barrier barrier_id(%barrier3A)
    %scan3A_815 = arith.constant 0 : i32
    %scan3A_816 = arith.constant 0 : i32
    %scan3A_817 = arith.constant 80 : i32
    %scan3A_818 = arith.addi %scan3A_816, %scan3A_817 : i32
    %scan3A_819 = arith.constant 1 : i32
    scf.for %scan3A_833 = %scan3A_816 to %scan3A_818 step %scan3A_819  : i32 {
      "tpu.region"() ({
        %run_scoped3A = tpu.sem_alloc : memref<!tpu.dma_semaphore, #tpu.memory_space<semaphore_mem>>
        %dma_start3A = arith.constant 0 : i32
        %dma_start3A_834 = tpu.memref_slice %arg4[%scan3A_833, %dma_start3A] : memref<80x125xi32, #tpu.memory_space<vmem>> -> memref<1x125xi32, #tpu.memory_space<vmem>>
        %dma_start3A_835 = tpu.memref_squeeze %dma_start3A_834 : memref<1x125xi32, #tpu.memory_space<vmem>> -> memref<125xi32, #tpu.memory_space<vmem>>
        %dma_start3A_836 = arith.constant 0 : i32
        %dma_start3A_837 = arith.constant 0 : i32
        %dma_start3A_838 = tpu.memref_slice %arg8[%dma_start3A_836, %dma_start3A_837] : memref<10000x16xf32, #tpu.memory_space<vmem_shared>> -> memref<10000x16xf32, #tpu.memory_space<vmem_shared>>
        tpu.enqueue_indirect_dma source(%arg5 : memref<125x16xf32, #tpu.memory_space<vmem>>) target(%dma_start3A_838 : memref<10000x16xf32, #tpu.memory_space<vmem_shared>>) offsets(%dma_start3A_835 : memref<125xi32, #tpu.memory_space<vmem>>) semaphore(%run_scoped3A : memref<!tpu.dma_semaphore, #tpu.memory_space<semaphore_mem>>) {add = true}
        %dma_wait3A = arith.constant 0 : i32
        %dma_wait3A_839 = tpu.memref_slice %arg4[%scan3A_833, %dma_wait3A] : memref<80x125xi32, #tpu.memory_space<vmem>> -> memref<1x125xi32, #tpu.memory_space<vmem>>
        %dma_wait3A_840 = tpu.memref_squeeze %dma_wait3A_839 : memref<1x125xi32, #tpu.memory_space<vmem>> -> memref<125xi32, #tpu.memory_space<vmem>>
        %dma_wait3A_841 = arith.constant 0 : i32
        %dma_wait3A_842 = arith.constant 0 : i32
        %dma_wait3A_843 = tpu.memref_slice %arg8[%dma_wait3A_841, %dma_wait3A_842] : memref<10000x16xf32, #tpu.memory_space<vmem_shared>> -> memref<10000x16xf32, #tpu.memory_space<vmem_shared>>
        tpu.wait_indirect_dma semaphore(%run_scoped3A : memref<!tpu.dma_semaphore, #tpu.memory_space<semaphore_mem>>) src(%arg5 : memref<125x16xf32, #tpu.memory_space<vmem>>) dst(%dma_wait3A_843 : memref<10000x16xf32, #tpu.memory_space<vmem_shared>>)
        tpu.yield
      }) : () -> ()
    }
    %scan3A_820 = arith.constant 80 : i32
    %barrier3A_821 = arith.constant 0 : index
    tpu.barrier barrier_id(%barrier3A_821)
    %scan3A_822 = arith.constant 0 : i32
    %scan3A_823 = arith.constant 0 : i32
    %scan3A_824 = arith.constant 6 : i32
    %scan3A_825 = arith.addi %scan3A_823, %scan3A_824 : i32
    %scan3A_826 = arith.constant 1 : i32
    scf.for %scan3A_833 = %scan3A_823 to %scan3A_825 step %scan3A_826  : i32 {
      %mul3A_834 = arith.constant 104 : i32
      %mul3A_835 = arith.muli %scan3A_833, %mul3A_834 : i32
      %add3A_836 = arith.addi %multiple_of3A, %mul3A_835 : i32
      %multiple_of3A_837 = tpu.assume_multiple %add3A_836, 8 : i32
      "tpu.region"() ({
        %run_scoped3A = tpu.sem_alloc : memref<!tpu.dma_semaphore, #tpu.memory_space<semaphore_mem>>
        %dma_start3A = arith.constant 0 : i32
        %dma_start3A_838 = tpu.memref_slice %arg8[%multiple_of3A_837, %dma_start3A] : memref<10000x16xf32, #tpu.memory_space<vmem_shared>> -> memref<104x16xf32, #tpu.memory_space<vmem_shared>>
        %dma_start3A_839 = arith.constant 0 : i32
        %dma_start3A_840 = tpu.memref_slice %arg8[%multiple_of3A_837, %dma_start3A_839] : memref<10000x16xf32, #tpu.memory_space<vmem_shared>> -> memref<104x16xf32, #tpu.memory_space<vmem_shared>>
        tpu.enqueue_dma source(%dma_start3A_840 : memref<104x16xf32, #tpu.memory_space<vmem_shared>>) target(%arg7 : memref<104x16xf32, #tpu.memory_space<vmem>>) target_semaphore(%run_scoped3A : memref<!tpu.dma_semaphore, #tpu.memory_space<semaphore_mem>>)
        %dma_wait3A = arith.constant 0 : i32
        %dma_wait3A_841 = tpu.memref_slice %arg8[%multiple_of3A_837, %dma_wait3A] : memref<10000x16xf32, #tpu.memory_space<vmem_shared>> -> memref<104x16xf32, #tpu.memory_space<vmem_shared>>
        %dma_wait3A_842 = arith.constant 0 : i32
        %dma_wait3A_843 = tpu.memref_slice %arg8[%multiple_of3A_837, %dma_wait3A_842] : memref<10000x16xf32, #tpu.memory_space<vmem_shared>> -> memref<104x16xf32, #tpu.memory_space<vmem_shared>>
        tpu.wait_dma2 semaphore(%run_scoped3A : memref<!tpu.dma_semaphore, #tpu.memory_space<semaphore_mem>>) src(%dma_wait3A_843 : memref<104x16xf32, #tpu.memory_space<vmem_shared>>) dst(%arg7 : memref<104x16xf32, #tpu.memory_space<vmem>>)
        tpu.yield
      }) : () -> ()
      "tpu.region"() ({
        %run_scoped3A = tpu.sem_alloc : memref<!tpu.dma_semaphore, #tpu.memory_space<semaphore_mem>>
        %dma_start3A = arith.constant 0 : i32
        %dma_start3A_838 = tpu.memref_slice %arg3[%arg0, %multiple_of3A_837, %dma_start3A] : memref<2x10000x16xf32, #tpu.memory_space<hbm>> -> memref<1x104x16xf32, #tpu.memory_space<hbm>>
        %dma_start3A_839 = tpu.memref_squeeze %dma_start3A_838 : memref<1x104x16xf32, #tpu.memory_space<hbm>> -> memref<104x16xf32, #tpu.memory_space<hbm>>
        %dma_start3A_840 = arith.constant 0 : i32
        %dma_start3A_841 = tpu.memref_slice %arg3[%arg0, %multiple_of3A_837, %dma_start3A_840] : memref<2x10000x16xf32, #tpu.memory_space<hbm>> -> memref<1x104x16xf32, #tpu.memory_space<hbm>>
        %dma_start3A_842 = tpu.memref_squeeze %dma_start3A_841 : memref<1x104x16xf32, #tpu.memory_space<hbm>> -> memref<104x16xf32, #tpu.memory_space<hbm>>
        tpu.enqueue_dma source(%arg7 : memref<104x16xf32, #tpu.memory_space<vmem>>) target(%dma_start3A_842 : memref<104x16xf32, #tpu.memory_space<hbm>>) target_semaphore(%run_scoped3A : memref<!tpu.dma_semaphore, #tpu.memory_space<semaphore_mem>>)
        %dma_wait3A = arith.constant 0 : i32
        %dma_wait3A_843 = tpu.memref_slice %arg3[%arg0, %multiple_of3A_837, %dma_wait3A] : memref<2x10000x16xf32, #tpu.memory_space<hbm>> -> memref<1x104x16xf32, #tpu.memory_space<hbm>>
        %dma_wait3A_844 = tpu.memref_squeeze %dma_wait3A_843 : memref<1x104x16xf32, #tpu.memory_space<hbm>> -> memref<104x16xf32, #tpu.memory_space<hbm>>
        %dma_wait3A_845 = arith.constant 0 : i32
        %dma_wait3A_846 = tpu.memref_slice %arg3[%arg0, %multiple_of3A_837, %dma_wait3A_845] : memref<2x10000x16xf32, #tpu.memory_space<hbm>> -> memref<1x104x16xf32, #tpu.memory_space<hbm>>
        %dma_wait3A_847 = tpu.memref_squeeze %dma_wait3A_846 : memref<1x104x16xf32, #tpu.memory_space<hbm>> -> memref<104x16xf32, #tpu.memory_space<hbm>>
        tpu.wait_dma2 semaphore(%run_scoped3A : memref<!tpu.dma_semaphore, #tpu.memory_space<semaphore_mem>>) src(%arg7 : memref<104x16xf32, #tpu.memory_space<vmem>>) dst(%dma_wait3A_847 : memref<104x16xf32, #tpu.memory_space<hbm>>)
        tpu.yield
      }) : () -> ()
    }
    %scan3A_827 = arith.constant 6 : i32
    %lt3A_828 = arith.constant 2 : i32
    %lt3A_829 = arith.cmpi slt, %arg1, %lt3A_828 : i32
    %convert_element_type3A_830 = arith.extui %lt3A_829 : i1 to i32
    %cond3A_831 = arith.constant 0 : i32
    %cond3A_832 = arith.cmpi ne, %convert_element_type3A_830, %cond3A_831 : i32
    scf.if %cond3A_832 {
      "tpu.region"() ({
        %run_scoped3A = tpu.sem_alloc : memref<!tpu.dma_semaphore, #tpu.memory_space<semaphore_mem>>
        %dma_start3A = arith.constant 0 : i32
        %dma_start3A_833 = tpu.memref_slice %arg8[%multiple_of3A_7, %dma_start3A] : memref<10000x16xf32, #tpu.memory_space<vmem_shared>> -> memref<8x16xf32, #tpu.memory_space<vmem_shared>>
        %dma_start3A_834 = arith.constant 0 : i32
        %dma_start3A_835 = tpu.memref_slice %arg8[%multiple_of3A_7, %dma_start3A_834] : memref<10000x16xf32, #tpu.memory_space<vmem_shared>> -> memref<8x16xf32, #tpu.memory_space<vmem_shared>>
        tpu.enqueue_dma source(%dma_start3A_835 : memref<8x16xf32, #tpu.memory_space<vmem_shared>>) target(%arg6 : memref<8x16xf32, #tpu.memory_space<vmem>>) target_semaphore(%run_scoped3A : memref<!tpu.dma_semaphore, #tpu.memory_space<semaphore_mem>>)
        %dma_wait3A = arith.constant 0 : i32
        %dma_wait3A_836 = tpu.memref_slice %arg8[%multiple_of3A_7, %dma_wait3A] : memref<10000x16xf32, #tpu.memory_space<vmem_shared>> -> memref<8x16xf32, #tpu.memory_space<vmem_shared>>
        %dma_wait3A_837 = arith.constant 0 : i32
        %dma_wait3A_838 = tpu.memref_slice %arg8[%multiple_of3A_7, %dma_wait3A_837] : memref<10000x16xf32, #tpu.memory_space<vmem_shared>> -> memref<8x16xf32, #tpu.memory_space<vmem_shared>>
        tpu.wait_dma2 semaphore(%run_scoped3A : memref<!tpu.dma_semaphore, #tpu.memory_space<semaphore_mem>>) src(%dma_wait3A_838 : memref<8x16xf32, #tpu.memory_space<vmem_shared>>) dst(%arg6 : memref<8x16xf32, #tpu.memory_space<vmem>>)
        tpu.yield
      }) : () -> ()
      "tpu.region"() ({
        %run_scoped3A = tpu.sem_alloc : memref<!tpu.dma_semaphore, #tpu.memory_space<semaphore_mem>>
        %dma_start3A = arith.constant 0 : i32
        %dma_start3A_833 = tpu.memref_slice %arg3[%arg0, %multiple_of3A_7, %dma_start3A] : memref<2x10000x16xf32, #tpu.memory_space<hbm>> -> memref<1x8x16xf32, #tpu.memory_space<hbm>>
        %dma_start3A_834 = tpu.memref_squeeze %dma_start3A_833 : memref<1x8x16xf32, #tpu.memory_space<hbm>> -> memref<8x16xf32, #tpu.memory_space<hbm>>
        %dma_start3A_835 = arith.constant 0 : i32
        %dma_start3A_836 = tpu.memref_slice %arg3[%arg0, %multiple_of3A_7, %dma_start3A_835] : memref<2x10000x16xf32, #tpu.memory_space<hbm>> -> memref<1x8x16xf32, #tpu.memory_space<hbm>>
        %dma_start3A_837 = tpu.memref_squeeze %dma_start3A_836 : memref<1x8x16xf32, #tpu.memory_space<hbm>> -> memref<8x16xf32, #tpu.memory_space<hbm>>
        tpu.enqueue_dma source(%arg6 : memref<8x16xf32, #tpu.memory_space<vmem>>) target(%dma_start3A_837 : memref<8x16xf32, #tpu.memory_space<hbm>>) target_semaphore(%run_scoped3A : memref<!tpu.dma_semaphore, #tpu.memory_space<semaphore_mem>>)
        %dma_wait3A = arith.constant 0 : i32
        %dma_wait3A_838 = tpu.memref_slice %arg3[%arg0, %multiple_of3A_7, %dma_wait3A] : memref<2x10000x16xf32, #tpu.memory_space<hbm>> -> memref<1x8x16xf32, #tpu.memory_space<hbm>>
        %dma_wait3A_839 = tpu.memref_squeeze %dma_wait3A_838 : memref<1x8x16xf32, #tpu.memory_space<hbm>> -> memref<8x16xf32, #tpu.memory_space<hbm>>
        %dma_wait3A_840 = arith.constant 0 : i32
        %dma_wait3A_841 = tpu.memref_slice %arg3[%arg0, %multiple_of3A_7, %dma_wait3A_840] : memref<2x10000x16xf32, #tpu.memory_space<hbm>> -> memref<1x8x16xf32, #tpu.memory_space<hbm>>
        %dma_wait3A_842 = tpu.memref_squeeze %dma_wait3A_841 : memref<1x8x16xf32, #tpu.memory_space<hbm>> -> memref<8x16xf32, #tpu.memory_space<hbm>>
        tpu.wait_dma2 semaphore(%run_scoped3A : memref<!tpu.dma_semaphore, #tpu.memory_space<semaphore_mem>>) src(%arg6 : memref<8x16xf32, #tpu.memory_space<vmem>>) dst(%dma_wait3A_842 : memref<8x16xf32, #tpu.memory_space<hbm>>)
        tpu.yield
      }) : () -> ()
    } else {
    }
    return
  }
}

#map = affine_map<(d0, d1) -> (0, 0)>
#map1 = affine_map<(d0, d1) -> (0, 0, 0)>
module attributes {stable_mosaic.version = 14 : i64} {
  func.func @agg(%arg0: i32, %arg1: i32, %arg2: memref<10000x64xf32, #tpu.memory_space<hbm>>, %arg3: memref<32x80x125xi32, #tpu.memory_space<hbm>>, %arg4: memref<32x80x125xi32, #tpu.memory_space<hbm>>, %arg5: memref<2x10000x64xf32, #tpu.memory_space<hbm>>, %arg6: memref<80x125xi32, #tpu.memory_space<vmem>>, %arg7: memref<80x125xi32, #tpu.memory_space<vmem>>, %arg8: memref<4x125x64xf32, #tpu.memory_space<vmem>>, %arg9: memref<8x64xf32, #tpu.memory_space<vmem>>, %arg10: memref<104x64xf32, #tpu.memory_space<vmem>>, %arg11: memref<10000x64xf32, #tpu.memory_space<vmem_shared>>, %arg12: memref<!tpu.dma_semaphore, #tpu.memory_space<semaphore_mem>>, %arg13: memref<!tpu.dma_semaphore, #tpu.memory_space<semaphore_mem>>, %arg14: memref<!tpu.dma_semaphore, #tpu.memory_space<semaphore_mem>>, %arg15: memref<!tpu.dma_semaphore, #tpu.memory_space<semaphore_mem>>) attributes {dimension_semantics = [#tpu.dimension_semantics<core_parallel>, #tpu.dimension_semantics<subcore_parallel>], iteration_bounds = array<i64: 2, 16>, scalar_prefetch = 0 : i64, scratch_operands = 10 : i64, tpu.core_type = #tpu.core_type<sc_vector_subcore>, window_params = [{transform_indices = #map}, {transform_indices = #map1}, {transform_indices = #map1}, {transform_indices = #map1}]} {
    %mul3A = arith.constant 16 : i32
    %mul3A_0 = arith.muli %arg0, %mul3A : i32
    %add3A = arith.addi %mul3A_0, %arg1 : i32
    %mul3A_1 = arith.constant 624 : i32
    %mul3A_2 = arith.muli %arg1, %mul3A_1 : i32
    %multiple_of3A = tpu.assume_multiple %mul3A_2, 8 : i32
    %mul3A_3 = arith.constant 8 : i32
    %mul3A_4 = arith.muli %arg1, %mul3A_3 : i32
    %add3A_5 = arith.constant 9984 : i32
    %add3A_6 = arith.addi %add3A_5, %mul3A_4 : i32
    %multiple_of3A_7 = tpu.assume_multiple %add3A_6, 8 : i32
    "tpu.region"() ({
      %run_scoped3A = tpu.sem_alloc : memref<!tpu.dma_semaphore, #tpu.memory_space<semaphore_mem>>
      %dma_start3A_295 = arith.constant 0 : i32
      %dma_start3A_296 = arith.constant 0 : i32
      %dma_start3A_297 = tpu.memref_slice %arg3[%add3A, %dma_start3A_295, %dma_start3A_296] : memref<32x80x125xi32, #tpu.memory_space<hbm>> -> memref<1x80x125xi32, #tpu.memory_space<hbm>>
      %dma_start3A_298 = tpu.memref_squeeze %dma_start3A_297 : memref<1x80x125xi32, #tpu.memory_space<hbm>> -> memref<80x125xi32, #tpu.memory_space<hbm>>
      %dma_start3A_299 = arith.constant 0 : i32
      %dma_start3A_300 = arith.constant 0 : i32
      %dma_start3A_301 = tpu.memref_slice %arg3[%add3A, %dma_start3A_299, %dma_start3A_300] : memref<32x80x125xi32, #tpu.memory_space<hbm>> -> memref<1x80x125xi32, #tpu.memory_space<hbm>>
      %dma_start3A_302 = tpu.memref_squeeze %dma_start3A_301 : memref<1x80x125xi32, #tpu.memory_space<hbm>> -> memref<80x125xi32, #tpu.memory_space<hbm>>
      tpu.enqueue_dma source(%dma_start3A_302 : memref<80x125xi32, #tpu.memory_space<hbm>>) target(%arg6 : memref<80x125xi32, #tpu.memory_space<vmem>>) target_semaphore(%run_scoped3A : memref<!tpu.dma_semaphore, #tpu.memory_space<semaphore_mem>>)
      %dma_wait3A_303 = arith.constant 0 : i32
      %dma_wait3A_304 = arith.constant 0 : i32
      %dma_wait3A_305 = tpu.memref_slice %arg3[%add3A, %dma_wait3A_303, %dma_wait3A_304] : memref<32x80x125xi32, #tpu.memory_space<hbm>> -> memref<1x80x125xi32, #tpu.memory_space<hbm>>
      %dma_wait3A_306 = tpu.memref_squeeze %dma_wait3A_305 : memref<1x80x125xi32, #tpu.memory_space<hbm>> -> memref<80x125xi32, #tpu.memory_space<hbm>>
      %dma_wait3A_307 = arith.constant 0 : i32
      %dma_wait3A_308 = arith.constant 0 : i32
      %dma_wait3A_309 = tpu.memref_slice %arg3[%add3A, %dma_wait3A_307, %dma_wait3A_308] : memref<32x80x125xi32, #tpu.memory_space<hbm>> -> memref<1x80x125xi32, #tpu.memory_space<hbm>>
      %dma_wait3A_310 = tpu.memref_squeeze %dma_wait3A_309 : memref<1x80x125xi32, #tpu.memory_space<hbm>> -> memref<80x125xi32, #tpu.memory_space<hbm>>
      tpu.wait_dma2 semaphore(%run_scoped3A : memref<!tpu.dma_semaphore, #tpu.memory_space<semaphore_mem>>) src(%dma_wait3A_310 : memref<80x125xi32, #tpu.memory_space<hbm>>) dst(%arg6 : memref<80x125xi32, #tpu.memory_space<vmem>>)
      tpu.yield
    }) : () -> ()
    "tpu.region"() ({
      %run_scoped3A = tpu.sem_alloc : memref<!tpu.dma_semaphore, #tpu.memory_space<semaphore_mem>>
      %dma_start3A_295 = arith.constant 0 : i32
      %dma_start3A_296 = arith.constant 0 : i32
      %dma_start3A_297 = tpu.memref_slice %arg4[%add3A, %dma_start3A_295, %dma_start3A_296] : memref<32x80x125xi32, #tpu.memory_space<hbm>> -> memref<1x80x125xi32, #tpu.memory_space<hbm>>
      %dma_start3A_298 = tpu.memref_squeeze %dma_start3A_297 : memref<1x80x125xi32, #tpu.memory_space<hbm>> -> memref<80x125xi32, #tpu.memory_space<hbm>>
      %dma_start3A_299 = arith.constant 0 : i32
      %dma_start3A_300 = arith.constant 0 : i32
      %dma_start3A_301 = tpu.memref_slice %arg4[%add3A, %dma_start3A_299, %dma_start3A_300] : memref<32x80x125xi32, #tpu.memory_space<hbm>> -> memref<1x80x125xi32, #tpu.memory_space<hbm>>
      %dma_start3A_302 = tpu.memref_squeeze %dma_start3A_301 : memref<1x80x125xi32, #tpu.memory_space<hbm>> -> memref<80x125xi32, #tpu.memory_space<hbm>>
      tpu.enqueue_dma source(%dma_start3A_302 : memref<80x125xi32, #tpu.memory_space<hbm>>) target(%arg7 : memref<80x125xi32, #tpu.memory_space<vmem>>) target_semaphore(%run_scoped3A : memref<!tpu.dma_semaphore, #tpu.memory_space<semaphore_mem>>)
      %dma_wait3A_303 = arith.constant 0 : i32
      %dma_wait3A_304 = arith.constant 0 : i32
      %dma_wait3A_305 = tpu.memref_slice %arg4[%add3A, %dma_wait3A_303, %dma_wait3A_304] : memref<32x80x125xi32, #tpu.memory_space<hbm>> -> memref<1x80x125xi32, #tpu.memory_space<hbm>>
      %dma_wait3A_306 = tpu.memref_squeeze %dma_wait3A_305 : memref<1x80x125xi32, #tpu.memory_space<hbm>> -> memref<80x125xi32, #tpu.memory_space<hbm>>
      %dma_wait3A_307 = arith.constant 0 : i32
      %dma_wait3A_308 = arith.constant 0 : i32
      %dma_wait3A_309 = tpu.memref_slice %arg4[%add3A, %dma_wait3A_307, %dma_wait3A_308] : memref<32x80x125xi32, #tpu.memory_space<hbm>> -> memref<1x80x125xi32, #tpu.memory_space<hbm>>
      %dma_wait3A_310 = tpu.memref_squeeze %dma_wait3A_309 : memref<1x80x125xi32, #tpu.memory_space<hbm>> -> memref<80x125xi32, #tpu.memory_space<hbm>>
      tpu.wait_dma2 semaphore(%run_scoped3A : memref<!tpu.dma_semaphore, #tpu.memory_space<semaphore_mem>>) src(%dma_wait3A_310 : memref<80x125xi32, #tpu.memory_space<hbm>>) dst(%arg7 : memref<80x125xi32, #tpu.memory_space<vmem>>)
      tpu.yield
    }) : () -> ()
    %broadcast_in_dim3A = arith.constant 0.000000e+00 : f32
    %broadcast_in_dim3A_8 = vector.broadcast %broadcast_in_dim3A : f32 to vector<16xf32>
    %swap3A = arith.constant 0 : i32
    %swap3A_9 = arith.index_cast %swap3A : i32 to index
    %swap3A_10 = arith.constant 0 : index
    %swap3A_11 = tpu.vector_load %arg9[%swap3A_9, %swap3A_10] {strides = array<i32>} : memref<8x64xf32, #tpu.memory_space<vmem>>, vector<1x16xf32>,
    %swap3A_12 = vector.shape_cast %swap3A_11 : vector<1x16xf32> to vector<16xf32>
    %swap3A_13 = vector.shape_cast %broadcast_in_dim3A_8 : vector<16xf32> to vector<1x16xf32>
    tpu.vector_store %arg9[%swap3A_9, %swap3A_10], %swap3A_13 {strides = array<i32>} : memref<8x64xf32, #tpu.memory_space<vmem>>, vector<1x16xf32>,
    %swap3A_14 = arith.constant 0 : i32
    %swap3A_15 = arith.index_cast %swap3A_14 : i32 to index
    %swap3A_16 = arith.constant 16 : index
    %swap3A_17 = tpu.vector_load %arg9[%swap3A_15, %swap3A_16] {strides = array<i32>} : memref<8x64xf32, #tpu.memory_space<vmem>>, vector<1x16xf32>,
    %swap3A_18 = vector.shape_cast %swap3A_17 : vector<1x16xf32> to vector<16xf32>
    %swap3A_19 = vector.shape_cast %broadcast_in_dim3A_8 : vector<16xf32> to vector<1x16xf32>
    tpu.vector_store %arg9[%swap3A_15, %swap3A_16], %swap3A_19 {strides = array<i32>} : memref<8x64xf32, #tpu.memory_space<vmem>>, vector<1x16xf32>,
    %swap3A_20 = arith.constant 0 : i32
    %swap3A_21 = arith.index_cast %swap3A_20 : i32 to index
    %swap3A_22 = arith.constant 32 : index
    %swap3A_23 = tpu.vector_load %arg9[%swap3A_21, %swap3A_22] {strides = array<i32>} : memref<8x64xf32, #tpu.memory_space<vmem>>, vector<1x16xf32>,
    %swap3A_24 = vector.shape_cast %swap3A_23 : vector<1x16xf32> to vector<16xf32>
    %swap3A_25 = vector.shape_cast %broadcast_in_dim3A_8 : vector<16xf32> to vector<1x16xf32>
    tpu.vector_store %arg9[%swap3A_21, %swap3A_22], %swap3A_25 {strides = array<i32>} : memref<8x64xf32, #tpu.memory_space<vmem>>, vector<1x16xf32>,
    %swap3A_26 = arith.constant 0 : i32
    %swap3A_27 = arith.index_cast %swap3A_26 : i32 to index
    %swap3A_28 = arith.constant 48 : index
    %swap3A_29 = tpu.vector_load %arg9[%swap3A_27, %swap3A_28] {strides = array<i32>} : memref<8x64xf32, #tpu.memory_space<vmem>>, vector<1x16xf32>,
    %swap3A_30 = vector.shape_cast %swap3A_29 : vector<1x16xf32> to vector<16xf32>
    %swap3A_31 = vector.shape_cast %broadcast_in_dim3A_8 : vector<16xf32> to vector<1x16xf32>
    tpu.vector_store %arg9[%swap3A_27, %swap3A_28], %swap3A_31 {strides = array<i32>} : memref<8x64xf32, #tpu.memory_space<vmem>>, vector<1x16xf32>,
    %swap3A_32 = arith.constant 1 : i32
    %swap3A_33 = arith.index_cast %swap3A_32 : i32 to index
    %swap3A_34 = arith.constant 0 : index
    %swap3A_35 = tpu.vector_load %arg9[%swap3A_33, %swap3A_34] {strides = array<i32>} : memref<8x64xf32, #tpu.memory_space<vmem>>, vector<1x16xf32>,
    %swap3A_36 = vector.shape_cast %swap3A_35 : vector<1x16xf32> to vector<16xf32>
    %swap3A_37 = vector.shape_cast %broadcast_in_dim3A_8 : vector<16xf32> to vector<1x16xf32>
    tpu.vector_store %arg9[%swap3A_33, %swap3A_34], %swap3A_37 {strides = array<i32>} : memref<8x64xf32, #tpu.memory_space<vmem>>, vector<1x16xf32>,
    %swap3A_38 = arith.constant 1 : i32
    %swap3A_39 = arith.index_cast %swap3A_38 : i32 to index
    %swap3A_40 = arith.constant 16 : index
    %swap3A_41 = tpu.vector_load %arg9[%swap3A_39, %swap3A_40] {strides = array<i32>} : memref<8x64xf32, #tpu.memory_space<vmem>>, vector<1x16xf32>,
    %swap3A_42 = vector.shape_cast %swap3A_41 : vector<1x16xf32> to vector<16xf32>
    %swap3A_43 = vector.shape_cast %broadcast_in_dim3A_8 : vector<16xf32> to vector<1x16xf32>
    tpu.vector_store %arg9[%swap3A_39, %swap3A_40], %swap3A_43 {strides = array<i32>} : memref<8x64xf32, #tpu.memory_space<vmem>>, vector<1x16xf32>,
    %swap3A_44 = arith.constant 1 : i32
    %swap3A_45 = arith.index_cast %swap3A_44 : i32 to index
    %swap3A_46 = arith.constant 32 : index
    %swap3A_47 = tpu.vector_load %arg9[%swap3A_45, %swap3A_46] {strides = array<i32>} : memref<8x64xf32, #tpu.memory_space<vmem>>, vector<1x16xf32>,
    %swap3A_48 = vector.shape_cast %swap3A_47 : vector<1x16xf32> to vector<16xf32>
    %swap3A_49 = vector.shape_cast %broadcast_in_dim3A_8 : vector<16xf32> to vector<1x16xf32>
    tpu.vector_store %arg9[%swap3A_45, %swap3A_46], %swap3A_49 {strides = array<i32>} : memref<8x64xf32, #tpu.memory_space<vmem>>, vector<1x16xf32>,
    %swap3A_50 = arith.constant 1 : i32
    %swap3A_51 = arith.index_cast %swap3A_50 : i32 to index
    %swap3A_52 = arith.constant 48 : index
    %swap3A_53 = tpu.vector_load %arg9[%swap3A_51, %swap3A_52] {strides = array<i32>} : memref<8x64xf32, #tpu.memory_space<vmem>>, vector<1x16xf32>,
    %swap3A_54 = vector.shape_cast %swap3A_53 : vector<1x16xf32> to vector<16xf32>
    %swap3A_55 = vector.shape_cast %broadcast_in_dim3A_8 : vector<16xf32> to vector<1x16xf32>
    tpu.vector_store %arg9[%swap3A_51, %swap3A_52], %swap3A_55 {strides = array<i32>} : memref<8x64xf32, #tpu.memory_space<vmem>>, vector<1x16xf32>,
    %swap3A_56 = arith.constant 2 : i32
    %swap3A_57 = arith.index_cast %swap3A_56 : i32 to index
    %swap3A_58 = arith.constant 0 : index
    %swap3A_59 = tpu.vector_load %arg9[%swap3A_57, %swap3A_58] {strides = array<i32>} : memref<8x64xf32, #tpu.memory_space<vmem>>, vector<1x16xf32>,
    %swap3A_60 = vector.shape_cast %swap3A_59 : vector<1x16xf32> to vector<16xf32>
    %swap3A_61 = vector.shape_cast %broadcast_in_dim3A_8 : vector<16xf32> to vector<1x16xf32>
    tpu.vector_store %arg9[%swap3A_57, %swap3A_58], %swap3A_61 {strides = array<i32>} : memref<8x64xf32, #tpu.memory_space<vmem>>, vector<1x16xf32>,
    %swap3A_62 = arith.constant 2 : i32
    %swap3A_63 = arith.index_cast %swap3A_62 : i32 to index
    %swap3A_64 = arith.constant 16 : index
    %swap3A_65 = tpu.vector_load %arg9[%swap3A_63, %swap3A_64] {strides = array<i32>} : memref<8x64xf32, #tpu.memory_space<vmem>>, vector<1x16xf32>,
    %swap3A_66 = vector.shape_cast %swap3A_65 : vector<1x16xf32> to vector<16xf32>
    %swap3A_67 = vector.shape_cast %broadcast_in_dim3A_8 : vector<16xf32> to vector<1x16xf32>
    tpu.vector_store %arg9[%swap3A_63, %swap3A_64], %swap3A_67 {strides = array<i32>} : memref<8x64xf32, #tpu.memory_space<vmem>>, vector<1x16xf32>,
    %swap3A_68 = arith.constant 2 : i32
    %swap3A_69 = arith.index_cast %swap3A_68 : i32 to index
    %swap3A_70 = arith.constant 32 : index
    %swap3A_71 = tpu.vector_load %arg9[%swap3A_69, %swap3A_70] {strides = array<i32>} : memref<8x64xf32, #tpu.memory_space<vmem>>, vector<1x16xf32>,
    %swap3A_72 = vector.shape_cast %swap3A_71 : vector<1x16xf32> to vector<16xf32>
    %swap3A_73 = vector.shape_cast %broadcast_in_dim3A_8 : vector<16xf32> to vector<1x16xf32>
    tpu.vector_store %arg9[%swap3A_69, %swap3A_70], %swap3A_73 {strides = array<i32>} : memref<8x64xf32, #tpu.memory_space<vmem>>, vector<1x16xf32>,
    %swap3A_74 = arith.constant 2 : i32
    %swap3A_75 = arith.index_cast %swap3A_74 : i32 to index
    %swap3A_76 = arith.constant 48 : index
    %swap3A_77 = tpu.vector_load %arg9[%swap3A_75, %swap3A_76] {strides = array<i32>} : memref<8x64xf32, #tpu.memory_space<vmem>>, vector<1x16xf32>,
    %swap3A_78 = vector.shape_cast %swap3A_77 : vector<1x16xf32> to vector<16xf32>
    %swap3A_79 = vector.shape_cast %broadcast_in_dim3A_8 : vector<16xf32> to vector<1x16xf32>
    tpu.vector_store %arg9[%swap3A_75, %swap3A_76], %swap3A_79 {strides = array<i32>} : memref<8x64xf32, #tpu.memory_space<vmem>>, vector<1x16xf32>,
    %swap3A_80 = arith.constant 3 : i32
    %swap3A_81 = arith.index_cast %swap3A_80 : i32 to index
    %swap3A_82 = arith.constant 0 : index
    %swap3A_83 = tpu.vector_load %arg9[%swap3A_81, %swap3A_82] {strides = array<i32>} : memref<8x64xf32, #tpu.memory_space<vmem>>, vector<1x16xf32>,
    %swap3A_84 = vector.shape_cast %swap3A_83 : vector<1x16xf32> to vector<16xf32>
    %swap3A_85 = vector.shape_cast %broadcast_in_dim3A_8 : vector<16xf32> to vector<1x16xf32>
    tpu.vector_store %arg9[%swap3A_81, %swap3A_82], %swap3A_85 {strides = array<i32>} : memref<8x64xf32, #tpu.memory_space<vmem>>, vector<1x16xf32>,
    %swap3A_86 = arith.constant 3 : i32
    %swap3A_87 = arith.index_cast %swap3A_86 : i32 to index
    %swap3A_88 = arith.constant 16 : index
    %swap3A_89 = tpu.vector_load %arg9[%swap3A_87, %swap3A_88] {strides = array<i32>} : memref<8x64xf32, #tpu.memory_space<vmem>>, vector<1x16xf32>,
    %swap3A_90 = vector.shape_cast %swap3A_89 : vector<1x16xf32> to vector<16xf32>
    %swap3A_91 = vector.shape_cast %broadcast_in_dim3A_8 : vector<16xf32> to vector<1x16xf32>
    tpu.vector_store %arg9[%swap3A_87, %swap3A_88], %swap3A_91 {strides = array<i32>} : memref<8x64xf32, #tpu.memory_space<vmem>>, vector<1x16xf32>,
    %swap3A_92 = arith.constant 3 : i32
    %swap3A_93 = arith.index_cast %swap3A_92 : i32 to index
    %swap3A_94 = arith.constant 32 : index
    %swap3A_95 = tpu.vector_load %arg9[%swap3A_93, %swap3A_94] {strides = array<i32>} : memref<8x64xf32, #tpu.memory_space<vmem>>, vector<1x16xf32>,
    %swap3A_96 = vector.shape_cast %swap3A_95 : vector<1x16xf32> to vector<16xf32>
    %swap3A_97 = vector.shape_cast %broadcast_in_dim3A_8 : vector<16xf32> to vector<1x16xf32>
    tpu.vector_store %arg9[%swap3A_93, %swap3A_94], %swap3A_97 {strides = array<i32>} : memref<8x64xf32, #tpu.memory_space<vmem>>, vector<1x16xf32>,
    %swap3A_98 = arith.constant 3 : i32
    %swap3A_99 = arith.index_cast %swap3A_98 : i32 to index
    %swap3A_100 = arith.constant 48 : index
    %swap3A_101 = tpu.vector_load %arg9[%swap3A_99, %swap3A_100] {strides = array<i32>} : memref<8x64xf32, #tpu.memory_space<vmem>>, vector<1x16xf32>,
    %swap3A_102 = vector.shape_cast %swap3A_101 : vector<1x16xf32> to vector<16xf32>
    %swap3A_103 = vector.shape_cast %broadcast_in_dim3A_8 : vector<16xf32> to vector<1x16xf32>
    tpu.vector_store %arg9[%swap3A_99, %swap3A_100], %swap3A_103 {strides = array<i32>} : memref<8x64xf32, #tpu.memory_space<vmem>>, vector<1x16xf32>,
    %swap3A_104 = arith.constant 4 : i32
    %swap3A_105 = arith.index_cast %swap3A_104 : i32 to index
    %swap3A_106 = arith.constant 0 : index
    %swap3A_107 = tpu.vector_load %arg9[%swap3A_105, %swap3A_106] {strides = array<i32>} : memref<8x64xf32, #tpu.memory_space<vmem>>, vector<1x16xf32>,
    %swap3A_108 = vector.shape_cast %swap3A_107 : vector<1x16xf32> to vector<16xf32>
    %swap3A_109 = vector.shape_cast %broadcast_in_dim3A_8 : vector<16xf32> to vector<1x16xf32>
    tpu.vector_store %arg9[%swap3A_105, %swap3A_106], %swap3A_109 {strides = array<i32>} : memref<8x64xf32, #tpu.memory_space<vmem>>, vector<1x16xf32>,
    %swap3A_110 = arith.constant 4 : i32
    %swap3A_111 = arith.index_cast %swap3A_110 : i32 to index
    %swap3A_112 = arith.constant 16 : index
    %swap3A_113 = tpu.vector_load %arg9[%swap3A_111, %swap3A_112] {strides = array<i32>} : memref<8x64xf32, #tpu.memory_space<vmem>>, vector<1x16xf32>,
    %swap3A_114 = vector.shape_cast %swap3A_113 : vector<1x16xf32> to vector<16xf32>
    %swap3A_115 = vector.shape_cast %broadcast_in_dim3A_8 : vector<16xf32> to vector<1x16xf32>
    tpu.vector_store %arg9[%swap3A_111, %swap3A_112], %swap3A_115 {strides = array<i32>} : memref<8x64xf32, #tpu.memory_space<vmem>>, vector<1x16xf32>,
    %swap3A_116 = arith.constant 4 : i32
    %swap3A_117 = arith.index_cast %swap3A_116 : i32 to index
    %swap3A_118 = arith.constant 32 : index
    %swap3A_119 = tpu.vector_load %arg9[%swap3A_117, %swap3A_118] {strides = array<i32>} : memref<8x64xf32, #tpu.memory_space<vmem>>, vector<1x16xf32>,
    %swap3A_120 = vector.shape_cast %swap3A_119 : vector<1x16xf32> to vector<16xf32>
    %swap3A_121 = vector.shape_cast %broadcast_in_dim3A_8 : vector<16xf32> to vector<1x16xf32>
    tpu.vector_store %arg9[%swap3A_117, %swap3A_118], %swap3A_121 {strides = array<i32>} : memref<8x64xf32, #tpu.memory_space<vmem>>, vector<1x16xf32>,
    %swap3A_122 = arith.constant 4 : i32
    %swap3A_123 = arith.index_cast %swap3A_122 : i32 to index
    %swap3A_124 = arith.constant 48 : index
    %swap3A_125 = tpu.vector_load %arg9[%swap3A_123, %swap3A_124] {strides = array<i32>} : memref<8x64xf32, #tpu.memory_space<vmem>>, vector<1x16xf32>,
    %swap3A_126 = vector.shape_cast %swap3A_125 : vector<1x16xf32> to vector<16xf32>
    %swap3A_127 = vector.shape_cast %broadcast_in_dim3A_8 : vector<16xf32> to vector<1x16xf32>
    tpu.vector_store %arg9[%swap3A_123, %swap3A_124], %swap3A_127 {strides = array<i32>} : memref<8x64xf32, #tpu.memory_space<vmem>>, vector<1x16xf32>,
    %swap3A_128 = arith.constant 5 : i32
    %swap3A_129 = arith.index_cast %swap3A_128 : i32 to index
    %swap3A_130 = arith.constant 0 : index
    %swap3A_131 = tpu.vector_load %arg9[%swap3A_129, %swap3A_130] {strides = array<i32>} : memref<8x64xf32, #tpu.memory_space<vmem>>, vector<1x16xf32>,
    %swap3A_132 = vector.shape_cast %swap3A_131 : vector<1x16xf32> to vector<16xf32>
    %swap3A_133 = vector.shape_cast %broadcast_in_dim3A_8 : vector<16xf32> to vector<1x16xf32>
    tpu.vector_store %arg9[%swap3A_129, %swap3A_130], %swap3A_133 {strides = array<i32>} : memref<8x64xf32, #tpu.memory_space<vmem>>, vector<1x16xf32>,
    %swap3A_134 = arith.constant 5 : i32
    %swap3A_135 = arith.index_cast %swap3A_134 : i32 to index
    %swap3A_136 = arith.constant 16 : index
    %swap3A_137 = tpu.vector_load %arg9[%swap3A_135, %swap3A_136] {strides = array<i32>} : memref<8x64xf32, #tpu.memory_space<vmem>>, vector<1x16xf32>,
    %swap3A_138 = vector.shape_cast %swap3A_137 : vector<1x16xf32> to vector<16xf32>
    %swap3A_139 = vector.shape_cast %broadcast_in_dim3A_8 : vector<16xf32> to vector<1x16xf32>
    tpu.vector_store %arg9[%swap3A_135, %swap3A_136], %swap3A_139 {strides = array<i32>} : memref<8x64xf32, #tpu.memory_space<vmem>>, vector<1x16xf32>,
    %swap3A_140 = arith.constant 5 : i32
    %swap3A_141 = arith.index_cast %swap3A_140 : i32 to index
    %swap3A_142 = arith.constant 32 : index
    %swap3A_143 = tpu.vector_load %arg9[%swap3A_141, %swap3A_142] {strides = array<i32>} : memref<8x64xf32, #tpu.memory_space<vmem>>, vector<1x16xf32>,
    %swap3A_144 = vector.shape_cast %swap3A_143 : vector<1x16xf32> to vector<16xf32>
    %swap3A_145 = vector.shape_cast %broadcast_in_dim3A_8 : vector<16xf32> to vector<1x16xf32>
    tpu.vector_store %arg9[%swap3A_141, %swap3A_142], %swap3A_145 {strides = array<i32>} : memref<8x64xf32, #tpu.memory_space<vmem>>, vector<1x16xf32>,
    %swap3A_146 = arith.constant 5 : i32
    %swap3A_147 = arith.index_cast %swap3A_146 : i32 to index
    %swap3A_148 = arith.constant 48 : index
    %swap3A_149 = tpu.vector_load %arg9[%swap3A_147, %swap3A_148] {strides = array<i32>} : memref<8x64xf32, #tpu.memory_space<vmem>>, vector<1x16xf32>,
    %swap3A_150 = vector.shape_cast %swap3A_149 : vector<1x16xf32> to vector<16xf32>
    %swap3A_151 = vector.shape_cast %broadcast_in_dim3A_8 : vector<16xf32> to vector<1x16xf32>
    tpu.vector_store %arg9[%swap3A_147, %swap3A_148], %swap3A_151 {strides = array<i32>} : memref<8x64xf32, #tpu.memory_space<vmem>>, vector<1x16xf32>,
    %swap3A_152 = arith.constant 6 : i32
    %swap3A_153 = arith.index_cast %swap3A_152 : i32 to index
    %swap3A_154 = arith.constant 0 : index
    %swap3A_155 = tpu.vector_load %arg9[%swap3A_153, %swap3A_154] {strides = array<i32>} : memref<8x64xf32, #tpu.memory_space<vmem>>, vector<1x16xf32>,
    %swap3A_156 = vector.shape_cast %swap3A_155 : vector<1x16xf32> to vector<16xf32>
    %swap3A_157 = vector.shape_cast %broadcast_in_dim3A_8 : vector<16xf32> to vector<1x16xf32>
    tpu.vector_store %arg9[%swap3A_153, %swap3A_154], %swap3A_157 {strides = array<i32>} : memref<8x64xf32, #tpu.memory_space<vmem>>, vector<1x16xf32>,
    %swap3A_158 = arith.constant 6 : i32
    %swap3A_159 = arith.index_cast %swap3A_158 : i32 to index
    %swap3A_160 = arith.constant 16 : index
    %swap3A_161 = tpu.vector_load %arg9[%swap3A_159, %swap3A_160] {strides = array<i32>} : memref<8x64xf32, #tpu.memory_space<vmem>>, vector<1x16xf32>,
    %swap3A_162 = vector.shape_cast %swap3A_161 : vector<1x16xf32> to vector<16xf32>
    %swap3A_163 = vector.shape_cast %broadcast_in_dim3A_8 : vector<16xf32> to vector<1x16xf32>
    tpu.vector_store %arg9[%swap3A_159, %swap3A_160], %swap3A_163 {strides = array<i32>} : memref<8x64xf32, #tpu.memory_space<vmem>>, vector<1x16xf32>,
    %swap3A_164 = arith.constant 6 : i32
    %swap3A_165 = arith.index_cast %swap3A_164 : i32 to index
    %swap3A_166 = arith.constant 32 : index
    %swap3A_167 = tpu.vector_load %arg9[%swap3A_165, %swap3A_166] {strides = array<i32>} : memref<8x64xf32, #tpu.memory_space<vmem>>, vector<1x16xf32>,
    %swap3A_168 = vector.shape_cast %swap3A_167 : vector<1x16xf32> to vector<16xf32>
    %swap3A_169 = vector.shape_cast %broadcast_in_dim3A_8 : vector<16xf32> to vector<1x16xf32>
    tpu.vector_store %arg9[%swap3A_165, %swap3A_166], %swap3A_169 {strides = array<i32>} : memref<8x64xf32, #tpu.memory_space<vmem>>, vector<1x16xf32>,
    %swap3A_170 = arith.constant 6 : i32
    %swap3A_171 = arith.index_cast %swap3A_170 : i32 to index
    %swap3A_172 = arith.constant 48 : index
    %swap3A_173 = tpu.vector_load %arg9[%swap3A_171, %swap3A_172] {strides = array<i32>} : memref<8x64xf32, #tpu.memory_space<vmem>>, vector<1x16xf32>,
    %swap3A_174 = vector.shape_cast %swap3A_173 : vector<1x16xf32> to vector<16xf32>
    %swap3A_175 = vector.shape_cast %broadcast_in_dim3A_8 : vector<16xf32> to vector<1x16xf32>
    tpu.vector_store %arg9[%swap3A_171, %swap3A_172], %swap3A_175 {strides = array<i32>} : memref<8x64xf32, #tpu.memory_space<vmem>>, vector<1x16xf32>,
    %swap3A_176 = arith.constant 7 : i32
    %swap3A_177 = arith.index_cast %swap3A_176 : i32 to index
    %swap3A_178 = arith.constant 0 : index
    %swap3A_179 = tpu.vector_load %arg9[%swap3A_177, %swap3A_178] {strides = array<i32>} : memref<8x64xf32, #tpu.memory_space<vmem>>, vector<1x16xf32>,
    %swap3A_180 = vector.shape_cast %swap3A_179 : vector<1x16xf32> to vector<16xf32>
    %swap3A_181 = vector.shape_cast %broadcast_in_dim3A_8 : vector<16xf32> to vector<1x16xf32>
    tpu.vector_store %arg9[%swap3A_177, %swap3A_178], %swap3A_181 {strides = array<i32>} : memref<8x64xf32, #tpu.memory_space<vmem>>, vector<1x16xf32>,
    %swap3A_182 = arith.constant 7 : i32
    %swap3A_183 = arith.index_cast %swap3A_182 : i32 to index
    %swap3A_184 = arith.constant 16 : index
    %swap3A_185 = tpu.vector_load %arg9[%swap3A_183, %swap3A_184] {strides = array<i32>} : memref<8x64xf32, #tpu.memory_space<vmem>>, vector<1x16xf32>,
    %swap3A_186 = vector.shape_cast %swap3A_185 : vector<1x16xf32> to vector<16xf32>
    %swap3A_187 = vector.shape_cast %broadcast_in_dim3A_8 : vector<16xf32> to vector<1x16xf32>
    tpu.vector_store %arg9[%swap3A_183, %swap3A_184], %swap3A_187 {strides = array<i32>} : memref<8x64xf32, #tpu.memory_space<vmem>>, vector<1x16xf32>,
    %swap3A_188 = arith.constant 7 : i32
    %swap3A_189 = arith.index_cast %swap3A_188 : i32 to index
    %swap3A_190 = arith.constant 32 : index
    %swap3A_191 = tpu.vector_load %arg9[%swap3A_189, %swap3A_190] {strides = array<i32>} : memref<8x64xf32, #tpu.memory_space<vmem>>, vector<1x16xf32>,
    %swap3A_192 = vector.shape_cast %swap3A_191 : vector<1x16xf32> to vector<16xf32>
    %swap3A_193 = vector.shape_cast %broadcast_in_dim3A_8 : vector<16xf32> to vector<1x16xf32>
    tpu.vector_store %arg9[%swap3A_189, %swap3A_190], %swap3A_193 {strides = array<i32>} : memref<8x64xf32, #tpu.memory_space<vmem>>, vector<1x16xf32>,
    %swap3A_194 = arith.constant 7 : i32
    %swap3A_195 = arith.index_cast %swap3A_194 : i32 to index
    %swap3A_196 = arith.constant 48 : index
    %swap3A_197 = tpu.vector_load %arg9[%swap3A_195, %swap3A_196] {strides = array<i32>} : memref<8x64xf32, #tpu.memory_space<vmem>>, vector<1x16xf32>,
    %swap3A_198 = vector.shape_cast %swap3A_197 : vector<1x16xf32> to vector<16xf32>
    %swap3A_199 = vector.shape_cast %broadcast_in_dim3A_8 : vector<16xf32> to vector<1x16xf32>
    tpu.vector_store %arg9[%swap3A_195, %swap3A_196], %swap3A_199 {strides = array<i32>} : memref<8x64xf32, #tpu.memory_space<vmem>>, vector<1x16xf32>,
    %scan3A = arith.constant 0 : i32
    %scan3A_200 = arith.constant 0 : i32
    %scan3A_201 = arith.constant 78 : i32
    %scan3A_202 = arith.addi %scan3A_200, %scan3A_201 : i32
    %scan3A_203 = arith.constant 1 : i32
    scf.for %scan3A_295 = %scan3A_200 to %scan3A_202 step %scan3A_203  : i32 {
      %mul3A_296 = arith.constant 8 : i32
      %mul3A_297 = arith.muli %scan3A_295, %mul3A_296 : i32
      %add3A_298 = arith.addi %multiple_of3A, %mul3A_297 : i32
      %multiple_of3A_299 = tpu.assume_multiple %add3A_298, 8 : i32
      "tpu.region"() ({
        %run_scoped3A = tpu.sem_alloc : memref<!tpu.dma_semaphore, #tpu.memory_space<semaphore_mem>>
        %dma_start3A_300 = arith.constant 0 : i32
        %dma_start3A_301 = tpu.memref_slice %arg11[%multiple_of3A_299, %dma_start3A_300] : memref<10000x64xf32, #tpu.memory_space<vmem_shared>> -> memref<8x64xf32, #tpu.memory_space<vmem_shared>>
        %dma_start3A_302 = arith.constant 0 : i32
        %dma_start3A_303 = tpu.memref_slice %arg11[%multiple_of3A_299, %dma_start3A_302] : memref<10000x64xf32, #tpu.memory_space<vmem_shared>> -> memref<8x64xf32, #tpu.memory_space<vmem_shared>>
        tpu.enqueue_dma source(%arg9 : memref<8x64xf32, #tpu.memory_space<vmem>>) target(%dma_start3A_303 : memref<8x64xf32, #tpu.memory_space<vmem_shared>>) target_semaphore(%run_scoped3A : memref<!tpu.dma_semaphore, #tpu.memory_space<semaphore_mem>>)
        %dma_wait3A_304 = arith.constant 0 : i32
        %dma_wait3A_305 = tpu.memref_slice %arg11[%multiple_of3A_299, %dma_wait3A_304] : memref<10000x64xf32, #tpu.memory_space<vmem_shared>> -> memref<8x64xf32, #tpu.memory_space<vmem_shared>>
        %dma_wait3A_306 = arith.constant 0 : i32
        %dma_wait3A_307 = tpu.memref_slice %arg11[%multiple_of3A_299, %dma_wait3A_306] : memref<10000x64xf32, #tpu.memory_space<vmem_shared>> -> memref<8x64xf32, #tpu.memory_space<vmem_shared>>
        tpu.wait_dma2 semaphore(%run_scoped3A : memref<!tpu.dma_semaphore, #tpu.memory_space<semaphore_mem>>) src(%arg9 : memref<8x64xf32, #tpu.memory_space<vmem>>) dst(%dma_wait3A_307 : memref<8x64xf32, #tpu.memory_space<vmem_shared>>)
        tpu.yield
      }) : () -> ()
    }
    %scan3A_204 = arith.constant 78 : i32
    %lt3A = arith.constant 2 : i32
    %lt3A_205 = arith.cmpi slt, %arg1, %lt3A : i32
    %convert_element_type3A = arith.extui %lt3A_205 : i1 to i32
    %cond3A = arith.constant 0 : i32
    %cond3A_206 = arith.cmpi ne, %convert_element_type3A, %cond3A : i32
    scf.if %cond3A_206 {
      "tpu.region"() ({
        %run_scoped3A = tpu.sem_alloc : memref<!tpu.dma_semaphore, #tpu.memory_space<semaphore_mem>>
        %dma_start3A_295 = arith.constant 0 : i32
        %dma_start3A_296 = tpu.memref_slice %arg11[%multiple_of3A_7, %dma_start3A_295] : memref<10000x64xf32, #tpu.memory_space<vmem_shared>> -> memref<8x64xf32, #tpu.memory_space<vmem_shared>>
        %dma_start3A_297 = arith.constant 0 : i32
        %dma_start3A_298 = tpu.memref_slice %arg11[%multiple_of3A_7, %dma_start3A_297] : memref<10000x64xf32, #tpu.memory_space<vmem_shared>> -> memref<8x64xf32, #tpu.memory_space<vmem_shared>>
        tpu.enqueue_dma source(%arg9 : memref<8x64xf32, #tpu.memory_space<vmem>>) target(%dma_start3A_298 : memref<8x64xf32, #tpu.memory_space<vmem_shared>>) target_semaphore(%run_scoped3A : memref<!tpu.dma_semaphore, #tpu.memory_space<semaphore_mem>>)
        %dma_wait3A_299 = arith.constant 0 : i32
        %dma_wait3A_300 = tpu.memref_slice %arg11[%multiple_of3A_7, %dma_wait3A_299] : memref<10000x64xf32, #tpu.memory_space<vmem_shared>> -> memref<8x64xf32, #tpu.memory_space<vmem_shared>>
        %dma_wait3A_301 = arith.constant 0 : i32
        %dma_wait3A_302 = tpu.memref_slice %arg11[%multiple_of3A_7, %dma_wait3A_301] : memref<10000x64xf32, #tpu.memory_space<vmem_shared>> -> memref<8x64xf32, #tpu.memory_space<vmem_shared>>
        tpu.wait_dma2 semaphore(%run_scoped3A : memref<!tpu.dma_semaphore, #tpu.memory_space<semaphore_mem>>) src(%arg9 : memref<8x64xf32, #tpu.memory_space<vmem>>) dst(%dma_wait3A_302 : memref<8x64xf32, #tpu.memory_space<vmem_shared>>)
        tpu.yield
      }) : () -> ()
    } else {
    }
    %barrier3A = arith.constant 0 : index
    tpu.barrier barrier_id(%barrier3A)
    %dma_start3A = arith.constant 0 : i32
    %dma_start3A_207 = arith.constant 0 : i32
    %dma_start3A_208 = arith.constant 0 : i32
    %dma_start3A_209 = arith.constant 0 : i32
    %dma_start3A_210 = tpu.memref_slice %arg8[%dma_start3A_207, %dma_start3A_208, %dma_start3A_209] : memref<4x125x64xf32, #tpu.memory_space<vmem>> -> memref<1x125x64xf32, #tpu.memory_space<vmem>>
    %dma_start3A_211 = tpu.memref_squeeze %dma_start3A_210 : memref<1x125x64xf32, #tpu.memory_space<vmem>> -> memref<125x64xf32, #tpu.memory_space<vmem>>
    %dma_start3A_212 = arith.constant 0 : i32
    %dma_start3A_213 = tpu.memref_slice %arg6[%dma_start3A, %dma_start3A_212] : memref<80x125xi32, #tpu.memory_space<vmem>> -> memref<1x125xi32, #tpu.memory_space<vmem>>
    %dma_start3A_214 = tpu.memref_squeeze %dma_start3A_213 : memref<1x125xi32, #tpu.memory_space<vmem>> -> memref<125xi32, #tpu.memory_space<vmem>>
    %dma_start3A_215 = arith.constant 0 : i32
    %dma_start3A_216 = arith.constant 0 : i32
    %dma_start3A_217 = tpu.memref_slice %arg2[%dma_start3A_215, %dma_start3A_216] : memref<10000x64xf32, #tpu.memory_space<hbm>> -> memref<10000x64xf32, #tpu.memory_space<hbm>>
    tpu.enqueue_indirect_dma source(%dma_start3A_217 : memref<10000x64xf32, #tpu.memory_space<hbm>>) target(%dma_start3A_211 : memref<125x64xf32, #tpu.memory_space<vmem>>) offsets(%dma_start3A_214 : memref<125xi32, #tpu.memory_space<vmem>>) semaphore(%arg12 : memref<!tpu.dma_semaphore, #tpu.memory_space<semaphore_mem>>)
    %dma_start3A_218 = arith.constant 1 : i32
    %dma_start3A_219 = arith.constant 1 : i32
    %dma_start3A_220 = arith.constant 0 : i32
    %dma_start3A_221 = arith.constant 0 : i32
    %dma_start3A_222 = tpu.memref_slice %arg8[%dma_start3A_219, %dma_start3A_220, %dma_start3A_221] : memref<4x125x64xf32, #tpu.memory_space<vmem>> -> memref<1x125x64xf32, #tpu.memory_space<vmem>>
    %dma_start3A_223 = tpu.memref_squeeze %dma_start3A_222 : memref<1x125x64xf32, #tpu.memory_space<vmem>> -> memref<125x64xf32, #tpu.memory_space<vmem>>
    %dma_start3A_224 = arith.constant 0 : i32
    %dma_start3A_225 = tpu.memref_slice %arg6[%dma_start3A_218, %dma_start3A_224] : memref<80x125xi32, #tpu.memory_space<vmem>> -> memref<1x125xi32, #tpu.memory_space<vmem>>
    %dma_start3A_226 = tpu.memref_squeeze %dma_start3A_225 : memref<1x125xi32, #tpu.memory_space<vmem>> -> memref<125xi32, #tpu.memory_space<vmem>>
    %dma_start3A_227 = arith.constant 0 : i32
    %dma_start3A_228 = arith.constant 0 : i32
    %dma_start3A_229 = tpu.memref_slice %arg2[%dma_start3A_227, %dma_start3A_228] : memref<10000x64xf32, #tpu.memory_space<hbm>> -> memref<10000x64xf32, #tpu.memory_space<hbm>>
    tpu.enqueue_indirect_dma source(%dma_start3A_229 : memref<10000x64xf32, #tpu.memory_space<hbm>>) target(%dma_start3A_223 : memref<125x64xf32, #tpu.memory_space<vmem>>) offsets(%dma_start3A_226 : memref<125xi32, #tpu.memory_space<vmem>>) semaphore(%arg13 : memref<!tpu.dma_semaphore, #tpu.memory_space<semaphore_mem>>)
    %dma_start3A_230 = arith.constant 2 : i32
    %dma_start3A_231 = arith.constant 2 : i32
    %dma_start3A_232 = arith.constant 0 : i32
    %dma_start3A_233 = arith.constant 0 : i32
    %dma_start3A_234 = tpu.memref_slice %arg8[%dma_start3A_231, %dma_start3A_232, %dma_start3A_233] : memref<4x125x64xf32, #tpu.memory_space<vmem>> -> memref<1x125x64xf32, #tpu.memory_space<vmem>>
    %dma_start3A_235 = tpu.memref_squeeze %dma_start3A_234 : memref<1x125x64xf32, #tpu.memory_space<vmem>> -> memref<125x64xf32, #tpu.memory_space<vmem>>
    %dma_start3A_236 = arith.constant 0 : i32
    %dma_start3A_237 = tpu.memref_slice %arg6[%dma_start3A_230, %dma_start3A_236] : memref<80x125xi32, #tpu.memory_space<vmem>> -> memref<1x125xi32, #tpu.memory_space<vmem>>
    %dma_start3A_238 = tpu.memref_squeeze %dma_start3A_237 : memref<1x125xi32, #tpu.memory_space<vmem>> -> memref<125xi32, #tpu.memory_space<vmem>>
    %dma_start3A_239 = arith.constant 0 : i32
    %dma_start3A_240 = arith.constant 0 : i32
    %dma_start3A_241 = tpu.memref_slice %arg2[%dma_start3A_239, %dma_start3A_240] : memref<10000x64xf32, #tpu.memory_space<hbm>> -> memref<10000x64xf32, #tpu.memory_space<hbm>>
    tpu.enqueue_indirect_dma source(%dma_start3A_241 : memref<10000x64xf32, #tpu.memory_space<hbm>>) target(%dma_start3A_235 : memref<125x64xf32, #tpu.memory_space<vmem>>) offsets(%dma_start3A_238 : memref<125xi32, #tpu.memory_space<vmem>>) semaphore(%arg14 : memref<!tpu.dma_semaphore, #tpu.memory_space<semaphore_mem>>)
    %scan3A_242 = arith.constant 0 : i32
    %scan3A_243 = arith.constant 0 : i32
    %scan3A_244 = arith.constant 20 : i32
    %scan3A_245 = arith.addi %scan3A_243, %scan3A_244 : i32
    %scan3A_246 = arith.constant 1 : i32
    scf.for %scan3A_295 = %scan3A_243 to %scan3A_245 step %scan3A_246  : i32 {
      %mul3A_296 = arith.constant 4 : i32
      %mul3A_297 = arith.muli %mul3A_296, %scan3A_295 : i32
      %add3A_298 = arith.constant 0 : i32
      %add3A_299 = arith.addi %mul3A_297, %add3A_298 : i32
      %add3A_300 = arith.constant 3 : i32
      %add3A_301 = arith.addi %add3A_299, %add3A_300 : i32
      %rem3A = arith.constant 80 : i32
      %rem3A_302 = arith.remsi %add3A_301, %rem3A : i32
      %dma_start3A_303 = arith.constant 3 : i32
      %dma_start3A_304 = arith.constant 0 : i32
      %dma_start3A_305 = arith.constant 0 : i32
      %dma_start3A_306 = tpu.memref_slice %arg8[%dma_start3A_303, %dma_start3A_304, %dma_start3A_305] : memref<4x125x64xf32, #tpu.memory_space<vmem>> -> memref<1x125x64xf32, #tpu.memory_space<vmem>>
      %dma_start3A_307 = tpu.memref_squeeze %dma_start3A_306 : memref<1x125x64xf32, #tpu.memory_space<vmem>> -> memref<125x64xf32, #tpu.memory_space<vmem>>
      %dma_start3A_308 = arith.constant 0 : i32
      %dma_start3A_309 = tpu.memref_slice %arg6[%rem3A_302, %dma_start3A_308] : memref<80x125xi32, #tpu.memory_space<vmem>> -> memref<1x125xi32, #tpu.memory_space<vmem>>
      %dma_start3A_310 = tpu.memref_squeeze %dma_start3A_309 : memref<1x125xi32, #tpu.memory_space<vmem>> -> memref<125xi32, #tpu.memory_space<vmem>>
      %dma_start3A_311 = arith.constant 0 : i32
      %dma_start3A_312 = arith.constant 0 : i32
      %dma_start3A_313 = tpu.memref_slice %arg2[%dma_start3A_311, %dma_start3A_312] : memref<10000x64xf32, #tpu.memory_space<hbm>> -> memref<10000x64xf32, #tpu.memory_space<hbm>>
      tpu.enqueue_indirect_dma source(%dma_start3A_313 : memref<10000x64xf32, #tpu.memory_space<hbm>>) target(%dma_start3A_307 : memref<125x64xf32, #tpu.memory_space<vmem>>) offsets(%dma_start3A_310 : memref<125xi32, #tpu.memory_space<vmem>>) semaphore(%arg15 : memref<!tpu.dma_semaphore, #tpu.memory_space<semaphore_mem>>)
      %dma_wait3A_314 = arith.constant 0 : i32
      %dma_wait3A_315 = arith.constant 0 : i32
      %dma_wait3A_316 = arith.constant 0 : i32
      %dma_wait3A_317 = tpu.memref_slice %arg8[%dma_wait3A_314, %dma_wait3A_315, %dma_wait3A_316] : memref<4x125x64xf32, #tpu.memory_space<vmem>> -> memref<1x125x64xf32, #tpu.memory_space<vmem>>
      %dma_wait3A_318 = tpu.memref_squeeze %dma_wait3A_317 : memref<1x125x64xf32, #tpu.memory_space<vmem>> -> memref<125x64xf32, #tpu.memory_space<vmem>>
      %dma_wait3A_319 = arith.constant 0 : i32
      %dma_wait3A_320 = tpu.memref_slice %arg6[%add3A_299, %dma_wait3A_319] : memref<80x125xi32, #tpu.memory_space<vmem>> -> memref<1x125xi32, #tpu.memory_space<vmem>>
      %dma_wait3A_321 = tpu.memref_squeeze %dma_wait3A_320 : memref<1x125xi32, #tpu.memory_space<vmem>> -> memref<125xi32, #tpu.memory_space<vmem>>
      %dma_wait3A_322 = arith.constant 0 : i32
      %dma_wait3A_323 = arith.constant 0 : i32
      %dma_wait3A_324 = tpu.memref_slice %arg2[%dma_wait3A_322, %dma_wait3A_323] : memref<10000x64xf32, #tpu.memory_space<hbm>> -> memref<10000x64xf32, #tpu.memory_space<hbm>>
      tpu.wait_indirect_dma semaphore(%arg12 : memref<!tpu.dma_semaphore, #tpu.memory_space<semaphore_mem>>) src(%dma_wait3A_324 : memref<10000x64xf32, #tpu.memory_space<hbm>>) dst(%dma_wait3A_318 : memref<125x64xf32, #tpu.memory_space<vmem>>)
      %run_scoped3A = arith.constant 0 : i32
      "tpu.region"() ({
        %run_scoped3A_412 = tpu.sem_alloc : memref<!tpu.dma_semaphore, #tpu.memory_space<semaphore_mem>>
        %dma_start3A_413 = arith.constant 0 : i32
        %dma_start3A_414 = arith.constant 0 : i32
        %dma_start3A_415 = tpu.memref_slice %arg8[%run_scoped3A, %dma_start3A_413, %dma_start3A_414] : memref<4x125x64xf32, #tpu.memory_space<vmem>> -> memref<1x125x64xf32, #tpu.memory_space<vmem>>
        %dma_start3A_416 = tpu.memref_squeeze %dma_start3A_415 : memref<1x125x64xf32, #tpu.memory_space<vmem>> -> memref<125x64xf32, #tpu.memory_space<vmem>>
        %dma_start3A_417 = arith.constant 0 : i32
        %dma_start3A_418 = tpu.memref_slice %arg7[%add3A_299, %dma_start3A_417] : memref<80x125xi32, #tpu.memory_space<vmem>> -> memref<1x125xi32, #tpu.memory_space<vmem>>
        %dma_start3A_419 = tpu.memref_squeeze %dma_start3A_418 : memref<1x125xi32, #tpu.memory_space<vmem>> -> memref<125xi32, #tpu.memory_space<vmem>>
        %dma_start3A_420 = arith.constant 0 : i32
        %dma_start3A_421 = arith.constant 0 : i32
        %dma_start3A_422 = tpu.memref_slice %arg11[%dma_start3A_420, %dma_start3A_421] : memref<10000x64xf32, #tpu.memory_space<vmem_shared>> -> memref<10000x64xf32, #tpu.memory_space<vmem_shared>>
        tpu.enqueue_indirect_dma source(%dma_start3A_416 : memref<125x64xf32, #tpu.memory_space<vmem>>) target(%dma_start3A_422 : memref<10000x64xf32, #tpu.memory_space<vmem_shared>>) offsets(%dma_start3A_419 : memref<125xi32, #tpu.memory_space<vmem>>) semaphore(%run_scoped3A_412 : memref<!tpu.dma_semaphore, #tpu.memory_space<semaphore_mem>>) {add = true}
        %dma_wait3A_423 = arith.constant 0 : i32
        %dma_wait3A_424 = arith.constant 0 : i32
        %dma_wait3A_425 = tpu.memref_slice %arg8[%run_scoped3A, %dma_wait3A_423, %dma_wait3A_424] : memref<4x125x64xf32, #tpu.memory_space<vmem>> -> memref<1x125x64xf32, #tpu.memory_space<vmem>>
        %dma_wait3A_426 = tpu.memref_squeeze %dma_wait3A_425 : memref<1x125x64xf32, #tpu.memory_space<vmem>> -> memref<125x64xf32, #tpu.memory_space<vmem>>
        %dma_wait3A_427 = arith.constant 0 : i32
        %dma_wait3A_428 = tpu.memref_slice %arg7[%add3A_299, %dma_wait3A_427] : memref<80x125xi32, #tpu.memory_space<vmem>> -> memref<1x125xi32, #tpu.memory_space<vmem>>
        %dma_wait3A_429 = tpu.memref_squeeze %dma_wait3A_428 : memref<1x125xi32, #tpu.memory_space<vmem>> -> memref<125xi32, #tpu.memory_space<vmem>>
        %dma_wait3A_430 = arith.constant 0 : i32
        %dma_wait3A_431 = arith.constant 0 : i32
        %dma_wait3A_432 = tpu.memref_slice %arg11[%dma_wait3A_430, %dma_wait3A_431] : memref<10000x64xf32, #tpu.memory_space<vmem_shared>> -> memref<10000x64xf32, #tpu.memory_space<vmem_shared>>
        tpu.wait_indirect_dma semaphore(%run_scoped3A_412 : memref<!tpu.dma_semaphore, #tpu.memory_space<semaphore_mem>>) src(%dma_wait3A_426 : memref<125x64xf32, #tpu.memory_space<vmem>>) dst(%dma_wait3A_432 : memref<10000x64xf32, #tpu.memory_space<vmem_shared>>)
        tpu.yield
      }) : () -> ()
      %add3A_325 = arith.constant 1 : i32
      %add3A_326 = arith.addi %mul3A_297, %add3A_325 : i32
      %add3A_327 = arith.constant 3 : i32
      %add3A_328 = arith.addi %add3A_326, %add3A_327 : i32
      %rem3A_329 = arith.constant 80 : i32
      %rem3A_330 = arith.remsi %add3A_328, %rem3A_329 : i32
      %dma_start3A_331 = arith.constant 0 : i32
      %dma_start3A_332 = arith.constant 0 : i32
      %dma_start3A_333 = arith.constant 0 : i32
      %dma_start3A_334 = tpu.memref_slice %arg8[%dma_start3A_331, %dma_start3A_332, %dma_start3A_333] : memref<4x125x64xf32, #tpu.memory_space<vmem>> -> memref<1x125x64xf32, #tpu.memory_space<vmem>>
      %dma_start3A_335 = tpu.memref_squeeze %dma_start3A_334 : memref<1x125x64xf32, #tpu.memory_space<vmem>> -> memref<125x64xf32, #tpu.memory_space<vmem>>
      %dma_start3A_336 = arith.constant 0 : i32
      %dma_start3A_337 = tpu.memref_slice %arg6[%rem3A_330, %dma_start3A_336] : memref<80x125xi32, #tpu.memory_space<vmem>> -> memref<1x125xi32, #tpu.memory_space<vmem>>
      %dma_start3A_338 = tpu.memref_squeeze %dma_start3A_337 : memref<1x125xi32, #tpu.memory_space<vmem>> -> memref<125xi32, #tpu.memory_space<vmem>>
      %dma_start3A_339 = arith.constant 0 : i32
      %dma_start3A_340 = arith.constant 0 : i32
      %dma_start3A_341 = tpu.memref_slice %arg2[%dma_start3A_339, %dma_start3A_340] : memref<10000x64xf32, #tpu.memory_space<hbm>> -> memref<10000x64xf32, #tpu.memory_space<hbm>>
      tpu.enqueue_indirect_dma source(%dma_start3A_341 : memref<10000x64xf32, #tpu.memory_space<hbm>>) target(%dma_start3A_335 : memref<125x64xf32, #tpu.memory_space<vmem>>) offsets(%dma_start3A_338 : memref<125xi32, #tpu.memory_space<vmem>>) semaphore(%arg12 : memref<!tpu.dma_semaphore, #tpu.memory_space<semaphore_mem>>)
      %dma_wait3A_342 = arith.constant 1 : i32
      %dma_wait3A_343 = arith.constant 0 : i32
      %dma_wait3A_344 = arith.constant 0 : i32
      %dma_wait3A_345 = tpu.memref_slice %arg8[%dma_wait3A_342, %dma_wait3A_343, %dma_wait3A_344] : memref<4x125x64xf32, #tpu.memory_space<vmem>> -> memref<1x125x64xf32, #tpu.memory_space<vmem>>
      %dma_wait3A_346 = tpu.memref_squeeze %dma_wait3A_345 : memref<1x125x64xf32, #tpu.memory_space<vmem>> -> memref<125x64xf32, #tpu.memory_space<vmem>>
      %dma_wait3A_347 = arith.constant 0 : i32
      %dma_wait3A_348 = tpu.memref_slice %arg6[%add3A_326, %dma_wait3A_347] : memref<80x125xi32, #tpu.memory_space<vmem>> -> memref<1x125xi32, #tpu.memory_space<vmem>>
      %dma_wait3A_349 = tpu.memref_squeeze %dma_wait3A_348 : memref<1x125xi32, #tpu.memory_space<vmem>> -> memref<125xi32, #tpu.memory_space<vmem>>
      %dma_wait3A_350 = arith.constant 0 : i32
      %dma_wait3A_351 = arith.constant 0 : i32
      %dma_wait3A_352 = tpu.memref_slice %arg2[%dma_wait3A_350, %dma_wait3A_351] : memref<10000x64xf32, #tpu.memory_space<hbm>> -> memref<10000x64xf32, #tpu.memory_space<hbm>>
      tpu.wait_indirect_dma semaphore(%arg13 : memref<!tpu.dma_semaphore, #tpu.memory_space<semaphore_mem>>) src(%dma_wait3A_352 : memref<10000x64xf32, #tpu.memory_space<hbm>>) dst(%dma_wait3A_346 : memref<125x64xf32, #tpu.memory_space<vmem>>)
      %run_scoped3A_353 = arith.constant 1 : i32
      "tpu.region"() ({
        %run_scoped3A_412 = tpu.sem_alloc : memref<!tpu.dma_semaphore, #tpu.memory_space<semaphore_mem>>
        %dma_start3A_413 = arith.constant 0 : i32
        %dma_start3A_414 = arith.constant 0 : i32
        %dma_start3A_415 = tpu.memref_slice %arg8[%run_scoped3A_353, %dma_start3A_413, %dma_start3A_414] : memref<4x125x64xf32, #tpu.memory_space<vmem>> -> memref<1x125x64xf32, #tpu.memory_space<vmem>>
        %dma_start3A_416 = tpu.memref_squeeze %dma_start3A_415 : memref<1x125x64xf32, #tpu.memory_space<vmem>> -> memref<125x64xf32, #tpu.memory_space<vmem>>
        %dma_start3A_417 = arith.constant 0 : i32
        %dma_start3A_418 = tpu.memref_slice %arg7[%add3A_326, %dma_start3A_417] : memref<80x125xi32, #tpu.memory_space<vmem>> -> memref<1x125xi32, #tpu.memory_space<vmem>>
        %dma_start3A_419 = tpu.memref_squeeze %dma_start3A_418 : memref<1x125xi32, #tpu.memory_space<vmem>> -> memref<125xi32, #tpu.memory_space<vmem>>
        %dma_start3A_420 = arith.constant 0 : i32
        %dma_start3A_421 = arith.constant 0 : i32
        %dma_start3A_422 = tpu.memref_slice %arg11[%dma_start3A_420, %dma_start3A_421] : memref<10000x64xf32, #tpu.memory_space<vmem_shared>> -> memref<10000x64xf32, #tpu.memory_space<vmem_shared>>
        tpu.enqueue_indirect_dma source(%dma_start3A_416 : memref<125x64xf32, #tpu.memory_space<vmem>>) target(%dma_start3A_422 : memref<10000x64xf32, #tpu.memory_space<vmem_shared>>) offsets(%dma_start3A_419 : memref<125xi32, #tpu.memory_space<vmem>>) semaphore(%run_scoped3A_412 : memref<!tpu.dma_semaphore, #tpu.memory_space<semaphore_mem>>) {add = true}
        %dma_wait3A_423 = arith.constant 0 : i32
        %dma_wait3A_424 = arith.constant 0 : i32
        %dma_wait3A_425 = tpu.memref_slice %arg8[%run_scoped3A_353, %dma_wait3A_423, %dma_wait3A_424] : memref<4x125x64xf32, #tpu.memory_space<vmem>> -> memref<1x125x64xf32, #tpu.memory_space<vmem>>
        %dma_wait3A_426 = tpu.memref_squeeze %dma_wait3A_425 : memref<1x125x64xf32, #tpu.memory_space<vmem>> -> memref<125x64xf32, #tpu.memory_space<vmem>>
        %dma_wait3A_427 = arith.constant 0 : i32
        %dma_wait3A_428 = tpu.memref_slice %arg7[%add3A_326, %dma_wait3A_427] : memref<80x125xi32, #tpu.memory_space<vmem>> -> memref<1x125xi32, #tpu.memory_space<vmem>>
        %dma_wait3A_429 = tpu.memref_squeeze %dma_wait3A_428 : memref<1x125xi32, #tpu.memory_space<vmem>> -> memref<125xi32, #tpu.memory_space<vmem>>
        %dma_wait3A_430 = arith.constant 0 : i32
        %dma_wait3A_431 = arith.constant 0 : i32
        %dma_wait3A_432 = tpu.memref_slice %arg11[%dma_wait3A_430, %dma_wait3A_431] : memref<10000x64xf32, #tpu.memory_space<vmem_shared>> -> memref<10000x64xf32, #tpu.memory_space<vmem_shared>>
        tpu.wait_indirect_dma semaphore(%run_scoped3A_412 : memref<!tpu.dma_semaphore, #tpu.memory_space<semaphore_mem>>) src(%dma_wait3A_426 : memref<125x64xf32, #tpu.memory_space<vmem>>) dst(%dma_wait3A_432 : memref<10000x64xf32, #tpu.memory_space<vmem_shared>>)
        tpu.yield
      }) : () -> ()
      %add3A_354 = arith.constant 2 : i32
      %add3A_355 = arith.addi %mul3A_297, %add3A_354 : i32
      %add3A_356 = arith.constant 3 : i32
      %add3A_357 = arith.addi %add3A_355, %add3A_356 : i32
      %rem3A_358 = arith.constant 80 : i32
      %rem3A_359 = arith.remsi %add3A_357, %rem3A_358 : i32
      %dma_start3A_360 = arith.constant 1 : i32
      %dma_start3A_361 = arith.constant 0 : i32
      %dma_start3A_362 = arith.constant 0 : i32
      %dma_start3A_363 = tpu.memref_slice %arg8[%dma_start3A_360, %dma_start3A_361, %dma_start3A_362] : memref<4x125x64xf32, #tpu.memory_space<vmem>> -> memref<1x125x64xf32, #tpu.memory_space<vmem>>
      %dma_start3A_364 = tpu.memref_squeeze %dma_start3A_363 : memref<1x125x64xf32, #tpu.memory_space<vmem>> -> memref<125x64xf32, #tpu.memory_space<vmem>>
      %dma_start3A_365 = arith.constant 0 : i32
      %dma_start3A_366 = tpu.memref_slice %arg6[%rem3A_359, %dma_start3A_365] : memref<80x125xi32, #tpu.memory_space<vmem>> -> memref<1x125xi32, #tpu.memory_space<vmem>>
      %dma_start3A_367 = tpu.memref_squeeze %dma_start3A_366 : memref<1x125xi32, #tpu.memory_space<vmem>> -> memref<125xi32, #tpu.memory_space<vmem>>
      %dma_start3A_368 = arith.constant 0 : i32
      %dma_start3A_369 = arith.constant 0 : i32
      %dma_start3A_370 = tpu.memref_slice %arg2[%dma_start3A_368, %dma_start3A_369] : memref<10000x64xf32, #tpu.memory_space<hbm>> -> memref<10000x64xf32, #tpu.memory_space<hbm>>
      tpu.enqueue_indirect_dma source(%dma_start3A_370 : memref<10000x64xf32, #tpu.memory_space<hbm>>) target(%dma_start3A_364 : memref<125x64xf32, #tpu.memory_space<vmem>>) offsets(%dma_start3A_367 : memref<125xi32, #tpu.memory_space<vmem>>) semaphore(%arg13 : memref<!tpu.dma_semaphore, #tpu.memory_space<semaphore_mem>>)
      %dma_wait3A_371 = arith.constant 2 : i32
      %dma_wait3A_372 = arith.constant 0 : i32
      %dma_wait3A_373 = arith.constant 0 : i32
      %dma_wait3A_374 = tpu.memref_slice %arg8[%dma_wait3A_371, %dma_wait3A_372, %dma_wait3A_373] : memref<4x125x64xf32, #tpu.memory_space<vmem>> -> memref<1x125x64xf32, #tpu.memory_space<vmem>>
      %dma_wait3A_375 = tpu.memref_squeeze %dma_wait3A_374 : memref<1x125x64xf32, #tpu.memory_space<vmem>> -> memref<125x64xf32, #tpu.memory_space<vmem>>
      %dma_wait3A_376 = arith.constant 0 : i32
      %dma_wait3A_377 = tpu.memref_slice %arg6[%add3A_355, %dma_wait3A_376] : memref<80x125xi32, #tpu.memory_space<vmem>> -> memref<1x125xi32, #tpu.memory_space<vmem>>
      %dma_wait3A_378 = tpu.memref_squeeze %dma_wait3A_377 : memref<1x125xi32, #tpu.memory_space<vmem>> -> memref<125xi32, #tpu.memory_space<vmem>>
      %dma_wait3A_379 = arith.constant 0 : i32
      %dma_wait3A_380 = arith.constant 0 : i32
      %dma_wait3A_381 = tpu.memref_slice %arg2[%dma_wait3A_379, %dma_wait3A_380] : memref<10000x64xf32, #tpu.memory_space<hbm>> -> memref<10000x64xf32, #tpu.memory_space<hbm>>
      tpu.wait_indirect_dma semaphore(%arg14 : memref<!tpu.dma_semaphore, #tpu.memory_space<semaphore_mem>>) src(%dma_wait3A_381 : memref<10000x64xf32, #tpu.memory_space<hbm>>) dst(%dma_wait3A_375 : memref<125x64xf32, #tpu.memory_space<vmem>>)
      %run_scoped3A_382 = arith.constant 2 : i32
      "tpu.region"() ({
        %run_scoped3A_412 = tpu.sem_alloc : memref<!tpu.dma_semaphore, #tpu.memory_space<semaphore_mem>>
        %dma_start3A_413 = arith.constant 0 : i32
        %dma_start3A_414 = arith.constant 0 : i32
        %dma_start3A_415 = tpu.memref_slice %arg8[%run_scoped3A_382, %dma_start3A_413, %dma_start3A_414] : memref<4x125x64xf32, #tpu.memory_space<vmem>> -> memref<1x125x64xf32, #tpu.memory_space<vmem>>
        %dma_start3A_416 = tpu.memref_squeeze %dma_start3A_415 : memref<1x125x64xf32, #tpu.memory_space<vmem>> -> memref<125x64xf32, #tpu.memory_space<vmem>>
        %dma_start3A_417 = arith.constant 0 : i32
        %dma_start3A_418 = tpu.memref_slice %arg7[%add3A_355, %dma_start3A_417] : memref<80x125xi32, #tpu.memory_space<vmem>> -> memref<1x125xi32, #tpu.memory_space<vmem>>
        %dma_start3A_419 = tpu.memref_squeeze %dma_start3A_418 : memref<1x125xi32, #tpu.memory_space<vmem>> -> memref<125xi32, #tpu.memory_space<vmem>>
        %dma_start3A_420 = arith.constant 0 : i32
        %dma_start3A_421 = arith.constant 0 : i32
        %dma_start3A_422 = tpu.memref_slice %arg11[%dma_start3A_420, %dma_start3A_421] : memref<10000x64xf32, #tpu.memory_space<vmem_shared>> -> memref<10000x64xf32, #tpu.memory_space<vmem_shared>>
        tpu.enqueue_indirect_dma source(%dma_start3A_416 : memref<125x64xf32, #tpu.memory_space<vmem>>) target(%dma_start3A_422 : memref<10000x64xf32, #tpu.memory_space<vmem_shared>>) offsets(%dma_start3A_419 : memref<125xi32, #tpu.memory_space<vmem>>) semaphore(%run_scoped3A_412 : memref<!tpu.dma_semaphore, #tpu.memory_space<semaphore_mem>>) {add = true}
        %dma_wait3A_423 = arith.constant 0 : i32
        %dma_wait3A_424 = arith.constant 0 : i32
        %dma_wait3A_425 = tpu.memref_slice %arg8[%run_scoped3A_382, %dma_wait3A_423, %dma_wait3A_424] : memref<4x125x64xf32, #tpu.memory_space<vmem>> -> memref<1x125x64xf32, #tpu.memory_space<vmem>>
        %dma_wait3A_426 = tpu.memref_squeeze %dma_wait3A_425 : memref<1x125x64xf32, #tpu.memory_space<vmem>> -> memref<125x64xf32, #tpu.memory_space<vmem>>
        %dma_wait3A_427 = arith.constant 0 : i32
        %dma_wait3A_428 = tpu.memref_slice %arg7[%add3A_355, %dma_wait3A_427] : memref<80x125xi32, #tpu.memory_space<vmem>> -> memref<1x125xi32, #tpu.memory_space<vmem>>
        %dma_wait3A_429 = tpu.memref_squeeze %dma_wait3A_428 : memref<1x125xi32, #tpu.memory_space<vmem>> -> memref<125xi32, #tpu.memory_space<vmem>>
        %dma_wait3A_430 = arith.constant 0 : i32
        %dma_wait3A_431 = arith.constant 0 : i32
        %dma_wait3A_432 = tpu.memref_slice %arg11[%dma_wait3A_430, %dma_wait3A_431] : memref<10000x64xf32, #tpu.memory_space<vmem_shared>> -> memref<10000x64xf32, #tpu.memory_space<vmem_shared>>
        tpu.wait_indirect_dma semaphore(%run_scoped3A_412 : memref<!tpu.dma_semaphore, #tpu.memory_space<semaphore_mem>>) src(%dma_wait3A_426 : memref<125x64xf32, #tpu.memory_space<vmem>>) dst(%dma_wait3A_432 : memref<10000x64xf32, #tpu.memory_space<vmem_shared>>)
        tpu.yield
      }) : () -> ()
      %add3A_383 = arith.constant 3 : i32
      %add3A_384 = arith.addi %mul3A_297, %add3A_383 : i32
      %add3A_385 = arith.constant 3 : i32
      %add3A_386 = arith.addi %add3A_384, %add3A_385 : i32
      %rem3A_387 = arith.constant 80 : i32
      %rem3A_388 = arith.remsi %add3A_386, %rem3A_387 : i32
      %dma_start3A_389 = arith.constant 2 : i32
      %dma_start3A_390 = arith.constant 0 : i32
      %dma_start3A_391 = arith.constant 0 : i32
      %dma_start3A_392 = tpu.memref_slice %arg8[%dma_start3A_389, %dma_start3A_390, %dma_start3A_391] : memref<4x125x64xf32, #tpu.memory_space<vmem>> -> memref<1x125x64xf32, #tpu.memory_space<vmem>>
      %dma_start3A_393 = tpu.memref_squeeze %dma_start3A_392 : memref<1x125x64xf32, #tpu.memory_space<vmem>> -> memref<125x64xf32, #tpu.memory_space<vmem>>
      %dma_start3A_394 = arith.constant 0 : i32
      %dma_start3A_395 = tpu.memref_slice %arg6[%rem3A_388, %dma_start3A_394] : memref<80x125xi32, #tpu.memory_space<vmem>> -> memref<1x125xi32, #tpu.memory_space<vmem>>
      %dma_start3A_396 = tpu.memref_squeeze %dma_start3A_395 : memref<1x125xi32, #tpu.memory_space<vmem>> -> memref<125xi32, #tpu.memory_space<vmem>>
      %dma_start3A_397 = arith.constant 0 : i32
      %dma_start3A_398 = arith.constant 0 : i32
      %dma_start3A_399 = tpu.memref_slice %arg2[%dma_start3A_397, %dma_start3A_398] : memref<10000x64xf32, #tpu.memory_space<hbm>> -> memref<10000x64xf32, #tpu.memory_space<hbm>>
      tpu.enqueue_indirect_dma source(%dma_start3A_399 : memref<10000x64xf32, #tpu.memory_space<hbm>>) target(%dma_start3A_393 : memref<125x64xf32, #tpu.memory_space<vmem>>) offsets(%dma_start3A_396 : memref<125xi32, #tpu.memory_space<vmem>>) semaphore(%arg14 : memref<!tpu.dma_semaphore, #tpu.memory_space<semaphore_mem>>)
      %dma_wait3A_400 = arith.constant 3 : i32
      %dma_wait3A_401 = arith.constant 0 : i32
      %dma_wait3A_402 = arith.constant 0 : i32
      %dma_wait3A_403 = tpu.memref_slice %arg8[%dma_wait3A_400, %dma_wait3A_401, %dma_wait3A_402] : memref<4x125x64xf32, #tpu.memory_space<vmem>> -> memref<1x125x64xf32, #tpu.memory_space<vmem>>
      %dma_wait3A_404 = tpu.memref_squeeze %dma_wait3A_403 : memref<1x125x64xf32, #tpu.memory_space<vmem>> -> memref<125x64xf32, #tpu.memory_space<vmem>>
      %dma_wait3A_405 = arith.constant 0 : i32
      %dma_wait3A_406 = tpu.memref_slice %arg6[%add3A_384, %dma_wait3A_405] : memref<80x125xi32, #tpu.memory_space<vmem>> -> memref<1x125xi32, #tpu.memory_space<vmem>>
      %dma_wait3A_407 = tpu.memref_squeeze %dma_wait3A_406 : memref<1x125xi32, #tpu.memory_space<vmem>> -> memref<125xi32, #tpu.memory_space<vmem>>
      %dma_wait3A_408 = arith.constant 0 : i32
      %dma_wait3A_409 = arith.constant 0 : i32
      %dma_wait3A_410 = tpu.memref_slice %arg2[%dma_wait3A_408, %dma_wait3A_409] : memref<10000x64xf32, #tpu.memory_space<hbm>> -> memref<10000x64xf32, #tpu.memory_space<hbm>>
      tpu.wait_indirect_dma semaphore(%arg15 : memref<!tpu.dma_semaphore, #tpu.memory_space<semaphore_mem>>) src(%dma_wait3A_410 : memref<10000x64xf32, #tpu.memory_space<hbm>>) dst(%dma_wait3A_404 : memref<125x64xf32, #tpu.memory_space<vmem>>)
      %run_scoped3A_411 = arith.constant 3 : i32
      "tpu.region"() ({
        %run_scoped3A_412 = tpu.sem_alloc : memref<!tpu.dma_semaphore, #tpu.memory_space<semaphore_mem>>
        %dma_start3A_413 = arith.constant 0 : i32
        %dma_start3A_414 = arith.constant 0 : i32
        %dma_start3A_415 = tpu.memref_slice %arg8[%run_scoped3A_411, %dma_start3A_413, %dma_start3A_414] : memref<4x125x64xf32, #tpu.memory_space<vmem>> -> memref<1x125x64xf32, #tpu.memory_space<vmem>>
        %dma_start3A_416 = tpu.memref_squeeze %dma_start3A_415 : memref<1x125x64xf32, #tpu.memory_space<vmem>> -> memref<125x64xf32, #tpu.memory_space<vmem>>
        %dma_start3A_417 = arith.constant 0 : i32
        %dma_start3A_418 = tpu.memref_slice %arg7[%add3A_384, %dma_start3A_417] : memref<80x125xi32, #tpu.memory_space<vmem>> -> memref<1x125xi32, #tpu.memory_space<vmem>>
        %dma_start3A_419 = tpu.memref_squeeze %dma_start3A_418 : memref<1x125xi32, #tpu.memory_space<vmem>> -> memref<125xi32, #tpu.memory_space<vmem>>
        %dma_start3A_420 = arith.constant 0 : i32
        %dma_start3A_421 = arith.constant 0 : i32
        %dma_start3A_422 = tpu.memref_slice %arg11[%dma_start3A_420, %dma_start3A_421] : memref<10000x64xf32, #tpu.memory_space<vmem_shared>> -> memref<10000x64xf32, #tpu.memory_space<vmem_shared>>
        tpu.enqueue_indirect_dma source(%dma_start3A_416 : memref<125x64xf32, #tpu.memory_space<vmem>>) target(%dma_start3A_422 : memref<10000x64xf32, #tpu.memory_space<vmem_shared>>) offsets(%dma_start3A_419 : memref<125xi32, #tpu.memory_space<vmem>>) semaphore(%run_scoped3A_412 : memref<!tpu.dma_semaphore, #tpu.memory_space<semaphore_mem>>) {add = true}
        %dma_wait3A_423 = arith.constant 0 : i32
        %dma_wait3A_424 = arith.constant 0 : i32
        %dma_wait3A_425 = tpu.memref_slice %arg8[%run_scoped3A_411, %dma_wait3A_423, %dma_wait3A_424] : memref<4x125x64xf32, #tpu.memory_space<vmem>> -> memref<1x125x64xf32, #tpu.memory_space<vmem>>
        %dma_wait3A_426 = tpu.memref_squeeze %dma_wait3A_425 : memref<1x125x64xf32, #tpu.memory_space<vmem>> -> memref<125x64xf32, #tpu.memory_space<vmem>>
        %dma_wait3A_427 = arith.constant 0 : i32
        %dma_wait3A_428 = tpu.memref_slice %arg7[%add3A_384, %dma_wait3A_427] : memref<80x125xi32, #tpu.memory_space<vmem>> -> memref<1x125xi32, #tpu.memory_space<vmem>>
        %dma_wait3A_429 = tpu.memref_squeeze %dma_wait3A_428 : memref<1x125xi32, #tpu.memory_space<vmem>> -> memref<125xi32, #tpu.memory_space<vmem>>
        %dma_wait3A_430 = arith.constant 0 : i32
        %dma_wait3A_431 = arith.constant 0 : i32
        %dma_wait3A_432 = tpu.memref_slice %arg11[%dma_wait3A_430, %dma_wait3A_431] : memref<10000x64xf32, #tpu.memory_space<vmem_shared>> -> memref<10000x64xf32, #tpu.memory_space<vmem_shared>>
        tpu.wait_indirect_dma semaphore(%run_scoped3A_412 : memref<!tpu.dma_semaphore, #tpu.memory_space<semaphore_mem>>) src(%dma_wait3A_426 : memref<125x64xf32, #tpu.memory_space<vmem>>) dst(%dma_wait3A_432 : memref<10000x64xf32, #tpu.memory_space<vmem_shared>>)
        tpu.yield
      }) : () -> ()
    }
    %scan3A_247 = arith.constant 20 : i32
    %dma_wait3A = arith.constant 0 : i32
    %dma_wait3A_248 = arith.constant 0 : i32
    %dma_wait3A_249 = arith.constant 0 : i32
    %dma_wait3A_250 = arith.constant 0 : i32
    %dma_wait3A_251 = tpu.memref_slice %arg8[%dma_wait3A_248, %dma_wait3A_249, %dma_wait3A_250] : memref<4x125x64xf32, #tpu.memory_space<vmem>> -> memref<1x125x64xf32, #tpu.memory_space<vmem>>
    %dma_wait3A_252 = tpu.memref_squeeze %dma_wait3A_251 : memref<1x125x64xf32, #tpu.memory_space<vmem>> -> memref<125x64xf32, #tpu.memory_space<vmem>>
    %dma_wait3A_253 = arith.constant 0 : i32
    %dma_wait3A_254 = tpu.memref_slice %arg6[%dma_wait3A, %dma_wait3A_253] : memref<80x125xi32, #tpu.memory_space<vmem>> -> memref<1x125xi32, #tpu.memory_space<vmem>>
    %dma_wait3A_255 = tpu.memref_squeeze %dma_wait3A_254 : memref<1x125xi32, #tpu.memory_space<vmem>> -> memref<125xi32, #tpu.memory_space<vmem>>
    %dma_wait3A_256 = arith.constant 0 : i32
    %dma_wait3A_257 = arith.constant 0 : i32
    %dma_wait3A_258 = tpu.memref_slice %arg2[%dma_wait3A_256, %dma_wait3A_257] : memref<10000x64xf32, #tpu.memory_space<hbm>> -> memref<10000x64xf32, #tpu.memory_space<hbm>>
    tpu.wait_indirect_dma semaphore(%arg12 : memref<!tpu.dma_semaphore, #tpu.memory_space<semaphore_mem>>) src(%dma_wait3A_258 : memref<10000x64xf32, #tpu.memory_space<hbm>>) dst(%dma_wait3A_252 : memref<125x64xf32, #tpu.memory_space<vmem>>)
    %dma_wait3A_259 = arith.constant 1 : i32
    %dma_wait3A_260 = arith.constant 1 : i32
    %dma_wait3A_261 = arith.constant 0 : i32
    %dma_wait3A_262 = arith.constant 0 : i32
    %dma_wait3A_263 = tpu.memref_slice %arg8[%dma_wait3A_260, %dma_wait3A_261, %dma_wait3A_262] : memref<4x125x64xf32, #tpu.memory_space<vmem>> -> memref<1x125x64xf32, #tpu.memory_space<vmem>>
    %dma_wait3A_264 = tpu.memref_squeeze %dma_wait3A_263 : memref<1x125x64xf32, #tpu.memory_space<vmem>> -> memref<125x64xf32, #tpu.memory_space<vmem>>
    %dma_wait3A_265 = arith.constant 0 : i32
    %dma_wait3A_266 = tpu.memref_slice %arg6[%dma_wait3A_259, %dma_wait3A_265] : memref<80x125xi32, #tpu.memory_space<vmem>> -> memref<1x125xi32, #tpu.memory_space<vmem>>
    %dma_wait3A_267 = tpu.memref_squeeze %dma_wait3A_266 : memref<1x125xi32, #tpu.memory_space<vmem>> -> memref<125xi32, #tpu.memory_space<vmem>>
    %dma_wait3A_268 = arith.constant 0 : i32
    %dma_wait3A_269 = arith.constant 0 : i32
    %dma_wait3A_270 = tpu.memref_slice %arg2[%dma_wait3A_268, %dma_wait3A_269] : memref<10000x64xf32, #tpu.memory_space<hbm>> -> memref<10000x64xf32, #tpu.memory_space<hbm>>
    tpu.wait_indirect_dma semaphore(%arg13 : memref<!tpu.dma_semaphore, #tpu.memory_space<semaphore_mem>>) src(%dma_wait3A_270 : memref<10000x64xf32, #tpu.memory_space<hbm>>) dst(%dma_wait3A_264 : memref<125x64xf32, #tpu.memory_space<vmem>>)
    %dma_wait3A_271 = arith.constant 2 : i32
    %dma_wait3A_272 = arith.constant 2 : i32
    %dma_wait3A_273 = arith.constant 0 : i32
    %dma_wait3A_274 = arith.constant 0 : i32
    %dma_wait3A_275 = tpu.memref_slice %arg8[%dma_wait3A_272, %dma_wait3A_273, %dma_wait3A_274] : memref<4x125x64xf32, #tpu.memory_space<vmem>> -> memref<1x125x64xf32, #tpu.memory_space<vmem>>
    %dma_wait3A_276 = tpu.memref_squeeze %dma_wait3A_275 : memref<1x125x64xf32, #tpu.memory_space<vmem>> -> memref<125x64xf32, #tpu.memory_space<vmem>>
    %dma_wait3A_277 = arith.constant 0 : i32
    %dma_wait3A_278 = tpu.memref_slice %arg6[%dma_wait3A_271, %dma_wait3A_277] : memref<80x125xi32, #tpu.memory_space<vmem>> -> memref<1x125xi32, #tpu.memory_space<vmem>>
    %dma_wait3A_279 = tpu.memref_squeeze %dma_wait3A_278 : memref<1x125xi32, #tpu.memory_space<vmem>> -> memref<125xi32, #tpu.memory_space<vmem>>
    %dma_wait3A_280 = arith.constant 0 : i32
    %dma_wait3A_281 = arith.constant 0 : i32
    %dma_wait3A_282 = tpu.memref_slice %arg2[%dma_wait3A_280, %dma_wait3A_281] : memref<10000x64xf32, #tpu.memory_space<hbm>> -> memref<10000x64xf32, #tpu.memory_space<hbm>>
    tpu.wait_indirect_dma semaphore(%arg14 : memref<!tpu.dma_semaphore, #tpu.memory_space<semaphore_mem>>) src(%dma_wait3A_282 : memref<10000x64xf32, #tpu.memory_space<hbm>>) dst(%dma_wait3A_276 : memref<125x64xf32, #tpu.memory_space<vmem>>)
    %barrier3A_283 = arith.constant 0 : index
    tpu.barrier barrier_id(%barrier3A_283)
    %scan3A_284 = arith.constant 0 : i32
    %scan3A_285 = arith.constant 0 : i32
    %scan3A_286 = arith.constant 6 : i32
    %scan3A_287 = arith.addi %scan3A_285, %scan3A_286 : i32
    %scan3A_288 = arith.constant 1 : i32
    scf.for %scan3A_295 = %scan3A_285 to %scan3A_287 step %scan3A_288  : i32 {
      %mul3A_296 = arith.constant 104 : i32
      %mul3A_297 = arith.muli %scan3A_295, %mul3A_296 : i32
      %add3A_298 = arith.addi %multiple_of3A, %mul3A_297 : i32
      %multiple_of3A_299 = tpu.assume_multiple %add3A_298, 8 : i32
      "tpu.region"() ({
        %run_scoped3A = tpu.sem_alloc : memref<!tpu.dma_semaphore, #tpu.memory_space<semaphore_mem>>
        %dma_start3A_300 = arith.constant 0 : i32
        %dma_start3A_301 = tpu.memref_slice %arg11[%multiple_of3A_299, %dma_start3A_300] : memref<10000x64xf32, #tpu.memory_space<vmem_shared>> -> memref<104x64xf32, #tpu.memory_space<vmem_shared>>
        %dma_start3A_302 = arith.constant 0 : i32
        %dma_start3A_303 = tpu.memref_slice %arg11[%multiple_of3A_299, %dma_start3A_302] : memref<10000x64xf32, #tpu.memory_space<vmem_shared>> -> memref<104x64xf32, #tpu.memory_space<vmem_shared>>
        tpu.enqueue_dma source(%dma_start3A_303 : memref<104x64xf32, #tpu.memory_space<vmem_shared>>) target(%arg10 : memref<104x64xf32, #tpu.memory_space<vmem>>) target_semaphore(%run_scoped3A : memref<!tpu.dma_semaphore, #tpu.memory_space<semaphore_mem>>)
        %dma_wait3A_304 = arith.constant 0 : i32
        %dma_wait3A_305 = tpu.memref_slice %arg11[%multiple_of3A_299, %dma_wait3A_304] : memref<10000x64xf32, #tpu.memory_space<vmem_shared>> -> memref<104x64xf32, #tpu.memory_space<vmem_shared>>
        %dma_wait3A_306 = arith.constant 0 : i32
        %dma_wait3A_307 = tpu.memref_slice %arg11[%multiple_of3A_299, %dma_wait3A_306] : memref<10000x64xf32, #tpu.memory_space<vmem_shared>> -> memref<104x64xf32, #tpu.memory_space<vmem_shared>>
        tpu.wait_dma2 semaphore(%run_scoped3A : memref<!tpu.dma_semaphore, #tpu.memory_space<semaphore_mem>>) src(%dma_wait3A_307 : memref<104x64xf32, #tpu.memory_space<vmem_shared>>) dst(%arg10 : memref<104x64xf32, #tpu.memory_space<vmem>>)
        tpu.yield
      }) : () -> ()
      "tpu.region"() ({
        %run_scoped3A = tpu.sem_alloc : memref<!tpu.dma_semaphore, #tpu.memory_space<semaphore_mem>>
        %dma_start3A_300 = arith.constant 0 : i32
        %dma_start3A_301 = tpu.memref_slice %arg5[%arg0, %multiple_of3A_299, %dma_start3A_300] : memref<2x10000x64xf32, #tpu.memory_space<hbm>> -> memref<1x104x64xf32, #tpu.memory_space<hbm>>
        %dma_start3A_302 = tpu.memref_squeeze %dma_start3A_301 : memref<1x104x64xf32, #tpu.memory_space<hbm>> -> memref<104x64xf32, #tpu.memory_space<hbm>>
        %dma_start3A_303 = arith.constant 0 : i32
        %dma_start3A_304 = tpu.memref_slice %arg5[%arg0, %multiple_of3A_299, %dma_start3A_303] : memref<2x10000x64xf32, #tpu.memory_space<hbm>> -> memref<1x104x64xf32, #tpu.memory_space<hbm>>
        %dma_start3A_305 = tpu.memref_squeeze %dma_start3A_304 : memref<1x104x64xf32, #tpu.memory_space<hbm>> -> memref<104x64xf32, #tpu.memory_space<hbm>>
        tpu.enqueue_dma source(%arg10 : memref<104x64xf32, #tpu.memory_space<vmem>>) target(%dma_start3A_305 : memref<104x64xf32, #tpu.memory_space<hbm>>) target_semaphore(%run_scoped3A : memref<!tpu.dma_semaphore, #tpu.memory_space<semaphore_mem>>)
        %dma_wait3A_306 = arith.constant 0 : i32
        %dma_wait3A_307 = tpu.memref_slice %arg5[%arg0, %multiple_of3A_299, %dma_wait3A_306] : memref<2x10000x64xf32, #tpu.memory_space<hbm>> -> memref<1x104x64xf32, #tpu.memory_space<hbm>>
        %dma_wait3A_308 = tpu.memref_squeeze %dma_wait3A_307 : memref<1x104x64xf32, #tpu.memory_space<hbm>> -> memref<104x64xf32, #tpu.memory_space<hbm>>
        %dma_wait3A_309 = arith.constant 0 : i32
        %dma_wait3A_310 = tpu.memref_slice %arg5[%arg0, %multiple_of3A_299, %dma_wait3A_309] : memref<2x10000x64xf32, #tpu.memory_space<hbm>> -> memref<1x104x64xf32, #tpu.memory_space<hbm>>
        %dma_wait3A_311 = tpu.memref_squeeze %dma_wait3A_310 : memref<1x104x64xf32, #tpu.memory_space<hbm>> -> memref<104x64xf32, #tpu.memory_space<hbm>>
        tpu.wait_dma2 semaphore(%run_scoped3A : memref<!tpu.dma_semaphore, #tpu.memory_space<semaphore_mem>>) src(%arg10 : memref<104x64xf32, #tpu.memory_space<vmem>>) dst(%dma_wait3A_311 : memref<104x64xf32, #tpu.memory_space<hbm>>)
        tpu.yield
      }) : () -> ()
    }
    %scan3A_289 = arith.constant 6 : i32
    %lt3A_290 = arith.constant 2 : i32
    %lt3A_291 = arith.cmpi slt, %arg1, %lt3A_290 : i32
    %convert_element_type3A_292 = arith.extui %lt3A_291 : i1 to i32
    %cond3A_293 = arith.constant 0 : i32
    %cond3A_294 = arith.cmpi ne, %convert_element_type3A_292, %cond3A_293 : i32
    scf.if %cond3A_294 {
      "tpu.region"() ({
        %run_scoped3A = tpu.sem_alloc : memref<!tpu.dma_semaphore, #tpu.memory_space<semaphore_mem>>
        %dma_start3A_295 = arith.constant 0 : i32
        %dma_start3A_296 = tpu.memref_slice %arg11[%multiple_of3A_7, %dma_start3A_295] : memref<10000x64xf32, #tpu.memory_space<vmem_shared>> -> memref<8x64xf32, #tpu.memory_space<vmem_shared>>
        %dma_start3A_297 = arith.constant 0 : i32
        %dma_start3A_298 = tpu.memref_slice %arg11[%multiple_of3A_7, %dma_start3A_297] : memref<10000x64xf32, #tpu.memory_space<vmem_shared>> -> memref<8x64xf32, #tpu.memory_space<vmem_shared>>
        tpu.enqueue_dma source(%dma_start3A_298 : memref<8x64xf32, #tpu.memory_space<vmem_shared>>) target(%arg9 : memref<8x64xf32, #tpu.memory_space<vmem>>) target_semaphore(%run_scoped3A : memref<!tpu.dma_semaphore, #tpu.memory_space<semaphore_mem>>)
        %dma_wait3A_299 = arith.constant 0 : i32
        %dma_wait3A_300 = tpu.memref_slice %arg11[%multiple_of3A_7, %dma_wait3A_299] : memref<10000x64xf32, #tpu.memory_space<vmem_shared>> -> memref<8x64xf32, #tpu.memory_space<vmem_shared>>
        %dma_wait3A_301 = arith.constant 0 : i32
        %dma_wait3A_302 = tpu.memref_slice %arg11[%multiple_of3A_7, %dma_wait3A_301] : memref<10000x64xf32, #tpu.memory_space<vmem_shared>> -> memref<8x64xf32, #tpu.memory_space<vmem_shared>>
        tpu.wait_dma2 semaphore(%run_scoped3A : memref<!tpu.dma_semaphore, #tpu.memory_space<semaphore_mem>>) src(%dma_wait3A_302 : memref<8x64xf32, #tpu.memory_space<vmem_shared>>) dst(%arg9 : memref<8x64xf32, #tpu.memory_space<vmem>>)
        tpu.yield
      }) : () -> ()
      "tpu.region"() ({
        %run_scoped3A = tpu.sem_alloc : memref<!tpu.dma_semaphore, #tpu.memory_space<semaphore_mem>>
        %dma_start3A_295 = arith.constant 0 : i32
        %dma_start3A_296 = tpu.memref_slice %arg5[%arg0, %multiple_of3A_7, %dma_start3A_295] : memref<2x10000x64xf32, #tpu.memory_space<hbm>> -> memref<1x8x64xf32, #tpu.memory_space<hbm>>
        %dma_start3A_297 = tpu.memref_squeeze %dma_start3A_296 : memref<1x8x64xf32, #tpu.memory_space<hbm>> -> memref<8x64xf32, #tpu.memory_space<hbm>>
        %dma_start3A_298 = arith.constant 0 : i32
        %dma_start3A_299 = tpu.memref_slice %arg5[%arg0, %multiple_of3A_7, %dma_start3A_298] : memref<2x10000x64xf32, #tpu.memory_space<hbm>> -> memref<1x8x64xf32, #tpu.memory_space<hbm>>
        %dma_start3A_300 = tpu.memref_squeeze %dma_start3A_299 : memref<1x8x64xf32, #tpu.memory_space<hbm>> -> memref<8x64xf32, #tpu.memory_space<hbm>>
        tpu.enqueue_dma source(%arg9 : memref<8x64xf32, #tpu.memory_space<vmem>>) target(%dma_start3A_300 : memref<8x64xf32, #tpu.memory_space<hbm>>) target_semaphore(%run_scoped3A : memref<!tpu.dma_semaphore, #tpu.memory_space<semaphore_mem>>)
        %dma_wait3A_301 = arith.constant 0 : i32
        %dma_wait3A_302 = tpu.memref_slice %arg5[%arg0, %multiple_of3A_7, %dma_wait3A_301] : memref<2x10000x64xf32, #tpu.memory_space<hbm>> -> memref<1x8x64xf32, #tpu.memory_space<hbm>>
        %dma_wait3A_303 = tpu.memref_squeeze %dma_wait3A_302 : memref<1x8x64xf32, #tpu.memory_space<hbm>> -> memref<8x64xf32, #tpu.memory_space<hbm>>
        %dma_wait3A_304 = arith.constant 0 : i32
        %dma_wait3A_305 = tpu.memref_slice %arg5[%arg0, %multiple_of3A_7, %dma_wait3A_304] : memref<2x10000x64xf32, #tpu.memory_space<hbm>> -> memref<1x8x64xf32, #tpu.memory_space<hbm>>
        %dma_wait3A_306 = tpu.memref_squeeze %dma_wait3A_305 : memref<1x8x64xf32, #tpu.memory_space<hbm>> -> memref<8x64xf32, #tpu.memory_space<hbm>>
        tpu.wait_dma2 semaphore(%run_scoped3A : memref<!tpu.dma_semaphore, #tpu.memory_space<semaphore_mem>>) src(%arg9 : memref<8x64xf32, #tpu.memory_space<vmem>>) dst(%dma_wait3A_306 : memref<8x64xf32, #tpu.memory_space<hbm>>)
        tpu.yield
      }) : () -> ()
    } else {
    }
    return
  }
}

#map = affine_map<(d0, d1) -> (0, 0)>
#map1 = affine_map<(d0, d1) -> (0, 0, 0)>
module attributes {stable_mosaic.version = 14 : i64} {
  func.func @agg(%arg0: i32, %arg1: i32, %arg2: memref<10000x64xf32, #tpu.memory_space<hbm>>, %arg3: memref<32x80x125xi32, #tpu.memory_space<hbm>>, %arg4: memref<32x80x125xi32, #tpu.memory_space<hbm>>, %arg5: memref<2x10000x64xf32, #tpu.memory_space<hbm>>, %arg6: memref<80x125xi32, #tpu.memory_space<vmem>>, %arg7: memref<80x125xi32, #tpu.memory_space<vmem>>, %arg8: memref<4x125x64xf32, #tpu.memory_space<vmem>>, %arg9: memref<8x64xf32, #tpu.memory_space<vmem>>, %arg10: memref<104x64xf32, #tpu.memory_space<vmem>>, %arg11: memref<10000x64xf32, #tpu.memory_space<vmem_shared>>, %arg12: memref<!tpu.dma_semaphore, #tpu.memory_space<semaphore_mem>>, %arg13: memref<!tpu.dma_semaphore, #tpu.memory_space<semaphore_mem>>, %arg14: memref<!tpu.dma_semaphore, #tpu.memory_space<semaphore_mem>>, %arg15: memref<!tpu.dma_semaphore, #tpu.memory_space<semaphore_mem>>) attributes {dimension_semantics = [#tpu.dimension_semantics<core_parallel>, #tpu.dimension_semantics<subcore_parallel>], iteration_bounds = array<i64: 2, 16>, scalar_prefetch = 0 : i64, scratch_operands = 10 : i64, tpu.core_type = #tpu.core_type<sc_vector_subcore>, window_params = [{transform_indices = #map}, {transform_indices = #map1}, {transform_indices = #map1}, {transform_indices = #map1}]} {
    %mul3A = arith.constant 16 : i32
    %mul3A_0 = arith.muli %arg0, %mul3A : i32
    %add3A = arith.addi %mul3A_0, %arg1 : i32
    %mul3A_1 = arith.constant 624 : i32
    %mul3A_2 = arith.muli %arg1, %mul3A_1 : i32
    %multiple_of3A = tpu.assume_multiple %mul3A_2, 8 : i32
    %mul3A_3 = arith.constant 8 : i32
    %mul3A_4 = arith.muli %arg1, %mul3A_3 : i32
    %add3A_5 = arith.constant 9984 : i32
    %add3A_6 = arith.addi %add3A_5, %mul3A_4 : i32
    %multiple_of3A_7 = tpu.assume_multiple %add3A_6, 8 : i32
    "tpu.region"() ({
      %run_scoped3A = tpu.sem_alloc : memref<!tpu.dma_semaphore, #tpu.memory_space<semaphore_mem>>
      %dma_start3A_295 = arith.constant 0 : i32
      %dma_start3A_296 = arith.constant 0 : i32
      %dma_start3A_297 = tpu.memref_slice %arg3[%add3A, %dma_start3A_295, %dma_start3A_296] : memref<32x80x125xi32, #tpu.memory_space<hbm>> -> memref<1x80x125xi32, #tpu.memory_space<hbm>>
      %dma_start3A_298 = tpu.memref_squeeze %dma_start3A_297 : memref<1x80x125xi32, #tpu.memory_space<hbm>> -> memref<80x125xi32, #tpu.memory_space<hbm>>
      %dma_start3A_299 = arith.constant 0 : i32
      %dma_start3A_300 = arith.constant 0 : i32
      %dma_start3A_301 = tpu.memref_slice %arg3[%add3A, %dma_start3A_299, %dma_start3A_300] : memref<32x80x125xi32, #tpu.memory_space<hbm>> -> memref<1x80x125xi32, #tpu.memory_space<hbm>>
      %dma_start3A_302 = tpu.memref_squeeze %dma_start3A_301 : memref<1x80x125xi32, #tpu.memory_space<hbm>> -> memref<80x125xi32, #tpu.memory_space<hbm>>
      tpu.enqueue_dma source(%dma_start3A_302 : memref<80x125xi32, #tpu.memory_space<hbm>>) target(%arg6 : memref<80x125xi32, #tpu.memory_space<vmem>>) target_semaphore(%run_scoped3A : memref<!tpu.dma_semaphore, #tpu.memory_space<semaphore_mem>>)
      %dma_wait3A_303 = arith.constant 0 : i32
      %dma_wait3A_304 = arith.constant 0 : i32
      %dma_wait3A_305 = tpu.memref_slice %arg3[%add3A, %dma_wait3A_303, %dma_wait3A_304] : memref<32x80x125xi32, #tpu.memory_space<hbm>> -> memref<1x80x125xi32, #tpu.memory_space<hbm>>
      %dma_wait3A_306 = tpu.memref_squeeze %dma_wait3A_305 : memref<1x80x125xi32, #tpu.memory_space<hbm>> -> memref<80x125xi32, #tpu.memory_space<hbm>>
      %dma_wait3A_307 = arith.constant 0 : i32
      %dma_wait3A_308 = arith.constant 0 : i32
      %dma_wait3A_309 = tpu.memref_slice %arg3[%add3A, %dma_wait3A_307, %dma_wait3A_308] : memref<32x80x125xi32, #tpu.memory_space<hbm>> -> memref<1x80x125xi32, #tpu.memory_space<hbm>>
      %dma_wait3A_310 = tpu.memref_squeeze %dma_wait3A_309 : memref<1x80x125xi32, #tpu.memory_space<hbm>> -> memref<80x125xi32, #tpu.memory_space<hbm>>
      tpu.wait_dma2 semaphore(%run_scoped3A : memref<!tpu.dma_semaphore, #tpu.memory_space<semaphore_mem>>) src(%dma_wait3A_310 : memref<80x125xi32, #tpu.memory_space<hbm>>) dst(%arg6 : memref<80x125xi32, #tpu.memory_space<vmem>>)
      tpu.yield
    }) : () -> ()
    "tpu.region"() ({
      %run_scoped3A = tpu.sem_alloc : memref<!tpu.dma_semaphore, #tpu.memory_space<semaphore_mem>>
      %dma_start3A_295 = arith.constant 0 : i32
      %dma_start3A_296 = arith.constant 0 : i32
      %dma_start3A_297 = tpu.memref_slice %arg4[%add3A, %dma_start3A_295, %dma_start3A_296] : memref<32x80x125xi32, #tpu.memory_space<hbm>> -> memref<1x80x125xi32, #tpu.memory_space<hbm>>
      %dma_start3A_298 = tpu.memref_squeeze %dma_start3A_297 : memref<1x80x125xi32, #tpu.memory_space<hbm>> -> memref<80x125xi32, #tpu.memory_space<hbm>>
      %dma_start3A_299 = arith.constant 0 : i32
      %dma_start3A_300 = arith.constant 0 : i32
      %dma_start3A_301 = tpu.memref_slice %arg4[%add3A, %dma_start3A_299, %dma_start3A_300] : memref<32x80x125xi32, #tpu.memory_space<hbm>> -> memref<1x80x125xi32, #tpu.memory_space<hbm>>
      %dma_start3A_302 = tpu.memref_squeeze %dma_start3A_301 : memref<1x80x125xi32, #tpu.memory_space<hbm>> -> memref<80x125xi32, #tpu.memory_space<hbm>>
      tpu.enqueue_dma source(%dma_start3A_302 : memref<80x125xi32, #tpu.memory_space<hbm>>) target(%arg7 : memref<80x125xi32, #tpu.memory_space<vmem>>) target_semaphore(%run_scoped3A : memref<!tpu.dma_semaphore, #tpu.memory_space<semaphore_mem>>)
      %dma_wait3A_303 = arith.constant 0 : i32
      %dma_wait3A_304 = arith.constant 0 : i32
      %dma_wait3A_305 = tpu.memref_slice %arg4[%add3A, %dma_wait3A_303, %dma_wait3A_304] : memref<32x80x125xi32, #tpu.memory_space<hbm>> -> memref<1x80x125xi32, #tpu.memory_space<hbm>>
      %dma_wait3A_306 = tpu.memref_squeeze %dma_wait3A_305 : memref<1x80x125xi32, #tpu.memory_space<hbm>> -> memref<80x125xi32, #tpu.memory_space<hbm>>
      %dma_wait3A_307 = arith.constant 0 : i32
      %dma_wait3A_308 = arith.constant 0 : i32
      %dma_wait3A_309 = tpu.memref_slice %arg4[%add3A, %dma_wait3A_307, %dma_wait3A_308] : memref<32x80x125xi32, #tpu.memory_space<hbm>> -> memref<1x80x125xi32, #tpu.memory_space<hbm>>
      %dma_wait3A_310 = tpu.memref_squeeze %dma_wait3A_309 : memref<1x80x125xi32, #tpu.memory_space<hbm>> -> memref<80x125xi32, #tpu.memory_space<hbm>>
      tpu.wait_dma2 semaphore(%run_scoped3A : memref<!tpu.dma_semaphore, #tpu.memory_space<semaphore_mem>>) src(%dma_wait3A_310 : memref<80x125xi32, #tpu.memory_space<hbm>>) dst(%arg7 : memref<80x125xi32, #tpu.memory_space<vmem>>)
      tpu.yield
    }) : () -> ()
    %broadcast_in_dim3A = arith.constant 0.000000e+00 : f32
    %broadcast_in_dim3A_8 = vector.broadcast %broadcast_in_dim3A : f32 to vector<16xf32>
    %swap3A = arith.constant 0 : i32
    %swap3A_9 = arith.index_cast %swap3A : i32 to index
    %swap3A_10 = arith.constant 0 : index
    %swap3A_11 = tpu.vector_load %arg9[%swap3A_9, %swap3A_10] {strides = array<i32>} : memref<8x64xf32, #tpu.memory_space<vmem>>, vector<1x16xf32>,
    %swap3A_12 = vector.shape_cast %swap3A_11 : vector<1x16xf32> to vector<16xf32>
    %swap3A_13 = vector.shape_cast %broadcast_in_dim3A_8 : vector<16xf32> to vector<1x16xf32>
    tpu.vector_store %arg9[%swap3A_9, %swap3A_10], %swap3A_13 {strides = array<i32>} : memref<8x64xf32, #tpu.memory_space<vmem>>, vector<1x16xf32>,
    %swap3A_14 = arith.constant 0 : i32
    %swap3A_15 = arith.index_cast %swap3A_14 : i32 to index
    %swap3A_16 = arith.constant 16 : index
    %swap3A_17 = tpu.vector_load %arg9[%swap3A_15, %swap3A_16] {strides = array<i32>} : memref<8x64xf32, #tpu.memory_space<vmem>>, vector<1x16xf32>,
    %swap3A_18 = vector.shape_cast %swap3A_17 : vector<1x16xf32> to vector<16xf32>
    %swap3A_19 = vector.shape_cast %broadcast_in_dim3A_8 : vector<16xf32> to vector<1x16xf32>
    tpu.vector_store %arg9[%swap3A_15, %swap3A_16], %swap3A_19 {strides = array<i32>} : memref<8x64xf32, #tpu.memory_space<vmem>>, vector<1x16xf32>,
    %swap3A_20 = arith.constant 0 : i32
    %swap3A_21 = arith.index_cast %swap3A_20 : i32 to index
    %swap3A_22 = arith.constant 32 : index
    %swap3A_23 = tpu.vector_load %arg9[%swap3A_21, %swap3A_22] {strides = array<i32>} : memref<8x64xf32, #tpu.memory_space<vmem>>, vector<1x16xf32>,
    %swap3A_24 = vector.shape_cast %swap3A_23 : vector<1x16xf32> to vector<16xf32>
    %swap3A_25 = vector.shape_cast %broadcast_in_dim3A_8 : vector<16xf32> to vector<1x16xf32>
    tpu.vector_store %arg9[%swap3A_21, %swap3A_22], %swap3A_25 {strides = array<i32>} : memref<8x64xf32, #tpu.memory_space<vmem>>, vector<1x16xf32>,
    %swap3A_26 = arith.constant 0 : i32
    %swap3A_27 = arith.index_cast %swap3A_26 : i32 to index
    %swap3A_28 = arith.constant 48 : index
    %swap3A_29 = tpu.vector_load %arg9[%swap3A_27, %swap3A_28] {strides = array<i32>} : memref<8x64xf32, #tpu.memory_space<vmem>>, vector<1x16xf32>,
    %swap3A_30 = vector.shape_cast %swap3A_29 : vector<1x16xf32> to vector<16xf32>
    %swap3A_31 = vector.shape_cast %broadcast_in_dim3A_8 : vector<16xf32> to vector<1x16xf32>
    tpu.vector_store %arg9[%swap3A_27, %swap3A_28], %swap3A_31 {strides = array<i32>} : memref<8x64xf32, #tpu.memory_space<vmem>>, vector<1x16xf32>,
    %swap3A_32 = arith.constant 1 : i32
    %swap3A_33 = arith.index_cast %swap3A_32 : i32 to index
    %swap3A_34 = arith.constant 0 : index
    %swap3A_35 = tpu.vector_load %arg9[%swap3A_33, %swap3A_34] {strides = array<i32>} : memref<8x64xf32, #tpu.memory_space<vmem>>, vector<1x16xf32>,
    %swap3A_36 = vector.shape_cast %swap3A_35 : vector<1x16xf32> to vector<16xf32>
    %swap3A_37 = vector.shape_cast %broadcast_in_dim3A_8 : vector<16xf32> to vector<1x16xf32>
    tpu.vector_store %arg9[%swap3A_33, %swap3A_34], %swap3A_37 {strides = array<i32>} : memref<8x64xf32, #tpu.memory_space<vmem>>, vector<1x16xf32>,
    %swap3A_38 = arith.constant 1 : i32
    %swap3A_39 = arith.index_cast %swap3A_38 : i32 to index
    %swap3A_40 = arith.constant 16 : index
    %swap3A_41 = tpu.vector_load %arg9[%swap3A_39, %swap3A_40] {strides = array<i32>} : memref<8x64xf32, #tpu.memory_space<vmem>>, vector<1x16xf32>,
    %swap3A_42 = vector.shape_cast %swap3A_41 : vector<1x16xf32> to vector<16xf32>
    %swap3A_43 = vector.shape_cast %broadcast_in_dim3A_8 : vector<16xf32> to vector<1x16xf32>
    tpu.vector_store %arg9[%swap3A_39, %swap3A_40], %swap3A_43 {strides = array<i32>} : memref<8x64xf32, #tpu.memory_space<vmem>>, vector<1x16xf32>,
    %swap3A_44 = arith.constant 1 : i32
    %swap3A_45 = arith.index_cast %swap3A_44 : i32 to index
    %swap3A_46 = arith.constant 32 : index
    %swap3A_47 = tpu.vector_load %arg9[%swap3A_45, %swap3A_46] {strides = array<i32>} : memref<8x64xf32, #tpu.memory_space<vmem>>, vector<1x16xf32>,
    %swap3A_48 = vector.shape_cast %swap3A_47 : vector<1x16xf32> to vector<16xf32>
    %swap3A_49 = vector.shape_cast %broadcast_in_dim3A_8 : vector<16xf32> to vector<1x16xf32>
    tpu.vector_store %arg9[%swap3A_45, %swap3A_46], %swap3A_49 {strides = array<i32>} : memref<8x64xf32, #tpu.memory_space<vmem>>, vector<1x16xf32>,
    %swap3A_50 = arith.constant 1 : i32
    %swap3A_51 = arith.index_cast %swap3A_50 : i32 to index
    %swap3A_52 = arith.constant 48 : index
    %swap3A_53 = tpu.vector_load %arg9[%swap3A_51, %swap3A_52] {strides = array<i32>} : memref<8x64xf32, #tpu.memory_space<vmem>>, vector<1x16xf32>,
    %swap3A_54 = vector.shape_cast %swap3A_53 : vector<1x16xf32> to vector<16xf32>
    %swap3A_55 = vector.shape_cast %broadcast_in_dim3A_8 : vector<16xf32> to vector<1x16xf32>
    tpu.vector_store %arg9[%swap3A_51, %swap3A_52], %swap3A_55 {strides = array<i32>} : memref<8x64xf32, #tpu.memory_space<vmem>>, vector<1x16xf32>,
    %swap3A_56 = arith.constant 2 : i32
    %swap3A_57 = arith.index_cast %swap3A_56 : i32 to index
    %swap3A_58 = arith.constant 0 : index
    %swap3A_59 = tpu.vector_load %arg9[%swap3A_57, %swap3A_58] {strides = array<i32>} : memref<8x64xf32, #tpu.memory_space<vmem>>, vector<1x16xf32>,
    %swap3A_60 = vector.shape_cast %swap3A_59 : vector<1x16xf32> to vector<16xf32>
    %swap3A_61 = vector.shape_cast %broadcast_in_dim3A_8 : vector<16xf32> to vector<1x16xf32>
    tpu.vector_store %arg9[%swap3A_57, %swap3A_58], %swap3A_61 {strides = array<i32>} : memref<8x64xf32, #tpu.memory_space<vmem>>, vector<1x16xf32>,
    %swap3A_62 = arith.constant 2 : i32
    %swap3A_63 = arith.index_cast %swap3A_62 : i32 to index
    %swap3A_64 = arith.constant 16 : index
    %swap3A_65 = tpu.vector_load %arg9[%swap3A_63, %swap3A_64] {strides = array<i32>} : memref<8x64xf32, #tpu.memory_space<vmem>>, vector<1x16xf32>,
    %swap3A_66 = vector.shape_cast %swap3A_65 : vector<1x16xf32> to vector<16xf32>
    %swap3A_67 = vector.shape_cast %broadcast_in_dim3A_8 : vector<16xf32> to vector<1x16xf32>
    tpu.vector_store %arg9[%swap3A_63, %swap3A_64], %swap3A_67 {strides = array<i32>} : memref<8x64xf32, #tpu.memory_space<vmem>>, vector<1x16xf32>,
    %swap3A_68 = arith.constant 2 : i32
    %swap3A_69 = arith.index_cast %swap3A_68 : i32 to index
    %swap3A_70 = arith.constant 32 : index
    %swap3A_71 = tpu.vector_load %arg9[%swap3A_69, %swap3A_70] {strides = array<i32>} : memref<8x64xf32, #tpu.memory_space<vmem>>, vector<1x16xf32>,
    %swap3A_72 = vector.shape_cast %swap3A_71 : vector<1x16xf32> to vector<16xf32>
    %swap3A_73 = vector.shape_cast %broadcast_in_dim3A_8 : vector<16xf32> to vector<1x16xf32>
    tpu.vector_store %arg9[%swap3A_69, %swap3A_70], %swap3A_73 {strides = array<i32>} : memref<8x64xf32, #tpu.memory_space<vmem>>, vector<1x16xf32>,
    %swap3A_74 = arith.constant 2 : i32
    %swap3A_75 = arith.index_cast %swap3A_74 : i32 to index
    %swap3A_76 = arith.constant 48 : index
    %swap3A_77 = tpu.vector_load %arg9[%swap3A_75, %swap3A_76] {strides = array<i32>} : memref<8x64xf32, #tpu.memory_space<vmem>>, vector<1x16xf32>,
    %swap3A_78 = vector.shape_cast %swap3A_77 : vector<1x16xf32> to vector<16xf32>
    %swap3A_79 = vector.shape_cast %broadcast_in_dim3A_8 : vector<16xf32> to vector<1x16xf32>
    tpu.vector_store %arg9[%swap3A_75, %swap3A_76], %swap3A_79 {strides = array<i32>} : memref<8x64xf32, #tpu.memory_space<vmem>>, vector<1x16xf32>,
    %swap3A_80 = arith.constant 3 : i32
    %swap3A_81 = arith.index_cast %swap3A_80 : i32 to index
    %swap3A_82 = arith.constant 0 : index
    %swap3A_83 = tpu.vector_load %arg9[%swap3A_81, %swap3A_82] {strides = array<i32>} : memref<8x64xf32, #tpu.memory_space<vmem>>, vector<1x16xf32>,
    %swap3A_84 = vector.shape_cast %swap3A_83 : vector<1x16xf32> to vector<16xf32>
    %swap3A_85 = vector.shape_cast %broadcast_in_dim3A_8 : vector<16xf32> to vector<1x16xf32>
    tpu.vector_store %arg9[%swap3A_81, %swap3A_82], %swap3A_85 {strides = array<i32>} : memref<8x64xf32, #tpu.memory_space<vmem>>, vector<1x16xf32>,
    %swap3A_86 = arith.constant 3 : i32
    %swap3A_87 = arith.index_cast %swap3A_86 : i32 to index
    %swap3A_88 = arith.constant 16 : index
    %swap3A_89 = tpu.vector_load %arg9[%swap3A_87, %swap3A_88] {strides = array<i32>} : memref<8x64xf32, #tpu.memory_space<vmem>>, vector<1x16xf32>,
    %swap3A_90 = vector.shape_cast %swap3A_89 : vector<1x16xf32> to vector<16xf32>
    %swap3A_91 = vector.shape_cast %broadcast_in_dim3A_8 : vector<16xf32> to vector<1x16xf32>
    tpu.vector_store %arg9[%swap3A_87, %swap3A_88], %swap3A_91 {strides = array<i32>} : memref<8x64xf32, #tpu.memory_space<vmem>>, vector<1x16xf32>,
    %swap3A_92 = arith.constant 3 : i32
    %swap3A_93 = arith.index_cast %swap3A_92 : i32 to index
    %swap3A_94 = arith.constant 32 : index
    %swap3A_95 = tpu.vector_load %arg9[%swap3A_93, %swap3A_94] {strides = array<i32>} : memref<8x64xf32, #tpu.memory_space<vmem>>, vector<1x16xf32>,
    %swap3A_96 = vector.shape_cast %swap3A_95 : vector<1x16xf32> to vector<16xf32>
    %swap3A_97 = vector.shape_cast %broadcast_in_dim3A_8 : vector<16xf32> to vector<1x16xf32>
    tpu.vector_store %arg9[%swap3A_93, %swap3A_94], %swap3A_97 {strides = array<i32>} : memref<8x64xf32, #tpu.memory_space<vmem>>, vector<1x16xf32>,
    %swap3A_98 = arith.constant 3 : i32
    %swap3A_99 = arith.index_cast %swap3A_98 : i32 to index
    %swap3A_100 = arith.constant 48 : index
    %swap3A_101 = tpu.vector_load %arg9[%swap3A_99, %swap3A_100] {strides = array<i32>} : memref<8x64xf32, #tpu.memory_space<vmem>>, vector<1x16xf32>,
    %swap3A_102 = vector.shape_cast %swap3A_101 : vector<1x16xf32> to vector<16xf32>
    %swap3A_103 = vector.shape_cast %broadcast_in_dim3A_8 : vector<16xf32> to vector<1x16xf32>
    tpu.vector_store %arg9[%swap3A_99, %swap3A_100], %swap3A_103 {strides = array<i32>} : memref<8x64xf32, #tpu.memory_space<vmem>>, vector<1x16xf32>,
    %swap3A_104 = arith.constant 4 : i32
    %swap3A_105 = arith.index_cast %swap3A_104 : i32 to index
    %swap3A_106 = arith.constant 0 : index
    %swap3A_107 = tpu.vector_load %arg9[%swap3A_105, %swap3A_106] {strides = array<i32>} : memref<8x64xf32, #tpu.memory_space<vmem>>, vector<1x16xf32>,
    %swap3A_108 = vector.shape_cast %swap3A_107 : vector<1x16xf32> to vector<16xf32>
    %swap3A_109 = vector.shape_cast %broadcast_in_dim3A_8 : vector<16xf32> to vector<1x16xf32>
    tpu.vector_store %arg9[%swap3A_105, %swap3A_106], %swap3A_109 {strides = array<i32>} : memref<8x64xf32, #tpu.memory_space<vmem>>, vector<1x16xf32>,
    %swap3A_110 = arith.constant 4 : i32
    %swap3A_111 = arith.index_cast %swap3A_110 : i32 to index
    %swap3A_112 = arith.constant 16 : index
    %swap3A_113 = tpu.vector_load %arg9[%swap3A_111, %swap3A_112] {strides = array<i32>} : memref<8x64xf32, #tpu.memory_space<vmem>>, vector<1x16xf32>,
    %swap3A_114 = vector.shape_cast %swap3A_113 : vector<1x16xf32> to vector<16xf32>
    %swap3A_115 = vector.shape_cast %broadcast_in_dim3A_8 : vector<16xf32> to vector<1x16xf32>
    tpu.vector_store %arg9[%swap3A_111, %swap3A_112], %swap3A_115 {strides = array<i32>} : memref<8x64xf32, #tpu.memory_space<vmem>>, vector<1x16xf32>,
    %swap3A_116 = arith.constant 4 : i32
    %swap3A_117 = arith.index_cast %swap3A_116 : i32 to index
    %swap3A_118 = arith.constant 32 : index
    %swap3A_119 = tpu.vector_load %arg9[%swap3A_117, %swap3A_118] {strides = array<i32>} : memref<8x64xf32, #tpu.memory_space<vmem>>, vector<1x16xf32>,
    %swap3A_120 = vector.shape_cast %swap3A_119 : vector<1x16xf32> to vector<16xf32>
    %swap3A_121 = vector.shape_cast %broadcast_in_dim3A_8 : vector<16xf32> to vector<1x16xf32>
    tpu.vector_store %arg9[%swap3A_117, %swap3A_118], %swap3A_121 {strides = array<i32>} : memref<8x64xf32, #tpu.memory_space<vmem>>, vector<1x16xf32>,
    %swap3A_122 = arith.constant 4 : i32
    %swap3A_123 = arith.index_cast %swap3A_122 : i32 to index
    %swap3A_124 = arith.constant 48 : index
    %swap3A_125 = tpu.vector_load %arg9[%swap3A_123, %swap3A_124] {strides = array<i32>} : memref<8x64xf32, #tpu.memory_space<vmem>>, vector<1x16xf32>,
    %swap3A_126 = vector.shape_cast %swap3A_125 : vector<1x16xf32> to vector<16xf32>
    %swap3A_127 = vector.shape_cast %broadcast_in_dim3A_8 : vector<16xf32> to vector<1x16xf32>
    tpu.vector_store %arg9[%swap3A_123, %swap3A_124], %swap3A_127 {strides = array<i32>} : memref<8x64xf32, #tpu.memory_space<vmem>>, vector<1x16xf32>,
    %swap3A_128 = arith.constant 5 : i32
    %swap3A_129 = arith.index_cast %swap3A_128 : i32 to index
    %swap3A_130 = arith.constant 0 : index
    %swap3A_131 = tpu.vector_load %arg9[%swap3A_129, %swap3A_130] {strides = array<i32>} : memref<8x64xf32, #tpu.memory_space<vmem>>, vector<1x16xf32>,
    %swap3A_132 = vector.shape_cast %swap3A_131 : vector<1x16xf32> to vector<16xf32>
    %swap3A_133 = vector.shape_cast %broadcast_in_dim3A_8 : vector<16xf32> to vector<1x16xf32>
    tpu.vector_store %arg9[%swap3A_129, %swap3A_130], %swap3A_133 {strides = array<i32>} : memref<8x64xf32, #tpu.memory_space<vmem>>, vector<1x16xf32>,
    %swap3A_134 = arith.constant 5 : i32
    %swap3A_135 = arith.index_cast %swap3A_134 : i32 to index
    %swap3A_136 = arith.constant 16 : index
    %swap3A_137 = tpu.vector_load %arg9[%swap3A_135, %swap3A_136] {strides = array<i32>} : memref<8x64xf32, #tpu.memory_space<vmem>>, vector<1x16xf32>,
    %swap3A_138 = vector.shape_cast %swap3A_137 : vector<1x16xf32> to vector<16xf32>
    %swap3A_139 = vector.shape_cast %broadcast_in_dim3A_8 : vector<16xf32> to vector<1x16xf32>
    tpu.vector_store %arg9[%swap3A_135, %swap3A_136], %swap3A_139 {strides = array<i32>} : memref<8x64xf32, #tpu.memory_space<vmem>>, vector<1x16xf32>,
    %swap3A_140 = arith.constant 5 : i32
    %swap3A_141 = arith.index_cast %swap3A_140 : i32 to index
    %swap3A_142 = arith.constant 32 : index
    %swap3A_143 = tpu.vector_load %arg9[%swap3A_141, %swap3A_142] {strides = array<i32>} : memref<8x64xf32, #tpu.memory_space<vmem>>, vector<1x16xf32>,
    %swap3A_144 = vector.shape_cast %swap3A_143 : vector<1x16xf32> to vector<16xf32>
    %swap3A_145 = vector.shape_cast %broadcast_in_dim3A_8 : vector<16xf32> to vector<1x16xf32>
    tpu.vector_store %arg9[%swap3A_141, %swap3A_142], %swap3A_145 {strides = array<i32>} : memref<8x64xf32, #tpu.memory_space<vmem>>, vector<1x16xf32>,
    %swap3A_146 = arith.constant 5 : i32
    %swap3A_147 = arith.index_cast %swap3A_146 : i32 to index
    %swap3A_148 = arith.constant 48 : index
    %swap3A_149 = tpu.vector_load %arg9[%swap3A_147, %swap3A_148] {strides = array<i32>} : memref<8x64xf32, #tpu.memory_space<vmem>>, vector<1x16xf32>,
    %swap3A_150 = vector.shape_cast %swap3A_149 : vector<1x16xf32> to vector<16xf32>
    %swap3A_151 = vector.shape_cast %broadcast_in_dim3A_8 : vector<16xf32> to vector<1x16xf32>
    tpu.vector_store %arg9[%swap3A_147, %swap3A_148], %swap3A_151 {strides = array<i32>} : memref<8x64xf32, #tpu.memory_space<vmem>>, vector<1x16xf32>,
    %swap3A_152 = arith.constant 6 : i32
    %swap3A_153 = arith.index_cast %swap3A_152 : i32 to index
    %swap3A_154 = arith.constant 0 : index
    %swap3A_155 = tpu.vector_load %arg9[%swap3A_153, %swap3A_154] {strides = array<i32>} : memref<8x64xf32, #tpu.memory_space<vmem>>, vector<1x16xf32>,
    %swap3A_156 = vector.shape_cast %swap3A_155 : vector<1x16xf32> to vector<16xf32>
    %swap3A_157 = vector.shape_cast %broadcast_in_dim3A_8 : vector<16xf32> to vector<1x16xf32>
    tpu.vector_store %arg9[%swap3A_153, %swap3A_154], %swap3A_157 {strides = array<i32>} : memref<8x64xf32, #tpu.memory_space<vmem>>, vector<1x16xf32>,
    %swap3A_158 = arith.constant 6 : i32
    %swap3A_159 = arith.index_cast %swap3A_158 : i32 to index
    %swap3A_160 = arith.constant 16 : index
    %swap3A_161 = tpu.vector_load %arg9[%swap3A_159, %swap3A_160] {strides = array<i32>} : memref<8x64xf32, #tpu.memory_space<vmem>>, vector<1x16xf32>,
    %swap3A_162 = vector.shape_cast %swap3A_161 : vector<1x16xf32> to vector<16xf32>
    %swap3A_163 = vector.shape_cast %broadcast_in_dim3A_8 : vector<16xf32> to vector<1x16xf32>
    tpu.vector_store %arg9[%swap3A_159, %swap3A_160], %swap3A_163 {strides = array<i32>} : memref<8x64xf32, #tpu.memory_space<vmem>>, vector<1x16xf32>,
    %swap3A_164 = arith.constant 6 : i32
    %swap3A_165 = arith.index_cast %swap3A_164 : i32 to index
    %swap3A_166 = arith.constant 32 : index
    %swap3A_167 = tpu.vector_load %arg9[%swap3A_165, %swap3A_166] {strides = array<i32>} : memref<8x64xf32, #tpu.memory_space<vmem>>, vector<1x16xf32>,
    %swap3A_168 = vector.shape_cast %swap3A_167 : vector<1x16xf32> to vector<16xf32>
    %swap3A_169 = vector.shape_cast %broadcast_in_dim3A_8 : vector<16xf32> to vector<1x16xf32>
    tpu.vector_store %arg9[%swap3A_165, %swap3A_166], %swap3A_169 {strides = array<i32>} : memref<8x64xf32, #tpu.memory_space<vmem>>, vector<1x16xf32>,
    %swap3A_170 = arith.constant 6 : i32
    %swap3A_171 = arith.index_cast %swap3A_170 : i32 to index
    %swap3A_172 = arith.constant 48 : index
    %swap3A_173 = tpu.vector_load %arg9[%swap3A_171, %swap3A_172] {strides = array<i32>} : memref<8x64xf32, #tpu.memory_space<vmem>>, vector<1x16xf32>,
    %swap3A_174 = vector.shape_cast %swap3A_173 : vector<1x16xf32> to vector<16xf32>
    %swap3A_175 = vector.shape_cast %broadcast_in_dim3A_8 : vector<16xf32> to vector<1x16xf32>
    tpu.vector_store %arg9[%swap3A_171, %swap3A_172], %swap3A_175 {strides = array<i32>} : memref<8x64xf32, #tpu.memory_space<vmem>>, vector<1x16xf32>,
    %swap3A_176 = arith.constant 7 : i32
    %swap3A_177 = arith.index_cast %swap3A_176 : i32 to index
    %swap3A_178 = arith.constant 0 : index
    %swap3A_179 = tpu.vector_load %arg9[%swap3A_177, %swap3A_178] {strides = array<i32>} : memref<8x64xf32, #tpu.memory_space<vmem>>, vector<1x16xf32>,
    %swap3A_180 = vector.shape_cast %swap3A_179 : vector<1x16xf32> to vector<16xf32>
    %swap3A_181 = vector.shape_cast %broadcast_in_dim3A_8 : vector<16xf32> to vector<1x16xf32>
    tpu.vector_store %arg9[%swap3A_177, %swap3A_178], %swap3A_181 {strides = array<i32>} : memref<8x64xf32, #tpu.memory_space<vmem>>, vector<1x16xf32>,
    %swap3A_182 = arith.constant 7 : i32
    %swap3A_183 = arith.index_cast %swap3A_182 : i32 to index
    %swap3A_184 = arith.constant 16 : index
    %swap3A_185 = tpu.vector_load %arg9[%swap3A_183, %swap3A_184] {strides = array<i32>} : memref<8x64xf32, #tpu.memory_space<vmem>>, vector<1x16xf32>,
    %swap3A_186 = vector.shape_cast %swap3A_185 : vector<1x16xf32> to vector<16xf32>
    %swap3A_187 = vector.shape_cast %broadcast_in_dim3A_8 : vector<16xf32> to vector<1x16xf32>
    tpu.vector_store %arg9[%swap3A_183, %swap3A_184], %swap3A_187 {strides = array<i32>} : memref<8x64xf32, #tpu.memory_space<vmem>>, vector<1x16xf32>,
    %swap3A_188 = arith.constant 7 : i32
    %swap3A_189 = arith.index_cast %swap3A_188 : i32 to index
    %swap3A_190 = arith.constant 32 : index
    %swap3A_191 = tpu.vector_load %arg9[%swap3A_189, %swap3A_190] {strides = array<i32>} : memref<8x64xf32, #tpu.memory_space<vmem>>, vector<1x16xf32>,
    %swap3A_192 = vector.shape_cast %swap3A_191 : vector<1x16xf32> to vector<16xf32>
    %swap3A_193 = vector.shape_cast %broadcast_in_dim3A_8 : vector<16xf32> to vector<1x16xf32>
    tpu.vector_store %arg9[%swap3A_189, %swap3A_190], %swap3A_193 {strides = array<i32>} : memref<8x64xf32, #tpu.memory_space<vmem>>, vector<1x16xf32>,
    %swap3A_194 = arith.constant 7 : i32
    %swap3A_195 = arith.index_cast %swap3A_194 : i32 to index
    %swap3A_196 = arith.constant 48 : index
    %swap3A_197 = tpu.vector_load %arg9[%swap3A_195, %swap3A_196] {strides = array<i32>} : memref<8x64xf32, #tpu.memory_space<vmem>>, vector<1x16xf32>,
    %swap3A_198 = vector.shape_cast %swap3A_197 : vector<1x16xf32> to vector<16xf32>
    %swap3A_199 = vector.shape_cast %broadcast_in_dim3A_8 : vector<16xf32> to vector<1x16xf32>
    tpu.vector_store %arg9[%swap3A_195, %swap3A_196], %swap3A_199 {strides = array<i32>} : memref<8x64xf32, #tpu.memory_space<vmem>>, vector<1x16xf32>,
    %scan3A = arith.constant 0 : i32
    %scan3A_200 = arith.constant 0 : i32
    %scan3A_201 = arith.constant 78 : i32
    %scan3A_202 = arith.addi %scan3A_200, %scan3A_201 : i32
    %scan3A_203 = arith.constant 1 : i32
    scf.for %scan3A_295 = %scan3A_200 to %scan3A_202 step %scan3A_203  : i32 {
      %mul3A_296 = arith.constant 8 : i32
      %mul3A_297 = arith.muli %scan3A_295, %mul3A_296 : i32
      %add3A_298 = arith.addi %multiple_of3A, %mul3A_297 : i32
      %multiple_of3A_299 = tpu.assume_multiple %add3A_298, 8 : i32
      "tpu.region"() ({
        %run_scoped3A = tpu.sem_alloc : memref<!tpu.dma_semaphore, #tpu.memory_space<semaphore_mem>>
        %dma_start3A_300 = arith.constant 0 : i32
        %dma_start3A_301 = tpu.memref_slice %arg11[%multiple_of3A_299, %dma_start3A_300] : memref<10000x64xf32, #tpu.memory_space<vmem_shared>> -> memref<8x64xf32, #tpu.memory_space<vmem_shared>>
        %dma_start3A_302 = arith.constant 0 : i32
        %dma_start3A_303 = tpu.memref_slice %arg11[%multiple_of3A_299, %dma_start3A_302] : memref<10000x64xf32, #tpu.memory_space<vmem_shared>> -> memref<8x64xf32, #tpu.memory_space<vmem_shared>>
        tpu.enqueue_dma source(%arg9 : memref<8x64xf32, #tpu.memory_space<vmem>>) target(%dma_start3A_303 : memref<8x64xf32, #tpu.memory_space<vmem_shared>>) target_semaphore(%run_scoped3A : memref<!tpu.dma_semaphore, #tpu.memory_space<semaphore_mem>>)
        %dma_wait3A_304 = arith.constant 0 : i32
        %dma_wait3A_305 = tpu.memref_slice %arg11[%multiple_of3A_299, %dma_wait3A_304] : memref<10000x64xf32, #tpu.memory_space<vmem_shared>> -> memref<8x64xf32, #tpu.memory_space<vmem_shared>>
        %dma_wait3A_306 = arith.constant 0 : i32
        %dma_wait3A_307 = tpu.memref_slice %arg11[%multiple_of3A_299, %dma_wait3A_306] : memref<10000x64xf32, #tpu.memory_space<vmem_shared>> -> memref<8x64xf32, #tpu.memory_space<vmem_shared>>
        tpu.wait_dma2 semaphore(%run_scoped3A : memref<!tpu.dma_semaphore, #tpu.memory_space<semaphore_mem>>) src(%arg9 : memref<8x64xf32, #tpu.memory_space<vmem>>) dst(%dma_wait3A_307 : memref<8x64xf32, #tpu.memory_space<vmem_shared>>)
        tpu.yield
      }) : () -> ()
    }
    %scan3A_204 = arith.constant 78 : i32
    %lt3A = arith.constant 2 : i32
    %lt3A_205 = arith.cmpi slt, %arg1, %lt3A : i32
    %convert_element_type3A = arith.extui %lt3A_205 : i1 to i32
    %cond3A = arith.constant 0 : i32
    %cond3A_206 = arith.cmpi ne, %convert_element_type3A, %cond3A : i32
    scf.if %cond3A_206 {
      "tpu.region"() ({
        %run_scoped3A = tpu.sem_alloc : memref<!tpu.dma_semaphore, #tpu.memory_space<semaphore_mem>>
        %dma_start3A_295 = arith.constant 0 : i32
        %dma_start3A_296 = tpu.memref_slice %arg11[%multiple_of3A_7, %dma_start3A_295] : memref<10000x64xf32, #tpu.memory_space<vmem_shared>> -> memref<8x64xf32, #tpu.memory_space<vmem_shared>>
        %dma_start3A_297 = arith.constant 0 : i32
        %dma_start3A_298 = tpu.memref_slice %arg11[%multiple_of3A_7, %dma_start3A_297] : memref<10000x64xf32, #tpu.memory_space<vmem_shared>> -> memref<8x64xf32, #tpu.memory_space<vmem_shared>>
        tpu.enqueue_dma source(%arg9 : memref<8x64xf32, #tpu.memory_space<vmem>>) target(%dma_start3A_298 : memref<8x64xf32, #tpu.memory_space<vmem_shared>>) target_semaphore(%run_scoped3A : memref<!tpu.dma_semaphore, #tpu.memory_space<semaphore_mem>>)
        %dma_wait3A_299 = arith.constant 0 : i32
        %dma_wait3A_300 = tpu.memref_slice %arg11[%multiple_of3A_7, %dma_wait3A_299] : memref<10000x64xf32, #tpu.memory_space<vmem_shared>> -> memref<8x64xf32, #tpu.memory_space<vmem_shared>>
        %dma_wait3A_301 = arith.constant 0 : i32
        %dma_wait3A_302 = tpu.memref_slice %arg11[%multiple_of3A_7, %dma_wait3A_301] : memref<10000x64xf32, #tpu.memory_space<vmem_shared>> -> memref<8x64xf32, #tpu.memory_space<vmem_shared>>
        tpu.wait_dma2 semaphore(%run_scoped3A : memref<!tpu.dma_semaphore, #tpu.memory_space<semaphore_mem>>) src(%arg9 : memref<8x64xf32, #tpu.memory_space<vmem>>) dst(%dma_wait3A_302 : memref<8x64xf32, #tpu.memory_space<vmem_shared>>)
        tpu.yield
      }) : () -> ()
    } else {
    }
    %barrier3A = arith.constant 0 : index
    tpu.barrier barrier_id(%barrier3A)
    %dma_start3A = arith.constant 0 : i32
    %dma_start3A_207 = arith.constant 0 : i32
    %dma_start3A_208 = arith.constant 0 : i32
    %dma_start3A_209 = arith.constant 0 : i32
    %dma_start3A_210 = tpu.memref_slice %arg8[%dma_start3A_207, %dma_start3A_208, %dma_start3A_209] : memref<4x125x64xf32, #tpu.memory_space<vmem>> -> memref<1x125x64xf32, #tpu.memory_space<vmem>>
    %dma_start3A_211 = tpu.memref_squeeze %dma_start3A_210 : memref<1x125x64xf32, #tpu.memory_space<vmem>> -> memref<125x64xf32, #tpu.memory_space<vmem>>
    %dma_start3A_212 = arith.constant 0 : i32
    %dma_start3A_213 = tpu.memref_slice %arg6[%dma_start3A, %dma_start3A_212] : memref<80x125xi32, #tpu.memory_space<vmem>> -> memref<1x125xi32, #tpu.memory_space<vmem>>
    %dma_start3A_214 = tpu.memref_squeeze %dma_start3A_213 : memref<1x125xi32, #tpu.memory_space<vmem>> -> memref<125xi32, #tpu.memory_space<vmem>>
    %dma_start3A_215 = arith.constant 0 : i32
    %dma_start3A_216 = arith.constant 0 : i32
    %dma_start3A_217 = tpu.memref_slice %arg2[%dma_start3A_215, %dma_start3A_216] : memref<10000x64xf32, #tpu.memory_space<hbm>> -> memref<10000x64xf32, #tpu.memory_space<hbm>>
    tpu.enqueue_indirect_dma source(%dma_start3A_217 : memref<10000x64xf32, #tpu.memory_space<hbm>>) target(%dma_start3A_211 : memref<125x64xf32, #tpu.memory_space<vmem>>) offsets(%dma_start3A_214 : memref<125xi32, #tpu.memory_space<vmem>>) semaphore(%arg12 : memref<!tpu.dma_semaphore, #tpu.memory_space<semaphore_mem>>)
    %dma_start3A_218 = arith.constant 1 : i32
    %dma_start3A_219 = arith.constant 1 : i32
    %dma_start3A_220 = arith.constant 0 : i32
    %dma_start3A_221 = arith.constant 0 : i32
    %dma_start3A_222 = tpu.memref_slice %arg8[%dma_start3A_219, %dma_start3A_220, %dma_start3A_221] : memref<4x125x64xf32, #tpu.memory_space<vmem>> -> memref<1x125x64xf32, #tpu.memory_space<vmem>>
    %dma_start3A_223 = tpu.memref_squeeze %dma_start3A_222 : memref<1x125x64xf32, #tpu.memory_space<vmem>> -> memref<125x64xf32, #tpu.memory_space<vmem>>
    %dma_start3A_224 = arith.constant 0 : i32
    %dma_start3A_225 = tpu.memref_slice %arg6[%dma_start3A_218, %dma_start3A_224] : memref<80x125xi32, #tpu.memory_space<vmem>> -> memref<1x125xi32, #tpu.memory_space<vmem>>
    %dma_start3A_226 = tpu.memref_squeeze %dma_start3A_225 : memref<1x125xi32, #tpu.memory_space<vmem>> -> memref<125xi32, #tpu.memory_space<vmem>>
    %dma_start3A_227 = arith.constant 0 : i32
    %dma_start3A_228 = arith.constant 0 : i32
    %dma_start3A_229 = tpu.memref_slice %arg2[%dma_start3A_227, %dma_start3A_228] : memref<10000x64xf32, #tpu.memory_space<hbm>> -> memref<10000x64xf32, #tpu.memory_space<hbm>>
    tpu.enqueue_indirect_dma source(%dma_start3A_229 : memref<10000x64xf32, #tpu.memory_space<hbm>>) target(%dma_start3A_223 : memref<125x64xf32, #tpu.memory_space<vmem>>) offsets(%dma_start3A_226 : memref<125xi32, #tpu.memory_space<vmem>>) semaphore(%arg13 : memref<!tpu.dma_semaphore, #tpu.memory_space<semaphore_mem>>)
    %dma_start3A_230 = arith.constant 2 : i32
    %dma_start3A_231 = arith.constant 2 : i32
    %dma_start3A_232 = arith.constant 0 : i32
    %dma_start3A_233 = arith.constant 0 : i32
    %dma_start3A_234 = tpu.memref_slice %arg8[%dma_start3A_231, %dma_start3A_232, %dma_start3A_233] : memref<4x125x64xf32, #tpu.memory_space<vmem>> -> memref<1x125x64xf32, #tpu.memory_space<vmem>>
    %dma_start3A_235 = tpu.memref_squeeze %dma_start3A_234 : memref<1x125x64xf32, #tpu.memory_space<vmem>> -> memref<125x64xf32, #tpu.memory_space<vmem>>
    %dma_start3A_236 = arith.constant 0 : i32
    %dma_start3A_237 = tpu.memref_slice %arg6[%dma_start3A_230, %dma_start3A_236] : memref<80x125xi32, #tpu.memory_space<vmem>> -> memref<1x125xi32, #tpu.memory_space<vmem>>
    %dma_start3A_238 = tpu.memref_squeeze %dma_start3A_237 : memref<1x125xi32, #tpu.memory_space<vmem>> -> memref<125xi32, #tpu.memory_space<vmem>>
    %dma_start3A_239 = arith.constant 0 : i32
    %dma_start3A_240 = arith.constant 0 : i32
    %dma_start3A_241 = tpu.memref_slice %arg2[%dma_start3A_239, %dma_start3A_240] : memref<10000x64xf32, #tpu.memory_space<hbm>> -> memref<10000x64xf32, #tpu.memory_space<hbm>>
    tpu.enqueue_indirect_dma source(%dma_start3A_241 : memref<10000x64xf32, #tpu.memory_space<hbm>>) target(%dma_start3A_235 : memref<125x64xf32, #tpu.memory_space<vmem>>) offsets(%dma_start3A_238 : memref<125xi32, #tpu.memory_space<vmem>>) semaphore(%arg14 : memref<!tpu.dma_semaphore, #tpu.memory_space<semaphore_mem>>)
    %scan3A_242 = arith.constant 0 : i32
    %scan3A_243 = arith.constant 0 : i32
    %scan3A_244 = arith.constant 20 : i32
    %scan3A_245 = arith.addi %scan3A_243, %scan3A_244 : i32
    %scan3A_246 = arith.constant 1 : i32
    scf.for %scan3A_295 = %scan3A_243 to %scan3A_245 step %scan3A_246  : i32 {
      %mul3A_296 = arith.constant 4 : i32
      %mul3A_297 = arith.muli %mul3A_296, %scan3A_295 : i32
      %add3A_298 = arith.constant 0 : i32
      %add3A_299 = arith.addi %mul3A_297, %add3A_298 : i32
      %add3A_300 = arith.constant 3 : i32
      %add3A_301 = arith.addi %add3A_299, %add3A_300 : i32
      %rem3A = arith.constant 80 : i32
      %rem3A_302 = arith.remsi %add3A_301, %rem3A : i32
      %dma_start3A_303 = arith.constant 3 : i32
      %dma_start3A_304 = arith.constant 0 : i32
      %dma_start3A_305 = arith.constant 0 : i32
      %dma_start3A_306 = tpu.memref_slice %arg8[%dma_start3A_303, %dma_start3A_304, %dma_start3A_305] : memref<4x125x64xf32, #tpu.memory_space<vmem>> -> memref<1x125x64xf32, #tpu.memory_space<vmem>>
      %dma_start3A_307 = tpu.memref_squeeze %dma_start3A_306 : memref<1x125x64xf32, #tpu.memory_space<vmem>> -> memref<125x64xf32, #tpu.memory_space<vmem>>
      %dma_start3A_308 = arith.constant 0 : i32
      %dma_start3A_309 = tpu.memref_slice %arg6[%rem3A_302, %dma_start3A_308] : memref<80x125xi32, #tpu.memory_space<vmem>> -> memref<1x125xi32, #tpu.memory_space<vmem>>
      %dma_start3A_310 = tpu.memref_squeeze %dma_start3A_309 : memref<1x125xi32, #tpu.memory_space<vmem>> -> memref<125xi32, #tpu.memory_space<vmem>>
      %dma_start3A_311 = arith.constant 0 : i32
      %dma_start3A_312 = arith.constant 0 : i32
      %dma_start3A_313 = tpu.memref_slice %arg2[%dma_start3A_311, %dma_start3A_312] : memref<10000x64xf32, #tpu.memory_space<hbm>> -> memref<10000x64xf32, #tpu.memory_space<hbm>>
      tpu.enqueue_indirect_dma source(%dma_start3A_313 : memref<10000x64xf32, #tpu.memory_space<hbm>>) target(%dma_start3A_307 : memref<125x64xf32, #tpu.memory_space<vmem>>) offsets(%dma_start3A_310 : memref<125xi32, #tpu.memory_space<vmem>>) semaphore(%arg15 : memref<!tpu.dma_semaphore, #tpu.memory_space<semaphore_mem>>)
      %dma_wait3A_314 = arith.constant 0 : i32
      %dma_wait3A_315 = arith.constant 0 : i32
      %dma_wait3A_316 = arith.constant 0 : i32
      %dma_wait3A_317 = tpu.memref_slice %arg8[%dma_wait3A_314, %dma_wait3A_315, %dma_wait3A_316] : memref<4x125x64xf32, #tpu.memory_space<vmem>> -> memref<1x125x64xf32, #tpu.memory_space<vmem>>
      %dma_wait3A_318 = tpu.memref_squeeze %dma_wait3A_317 : memref<1x125x64xf32, #tpu.memory_space<vmem>> -> memref<125x64xf32, #tpu.memory_space<vmem>>
      %dma_wait3A_319 = arith.constant 0 : i32
      %dma_wait3A_320 = tpu.memref_slice %arg6[%add3A_299, %dma_wait3A_319] : memref<80x125xi32, #tpu.memory_space<vmem>> -> memref<1x125xi32, #tpu.memory_space<vmem>>
      %dma_wait3A_321 = tpu.memref_squeeze %dma_wait3A_320 : memref<1x125xi32, #tpu.memory_space<vmem>> -> memref<125xi32, #tpu.memory_space<vmem>>
      %dma_wait3A_322 = arith.constant 0 : i32
      %dma_wait3A_323 = arith.constant 0 : i32
      %dma_wait3A_324 = tpu.memref_slice %arg2[%dma_wait3A_322, %dma_wait3A_323] : memref<10000x64xf32, #tpu.memory_space<hbm>> -> memref<10000x64xf32, #tpu.memory_space<hbm>>
      tpu.wait_indirect_dma semaphore(%arg12 : memref<!tpu.dma_semaphore, #tpu.memory_space<semaphore_mem>>) src(%dma_wait3A_324 : memref<10000x64xf32, #tpu.memory_space<hbm>>) dst(%dma_wait3A_318 : memref<125x64xf32, #tpu.memory_space<vmem>>)
      %run_scoped3A = arith.constant 0 : i32
      "tpu.region"() ({
        %run_scoped3A_412 = tpu.sem_alloc : memref<!tpu.dma_semaphore, #tpu.memory_space<semaphore_mem>>
        %dma_start3A_413 = arith.constant 0 : i32
        %dma_start3A_414 = arith.constant 0 : i32
        %dma_start3A_415 = tpu.memref_slice %arg8[%run_scoped3A, %dma_start3A_413, %dma_start3A_414] : memref<4x125x64xf32, #tpu.memory_space<vmem>> -> memref<1x125x64xf32, #tpu.memory_space<vmem>>
        %dma_start3A_416 = tpu.memref_squeeze %dma_start3A_415 : memref<1x125x64xf32, #tpu.memory_space<vmem>> -> memref<125x64xf32, #tpu.memory_space<vmem>>
        %dma_start3A_417 = arith.constant 0 : i32
        %dma_start3A_418 = tpu.memref_slice %arg7[%add3A_299, %dma_start3A_417] : memref<80x125xi32, #tpu.memory_space<vmem>> -> memref<1x125xi32, #tpu.memory_space<vmem>>
        %dma_start3A_419 = tpu.memref_squeeze %dma_start3A_418 : memref<1x125xi32, #tpu.memory_space<vmem>> -> memref<125xi32, #tpu.memory_space<vmem>>
        %dma_start3A_420 = arith.constant 0 : i32
        %dma_start3A_421 = arith.constant 0 : i32
        %dma_start3A_422 = tpu.memref_slice %arg11[%dma_start3A_420, %dma_start3A_421] : memref<10000x64xf32, #tpu.memory_space<vmem_shared>> -> memref<10000x64xf32, #tpu.memory_space<vmem_shared>>
        tpu.enqueue_indirect_dma source(%dma_start3A_416 : memref<125x64xf32, #tpu.memory_space<vmem>>) target(%dma_start3A_422 : memref<10000x64xf32, #tpu.memory_space<vmem_shared>>) offsets(%dma_start3A_419 : memref<125xi32, #tpu.memory_space<vmem>>) semaphore(%run_scoped3A_412 : memref<!tpu.dma_semaphore, #tpu.memory_space<semaphore_mem>>) {add = true}
        %dma_wait3A_423 = arith.constant 0 : i32
        %dma_wait3A_424 = arith.constant 0 : i32
        %dma_wait3A_425 = tpu.memref_slice %arg8[%run_scoped3A, %dma_wait3A_423, %dma_wait3A_424] : memref<4x125x64xf32, #tpu.memory_space<vmem>> -> memref<1x125x64xf32, #tpu.memory_space<vmem>>
        %dma_wait3A_426 = tpu.memref_squeeze %dma_wait3A_425 : memref<1x125x64xf32, #tpu.memory_space<vmem>> -> memref<125x64xf32, #tpu.memory_space<vmem>>
        %dma_wait3A_427 = arith.constant 0 : i32
        %dma_wait3A_428 = tpu.memref_slice %arg7[%add3A_299, %dma_wait3A_427] : memref<80x125xi32, #tpu.memory_space<vmem>> -> memref<1x125xi32, #tpu.memory_space<vmem>>
        %dma_wait3A_429 = tpu.memref_squeeze %dma_wait3A_428 : memref<1x125xi32, #tpu.memory_space<vmem>> -> memref<125xi32, #tpu.memory_space<vmem>>
        %dma_wait3A_430 = arith.constant 0 : i32
        %dma_wait3A_431 = arith.constant 0 : i32
        %dma_wait3A_432 = tpu.memref_slice %arg11[%dma_wait3A_430, %dma_wait3A_431] : memref<10000x64xf32, #tpu.memory_space<vmem_shared>> -> memref<10000x64xf32, #tpu.memory_space<vmem_shared>>
        tpu.wait_indirect_dma semaphore(%run_scoped3A_412 : memref<!tpu.dma_semaphore, #tpu.memory_space<semaphore_mem>>) src(%dma_wait3A_426 : memref<125x64xf32, #tpu.memory_space<vmem>>) dst(%dma_wait3A_432 : memref<10000x64xf32, #tpu.memory_space<vmem_shared>>)
        tpu.yield
      }) : () -> ()
      %add3A_325 = arith.constant 1 : i32
      %add3A_326 = arith.addi %mul3A_297, %add3A_325 : i32
      %add3A_327 = arith.constant 3 : i32
      %add3A_328 = arith.addi %add3A_326, %add3A_327 : i32
      %rem3A_329 = arith.constant 80 : i32
      %rem3A_330 = arith.remsi %add3A_328, %rem3A_329 : i32
      %dma_start3A_331 = arith.constant 0 : i32
      %dma_start3A_332 = arith.constant 0 : i32
      %dma_start3A_333 = arith.constant 0 : i32
      %dma_start3A_334 = tpu.memref_slice %arg8[%dma_start3A_331, %dma_start3A_332, %dma_start3A_333] : memref<4x125x64xf32, #tpu.memory_space<vmem>> -> memref<1x125x64xf32, #tpu.memory_space<vmem>>
      %dma_start3A_335 = tpu.memref_squeeze %dma_start3A_334 : memref<1x125x64xf32, #tpu.memory_space<vmem>> -> memref<125x64xf32, #tpu.memory_space<vmem>>
      %dma_start3A_336 = arith.constant 0 : i32
      %dma_start3A_337 = tpu.memref_slice %arg6[%rem3A_330, %dma_start3A_336] : memref<80x125xi32, #tpu.memory_space<vmem>> -> memref<1x125xi32, #tpu.memory_space<vmem>>
      %dma_start3A_338 = tpu.memref_squeeze %dma_start3A_337 : memref<1x125xi32, #tpu.memory_space<vmem>> -> memref<125xi32, #tpu.memory_space<vmem>>
      %dma_start3A_339 = arith.constant 0 : i32
      %dma_start3A_340 = arith.constant 0 : i32
      %dma_start3A_341 = tpu.memref_slice %arg2[%dma_start3A_339, %dma_start3A_340] : memref<10000x64xf32, #tpu.memory_space<hbm>> -> memref<10000x64xf32, #tpu.memory_space<hbm>>
      tpu.enqueue_indirect_dma source(%dma_start3A_341 : memref<10000x64xf32, #tpu.memory_space<hbm>>) target(%dma_start3A_335 : memref<125x64xf32, #tpu.memory_space<vmem>>) offsets(%dma_start3A_338 : memref<125xi32, #tpu.memory_space<vmem>>) semaphore(%arg12 : memref<!tpu.dma_semaphore, #tpu.memory_space<semaphore_mem>>)
      %dma_wait3A_342 = arith.constant 1 : i32
      %dma_wait3A_343 = arith.constant 0 : i32
      %dma_wait3A_344 = arith.constant 0 : i32
      %dma_wait3A_345 = tpu.memref_slice %arg8[%dma_wait3A_342, %dma_wait3A_343, %dma_wait3A_344] : memref<4x125x64xf32, #tpu.memory_space<vmem>> -> memref<1x125x64xf32, #tpu.memory_space<vmem>>
      %dma_wait3A_346 = tpu.memref_squeeze %dma_wait3A_345 : memref<1x125x64xf32, #tpu.memory_space<vmem>> -> memref<125x64xf32, #tpu.memory_space<vmem>>
      %dma_wait3A_347 = arith.constant 0 : i32
      %dma_wait3A_348 = tpu.memref_slice %arg6[%add3A_326, %dma_wait3A_347] : memref<80x125xi32, #tpu.memory_space<vmem>> -> memref<1x125xi32, #tpu.memory_space<vmem>>
      %dma_wait3A_349 = tpu.memref_squeeze %dma_wait3A_348 : memref<1x125xi32, #tpu.memory_space<vmem>> -> memref<125xi32, #tpu.memory_space<vmem>>
      %dma_wait3A_350 = arith.constant 0 : i32
      %dma_wait3A_351 = arith.constant 0 : i32
      %dma_wait3A_352 = tpu.memref_slice %arg2[%dma_wait3A_350, %dma_wait3A_351] : memref<10000x64xf32, #tpu.memory_space<hbm>> -> memref<10000x64xf32, #tpu.memory_space<hbm>>
      tpu.wait_indirect_dma semaphore(%arg13 : memref<!tpu.dma_semaphore, #tpu.memory_space<semaphore_mem>>) src(%dma_wait3A_352 : memref<10000x64xf32, #tpu.memory_space<hbm>>) dst(%dma_wait3A_346 : memref<125x64xf32, #tpu.memory_space<vmem>>)
      %run_scoped3A_353 = arith.constant 1 : i32
      "tpu.region"() ({
        %run_scoped3A_412 = tpu.sem_alloc : memref<!tpu.dma_semaphore, #tpu.memory_space<semaphore_mem>>
        %dma_start3A_413 = arith.constant 0 : i32
        %dma_start3A_414 = arith.constant 0 : i32
        %dma_start3A_415 = tpu.memref_slice %arg8[%run_scoped3A_353, %dma_start3A_413, %dma_start3A_414] : memref<4x125x64xf32, #tpu.memory_space<vmem>> -> memref<1x125x64xf32, #tpu.memory_space<vmem>>
        %dma_start3A_416 = tpu.memref_squeeze %dma_start3A_415 : memref<1x125x64xf32, #tpu.memory_space<vmem>> -> memref<125x64xf32, #tpu.memory_space<vmem>>
        %dma_start3A_417 = arith.constant 0 : i32
        %dma_start3A_418 = tpu.memref_slice %arg7[%add3A_326, %dma_start3A_417] : memref<80x125xi32, #tpu.memory_space<vmem>> -> memref<1x125xi32, #tpu.memory_space<vmem>>
        %dma_start3A_419 = tpu.memref_squeeze %dma_start3A_418 : memref<1x125xi32, #tpu.memory_space<vmem>> -> memref<125xi32, #tpu.memory_space<vmem>>
        %dma_start3A_420 = arith.constant 0 : i32
        %dma_start3A_421 = arith.constant 0 : i32
        %dma_start3A_422 = tpu.memref_slice %arg11[%dma_start3A_420, %dma_start3A_421] : memref<10000x64xf32, #tpu.memory_space<vmem_shared>> -> memref<10000x64xf32, #tpu.memory_space<vmem_shared>>
        tpu.enqueue_indirect_dma source(%dma_start3A_416 : memref<125x64xf32, #tpu.memory_space<vmem>>) target(%dma_start3A_422 : memref<10000x64xf32, #tpu.memory_space<vmem_shared>>) offsets(%dma_start3A_419 : memref<125xi32, #tpu.memory_space<vmem>>) semaphore(%run_scoped3A_412 : memref<!tpu.dma_semaphore, #tpu.memory_space<semaphore_mem>>) {add = true}
        %dma_wait3A_423 = arith.constant 0 : i32
        %dma_wait3A_424 = arith.constant 0 : i32
        %dma_wait3A_425 = tpu.memref_slice %arg8[%run_scoped3A_353, %dma_wait3A_423, %dma_wait3A_424] : memref<4x125x64xf32, #tpu.memory_space<vmem>> -> memref<1x125x64xf32, #tpu.memory_space<vmem>>
        %dma_wait3A_426 = tpu.memref_squeeze %dma_wait3A_425 : memref<1x125x64xf32, #tpu.memory_space<vmem>> -> memref<125x64xf32, #tpu.memory_space<vmem>>
        %dma_wait3A_427 = arith.constant 0 : i32
        %dma_wait3A_428 = tpu.memref_slice %arg7[%add3A_326, %dma_wait3A_427] : memref<80x125xi32, #tpu.memory_space<vmem>> -> memref<1x125xi32, #tpu.memory_space<vmem>>
        %dma_wait3A_429 = tpu.memref_squeeze %dma_wait3A_428 : memref<1x125xi32, #tpu.memory_space<vmem>> -> memref<125xi32, #tpu.memory_space<vmem>>
        %dma_wait3A_430 = arith.constant 0 : i32
        %dma_wait3A_431 = arith.constant 0 : i32
        %dma_wait3A_432 = tpu.memref_slice %arg11[%dma_wait3A_430, %dma_wait3A_431] : memref<10000x64xf32, #tpu.memory_space<vmem_shared>> -> memref<10000x64xf32, #tpu.memory_space<vmem_shared>>
        tpu.wait_indirect_dma semaphore(%run_scoped3A_412 : memref<!tpu.dma_semaphore, #tpu.memory_space<semaphore_mem>>) src(%dma_wait3A_426 : memref<125x64xf32, #tpu.memory_space<vmem>>) dst(%dma_wait3A_432 : memref<10000x64xf32, #tpu.memory_space<vmem_shared>>)
        tpu.yield
      }) : () -> ()
      %add3A_354 = arith.constant 2 : i32
      %add3A_355 = arith.addi %mul3A_297, %add3A_354 : i32
      %add3A_356 = arith.constant 3 : i32
      %add3A_357 = arith.addi %add3A_355, %add3A_356 : i32
      %rem3A_358 = arith.constant 80 : i32
      %rem3A_359 = arith.remsi %add3A_357, %rem3A_358 : i32
      %dma_start3A_360 = arith.constant 1 : i32
      %dma_start3A_361 = arith.constant 0 : i32
      %dma_start3A_362 = arith.constant 0 : i32
      %dma_start3A_363 = tpu.memref_slice %arg8[%dma_start3A_360, %dma_start3A_361, %dma_start3A_362] : memref<4x125x64xf32, #tpu.memory_space<vmem>> -> memref<1x125x64xf32, #tpu.memory_space<vmem>>
      %dma_start3A_364 = tpu.memref_squeeze %dma_start3A_363 : memref<1x125x64xf32, #tpu.memory_space<vmem>> -> memref<125x64xf32, #tpu.memory_space<vmem>>
      %dma_start3A_365 = arith.constant 0 : i32
      %dma_start3A_366 = tpu.memref_slice %arg6[%rem3A_359, %dma_start3A_365] : memref<80x125xi32, #tpu.memory_space<vmem>> -> memref<1x125xi32, #tpu.memory_space<vmem>>
      %dma_start3A_367 = tpu.memref_squeeze %dma_start3A_366 : memref<1x125xi32, #tpu.memory_space<vmem>> -> memref<125xi32, #tpu.memory_space<vmem>>
      %dma_start3A_368 = arith.constant 0 : i32
      %dma_start3A_369 = arith.constant 0 : i32
      %dma_start3A_370 = tpu.memref_slice %arg2[%dma_start3A_368, %dma_start3A_369] : memref<10000x64xf32, #tpu.memory_space<hbm>> -> memref<10000x64xf32, #tpu.memory_space<hbm>>
      tpu.enqueue_indirect_dma source(%dma_start3A_370 : memref<10000x64xf32, #tpu.memory_space<hbm>>) target(%dma_start3A_364 : memref<125x64xf32, #tpu.memory_space<vmem>>) offsets(%dma_start3A_367 : memref<125xi32, #tpu.memory_space<vmem>>) semaphore(%arg13 : memref<!tpu.dma_semaphore, #tpu.memory_space<semaphore_mem>>)
      %dma_wait3A_371 = arith.constant 2 : i32
      %dma_wait3A_372 = arith.constant 0 : i32
      %dma_wait3A_373 = arith.constant 0 : i32
      %dma_wait3A_374 = tpu.memref_slice %arg8[%dma_wait3A_371, %dma_wait3A_372, %dma_wait3A_373] : memref<4x125x64xf32, #tpu.memory_space<vmem>> -> memref<1x125x64xf32, #tpu.memory_space<vmem>>
      %dma_wait3A_375 = tpu.memref_squeeze %dma_wait3A_374 : memref<1x125x64xf32, #tpu.memory_space<vmem>> -> memref<125x64xf32, #tpu.memory_space<vmem>>
      %dma_wait3A_376 = arith.constant 0 : i32
      %dma_wait3A_377 = tpu.memref_slice %arg6[%add3A_355, %dma_wait3A_376] : memref<80x125xi32, #tpu.memory_space<vmem>> -> memref<1x125xi32, #tpu.memory_space<vmem>>
      %dma_wait3A_378 = tpu.memref_squeeze %dma_wait3A_377 : memref<1x125xi32, #tpu.memory_space<vmem>> -> memref<125xi32, #tpu.memory_space<vmem>>
      %dma_wait3A_379 = arith.constant 0 : i32
      %dma_wait3A_380 = arith.constant 0 : i32
      %dma_wait3A_381 = tpu.memref_slice %arg2[%dma_wait3A_379, %dma_wait3A_380] : memref<10000x64xf32, #tpu.memory_space<hbm>> -> memref<10000x64xf32, #tpu.memory_space<hbm>>
      tpu.wait_indirect_dma semaphore(%arg14 : memref<!tpu.dma_semaphore, #tpu.memory_space<semaphore_mem>>) src(%dma_wait3A_381 : memref<10000x64xf32, #tpu.memory_space<hbm>>) dst(%dma_wait3A_375 : memref<125x64xf32, #tpu.memory_space<vmem>>)
      %run_scoped3A_382 = arith.constant 2 : i32
      "tpu.region"() ({
        %run_scoped3A_412 = tpu.sem_alloc : memref<!tpu.dma_semaphore, #tpu.memory_space<semaphore_mem>>
        %dma_start3A_413 = arith.constant 0 : i32
        %dma_start3A_414 = arith.constant 0 : i32
        %dma_start3A_415 = tpu.memref_slice %arg8[%run_scoped3A_382, %dma_start3A_413, %dma_start3A_414] : memref<4x125x64xf32, #tpu.memory_space<vmem>> -> memref<1x125x64xf32, #tpu.memory_space<vmem>>
        %dma_start3A_416 = tpu.memref_squeeze %dma_start3A_415 : memref<1x125x64xf32, #tpu.memory_space<vmem>> -> memref<125x64xf32, #tpu.memory_space<vmem>>
        %dma_start3A_417 = arith.constant 0 : i32
        %dma_start3A_418 = tpu.memref_slice %arg7[%add3A_355, %dma_start3A_417] : memref<80x125xi32, #tpu.memory_space<vmem>> -> memref<1x125xi32, #tpu.memory_space<vmem>>
        %dma_start3A_419 = tpu.memref_squeeze %dma_start3A_418 : memref<1x125xi32, #tpu.memory_space<vmem>> -> memref<125xi32, #tpu.memory_space<vmem>>
        %dma_start3A_420 = arith.constant 0 : i32
        %dma_start3A_421 = arith.constant 0 : i32
        %dma_start3A_422 = tpu.memref_slice %arg11[%dma_start3A_420, %dma_start3A_421] : memref<10000x64xf32, #tpu.memory_space<vmem_shared>> -> memref<10000x64xf32, #tpu.memory_space<vmem_shared>>
        tpu.enqueue_indirect_dma source(%dma_start3A_416 : memref<125x64xf32, #tpu.memory_space<vmem>>) target(%dma_start3A_422 : memref<10000x64xf32, #tpu.memory_space<vmem_shared>>) offsets(%dma_start3A_419 : memref<125xi32, #tpu.memory_space<vmem>>) semaphore(%run_scoped3A_412 : memref<!tpu.dma_semaphore, #tpu.memory_space<semaphore_mem>>) {add = true}
        %dma_wait3A_423 = arith.constant 0 : i32
        %dma_wait3A_424 = arith.constant 0 : i32
        %dma_wait3A_425 = tpu.memref_slice %arg8[%run_scoped3A_382, %dma_wait3A_423, %dma_wait3A_424] : memref<4x125x64xf32, #tpu.memory_space<vmem>> -> memref<1x125x64xf32, #tpu.memory_space<vmem>>
        %dma_wait3A_426 = tpu.memref_squeeze %dma_wait3A_425 : memref<1x125x64xf32, #tpu.memory_space<vmem>> -> memref<125x64xf32, #tpu.memory_space<vmem>>
        %dma_wait3A_427 = arith.constant 0 : i32
        %dma_wait3A_428 = tpu.memref_slice %arg7[%add3A_355, %dma_wait3A_427] : memref<80x125xi32, #tpu.memory_space<vmem>> -> memref<1x125xi32, #tpu.memory_space<vmem>>
        %dma_wait3A_429 = tpu.memref_squeeze %dma_wait3A_428 : memref<1x125xi32, #tpu.memory_space<vmem>> -> memref<125xi32, #tpu.memory_space<vmem>>
        %dma_wait3A_430 = arith.constant 0 : i32
        %dma_wait3A_431 = arith.constant 0 : i32
        %dma_wait3A_432 = tpu.memref_slice %arg11[%dma_wait3A_430, %dma_wait3A_431] : memref<10000x64xf32, #tpu.memory_space<vmem_shared>> -> memref<10000x64xf32, #tpu.memory_space<vmem_shared>>
        tpu.wait_indirect_dma semaphore(%run_scoped3A_412 : memref<!tpu.dma_semaphore, #tpu.memory_space<semaphore_mem>>) src(%dma_wait3A_426 : memref<125x64xf32, #tpu.memory_space<vmem>>) dst(%dma_wait3A_432 : memref<10000x64xf32, #tpu.memory_space<vmem_shared>>)
        tpu.yield
      }) : () -> ()
      %add3A_383 = arith.constant 3 : i32
      %add3A_384 = arith.addi %mul3A_297, %add3A_383 : i32
      %add3A_385 = arith.constant 3 : i32
      %add3A_386 = arith.addi %add3A_384, %add3A_385 : i32
      %rem3A_387 = arith.constant 80 : i32
      %rem3A_388 = arith.remsi %add3A_386, %rem3A_387 : i32
      %dma_start3A_389 = arith.constant 2 : i32
      %dma_start3A_390 = arith.constant 0 : i32
      %dma_start3A_391 = arith.constant 0 : i32
      %dma_start3A_392 = tpu.memref_slice %arg8[%dma_start3A_389, %dma_start3A_390, %dma_start3A_391] : memref<4x125x64xf32, #tpu.memory_space<vmem>> -> memref<1x125x64xf32, #tpu.memory_space<vmem>>
      %dma_start3A_393 = tpu.memref_squeeze %dma_start3A_392 : memref<1x125x64xf32, #tpu.memory_space<vmem>> -> memref<125x64xf32, #tpu.memory_space<vmem>>
      %dma_start3A_394 = arith.constant 0 : i32
      %dma_start3A_395 = tpu.memref_slice %arg6[%rem3A_388, %dma_start3A_394] : memref<80x125xi32, #tpu.memory_space<vmem>> -> memref<1x125xi32, #tpu.memory_space<vmem>>
      %dma_start3A_396 = tpu.memref_squeeze %dma_start3A_395 : memref<1x125xi32, #tpu.memory_space<vmem>> -> memref<125xi32, #tpu.memory_space<vmem>>
      %dma_start3A_397 = arith.constant 0 : i32
      %dma_start3A_398 = arith.constant 0 : i32
      %dma_start3A_399 = tpu.memref_slice %arg2[%dma_start3A_397, %dma_start3A_398] : memref<10000x64xf32, #tpu.memory_space<hbm>> -> memref<10000x64xf32, #tpu.memory_space<hbm>>
      tpu.enqueue_indirect_dma source(%dma_start3A_399 : memref<10000x64xf32, #tpu.memory_space<hbm>>) target(%dma_start3A_393 : memref<125x64xf32, #tpu.memory_space<vmem>>) offsets(%dma_start3A_396 : memref<125xi32, #tpu.memory_space<vmem>>) semaphore(%arg14 : memref<!tpu.dma_semaphore, #tpu.memory_space<semaphore_mem>>)
      %dma_wait3A_400 = arith.constant 3 : i32
      %dma_wait3A_401 = arith.constant 0 : i32
      %dma_wait3A_402 = arith.constant 0 : i32
      %dma_wait3A_403 = tpu.memref_slice %arg8[%dma_wait3A_400, %dma_wait3A_401, %dma_wait3A_402] : memref<4x125x64xf32, #tpu.memory_space<vmem>> -> memref<1x125x64xf32, #tpu.memory_space<vmem>>
      %dma_wait3A_404 = tpu.memref_squeeze %dma_wait3A_403 : memref<1x125x64xf32, #tpu.memory_space<vmem>> -> memref<125x64xf32, #tpu.memory_space<vmem>>
      %dma_wait3A_405 = arith.constant 0 : i32
      %dma_wait3A_406 = tpu.memref_slice %arg6[%add3A_384, %dma_wait3A_405] : memref<80x125xi32, #tpu.memory_space<vmem>> -> memref<1x125xi32, #tpu.memory_space<vmem>>
      %dma_wait3A_407 = tpu.memref_squeeze %dma_wait3A_406 : memref<1x125xi32, #tpu.memory_space<vmem>> -> memref<125xi32, #tpu.memory_space<vmem>>
      %dma_wait3A_408 = arith.constant 0 : i32
      %dma_wait3A_409 = arith.constant 0 : i32
      %dma_wait3A_410 = tpu.memref_slice %arg2[%dma_wait3A_408, %dma_wait3A_409] : memref<10000x64xf32, #tpu.memory_space<hbm>> -> memref<10000x64xf32, #tpu.memory_space<hbm>>
      tpu.wait_indirect_dma semaphore(%arg15 : memref<!tpu.dma_semaphore, #tpu.memory_space<semaphore_mem>>) src(%dma_wait3A_410 : memref<10000x64xf32, #tpu.memory_space<hbm>>) dst(%dma_wait3A_404 : memref<125x64xf32, #tpu.memory_space<vmem>>)
      %run_scoped3A_411 = arith.constant 3 : i32
      "tpu.region"() ({
        %run_scoped3A_412 = tpu.sem_alloc : memref<!tpu.dma_semaphore, #tpu.memory_space<semaphore_mem>>
        %dma_start3A_413 = arith.constant 0 : i32
        %dma_start3A_414 = arith.constant 0 : i32
        %dma_start3A_415 = tpu.memref_slice %arg8[%run_scoped3A_411, %dma_start3A_413, %dma_start3A_414] : memref<4x125x64xf32, #tpu.memory_space<vmem>> -> memref<1x125x64xf32, #tpu.memory_space<vmem>>
        %dma_start3A_416 = tpu.memref_squeeze %dma_start3A_415 : memref<1x125x64xf32, #tpu.memory_space<vmem>> -> memref<125x64xf32, #tpu.memory_space<vmem>>
        %dma_start3A_417 = arith.constant 0 : i32
        %dma_start3A_418 = tpu.memref_slice %arg7[%add3A_384, %dma_start3A_417] : memref<80x125xi32, #tpu.memory_space<vmem>> -> memref<1x125xi32, #tpu.memory_space<vmem>>
        %dma_start3A_419 = tpu.memref_squeeze %dma_start3A_418 : memref<1x125xi32, #tpu.memory_space<vmem>> -> memref<125xi32, #tpu.memory_space<vmem>>
        %dma_start3A_420 = arith.constant 0 : i32
        %dma_start3A_421 = arith.constant 0 : i32
        %dma_start3A_422 = tpu.memref_slice %arg11[%dma_start3A_420, %dma_start3A_421] : memref<10000x64xf32, #tpu.memory_space<vmem_shared>> -> memref<10000x64xf32, #tpu.memory_space<vmem_shared>>
        tpu.enqueue_indirect_dma source(%dma_start3A_416 : memref<125x64xf32, #tpu.memory_space<vmem>>) target(%dma_start3A_422 : memref<10000x64xf32, #tpu.memory_space<vmem_shared>>) offsets(%dma_start3A_419 : memref<125xi32, #tpu.memory_space<vmem>>) semaphore(%run_scoped3A_412 : memref<!tpu.dma_semaphore, #tpu.memory_space<semaphore_mem>>) {add = true}
        %dma_wait3A_423 = arith.constant 0 : i32
        %dma_wait3A_424 = arith.constant 0 : i32
        %dma_wait3A_425 = tpu.memref_slice %arg8[%run_scoped3A_411, %dma_wait3A_423, %dma_wait3A_424] : memref<4x125x64xf32, #tpu.memory_space<vmem>> -> memref<1x125x64xf32, #tpu.memory_space<vmem>>
        %dma_wait3A_426 = tpu.memref_squeeze %dma_wait3A_425 : memref<1x125x64xf32, #tpu.memory_space<vmem>> -> memref<125x64xf32, #tpu.memory_space<vmem>>
        %dma_wait3A_427 = arith.constant 0 : i32
        %dma_wait3A_428 = tpu.memref_slice %arg7[%add3A_384, %dma_wait3A_427] : memref<80x125xi32, #tpu.memory_space<vmem>> -> memref<1x125xi32, #tpu.memory_space<vmem>>
        %dma_wait3A_429 = tpu.memref_squeeze %dma_wait3A_428 : memref<1x125xi32, #tpu.memory_space<vmem>> -> memref<125xi32, #tpu.memory_space<vmem>>
        %dma_wait3A_430 = arith.constant 0 : i32
        %dma_wait3A_431 = arith.constant 0 : i32
        %dma_wait3A_432 = tpu.memref_slice %arg11[%dma_wait3A_430, %dma_wait3A_431] : memref<10000x64xf32, #tpu.memory_space<vmem_shared>> -> memref<10000x64xf32, #tpu.memory_space<vmem_shared>>
        tpu.wait_indirect_dma semaphore(%run_scoped3A_412 : memref<!tpu.dma_semaphore, #tpu.memory_space<semaphore_mem>>) src(%dma_wait3A_426 : memref<125x64xf32, #tpu.memory_space<vmem>>) dst(%dma_wait3A_432 : memref<10000x64xf32, #tpu.memory_space<vmem_shared>>)
        tpu.yield
      }) : () -> ()
    }
    %scan3A_247 = arith.constant 20 : i32
    %dma_wait3A = arith.constant 0 : i32
    %dma_wait3A_248 = arith.constant 0 : i32
    %dma_wait3A_249 = arith.constant 0 : i32
    %dma_wait3A_250 = arith.constant 0 : i32
    %dma_wait3A_251 = tpu.memref_slice %arg8[%dma_wait3A_248, %dma_wait3A_249, %dma_wait3A_250] : memref<4x125x64xf32, #tpu.memory_space<vmem>> -> memref<1x125x64xf32, #tpu.memory_space<vmem>>
    %dma_wait3A_252 = tpu.memref_squeeze %dma_wait3A_251 : memref<1x125x64xf32, #tpu.memory_space<vmem>> -> memref<125x64xf32, #tpu.memory_space<vmem>>
    %dma_wait3A_253 = arith.constant 0 : i32
    %dma_wait3A_254 = tpu.memref_slice %arg6[%dma_wait3A, %dma_wait3A_253] : memref<80x125xi32, #tpu.memory_space<vmem>> -> memref<1x125xi32, #tpu.memory_space<vmem>>
    %dma_wait3A_255 = tpu.memref_squeeze %dma_wait3A_254 : memref<1x125xi32, #tpu.memory_space<vmem>> -> memref<125xi32, #tpu.memory_space<vmem>>
    %dma_wait3A_256 = arith.constant 0 : i32
    %dma_wait3A_257 = arith.constant 0 : i32
    %dma_wait3A_258 = tpu.memref_slice %arg2[%dma_wait3A_256, %dma_wait3A_257] : memref<10000x64xf32, #tpu.memory_space<hbm>> -> memref<10000x64xf32, #tpu.memory_space<hbm>>
    tpu.wait_indirect_dma semaphore(%arg12 : memref<!tpu.dma_semaphore, #tpu.memory_space<semaphore_mem>>) src(%dma_wait3A_258 : memref<10000x64xf32, #tpu.memory_space<hbm>>) dst(%dma_wait3A_252 : memref<125x64xf32, #tpu.memory_space<vmem>>)
    %dma_wait3A_259 = arith.constant 1 : i32
    %dma_wait3A_260 = arith.constant 1 : i32
    %dma_wait3A_261 = arith.constant 0 : i32
    %dma_wait3A_262 = arith.constant 0 : i32
    %dma_wait3A_263 = tpu.memref_slice %arg8[%dma_wait3A_260, %dma_wait3A_261, %dma_wait3A_262] : memref<4x125x64xf32, #tpu.memory_space<vmem>> -> memref<1x125x64xf32, #tpu.memory_space<vmem>>
    %dma_wait3A_264 = tpu.memref_squeeze %dma_wait3A_263 : memref<1x125x64xf32, #tpu.memory_space<vmem>> -> memref<125x64xf32, #tpu.memory_space<vmem>>
    %dma_wait3A_265 = arith.constant 0 : i32
    %dma_wait3A_266 = tpu.memref_slice %arg6[%dma_wait3A_259, %dma_wait3A_265] : memref<80x125xi32, #tpu.memory_space<vmem>> -> memref<1x125xi32, #tpu.memory_space<vmem>>
    %dma_wait3A_267 = tpu.memref_squeeze %dma_wait3A_266 : memref<1x125xi32, #tpu.memory_space<vmem>> -> memref<125xi32, #tpu.memory_space<vmem>>
    %dma_wait3A_268 = arith.constant 0 : i32
    %dma_wait3A_269 = arith.constant 0 : i32
    %dma_wait3A_270 = tpu.memref_slice %arg2[%dma_wait3A_268, %dma_wait3A_269] : memref<10000x64xf32, #tpu.memory_space<hbm>> -> memref<10000x64xf32, #tpu.memory_space<hbm>>
    tpu.wait_indirect_dma semaphore(%arg13 : memref<!tpu.dma_semaphore, #tpu.memory_space<semaphore_mem>>) src(%dma_wait3A_270 : memref<10000x64xf32, #tpu.memory_space<hbm>>) dst(%dma_wait3A_264 : memref<125x64xf32, #tpu.memory_space<vmem>>)
    %dma_wait3A_271 = arith.constant 2 : i32
    %dma_wait3A_272 = arith.constant 2 : i32
    %dma_wait3A_273 = arith.constant 0 : i32
    %dma_wait3A_274 = arith.constant 0 : i32
    %dma_wait3A_275 = tpu.memref_slice %arg8[%dma_wait3A_272, %dma_wait3A_273, %dma_wait3A_274] : memref<4x125x64xf32, #tpu.memory_space<vmem>> -> memref<1x125x64xf32, #tpu.memory_space<vmem>>
    %dma_wait3A_276 = tpu.memref_squeeze %dma_wait3A_275 : memref<1x125x64xf32, #tpu.memory_space<vmem>> -> memref<125x64xf32, #tpu.memory_space<vmem>>
    %dma_wait3A_277 = arith.constant 0 : i32
    %dma_wait3A_278 = tpu.memref_slice %arg6[%dma_wait3A_271, %dma_wait3A_277] : memref<80x125xi32, #tpu.memory_space<vmem>> -> memref<1x125xi32, #tpu.memory_space<vmem>>
    %dma_wait3A_279 = tpu.memref_squeeze %dma_wait3A_278 : memref<1x125xi32, #tpu.memory_space<vmem>> -> memref<125xi32, #tpu.memory_space<vmem>>
    %dma_wait3A_280 = arith.constant 0 : i32
    %dma_wait3A_281 = arith.constant 0 : i32
    %dma_wait3A_282 = tpu.memref_slice %arg2[%dma_wait3A_280, %dma_wait3A_281] : memref<10000x64xf32, #tpu.memory_space<hbm>> -> memref<10000x64xf32, #tpu.memory_space<hbm>>
    tpu.wait_indirect_dma semaphore(%arg14 : memref<!tpu.dma_semaphore, #tpu.memory_space<semaphore_mem>>) src(%dma_wait3A_282 : memref<10000x64xf32, #tpu.memory_space<hbm>>) dst(%dma_wait3A_276 : memref<125x64xf32, #tpu.memory_space<vmem>>)
    %barrier3A_283 = arith.constant 0 : index
    tpu.barrier barrier_id(%barrier3A_283)
    %scan3A_284 = arith.constant 0 : i32
    %scan3A_285 = arith.constant 0 : i32
    %scan3A_286 = arith.constant 6 : i32
    %scan3A_287 = arith.addi %scan3A_285, %scan3A_286 : i32
    %scan3A_288 = arith.constant 1 : i32
    scf.for %scan3A_295 = %scan3A_285 to %scan3A_287 step %scan3A_288  : i32 {
      %mul3A_296 = arith.constant 104 : i32
      %mul3A_297 = arith.muli %scan3A_295, %mul3A_296 : i32
      %add3A_298 = arith.addi %multiple_of3A, %mul3A_297 : i32
      %multiple_of3A_299 = tpu.assume_multiple %add3A_298, 8 : i32
      "tpu.region"() ({
        %run_scoped3A = tpu.sem_alloc : memref<!tpu.dma_semaphore, #tpu.memory_space<semaphore_mem>>
        %dma_start3A_300 = arith.constant 0 : i32
        %dma_start3A_301 = tpu.memref_slice %arg11[%multiple_of3A_299, %dma_start3A_300] : memref<10000x64xf32, #tpu.memory_space<vmem_shared>> -> memref<104x64xf32, #tpu.memory_space<vmem_shared>>
        %dma_start3A_302 = arith.constant 0 : i32
        %dma_start3A_303 = tpu.memref_slice %arg11[%multiple_of3A_299, %dma_start3A_302] : memref<10000x64xf32, #tpu.memory_space<vmem_shared>> -> memref<104x64xf32, #tpu.memory_space<vmem_shared>>
        tpu.enqueue_dma source(%dma_start3A_303 : memref<104x64xf32, #tpu.memory_space<vmem_shared>>) target(%arg10 : memref<104x64xf32, #tpu.memory_space<vmem>>) target_semaphore(%run_scoped3A : memref<!tpu.dma_semaphore, #tpu.memory_space<semaphore_mem>>)
        %dma_wait3A_304 = arith.constant 0 : i32
        %dma_wait3A_305 = tpu.memref_slice %arg11[%multiple_of3A_299, %dma_wait3A_304] : memref<10000x64xf32, #tpu.memory_space<vmem_shared>> -> memref<104x64xf32, #tpu.memory_space<vmem_shared>>
        %dma_wait3A_306 = arith.constant 0 : i32
        %dma_wait3A_307 = tpu.memref_slice %arg11[%multiple_of3A_299, %dma_wait3A_306] : memref<10000x64xf32, #tpu.memory_space<vmem_shared>> -> memref<104x64xf32, #tpu.memory_space<vmem_shared>>
        tpu.wait_dma2 semaphore(%run_scoped3A : memref<!tpu.dma_semaphore, #tpu.memory_space<semaphore_mem>>) src(%dma_wait3A_307 : memref<104x64xf32, #tpu.memory_space<vmem_shared>>) dst(%arg10 : memref<104x64xf32, #tpu.memory_space<vmem>>)
        tpu.yield
      }) : () -> ()
      "tpu.region"() ({
        %run_scoped3A = tpu.sem_alloc : memref<!tpu.dma_semaphore, #tpu.memory_space<semaphore_mem>>
        %dma_start3A_300 = arith.constant 0 : i32
        %dma_start3A_301 = tpu.memref_slice %arg5[%arg0, %multiple_of3A_299, %dma_start3A_300] : memref<2x10000x64xf32, #tpu.memory_space<hbm>> -> memref<1x104x64xf32, #tpu.memory_space<hbm>>
        %dma_start3A_302 = tpu.memref_squeeze %dma_start3A_301 : memref<1x104x64xf32, #tpu.memory_space<hbm>> -> memref<104x64xf32, #tpu.memory_space<hbm>>
        %dma_start3A_303 = arith.constant 0 : i32
        %dma_start3A_304 = tpu.memref_slice %arg5[%arg0, %multiple_of3A_299, %dma_start3A_303] : memref<2x10000x64xf32, #tpu.memory_space<hbm>> -> memref<1x104x64xf32, #tpu.memory_space<hbm>>
        %dma_start3A_305 = tpu.memref_squeeze %dma_start3A_304 : memref<1x104x64xf32, #tpu.memory_space<hbm>> -> memref<104x64xf32, #tpu.memory_space<hbm>>
        tpu.enqueue_dma source(%arg10 : memref<104x64xf32, #tpu.memory_space<vmem>>) target(%dma_start3A_305 : memref<104x64xf32, #tpu.memory_space<hbm>>) target_semaphore(%run_scoped3A : memref<!tpu.dma_semaphore, #tpu.memory_space<semaphore_mem>>)
        %dma_wait3A_306 = arith.constant 0 : i32
        %dma_wait3A_307 = tpu.memref_slice %arg5[%arg0, %multiple_of3A_299, %dma_wait3A_306] : memref<2x10000x64xf32, #tpu.memory_space<hbm>> -> memref<1x104x64xf32, #tpu.memory_space<hbm>>
        %dma_wait3A_308 = tpu.memref_squeeze %dma_wait3A_307 : memref<1x104x64xf32, #tpu.memory_space<hbm>> -> memref<104x64xf32, #tpu.memory_space<hbm>>
        %dma_wait3A_309 = arith.constant 0 : i32
        %dma_wait3A_310 = tpu.memref_slice %arg5[%arg0, %multiple_of3A_299, %dma_wait3A_309] : memref<2x10000x64xf32, #tpu.memory_space<hbm>> -> memref<1x104x64xf32, #tpu.memory_space<hbm>>
        %dma_wait3A_311 = tpu.memref_squeeze %dma_wait3A_310 : memref<1x104x64xf32, #tpu.memory_space<hbm>> -> memref<104x64xf32, #tpu.memory_space<hbm>>
        tpu.wait_dma2 semaphore(%run_scoped3A : memref<!tpu.dma_semaphore, #tpu.memory_space<semaphore_mem>>) src(%arg10 : memref<104x64xf32, #tpu.memory_space<vmem>>) dst(%dma_wait3A_311 : memref<104x64xf32, #tpu.memory_space<hbm>>)
        tpu.yield
      }) : () -> ()
    }
    %scan3A_289 = arith.constant 6 : i32
    %lt3A_290 = arith.constant 2 : i32
    %lt3A_291 = arith.cmpi slt, %arg1, %lt3A_290 : i32
    %convert_element_type3A_292 = arith.extui %lt3A_291 : i1 to i32
    %cond3A_293 = arith.constant 0 : i32
    %cond3A_294 = arith.cmpi ne, %convert_element_type3A_292, %cond3A_293 : i32
    scf.if %cond3A_294 {
      "tpu.region"() ({
        %run_scoped3A = tpu.sem_alloc : memref<!tpu.dma_semaphore, #tpu.memory_space<semaphore_mem>>
        %dma_start3A_295 = arith.constant 0 : i32
        %dma_start3A_296 = tpu.memref_slice %arg11[%multiple_of3A_7, %dma_start3A_295] : memref<10000x64xf32, #tpu.memory_space<vmem_shared>> -> memref<8x64xf32, #tpu.memory_space<vmem_shared>>
        %dma_start3A_297 = arith.constant 0 : i32
        %dma_start3A_298 = tpu.memref_slice %arg11[%multiple_of3A_7, %dma_start3A_297] : memref<10000x64xf32, #tpu.memory_space<vmem_shared>> -> memref<8x64xf32, #tpu.memory_space<vmem_shared>>
        tpu.enqueue_dma source(%dma_start3A_298 : memref<8x64xf32, #tpu.memory_space<vmem_shared>>) target(%arg9 : memref<8x64xf32, #tpu.memory_space<vmem>>) target_semaphore(%run_scoped3A : memref<!tpu.dma_semaphore, #tpu.memory_space<semaphore_mem>>)
        %dma_wait3A_299 = arith.constant 0 : i32
        %dma_wait3A_300 = tpu.memref_slice %arg11[%multiple_of3A_7, %dma_wait3A_299] : memref<10000x64xf32, #tpu.memory_space<vmem_shared>> -> memref<8x64xf32, #tpu.memory_space<vmem_shared>>
        %dma_wait3A_301 = arith.constant 0 : i32
        %dma_wait3A_302 = tpu.memref_slice %arg11[%multiple_of3A_7, %dma_wait3A_301] : memref<10000x64xf32, #tpu.memory_space<vmem_shared>> -> memref<8x64xf32, #tpu.memory_space<vmem_shared>>
        tpu.wait_dma2 semaphore(%run_scoped3A : memref<!tpu.dma_semaphore, #tpu.memory_space<semaphore_mem>>) src(%dma_wait3A_302 : memref<8x64xf32, #tpu.memory_space<vmem_shared>>) dst(%arg9 : memref<8x64xf32, #tpu.memory_space<vmem>>)
        tpu.yield
      }) : () -> ()
      "tpu.region"() ({
        %run_scoped3A = tpu.sem_alloc : memref<!tpu.dma_semaphore, #tpu.memory_space<semaphore_mem>>
        %dma_start3A_295 = arith.constant 0 : i32
        %dma_start3A_296 = tpu.memref_slice %arg5[%arg0, %multiple_of3A_7, %dma_start3A_295] : memref<2x10000x64xf32, #tpu.memory_space<hbm>> -> memref<1x8x64xf32, #tpu.memory_space<hbm>>
        %dma_start3A_297 = tpu.memref_squeeze %dma_start3A_296 : memref<1x8x64xf32, #tpu.memory_space<hbm>> -> memref<8x64xf32, #tpu.memory_space<hbm>>
        %dma_start3A_298 = arith.constant 0 : i32
        %dma_start3A_299 = tpu.memref_slice %arg5[%arg0, %multiple_of3A_7, %dma_start3A_298] : memref<2x10000x64xf32, #tpu.memory_space<hbm>> -> memref<1x8x64xf32, #tpu.memory_space<hbm>>
        %dma_start3A_300 = tpu.memref_squeeze %dma_start3A_299 : memref<1x8x64xf32, #tpu.memory_space<hbm>> -> memref<8x64xf32, #tpu.memory_space<hbm>>
        tpu.enqueue_dma source(%arg9 : memref<8x64xf32, #tpu.memory_space<vmem>>) target(%dma_start3A_300 : memref<8x64xf32, #tpu.memory_space<hbm>>) target_semaphore(%run_scoped3A : memref<!tpu.dma_semaphore, #tpu.memory_space<semaphore_mem>>)
        %dma_wait3A_301 = arith.constant 0 : i32
        %dma_wait3A_302 = tpu.memref_slice %arg5[%arg0, %multiple_of3A_7, %dma_wait3A_301] : memref<2x10000x64xf32, #tpu.memory_space<hbm>> -> memref<1x8x64xf32, #tpu.memory_space<hbm>>
        %dma_wait3A_303 = tpu.memref_squeeze %dma_wait3A_302 : memref<1x8x64xf32, #tpu.memory_space<hbm>> -> memref<8x64xf32, #tpu.memory_space<hbm>>
        %dma_wait3A_304 = arith.constant 0 : i32
        %dma_wait3A_305 = tpu.memref_slice %arg5[%arg0, %multiple_of3A_7, %dma_wait3A_304] : memref<2x10000x64xf32, #tpu.memory_space<hbm>> -> memref<1x8x64xf32, #tpu.memory_space<hbm>>
        %dma_wait3A_306 = tpu.memref_squeeze %dma_wait3A_305 : memref<1x8x64xf32, #tpu.memory_space<hbm>> -> memref<8x64xf32, #tpu.memory_space<hbm>>
        tpu.wait_dma2 semaphore(%run_scoped3A : memref<!tpu.dma_semaphore, #tpu.memory_space<semaphore_mem>>) src(%arg9 : memref<8x64xf32, #tpu.memory_space<vmem>>) dst(%dma_wait3A_306 : memref<8x64xf32, #tpu.memory_space<hbm>>)
        tpu.yield
      }) : () -> ()
    } else {
    }
    return
  }
}

module attributes {stable_mosaic.version = 14 : i64} {
  func.func @_tc0_body(%arg0: memref<10000x128xf32, #tpu.memory_space<vmem>>, %arg1: memref<128x64xf32, #tpu.memory_space<vmem>>, %arg2: memref<128x64xf32, #tpu.memory_space<vmem>>, %arg3: memref<1x64xf32, #tpu.memory_space<vmem>>, %arg4: memref<10000x64xf32, #tpu.memory_space<vmem>>, %arg5: memref<10000x64xf32, #tpu.memory_space<vmem>>) attributes {dimension_semantics = [], scalar_prefetch = 0 : i64, scratch_operands = 0 : i64, tpu.core_type = #tpu.core_type<tc>} {
    %get3A = arith.constant 0 : index
    %get3A_0 = arith.constant 0 : index
    %get3A_1 = vector.load %arg0[%get3A, %get3A_0] : memref<10000x128xf32, #tpu.memory_space<vmem>>, vector<10000x128xf32>
    %get3A_2 = arith.constant 0 : index
    %get3A_3 = arith.constant 0 : index
    %get3A_4 = vector.load %arg1[%get3A_2, %get3A_3] : memref<128x64xf32, #tpu.memory_space<vmem>>, vector<128x64xf32>
    %dot_general3A = arith.constant dense<0.000000e+00> : vector<10000x64xf32>
    %dot_general3A_5 = tpu.matmul %get3A_1, %get3A_4, %dot_general3A {dimension_numbers = #tpu.dot_dimension_numbers<[1], [0], [0], [1], [0, 0, 1, 1], [], []>, transpose_lhs_hint = false} : vector<10000x128xf32>, vector<128x64xf32>, vector<10000x64xf32> -> vector<10000x64xf32>
    %swap3A = arith.constant 0 : index
    %swap3A_6 = arith.constant 0 : index
    %swap3A_7 = vector.load %arg4[%swap3A, %swap3A_6] : memref<10000x64xf32, #tpu.memory_space<vmem>>, vector<10000x64xf32>
    tpu.vector_store %arg4[%swap3A, %swap3A_6], %dot_general3A_5 {strides = array<i32>} : memref<10000x64xf32, #tpu.memory_space<vmem>>, vector<10000x64xf32>,
    %get3A_8 = arith.constant 0 : index
    %get3A_9 = arith.constant 0 : index
    %get3A_10 = vector.load %arg2[%get3A_8, %get3A_9] : memref<128x64xf32, #tpu.memory_space<vmem>>, vector<128x64xf32>
    %dot_general3A_11 = arith.constant dense<0.000000e+00> : vector<10000x64xf32>
    %dot_general3A_12 = tpu.matmul %get3A_1, %get3A_10, %dot_general3A_11 {dimension_numbers = #tpu.dot_dimension_numbers<[1], [0], [0], [1], [0, 0, 1, 1], [], []>, transpose_lhs_hint = false} : vector<10000x128xf32>, vector<128x64xf32>, vector<10000x64xf32> -> vector<10000x64xf32>
    %get3A_13 = arith.constant 0 : index
    %get3A_14 = arith.constant 0 : index
    %get3A_15 = vector.load %arg3[%get3A_13, %get3A_14] : memref<1x64xf32, #tpu.memory_space<vmem>>, vector<1x64xf32>
    %add3A = vector.broadcast %get3A_15 : vector<1x64xf32> to vector<10000x64xf32>
    %add3A_16 = arith.addf %dot_general3A_12, %add3A : vector<10000x64xf32>
    %swap3A_17 = arith.constant 0 : index
    %swap3A_18 = arith.constant 0 : index
    %swap3A_19 = vector.load %arg5[%swap3A_17, %swap3A_18] : memref<10000x64xf32, #tpu.memory_space<vmem>>, vector<10000x64xf32>
    tpu.vector_store %arg5[%swap3A_17, %swap3A_18], %add3A_16 {strides = array<i32>} : memref<10000x64xf32, #tpu.memory_space<vmem>>, vector<10000x64xf32>,
    return
  }
}

module attributes {stable_mosaic.version = 14 : i64} {
  func.func @_tc1_body(%arg0: memref<2x10000x64xf32, #tpu.memory_space<vmem>>, %arg1: memref<2x10000x16xf32, #tpu.memory_space<vmem>>, %arg2: memref<10000x64xf32, #tpu.memory_space<vmem>>, %arg3: memref<1x64xf32, #tpu.memory_space<vmem>>, %arg4: memref<1x64xf32, #tpu.memory_space<vmem>>, %arg5: memref<64x64xf32, #tpu.memory_space<vmem>>, %arg6: memref<64x64xf32, #tpu.memory_space<vmem>>, %arg7: memref<1x64xf32, #tpu.memory_space<vmem>>, %arg8: memref<10000x64xf32, #tpu.memory_space<vmem>>, %arg9: memref<10000x64xf32, #tpu.memory_space<vmem>>, %arg10: memref<10000x1xf32, #tpu.memory_space<vmem>>) attributes {dimension_semantics = [], scalar_prefetch = 0 : i64, scratch_operands = 0 : i64, tpu.core_type = #tpu.core_type<tc>} {
    %get3A = arith.constant 0 : index
    %get3A_0 = arith.constant 0 : index
    %get3A_1 = arith.constant 0 : index
    %get3A_2 = vector.load %arg0[%get3A, %get3A_0, %get3A_1] : memref<2x10000x64xf32, #tpu.memory_space<vmem>>, vector<1x10000x64xf32>
    %get3A_3 = vector.shape_cast %get3A_2 : vector<1x10000x64xf32> to vector<10000x64xf32>
    %get3A_4 = arith.constant 1 : index
    %get3A_5 = arith.constant 0 : index
    %get3A_6 = arith.constant 0 : index
    %get3A_7 = vector.load %arg0[%get3A_4, %get3A_5, %get3A_6] : memref<2x10000x64xf32, #tpu.memory_space<vmem>>, vector<1x10000x64xf32>
    %get3A_8 = vector.shape_cast %get3A_7 : vector<1x10000x64xf32> to vector<10000x64xf32>
    %add3A = arith.addf %get3A_3, %get3A_8 : vector<10000x64xf32>
    %get3A_9 = arith.constant 0 : index
    %get3A_10 = arith.constant 0 : index
    %get3A_11 = arith.constant 0 : index
    %get3A_12 = vector.load %arg1[%get3A_9, %get3A_10, %get3A_11] : memref<2x10000x16xf32, #tpu.memory_space<vmem>>, vector<1x10000x16xf32>
    %get3A_13 = vector.shape_cast %get3A_12 : vector<1x10000x16xf32> to vector<10000x16xf32>
    %slice3A = vector.extract_strided_slice %get3A_13 {offsets = [0, 0], sizes = [10000, 1], strides = [1, 1]} : vector<10000x16xf32> to vector<10000x1xf32>
    %get3A_14 = arith.constant 1 : index
    %get3A_15 = arith.constant 0 : index
    %get3A_16 = arith.constant 0 : index
    %get3A_17 = vector.load %arg1[%get3A_14, %get3A_15, %get3A_16] : memref<2x10000x16xf32, #tpu.memory_space<vmem>>, vector<1x10000x16xf32>
    %get3A_18 = vector.shape_cast %get3A_17 : vector<1x10000x16xf32> to vector<10000x16xf32>
    %slice3A_19 = vector.extract_strided_slice %get3A_18 {offsets = [0, 0], sizes = [10000, 1], strides = [1, 1]} : vector<10000x16xf32> to vector<10000x1xf32>
    %add3A_20 = arith.addf %slice3A, %slice3A_19 : vector<10000x1xf32>
    %max3A = arith.constant 1.000000e+00 : f32
    %max3A_21 = vector.broadcast %max3A : f32 to vector<10000x1xf32>
    %max3A_22 = arith.maximumf %add3A_20, %max3A_21 : vector<10000x1xf32>
    %div3A = vector.broadcast %max3A_22 : vector<10000x1xf32> to vector<10000x64xf32>
    %div3A_23 = arith.divf %add3A, %div3A : vector<10000x64xf32>
    %get3A_24 = arith.constant 0 : index
    %get3A_25 = arith.constant 0 : index
    %get3A_26 = vector.load %arg2[%get3A_24, %get3A_25] : memref<10000x64xf32, #tpu.memory_space<vmem>>, vector<10000x64xf32>
    %add3A_27 = arith.addf %div3A_23, %get3A_26 : vector<10000x64xf32>
    %get3A_28 = arith.constant 0 : index
    %get3A_29 = arith.constant 0 : index
    %get3A_30 = vector.load %arg3[%get3A_28, %get3A_29] : memref<1x64xf32, #tpu.memory_space<vmem>>, vector<1x64xf32>
    %get3A_31 = arith.constant 0 : index
    %get3A_32 = arith.constant 0 : index
    %get3A_33 = vector.load %arg4[%get3A_31, %get3A_32] : memref<1x64xf32, #tpu.memory_space<vmem>>, vector<1x64xf32>
    %reduce_sum3A = arith.constant dense<0.000000e+00> : vector<64xf32>
    %reduce_sum3A_34 = vector.multi_reduction <add>, %add3A_27, %reduce_sum3A [0] : vector<10000x64xf32> to vector<64xf32>
    %broadcast_in_dim3A = vector.shape_cast %reduce_sum3A_34 : vector<64xf32> to vector<1x64xf32>
    %div3A_35 = arith.constant 1.000000e+04 : f32
    %div3A_36 = vector.broadcast %div3A_35 : f32 to vector<1x64xf32>
    %div3A_37 = arith.divf %broadcast_in_dim3A, %div3A_36 : vector<1x64xf32>
    %sub3A = vector.broadcast %div3A_37 : vector<1x64xf32> to vector<10000x64xf32>
    %sub3A_38 = arith.subf %add3A_27, %sub3A : vector<10000x64xf32>
    %sub3A_39 = vector.broadcast %div3A_37 : vector<1x64xf32> to vector<10000x64xf32>
    %sub3A_40 = arith.subf %add3A_27, %sub3A_39 : vector<10000x64xf32>
    %mul3A = arith.mulf %sub3A_38, %sub3A_40 : vector<10000x64xf32>
    %reduce_sum3A_41 = arith.constant dense<0.000000e+00> : vector<64xf32>
    %reduce_sum3A_42 = vector.multi_reduction <add>, %mul3A, %reduce_sum3A_41 [0] : vector<10000x64xf32> to vector<64xf32>
    %broadcast_in_dim3A_43 = vector.shape_cast %reduce_sum3A_42 : vector<64xf32> to vector<1x64xf32>
    %div3A_44 = arith.constant 1.000000e+04 : f32
    %div3A_45 = vector.broadcast %div3A_44 : f32 to vector<1x64xf32>
    %div3A_46 = arith.divf %broadcast_in_dim3A_43, %div3A_45 : vector<1x64xf32>
    %sub3A_47 = vector.broadcast %div3A_37 : vector<1x64xf32> to vector<10000x64xf32>
    %sub3A_48 = arith.subf %add3A_27, %sub3A_47 : vector<10000x64xf32>
    %mul3A_49 = vector.broadcast %get3A_30 : vector<1x64xf32> to vector<10000x64xf32>
    %mul3A_50 = arith.mulf %mul3A_49, %sub3A_48 : vector<10000x64xf32>
    %add3A_51 = arith.constant 9.99999974E-6 : f32
    %add3A_52 = vector.broadcast %add3A_51 : f32 to vector<1x64xf32>
    %add3A_53 = arith.addf %div3A_46, %add3A_52 : vector<1x64xf32>
    %sqrt3A = math.sqrt %add3A_53 : vector<1x64xf32>
    %div3A_54 = vector.broadcast %sqrt3A : vector<1x64xf32> to vector<10000x64xf32>
    %div3A_55 = arith.divf %mul3A_50, %div3A_54 : vector<10000x64xf32>
    %add3A_56 = vector.broadcast %get3A_33 : vector<1x64xf32> to vector<10000x64xf32>
    %add3A_57 = arith.addf %div3A_55, %add3A_56 : vector<10000x64xf32>
    %max3A_58 = arith.constant 0.000000e+00 : f32
    %max3A_59 = vector.broadcast %max3A_58 : f32 to vector<10000x64xf32>
    %max3A_60 = arith.maximumf %add3A_57, %max3A_59 : vector<10000x64xf32>
    %get3A_61 = arith.constant 0 : index
    %get3A_62 = arith.constant 0 : index
    %get3A_63 = vector.load %arg5[%get3A_61, %get3A_62] : memref<64x64xf32, #tpu.memory_space<vmem>>, vector<64x64xf32>
    %dot_general3A = arith.constant dense<0.000000e+00> : vector<10000x64xf32>
    %dot_general3A_64 = tpu.matmul %max3A_60, %get3A_63, %dot_general3A {dimension_numbers = #tpu.dot_dimension_numbers<[1], [0], [0], [1], [0, 0, 1, 1], [], []>, transpose_lhs_hint = false} : vector<10000x64xf32>, vector<64x64xf32>, vector<10000x64xf32> -> vector<10000x64xf32>
    %swap3A = arith.constant 0 : index
    %swap3A_65 = arith.constant 0 : index
    %swap3A_66 = vector.load %arg8[%swap3A, %swap3A_65] : memref<10000x64xf32, #tpu.memory_space<vmem>>, vector<10000x64xf32>
    tpu.vector_store %arg8[%swap3A, %swap3A_65], %dot_general3A_64 {strides = array<i32>} : memref<10000x64xf32, #tpu.memory_space<vmem>>, vector<10000x64xf32>,
    %get3A_67 = arith.constant 0 : index
    %get3A_68 = arith.constant 0 : index
    %get3A_69 = vector.load %arg6[%get3A_67, %get3A_68] : memref<64x64xf32, #tpu.memory_space<vmem>>, vector<64x64xf32>
    %dot_general3A_70 = arith.constant dense<0.000000e+00> : vector<10000x64xf32>
    %dot_general3A_71 = tpu.matmul %max3A_60, %get3A_69, %dot_general3A_70 {dimension_numbers = #tpu.dot_dimension_numbers<[1], [0], [0], [1], [0, 0, 1, 1], [], []>, transpose_lhs_hint = false} : vector<10000x64xf32>, vector<64x64xf32>, vector<10000x64xf32> -> vector<10000x64xf32>
    %get3A_72 = arith.constant 0 : index
    %get3A_73 = arith.constant 0 : index
    %get3A_74 = vector.load %arg7[%get3A_72, %get3A_73] : memref<1x64xf32, #tpu.memory_space<vmem>>, vector<1x64xf32>
    %add3A_75 = vector.broadcast %get3A_74 : vector<1x64xf32> to vector<10000x64xf32>
    %add3A_76 = arith.addf %dot_general3A_71, %add3A_75 : vector<10000x64xf32>
    %swap3A_77 = arith.constant 0 : index
    %swap3A_78 = arith.constant 0 : index
    %swap3A_79 = vector.load %arg9[%swap3A_77, %swap3A_78] : memref<10000x64xf32, #tpu.memory_space<vmem>>, vector<10000x64xf32>
    tpu.vector_store %arg9[%swap3A_77, %swap3A_78], %add3A_76 {strides = array<i32>} : memref<10000x64xf32, #tpu.memory_space<vmem>>, vector<10000x64xf32>,
    %swap3A_80 = arith.constant 0 : index
    %swap3A_81 = arith.constant 0 : index
    %swap3A_82 = vector.load %arg10[%swap3A_80, %swap3A_81] : memref<10000x1xf32, #tpu.memory_space<vmem>>, vector<10000x1xf32>
    tpu.vector_store %arg10[%swap3A_80, %swap3A_81], %max3A_22 {strides = array<i32>} : memref<10000x1xf32, #tpu.memory_space<vmem>>, vector<10000x1xf32>,
    return
  }
}

module attributes {stable_mosaic.version = 14 : i64} {
  func.func @_tc2_body(%arg0: memref<2x10000x64xf32, #tpu.memory_space<vmem>>, %arg1: memref<10000x1xf32, #tpu.memory_space<vmem>>, %arg2: memref<10000x64xf32, #tpu.memory_space<vmem>>, %arg3: memref<1x64xf32, #tpu.memory_space<vmem>>, %arg4: memref<1x64xf32, #tpu.memory_space<vmem>>, %arg5: memref<64x64xf32, #tpu.memory_space<vmem>>, %arg6: memref<64x64xf32, #tpu.memory_space<vmem>>, %arg7: memref<1x64xf32, #tpu.memory_space<vmem>>, %arg8: memref<10000x64xf32, #tpu.memory_space<vmem>>, %arg9: memref<10000x64xf32, #tpu.memory_space<vmem>>) attributes {dimension_semantics = [], scalar_prefetch = 0 : i64, scratch_operands = 0 : i64, tpu.core_type = #tpu.core_type<tc>} {
    %get3A = arith.constant 0 : index
    %get3A_0 = arith.constant 0 : index
    %get3A_1 = arith.constant 0 : index
    %get3A_2 = vector.load %arg0[%get3A, %get3A_0, %get3A_1] : memref<2x10000x64xf32, #tpu.memory_space<vmem>>, vector<1x10000x64xf32>
    %get3A_3 = vector.shape_cast %get3A_2 : vector<1x10000x64xf32> to vector<10000x64xf32>
    %get3A_4 = arith.constant 1 : index
    %get3A_5 = arith.constant 0 : index
    %get3A_6 = arith.constant 0 : index
    %get3A_7 = vector.load %arg0[%get3A_4, %get3A_5, %get3A_6] : memref<2x10000x64xf32, #tpu.memory_space<vmem>>, vector<1x10000x64xf32>
    %get3A_8 = vector.shape_cast %get3A_7 : vector<1x10000x64xf32> to vector<10000x64xf32>
    %add3A = arith.addf %get3A_3, %get3A_8 : vector<10000x64xf32>
    %get3A_9 = arith.constant 0 : index
    %get3A_10 = arith.constant 0 : index
    %get3A_11 = vector.load %arg1[%get3A_9, %get3A_10] : memref<10000x1xf32, #tpu.memory_space<vmem>>, vector<10000x1xf32>
    %div3A = vector.broadcast %get3A_11 : vector<10000x1xf32> to vector<10000x64xf32>
    %div3A_12 = arith.divf %add3A, %div3A : vector<10000x64xf32>
    %get3A_13 = arith.constant 0 : index
    %get3A_14 = arith.constant 0 : index
    %get3A_15 = vector.load %arg2[%get3A_13, %get3A_14] : memref<10000x64xf32, #tpu.memory_space<vmem>>, vector<10000x64xf32>
    %add3A_16 = arith.addf %div3A_12, %get3A_15 : vector<10000x64xf32>
    %get3A_17 = arith.constant 0 : index
    %get3A_18 = arith.constant 0 : index
    %get3A_19 = vector.load %arg3[%get3A_17, %get3A_18] : memref<1x64xf32, #tpu.memory_space<vmem>>, vector<1x64xf32>
    %get3A_20 = arith.constant 0 : index
    %get3A_21 = arith.constant 0 : index
    %get3A_22 = vector.load %arg4[%get3A_20, %get3A_21] : memref<1x64xf32, #tpu.memory_space<vmem>>, vector<1x64xf32>
    %reduce_sum3A = arith.constant dense<0.000000e+00> : vector<64xf32>
    %reduce_sum3A_23 = vector.multi_reduction <add>, %add3A_16, %reduce_sum3A [0] : vector<10000x64xf32> to vector<64xf32>
    %broadcast_in_dim3A = vector.shape_cast %reduce_sum3A_23 : vector<64xf32> to vector<1x64xf32>
    %div3A_24 = arith.constant 1.000000e+04 : f32
    %div3A_25 = vector.broadcast %div3A_24 : f32 to vector<1x64xf32>
    %div3A_26 = arith.divf %broadcast_in_dim3A, %div3A_25 : vector<1x64xf32>
    %sub3A = vector.broadcast %div3A_26 : vector<1x64xf32> to vector<10000x64xf32>
    %sub3A_27 = arith.subf %add3A_16, %sub3A : vector<10000x64xf32>
    %sub3A_28 = vector.broadcast %div3A_26 : vector<1x64xf32> to vector<10000x64xf32>
    %sub3A_29 = arith.subf %add3A_16, %sub3A_28 : vector<10000x64xf32>
    %mul3A = arith.mulf %sub3A_27, %sub3A_29 : vector<10000x64xf32>
    %reduce_sum3A_30 = arith.constant dense<0.000000e+00> : vector<64xf32>
    %reduce_sum3A_31 = vector.multi_reduction <add>, %mul3A, %reduce_sum3A_30 [0] : vector<10000x64xf32> to vector<64xf32>
    %broadcast_in_dim3A_32 = vector.shape_cast %reduce_sum3A_31 : vector<64xf32> to vector<1x64xf32>
    %div3A_33 = arith.constant 1.000000e+04 : f32
    %div3A_34 = vector.broadcast %div3A_33 : f32 to vector<1x64xf32>
    %div3A_35 = arith.divf %broadcast_in_dim3A_32, %div3A_34 : vector<1x64xf32>
    %sub3A_36 = vector.broadcast %div3A_26 : vector<1x64xf32> to vector<10000x64xf32>
    %sub3A_37 = arith.subf %add3A_16, %sub3A_36 : vector<10000x64xf32>
    %mul3A_38 = vector.broadcast %get3A_19 : vector<1x64xf32> to vector<10000x64xf32>
    %mul3A_39 = arith.mulf %mul3A_38, %sub3A_37 : vector<10000x64xf32>
    %add3A_40 = arith.constant 9.99999974E-6 : f32
    %add3A_41 = vector.broadcast %add3A_40 : f32 to vector<1x64xf32>
    %add3A_42 = arith.addf %div3A_35, %add3A_41 : vector<1x64xf32>
    %sqrt3A = math.sqrt %add3A_42 : vector<1x64xf32>
    %div3A_43 = vector.broadcast %sqrt3A : vector<1x64xf32> to vector<10000x64xf32>
    %div3A_44 = arith.divf %mul3A_39, %div3A_43 : vector<10000x64xf32>
    %add3A_45 = vector.broadcast %get3A_22 : vector<1x64xf32> to vector<10000x64xf32>
    %add3A_46 = arith.addf %div3A_44, %add3A_45 : vector<10000x64xf32>
    %max3A = arith.constant 0.000000e+00 : f32
    %max3A_47 = vector.broadcast %max3A : f32 to vector<10000x64xf32>
    %max3A_48 = arith.maximumf %add3A_46, %max3A_47 : vector<10000x64xf32>
    %get3A_49 = arith.constant 0 : index
    %get3A_50 = arith.constant 0 : index
    %get3A_51 = vector.load %arg5[%get3A_49, %get3A_50] : memref<64x64xf32, #tpu.memory_space<vmem>>, vector<64x64xf32>
    %dot_general3A = arith.constant dense<0.000000e+00> : vector<10000x64xf32>
    %dot_general3A_52 = tpu.matmul %max3A_48, %get3A_51, %dot_general3A {dimension_numbers = #tpu.dot_dimension_numbers<[1], [0], [0], [1], [0, 0, 1, 1], [], []>, transpose_lhs_hint = false} : vector<10000x64xf32>, vector<64x64xf32>, vector<10000x64xf32> -> vector<10000x64xf32>
    %swap3A = arith.constant 0 : index
    %swap3A_53 = arith.constant 0 : index
    %swap3A_54 = vector.load %arg8[%swap3A, %swap3A_53] : memref<10000x64xf32, #tpu.memory_space<vmem>>, vector<10000x64xf32>
    tpu.vector_store %arg8[%swap3A, %swap3A_53], %dot_general3A_52 {strides = array<i32>} : memref<10000x64xf32, #tpu.memory_space<vmem>>, vector<10000x64xf32>,
    %get3A_55 = arith.constant 0 : index
    %get3A_56 = arith.constant 0 : index
    %get3A_57 = vector.load %arg6[%get3A_55, %get3A_56] : memref<64x64xf32, #tpu.memory_space<vmem>>, vector<64x64xf32>
    %dot_general3A_58 = arith.constant dense<0.000000e+00> : vector<10000x64xf32>
    %dot_general3A_59 = tpu.matmul %max3A_48, %get3A_57, %dot_general3A_58 {dimension_numbers = #tpu.dot_dimension_numbers<[1], [0], [0], [1], [0, 0, 1, 1], [], []>, transpose_lhs_hint = false} : vector<10000x64xf32>, vector<64x64xf32>, vector<10000x64xf32> -> vector<10000x64xf32>
    %get3A_60 = arith.constant 0 : index
    %get3A_61 = arith.constant 0 : index
    %get3A_62 = vector.load %arg7[%get3A_60, %get3A_61] : memref<1x64xf32, #tpu.memory_space<vmem>>, vector<1x64xf32>
    %add3A_63 = vector.broadcast %get3A_62 : vector<1x64xf32> to vector<10000x64xf32>
    %add3A_64 = arith.addf %dot_general3A_59, %add3A_63 : vector<10000x64xf32>
    %swap3A_65 = arith.constant 0 : index
    %swap3A_66 = arith.constant 0 : index
    %swap3A_67 = vector.load %arg9[%swap3A_65, %swap3A_66] : memref<10000x64xf32, #tpu.memory_space<vmem>>, vector<10000x64xf32>
    tpu.vector_store %arg9[%swap3A_65, %swap3A_66], %add3A_64 {strides = array<i32>} : memref<10000x64xf32, #tpu.memory_space<vmem>>, vector<10000x64xf32>,
    return
  }
}

module attributes {stable_mosaic.version = 14 : i64} {
  func.func @_tc3_body(%arg0: memref<2x10000x64xf32, #tpu.memory_space<vmem>>, %arg1: memref<10000x1xf32, #tpu.memory_space<vmem>>, %arg2: memref<10000x64xf32, #tpu.memory_space<vmem>>, %arg3: memref<1x64xf32, #tpu.memory_space<vmem>>, %arg4: memref<1x64xf32, #tpu.memory_space<vmem>>, %arg5: memref<10000x1xi32, #tpu.memory_space<vmem>>, %arg6: memref<64x32xf32, #tpu.memory_space<vmem>>, %arg7: memref<1x32xf32, #tpu.memory_space<vmem>>, %arg8: memref<32x2xf32, #tpu.memory_space<vmem>>, %arg9: memref<1x2xf32, #tpu.memory_space<vmem>>, %arg10: memref<64x2xf32, #tpu.memory_space<vmem>>) attributes {dimension_semantics = [], scalar_prefetch = 0 : i64, scratch_operands = 0 : i64, tpu.core_type = #tpu.core_type<tc>} {
    %get3A = arith.constant 0 : index
    %get3A_0 = arith.constant 0 : index
    %get3A_1 = arith.constant 0 : index
    %get3A_2 = vector.load %arg0[%get3A, %get3A_0, %get3A_1] : memref<2x10000x64xf32, #tpu.memory_space<vmem>>, vector<1x10000x64xf32>
    %get3A_3 = vector.shape_cast %get3A_2 : vector<1x10000x64xf32> to vector<10000x64xf32>
    %get3A_4 = arith.constant 1 : index
    %get3A_5 = arith.constant 0 : index
    %get3A_6 = arith.constant 0 : index
    %get3A_7 = vector.load %arg0[%get3A_4, %get3A_5, %get3A_6] : memref<2x10000x64xf32, #tpu.memory_space<vmem>>, vector<1x10000x64xf32>
    %get3A_8 = vector.shape_cast %get3A_7 : vector<1x10000x64xf32> to vector<10000x64xf32>
    %add3A = arith.addf %get3A_3, %get3A_8 : vector<10000x64xf32>
    %get3A_9 = arith.constant 0 : index
    %get3A_10 = arith.constant 0 : index
    %get3A_11 = vector.load %arg1[%get3A_9, %get3A_10] : memref<10000x1xf32, #tpu.memory_space<vmem>>, vector<10000x1xf32>
    %div3A = vector.broadcast %get3A_11 : vector<10000x1xf32> to vector<10000x64xf32>
    %div3A_12 = arith.divf %add3A, %div3A : vector<10000x64xf32>
    %get3A_13 = arith.constant 0 : index
    %get3A_14 = arith.constant 0 : index
    %get3A_15 = vector.load %arg2[%get3A_13, %get3A_14] : memref<10000x64xf32, #tpu.memory_space<vmem>>, vector<10000x64xf32>
    %add3A_16 = arith.addf %div3A_12, %get3A_15 : vector<10000x64xf32>
    %get3A_17 = arith.constant 0 : index
    %get3A_18 = arith.constant 0 : index
    %get3A_19 = vector.load %arg3[%get3A_17, %get3A_18] : memref<1x64xf32, #tpu.memory_space<vmem>>, vector<1x64xf32>
    %get3A_20 = arith.constant 0 : index
    %get3A_21 = arith.constant 0 : index
    %get3A_22 = vector.load %arg4[%get3A_20, %get3A_21] : memref<1x64xf32, #tpu.memory_space<vmem>>, vector<1x64xf32>
    %reduce_sum3A = arith.constant dense<0.000000e+00> : vector<64xf32>
    %reduce_sum3A_23 = vector.multi_reduction <add>, %add3A_16, %reduce_sum3A [0] : vector<10000x64xf32> to vector<64xf32>
    %broadcast_in_dim3A = vector.shape_cast %reduce_sum3A_23 : vector<64xf32> to vector<1x64xf32>
    %div3A_24 = arith.constant 1.000000e+04 : f32
    %div3A_25 = vector.broadcast %div3A_24 : f32 to vector<1x64xf32>
    %div3A_26 = arith.divf %broadcast_in_dim3A, %div3A_25 : vector<1x64xf32>
    %sub3A = vector.broadcast %div3A_26 : vector<1x64xf32> to vector<10000x64xf32>
    %sub3A_27 = arith.subf %add3A_16, %sub3A : vector<10000x64xf32>
    %sub3A_28 = vector.broadcast %div3A_26 : vector<1x64xf32> to vector<10000x64xf32>
    %sub3A_29 = arith.subf %add3A_16, %sub3A_28 : vector<10000x64xf32>
    %mul3A = arith.mulf %sub3A_27, %sub3A_29 : vector<10000x64xf32>
    %reduce_sum3A_30 = arith.constant dense<0.000000e+00> : vector<64xf32>
    %reduce_sum3A_31 = vector.multi_reduction <add>, %mul3A, %reduce_sum3A_30 [0] : vector<10000x64xf32> to vector<64xf32>
    %broadcast_in_dim3A_32 = vector.shape_cast %reduce_sum3A_31 : vector<64xf32> to vector<1x64xf32>
    %div3A_33 = arith.constant 1.000000e+04 : f32
    %div3A_34 = vector.broadcast %div3A_33 : f32 to vector<1x64xf32>
    %div3A_35 = arith.divf %broadcast_in_dim3A_32, %div3A_34 : vector<1x64xf32>
    %sub3A_36 = vector.broadcast %div3A_26 : vector<1x64xf32> to vector<10000x64xf32>
    %sub3A_37 = arith.subf %add3A_16, %sub3A_36 : vector<10000x64xf32>
    %mul3A_38 = vector.broadcast %get3A_19 : vector<1x64xf32> to vector<10000x64xf32>
    %mul3A_39 = arith.mulf %mul3A_38, %sub3A_37 : vector<10000x64xf32>
    %add3A_40 = arith.constant 9.99999974E-6 : f32
    %add3A_41 = vector.broadcast %add3A_40 : f32 to vector<1x64xf32>
    %add3A_42 = arith.addf %div3A_35, %add3A_41 : vector<1x64xf32>
    %sqrt3A = math.sqrt %add3A_42 : vector<1x64xf32>
    %div3A_43 = vector.broadcast %sqrt3A : vector<1x64xf32> to vector<10000x64xf32>
    %div3A_44 = arith.divf %mul3A_39, %div3A_43 : vector<10000x64xf32>
    %add3A_45 = vector.broadcast %get3A_22 : vector<1x64xf32> to vector<10000x64xf32>
    %add3A_46 = arith.addf %div3A_44, %add3A_45 : vector<10000x64xf32>
    %max3A = arith.constant 0.000000e+00 : f32
    %max3A_47 = vector.broadcast %max3A : f32 to vector<10000x64xf32>
    %max3A_48 = arith.maximumf %add3A_46, %max3A_47 : vector<10000x64xf32>
    %iota3A = tpu.iota {dimensions = array<i32: 1>} : vector<1x64xi32>
    %get3A_49 = arith.constant 0 : index
    %get3A_50 = arith.constant 0 : index
    %get3A_51 = vector.load %arg5[%get3A_49, %get3A_50] : memref<10000x1xi32, #tpu.memory_space<vmem>>, vector<10000x1xi32>
    %eq3A = vector.broadcast %get3A_51 : vector<10000x1xi32> to vector<10000x64xi32>
    %eq3A_52 = vector.broadcast %iota3A : vector<1x64xi32> to vector<10000x64xi32>
    %eq3A_53 = arith.cmpi eq, %eq3A, %eq3A_52 : vector<10000x64xi32>
    %convert_element_type3A = arith.extui %eq3A_53 : vector<10000x64xi1> to vector<10000x64xi32>
    %convert_element_type3A_54 = arith.sitofp %convert_element_type3A : vector<10000x64xi32> to vector<10000x64xf32>
    %dot_general3A = arith.constant dense<0.000000e+00> : vector<64x64xf32>
    %dot_general3A_55 = tpu.matmul %convert_element_type3A_54, %max3A_48, %dot_general3A {dimension_numbers = #tpu.dot_dimension_numbers<[0], [0], [1], [1], [0, 1, 1, 1], [], []>, transpose_lhs_hint = false} : vector<10000x64xf32>, vector<10000x64xf32>, vector<64x64xf32> -> vector<64x64xf32>
    %broadcast_in_dim3A_56 = arith.constant 1.000000e+00 : f32
    %broadcast_in_dim3A_57 = vector.broadcast %broadcast_in_dim3A_56 : f32 to vector<10000x1xf32>
    %dot_general3A_58 = arith.constant dense<0.000000e+00> : vector<64x1xf32>
    %dot_general3A_59 = tpu.matmul %convert_element_type3A_54, %broadcast_in_dim3A_57, %dot_general3A_58 {dimension_numbers = #tpu.dot_dimension_numbers<[0], [0], [1], [1], [0, 1, 1, 1], [], []>, transpose_lhs_hint = false} : vector<10000x64xf32>, vector<10000x1xf32>, vector<64x1xf32> -> vector<64x1xf32>
    %max3A_60 = arith.constant 1.000000e+00 : f32
    %max3A_61 = vector.broadcast %max3A_60 : f32 to vector<64x1xf32>
    %max3A_62 = arith.maximumf %dot_general3A_59, %max3A_61 : vector<64x1xf32>
    %div3A_63 = vector.broadcast %max3A_62 : vector<64x1xf32> to vector<64x64xf32>
    %div3A_64 = arith.divf %dot_general3A_55, %div3A_63 : vector<64x64xf32>
    %get3A_65 = arith.constant 0 : index
    %get3A_66 = arith.constant 0 : index
    %get3A_67 = vector.load %arg6[%get3A_65, %get3A_66] : memref<64x32xf32, #tpu.memory_space<vmem>>, vector<64x32xf32>
    %dot_general3A_68 = arith.constant dense<0.000000e+00> : vector<64x32xf32>
    %dot_general3A_69 = tpu.matmul %div3A_64, %get3A_67, %dot_general3A_68 {dimension_numbers = #tpu.dot_dimension_numbers<[1], [0], [0], [1], [0, 0, 1, 1], [], []>, transpose_lhs_hint = false} : vector<64x64xf32>, vector<64x32xf32>, vector<64x32xf32> -> vector<64x32xf32>
    %get3A_70 = arith.constant 0 : index
    %get3A_71 = arith.constant 0 : index
    %get3A_72 = vector.load %arg7[%get3A_70, %get3A_71] : memref<1x32xf32, #tpu.memory_space<vmem>>, vector<1x32xf32>
    %add3A_73 = vector.broadcast %get3A_72 : vector<1x32xf32> to vector<64x32xf32>
    %add3A_74 = arith.addf %dot_general3A_69, %add3A_73 : vector<64x32xf32>
    %max3A_75 = arith.constant 0.000000e+00 : f32
    %max3A_76 = vector.broadcast %max3A_75 : f32 to vector<64x32xf32>
    %max3A_77 = arith.maximumf %add3A_74, %max3A_76 : vector<64x32xf32>
    %get3A_78 = arith.constant 0 : index
    %get3A_79 = arith.constant 0 : index
    %get3A_80 = vector.load %arg8[%get3A_78, %get3A_79] : memref<32x2xf32, #tpu.memory_space<vmem>>, vector<32x2xf32>
    %dot_general3A_81 = arith.constant dense<0.000000e+00> : vector<64x2xf32>
    %dot_general3A_82 = tpu.matmul %max3A_77, %get3A_80, %dot_general3A_81 {dimension_numbers = #tpu.dot_dimension_numbers<[1], [0], [0], [1], [0, 0, 1, 1], [], []>, transpose_lhs_hint = false} : vector<64x32xf32>, vector<32x2xf32>, vector<64x2xf32> -> vector<64x2xf32>
    %get3A_83 = arith.constant 0 : index
    %get3A_84 = arith.constant 0 : index
    %get3A_85 = vector.load %arg9[%get3A_83, %get3A_84] : memref<1x2xf32, #tpu.memory_space<vmem>>, vector<1x2xf32>
    %add3A_86 = vector.broadcast %get3A_85 : vector<1x2xf32> to vector<64x2xf32>
    %add3A_87 = arith.addf %dot_general3A_82, %add3A_86 : vector<64x2xf32>
    %swap3A = arith.constant 0 : index
    %swap3A_88 = arith.constant 0 : index
    %swap3A_89 = vector.load %arg10[%swap3A, %swap3A_88] : memref<64x2xf32, #tpu.memory_space<vmem>>, vector<64x2xf32>
    tpu.vector_store %arg10[%swap3A, %swap3A_88], %add3A_87 {strides = array<i32>} : memref<64x2xf32, #tpu.memory_space<vmem>>, vector<64x2xf32>,
    return
  }
}

</mosaic_0001>

<sc_bundles>
// kernel: kernel.10.cloned.1.call-start
scs
__scs_entry_jumppad:
0x0: {  	(pc) =	sbr.rel $0x88, $3  }
0x1: {  	(tag) =	ssettag $0x0;
	lr =	simm.s32 $0x1  }
0x2: {  	[smem:$0x3F8B] =	sst lr;
	_ =	strace $0xD0000000  }
0x3: {  	_ = 	snop  }
0x4: {  	_ = 	snop  }
0x5: {  	_ = 	snop  }
0x6: {  	_ = 	snop  }
0x7: {  	_ = 	snop  }
__scs_overlays_trampoline_lowered:
0x8: {  	[smem:$0x3F9A] =	sst s0  }
0x9: {  	[smem:$0x3F9B] =	sst s1  }
0xa: {  	[smem:$0x3F9C] =	sst s2  }
0xb: {  	[smem:$0x3F9D] =	sst s3  }
0xc: {  	[smem:$0x3F9E] =	sst s4  }
0xd: {  	[smem:$0x3F9F] =	sst s5  }
0xe: {  	[smem:$0x3FA0] =	sst s6  }
0xf: {  	[smem:$0x3FA1] =	sst s7  }
0x10: {  	[smem:$0x3FA2] =	sst s8  }
0x11: {  	[smem:$0x3FA3] =	sst s9;
	s0 =	simm.s32 @!p0 $0x0  }
0x12: {  	s1 =	sld [smem:$0x3F89];
	s0 =	simm.s32 @p0 $0x1  }
0x13: {  	[smem:$0x3FA4] =	sst s0;
	s0 =	simm.s32 @!p1 $0x0  }
0x14: {  	s2 =	sld [smem:$0x3F88];
	s0 =	simm.s32 @p1 $0x1  }
0x15: {  	[smem:$0x3FA5] =	sst s0;
	s0 =	simm.s32 @!p2 $0x0  }
0x16: {  	s3 =	sld [smem:$0x3FDB];
	s0 =	simm.s32 @p2 $0x1  }
0x17: {  	s4 =	simm.s32 $0x1BF5;
	[smem:$0x3FA7] =	sst s0  }
0x18: {  	s0 =	sld [smem:$0x3F8A];
	_ =	swait.ge [sflag:s4], $0x0  }
0x19: {  	s7 =	sld [smem:$0x3F8B]  }
0x1a: {  	s8 =	sadd.s32 $0xFFFFE003, lr  }
0x1b: {  	s9 =	sadd.s32 $0xFFFFFEF7, lr;
	s5 =	simm.s32 $0xFFFFFFFF;
	p2 =	slt.u32 s8, $0xFFFFF086  }
0x1c: {  	p1 =	slt.u32 s9, $0xF7A;
	s5 =	simm.s32 @!p2 $0x0  }
0x1d: {  	s5 =	simm.s32 @p1 $0x1;
	p0 =	seq.s32 s7, s2  }
0x1e: {  	s7 =	smul.u32 @!p0 $0xF7A, s2;
	p2 =	seq.s32 @!p0 s5, $0x0  }
0x1f: {  	s9 =	smul.u32 $0xF7A, s1;
	s8 =	simm.s32 @!p0 $0x1BF5;
	p2 =	por !p2, p0  }
0x20: {  	[sflag:s8] =	ssyncset.s32 @!p0 $0xFFFFF086;
	s6 =	sadd.s32 @!p0 s3, s7;
	s7 =	simm.s32 @!p0 $0x108  }
0x21: {  	s3 =	sadd.s32 s3, s9;
	s6 =	sadd.s32 @!p0 $0x88, s6;
	s7 =	simm.s32 @p2 $0x1082  }
0x22: {  	[simem:s7], [sflag:s8] =	dma.local @!p0 [hbm:s6], $0xF7A  }
0x23: {  	s9 =	sor.u32 $0xD0000000, s2;
	s6 =	simm.s32 $0x108;
	_ =	swait.ge @!p0 [sflag:s8], $0x0  }
0x24: {  	s3 =	sadd.s32 $0x88, s3;
	s6 =	simm.s32 @!p1 $0x1082;
	[sflag:s4] =	ssyncset.s32 $0xFFFFF086  }
0x25: {  	[simem:s6], [sflag:s4] =	dma.local [hbm:s3], $0xF7A  }
0x26: {  	[smem:$0x3F8B] =	sst s1;
	(tag) =	ssettag s2;
	_ =	strace s9  }
0x27: {  	s1 =	sld [smem:$0x3F9B]  }
0x28: {  	s2 =	sld [smem:$0x3F9C]  }
0x29: {  	s4 =	sld [smem:$0x3F9E]  }
0x2a: {  	p0 =	seq.s32 s5, $0x0;
	s5 =	sld [smem:$0x3F9F]  }
0x2b: {  	s6 =	sld [smem:$0x3FA0]  }
0x2c: {  	s7 =	sld [smem:$0x3FA1]  }
0x2d: {  	s3 =	simm.s32 $0x108;
	s8 =	sld [smem:$0x3FA2]  }
0x2e: {  	s3 =	simm.s32 @!p0 $0x1082;
	s9 =	sld [smem:$0x3FA3]  }
0x2f: {  	lr =	sadd.s32 s0, s3;
	s0 =	sld [smem:$0x3F9A]  }
0x30: {  	s3 =	sld [smem:$0x3F9D]  }
0x31: {  	[smem:$0x3FA6] =	sst s10  }
0x32: {  	s10 =	sld [smem:$0x3FA4];
	_ =	sdelay $0x3  }
0x33: {  	p0 =	seq.s32 s10, $0x1;
	s10 =	sld [smem:$0x3FA6];
	_ =	sdelay $0x3  }
0x34: {  	[smem:$0x3FA6] =	sst s10  }
0x35: {  	s10 =	sld [smem:$0x3FA5];
	_ =	sdelay $0x3  }
0x36: {  	p1 =	seq.s32 s10, $0x1;
	s10 =	sld [smem:$0x3FA6];
	_ =	sdelay $0x3  }
0x37: {  	[smem:$0x3FA6] =	sst s10  }
0x38: {  	s10 =	sld [smem:$0x3FA7]  }
0x39: {  	_ = 	snop;
	(pc) =	sbr.ind lr, $3  }
0x3a: {  	_ = 	snop  }
0x3b: {  	_ = 	snop  }
0x3c: {  	p2 =	seq.s32 s10, $0x1;
	s10 =	sld [smem:$0x3FA6]  }
0x3d: {  	_ =	shalt  }
0x3e: {  	_ =	shalt  }
0x3f: {  	_ =	shalt  }
0x40: {  	_ =	shalt  }
0x41: {  	_ =	shalt  }
0x42: {  	_ =	shalt  }
0x43: {  	_ =	shalt  }
0x44: {  	_ =	shalt  }
0x45: {  	_ =	shalt  }
0x46: {  	_ =	shalt  }
0x47: {  	_ =	shalt  }
0x48: {  	_ =	shalt  }
0x49: {  	_ =	shalt  }
0x4a: {  	_ =	shalt  }
0x4b: {  	_ =	shalt  }
0x4c: {  	_ =	shalt  }
0x4d: {  	_ =	shalt  }
0x4e: {  	_ =	shalt  }
0x4f: {  	_ =	shalt  }
0x50: {  	_ =	shalt  }
0x51: {  	_ =	shalt  }
0x52: {  	_ =	shalt  }
0x53: {  	_ =	shalt  }
0x54: {  	_ =	shalt  }
0x55: {  	_ =	shalt  }
0x56: {  	_ =	shalt  }
0x57: {  	_ =	shalt  }
0x58: {  	_ =	shalt  }
0x59: {  	_ =	shalt  }
0x5a: {  	_ =	shalt  }
0x5b: {  	_ =	shalt  }
0x5c: {  	_ =	shalt  }
0x5d: {  	_ =	shalt  }
0x5e: {  	_ =	shalt  }
0x5f: {  	_ =	shalt  }
0x60: {  	_ =	shalt  }
0x61: {  	_ =	shalt  }
0x62: {  	_ =	shalt  }
0x63: {  	_ =	shalt  }
0x64: {  	_ =	shalt  }
0x65: {  	_ =	shalt  }
0x66: {  	_ =	shalt  }
0x67: {  	_ =	shalt  }
0x68: {  	_ =	shalt  }
0x69: {  	_ =	shalt  }
0x6a: {  	_ =	shalt  }
0x6b: {  	_ =	shalt  }
0x6c: {  	_ =	shalt  }
0x6d: {  	_ =	shalt  }
0x6e: {  	_ =	shalt  }
0x6f: {  	_ =	shalt  }
0x70: {  	_ =	shalt  }
0x71: {  	_ =	shalt  }
0x72: {  	_ =	shalt  }
0x73: {  	_ =	shalt  }
0x74: {  	_ =	shalt  }
0x75: {  	_ =	shalt  }
0x76: {  	_ =	shalt  }
0x77: {  	_ =	shalt  }
0x78: {  	_ =	shalt  }
0x79: {  	_ =	shalt  }
0x7a: {  	_ =	shalt  }
0x7b: {  	_ =	shalt  }
0x7c: {  	_ =	shalt  }
0x7d: {  	_ =	shalt  }
0x7e: {  	_ =	shalt  }
0x7f: {  	_ =	shalt  }
0x80: {  	_ =	shalt  }
0x81: {  	_ =	shalt  }
0x82: {  	_ =	shalt  }
0x83: {  	_ =	shalt  }
0x84: {  	_ =	shalt  }
0x85: {  	_ =	shalt  }
0x86: {  	_ =	shalt  }
0x87: {  	_ =	shalt  }
.Lfunc_end0:
.L_simem_size_0:
called_computation_lowered:
.L_overlay_start_0:
0x88: {  	s2 =	sld [smem:$0x3FD9]  }
0x89: {  	s3 =	sld [smem:$0x3FFE];
	_ =	sdelay $0x1  }
0x8a: {  	s1 =	srdreg.scid  }
0x8b: {  	s0 =	sand.u32 $0x1, s1  }
0x8c: {  	s17 =	sshll.u32 s0, $0xA;
	s2 =	sadd.s32 s3, s2  }
0x8d: {  	s2 =	sadd.s32 s2, s17  }
0x8e: {  	[smem:$0x3FB2] =	sst s2  }
0x8f: {  	_ = 	snop  }
0x90: {  	(tm) =	ssettm $0x1  }
0x91: {  	s18 =	sld [smem:$0x3FFB];
	_ =	sdelay $0x3  }
0x92: {  	_ =	strace s18  }
0x93: {  	s2 =	sld [smem:$0x3FFC];
	_ =	sdelay $0x3  }
0x94: {  	_ =	strace s2  }
0x95: {  	s2 =	sld [smem:$0x3FFD];
	_ =	sdelay $0x3  }
0x96: {  	_ =	strace s2  }
0x97: {  	_ =	strace $0x8FFFFFFF  }
0x98: {  	s19 =	sld [smem:$0x3FDB];
	_ =	sdelay $0x1  }
0x99: {  	s20 =	simm.s32 $_scs_section_size  }
0x9a: {  	s4 =	simm.s32 $_size__tile_overlayer_lowered;
	s5 =	simm.s32 $_tile_overlayer_lowered  }
0x9b: {  	s6 =	simm.s32 $0x1BFF;
	s21 =	sshll.u32 s5, $0x1;
	s3 =	sadd.s32 s20, s19  }
0x9c: {  	s22 =	simm.s32 $0x0;
	s4 =	sshll.u32 s4, $0x1;
	s5 =	sadd.s32 s21, s3  }
0x9d: {  	[timem:s22], [sflag:s6] =	dma.local [hbm:s5], s4  }
0x9e: {  	_ =	swait.ge [sflag:s6], s4  }
0x9f: {  	s4 =	ssub.s32 $0x0, s4;
	[sflag:s6] =	ssyncset.done $0x0  }
0xa0: {  	[sflag:s6] =	ssyncadd.s32 s4;
	_ =	sdelay $0x1  }
0xa1: {  	s23 =	simm.s32 $0x1B8B  }
0xa2: {  	_ =	swait.ge [sflag:s23], $0x1  }
0xa3: {  	[sflag:s23] =	ssyncset.done $0x0  }
0xa4: {  	[sflag:s23] =	ssyncadd.s32 $0xFFFFFFFF  }
0xa5: {  	s4 =	sld [smem:$0x0]  }
0xa6: {  	s5 =	sand.u32 $0xFFFFFFFE, s1  }
0xa7: {  	p0 =	sne.s32 s1, s5  }
0xa8: {  	s5 =	sshll.u32 @p0 s5, $0xE  }
0xa9: {  	s5 =	sadd.s32 @p0 $0x11B8D, s5;
	s6 =	sshll.u32 @p0 s4, $0x11  }
0xaa: {  	s5 =	sor.u32 @p0 s6, s5  }
0xab: {  	[sflag:s5] =	ssyncadd.remote.s32 @p0 $0x1;
	_ =	sdelay $0x1  }
0xac: {  	s5 =	simm.s32 @p0 $0x1B8D  }
0xad: {  	_ =	swait.eq @p0 [sflag:s5], $0x1  }
0xae: {  	[sflag:s5] =	ssyncadd.s32 @p0 $0xFFFFFFFF  }
0xaf: {  	s6 =	sshll.u32 @!p0 s1, $0xE  }
0xb0: {  	s6 =	sor.u32 @!p0 $0x4000, s6;
	s5 =	simm.s32 @!p0 $0x1B8D  }
0xb1: {  	s4 =	sshll.u32 @!p0 s4, $0x11;
	s6 =	sadd.s32 @!p0 $0x11B8D, s6;
	_ =	swait.eq @!p0 [sflag:s5], $0x1  }
0xb2: {  	s4 =	sor.u32 @!p0 s4, s6;
	[sflag:s5] =	ssyncadd.s32 @!p0 $0xFFFFFFFF  }
0xb3: {  	s25 =	simm.s32 $0x1B8E;
	s24 =	sld [smem:$0x3FFE];
	[sflag:s4] =	ssyncadd.remote.s32 @!p0 $0x1  }
0xb4: {  	s26 =	simm.s32 $execute0_lowered;
	[smem:$0x3FD2] =	sst s25  }
0xb5: {  	s5 =	sshll.u32 s26, $0x1;
	_ =	strace $0x80000049;
	[dreg:$0x1] =	wrdreg $0xFFFFFFFF  }
0xb6: {  	s28 =	simm.s32 $_size_execute0_lowered;
	s3 =	sadd.s32 s3, s5;
	[dreg:$0x0] =	wrdreg $0x0  }
0xb7: {  	s5 =	sshll.u32 s28, $0x1;
	[dreg:$0x2] =	wrdreg s3  }
0xb8: {  	[dreg:$0x3] =	wrdreg s5  }
0xb9: {  	[dreg:$0x4] =	wrdreg $0xC0  }
0xba: {  	_ =	task [dreg:s22], $0x5FFFF  }
0xbb: {  	[dreg:$0x1] =	wrdreg $0xFFFFFFFF  }
0xbc: {  	[dreg:$0x0] =	wrdreg $0x60  }
0xbd: {  	[dreg:$0x2] =	wrdreg s24  }
0xbe: {  	[dreg:$0x3] =	wrdreg $0x36D00  }
0xbf: {  	[dreg:$0x4] =	wrdreg $0x9  }
0xc0: {  	_ =	task.clear_ibuf [dreg:s22], $0x5FFFF;
	_ =	strace $0x90000049  }
0xc1: {  	s29 =	simm.s32 $0x9;
	_ =	strace $0x8000004B  }
0xc2: {  	_ =	swait.ge [sflag:s29], $0x1  }
0xc3: {  	[sflag:s29] =	ssyncadd.s32 $0xFFFFFFFF  }
0xc4: {  	_ =	strace $0x9000004B  }
0xc5: {  	_ =	sfence  }
0xc6: {  	s30 =	sld [smem:$0x0];
	_ =	sdelay $0x2  }
0xc7: {  	s31 =	sshll.u32 s1, $0xD;
	s1 =	sshrl.u32 s1, $0x2  }
0xc8: {  	s4 =	sand.u32 $0x4000, s31;
	s1 =	sadd.s32 s1, s30  }
0xc9: {  	s0 =	sor.u32 s4, s0;
	s1 =	sshll.u32 s1, $0x11  }
0xca: {  	s0 =	sor.u32 s1, s0  }
0xcb: {  	s0 =	sadd.s32 $0x8F2B, s0  }
0xcc: {  	[sflag:s0] =	ssyncadd.remote.s32 $0x1  }
0xcd: {  	_ =	sfence.sel $0xFFFF  }
0xce: {  	[dreg:$0x0] =	wrdreg $0xFFFFFFFF;
	(pc) =	sbr.abs _section_cstart, $3  }
0xcf: {  	[dreg:$0x1] =	wrdreg $0xFFFFFFFF  }
0xd0: {  	_ =	task.clear_ibuf [dreg:s22], $0x2FFFF;
	_ =	strace $0x9FFFFFFF  }
0xd1: {  	(tm) =	ssettm $0x7FFFFFFF  }
tec
execute0_lowered:
.L_overlay_start_1:
0x0: {  	(tag) =	ssettag $0x1  }
0x1: {  	s4 =	rddreg [dreg:$0x0]  }
0x2: {  	s0 =	srdreg.scid;
	s2 =	rddreg [dreg:$0x1]  }
0x3: {  	s3 =	simm.s32 $0x0;
	s5 =	sand.u32 $0x1, s0;
	s0 =	rddreg [dreg:$0x2]  }
0x4: {  	s1 =	stileid.u32;
	s23 =	simm.s32 $0x7D;
	[smem:$0x7FF] =	sst s3  }
0x5: {  	s8 =	smul.u32 $0x9C00, s1;
	s10 =	sshll.u32 s1, $0x7;
	s20 =	sadd.s32 $0x52A00, s4  }
0x6: {  	s16 =	smul.u32 $0x2700, s1;
	p0 =	sgt.u32 s1, $0x1;
	s6 =	sshll.u32 s5, $0x4  }
0x7: {  	_ =	strace $0x8000004A;
	s7 =	ssub.s32 $0x2, s5;
	s17 =	smul.u32 $0x27100, s5  }
0x8: {  	s24 =	sor.u32 $0x27000, s10;
	s6 =	sor.u32 s1, s6;
	s9 =	sshrl.u32 s7, $0x1  }
0x9: {  	s25 =	sshrl.u32 s8, $0x2;
	s11 =	sadd.s32 $0x680, s16;
	s13 =	sadd.s32 $0xD00, s16  }
0xa: {  	s18 =	sadd.s32 $0x1380, s16;
	s19 =	sadd.s32 $0x1A00, s16;
	s22 =	sadd.s32 $0x2080, s16  }
0xb: {  	s6 =	smul.u32 $0x500, s6;
	s9 =	ssub.s32 s7, s9;
	s26 =	sadd.s32 s17, s24  }
0xc: {  	s5 =	sadd.s32 s25, s2;
	s29 =	sadd.s32 s17, s16;
	s12 =	sadd.s32 s17, s11  }
0xd: {  	s14 =	sadd.s32 s17, s13;
	s11 =	sadd.s32 s11, s2;
	s13 =	sadd.s32 s13, s2  }
0xe: {  	s15 =	sadd.s32 s18, s2;
	s18 =	sadd.s32 s17, s18;
	s21 =	sadd.s32 s17, s19  }
0xf: {  	s31 =	sadd.s32 s17, s22;
	s17 =	sadd.s32 s19, s2;
	s19 =	sadd.s32 s22, s2  }
0x10: {  	s22 =	simm.s32 $0x2FD0;
	s25 =	simm.s32 $0x3050;
	s28 =	sshrl.u32 s26, $0x3  }
0x11: {  	s8 =	smax.u32 s9, $0x1;
	s9 =	sadd.s32 s16, s2;
	s10 =	sshrl.u32 s29, $0x3  }
0x12: {  	s12 =	sshrl.u32 s12, $0x3;
	s14 =	sshrl.u32 s14, $0x3;
	s18 =	sshrl.u32 s18, $0x3  }
0x13: {  	s30 =	sshrl.u32 s21, $0x3;
	s21 =	sshrl.u32 s31, $0x3;
	s26 =	simm.s32 $0x0  }
0x14: {  	s6 =	sadd.s32 s6, s4;
	s7 =	sadd.s32 s20, s28;
	s10 =	sadd.s32 s20, s10  }
0x15: {  	s12 =	sadd.s32 s20, s12;
	s14 =	sadd.s32 s20, s14;
	s16 =	sadd.s32 s20, s18  }
0x16: {  	s18 =	sadd.s32 s20, s30;
	s20 =	sadd.s32 s20, s21;
	s21 =	simm.s32 $0x1  }
0x17: {  	v0 =	vimm.f32 $0.0e+00;
	v1 =	vimm.f32 $1.000000000e+00;
	s4 =	sadd.s32 $0x3E00, s6;
	s6 =	sadd.s32 s24, s2;
	s24 =	simm.s32 $0x2800  }
.LBB2_1:
0x18: {  	[tilespmem:s3], [sflag:$0x1] =	stream.linear.gather [hbm4b:s4+s3], $0x2800, $0x38;
	[tilespmem:$0x5DE0] =	vst v63  }
0x19: {  	_ =	swait.ge [sflag:s21], $0x2800  }
0x1a: {  	[sflag:s21] =	ssyncset.done $0x0  }
0x1b: {  	[sflag:s21] =	ssyncadd.s32 $0xFFFFD800  }
0x1c: {  	[tilespmem:$0x2FD0] =	vst v0  }
0x1d: {  	[tilespmem:$0x2FE0] =	vst v0  }
0x1e: {  	[tilespmem:$0x2FF0] =	vst v0  }
0x1f: {  	[tilespmem:$0x3000] =	vst v0  }
0x20: {  	[tilespmem:$0x3010] =	vst v0  }
0x21: {  	[tilespmem:$0x3020] =	vst v0  }
0x22: {  	[tilespmem:$0x3030] =	vst v0  }
0x23: {  	[tilespmem:$0x3040] =	vst v0  }
0x24: {  	[tilespmem:$0x2800] =	vst v1  }
0x25: {  	[tilespmem:$0x2810] =	vst v1  }
0x26: {  	[tilespmem:$0x2820] =	vst v1  }
0x27: {  	[tilespmem:$0x2830] =	vst v1  }
0x28: {  	[tilespmem:$0x2840] =	vst v1  }
0x29: {  	[tilespmem:$0x2850] =	vst v1  }
0x2a: {  	[tilespmem:$0x2860] =	vst v1  }
0x2b: {  	[tilespmem:$0x2870] =	vst v1  }
0x2c: {  	[tilespmem:$0x2880] =	vst v1  }
0x2d: {  	[tilespmem:$0x2890] =	vst v1  }
0x2e: {  	[tilespmem:$0x28A0] =	vst v1  }
0x2f: {  	[tilespmem:$0x28B0] =	vst v1  }
0x30: {  	[tilespmem:$0x28C0] =	vst v1  }
0x31: {  	[tilespmem:$0x28D0] =	vst v1  }
0x32: {  	[tilespmem:$0x28E0] =	vst v1  }
0x33: {  	[tilespmem:$0x28F0] =	vst v1  }
0x34: {  	[tilespmem:$0x2900] =	vst v1  }
0x35: {  	[tilespmem:$0x2910] =	vst v1  }
0x36: {  	[tilespmem:$0x2920] =	vst v1  }
0x37: {  	[tilespmem:$0x2930] =	vst v1  }
0x38: {  	[tilespmem:$0x2940] =	vst v1  }
0x39: {  	[tilespmem:$0x2950] =	vst v1  }
0x3a: {  	[tilespmem:$0x2960] =	vst v1  }
0x3b: {  	[tilespmem:$0x2970] =	vst v1  }
0x3c: {  	[tilespmem:$0x2980] =	vst v1  }
0x3d: {  	[tilespmem:$0x2990] =	vst v1  }
0x3e: {  	[tilespmem:$0x29A0] =	vst v1  }
0x3f: {  	[tilespmem:$0x29B0] =	vst v1  }
0x40: {  	[tilespmem:$0x29C0] =	vst v1  }
0x41: {  	[tilespmem:$0x29D0] =	vst v1  }
0x42: {  	[tilespmem:$0x29E0] =	vst v1  }
0x43: {  	[tilespmem:$0x29F0] =	vst v1  }
0x44: {  	[tilespmem:$0x2A00] =	vst v1  }
0x45: {  	[tilespmem:$0x2A10] =	vst v1  }
0x46: {  	[tilespmem:$0x2A20] =	vst v1  }
0x47: {  	[tilespmem:$0x2A30] =	vst v1  }
0x48: {  	[tilespmem:$0x2A40] =	vst v1  }
0x49: {  	[tilespmem:$0x2A50] =	vst v1  }
0x4a: {  	[tilespmem:$0x2A60] =	vst v1  }
0x4b: {  	[tilespmem:$0x2A70] =	vst v1  }
0x4c: {  	[tilespmem:$0x2A80] =	vst v1  }
0x4d: {  	[tilespmem:$0x2A90] =	vst v1  }
0x4e: {  	[tilespmem:$0x2AA0] =	vst v1  }
0x4f: {  	[tilespmem:$0x2AB0] =	vst v1  }
0x50: {  	[tilespmem:$0x2AC0] =	vst v1  }
0x51: {  	[tilespmem:$0x2AD0] =	vst v1  }
0x52: {  	[tilespmem:$0x2AE0] =	vst v1  }
0x53: {  	[tilespmem:$0x2AF0] =	vst v1  }
0x54: {  	[tilespmem:$0x2B00] =	vst v1  }
0x55: {  	[tilespmem:$0x2B10] =	vst v1  }
0x56: {  	[tilespmem:$0x2B20] =	vst v1  }
0x57: {  	[tilespmem:$0x2B30] =	vst v1  }
0x58: {  	[tilespmem:$0x2B40] =	vst v1  }
0x59: {  	[tilespmem:$0x2B50] =	vst v1  }
0x5a: {  	[tilespmem:$0x2B60] =	vst v1  }
0x5b: {  	[tilespmem:$0x2B70] =	vst v1  }
0x5c: {  	[tilespmem:$0x2B80] =	vst v1  }
0x5d: {  	[tilespmem:$0x2B90] =	vst v1  }
0x5e: {  	[tilespmem:$0x2BA0] =	vst v1  }
0x5f: {  	[tilespmem:$0x2BB0] =	vst v1  }
0x60: {  	[tilespmem:$0x2BC0] =	vst v1  }
0x61: {  	[tilespmem:$0x2BD0] =	vst v1  }
0x62: {  	[tilespmem:$0x2BE0] =	vst v1  }
0x63: {  	[tilespmem:$0x2BF0] =	vst v1  }
0x64: {  	[tilespmem:$0x2C00] =	vst v1  }
0x65: {  	[tilespmem:$0x2C10] =	vst v1  }
0x66: {  	[tilespmem:$0x2C20] =	vst v1  }
0x67: {  	[tilespmem:$0x2C30] =	vst v1  }
0x68: {  	[tilespmem:$0x2C40] =	vst v1  }
0x69: {  	[tilespmem:$0x2C50] =	vst v1  }
0x6a: {  	[tilespmem:$0x2C60] =	vst v1  }
0x6b: {  	[tilespmem:$0x2C70] =	vst v1  }
0x6c: {  	[tilespmem:$0x2C80] =	vst v1  }
0x6d: {  	[tilespmem:$0x2C90] =	vst v1  }
0x6e: {  	[tilespmem:$0x2CA0] =	vst v1  }
0x6f: {  	[tilespmem:$0x2CB0] =	vst v1  }
0x70: {  	[tilespmem:$0x2CC0] =	vst v1  }
0x71: {  	[tilespmem:$0x2CD0] =	vst v1  }
0x72: {  	[tilespmem:$0x2CE0] =	vst v1  }
0x73: {  	[tilespmem:$0x2CF0] =	vst v1  }
0x74: {  	[tilespmem:$0x2D00] =	vst v1  }
0x75: {  	[tilespmem:$0x2D10] =	vst v1  }
0x76: {  	[tilespmem:$0x2D20] =	vst v1  }
0x77: {  	[tilespmem:$0x2D30] =	vst v1  }
0x78: {  	[tilespmem:$0x2D40] =	vst v1  }
0x79: {  	[tilespmem:$0x2D50] =	vst v1  }
0x7a: {  	[tilespmem:$0x2D60] =	vst v1  }
0x7b: {  	[tilespmem:$0x2D70] =	vst v1  }
0x7c: {  	[tilespmem:$0x2D80] =	vst v1  }
0x7d: {  	[tilespmem:$0x2D90] =	vst v1  }
0x7e: {  	[tilespmem:$0x2DA0] =	vst v1  }
0x7f: {  	[tilespmem:$0x2DB0] =	vst v1  }
0x80: {  	[tilespmem:$0x2DC0] =	vst v1  }
0x81: {  	[tilespmem:$0x2DD0] =	vst v1  }
0x82: {  	[tilespmem:$0x2DE0] =	vst v1  }
0x83: {  	[tilespmem:$0x2DF0] =	vst v1  }
0x84: {  	[tilespmem:$0x2E00] =	vst v1  }
0x85: {  	[tilespmem:$0x2E10] =	vst v1  }
0x86: {  	[tilespmem:$0x2E20] =	vst v1  }
0x87: {  	[tilespmem:$0x2E30] =	vst v1  }
0x88: {  	[tilespmem:$0x2E40] =	vst v1  }
0x89: {  	[tilespmem:$0x2E50] =	vst v1  }
0x8a: {  	[tilespmem:$0x2E60] =	vst v1  }
0x8b: {  	[tilespmem:$0x2E70] =	vst v1  }
0x8c: {  	[tilespmem:$0x2E80] =	vst v1  }
0x8d: {  	[tilespmem:$0x2E90] =	vst v1  }
0x8e: {  	[tilespmem:$0x2EA0] =	vst v1  }
0x8f: {  	[tilespmem:$0x2EB0] =	vst v1  }
0x90: {  	[tilespmem:$0x2EC0] =	vst v1  }
0x91: {  	[tilespmem:$0x2ED0] =	vst v1  }
0x92: {  	[tilespmem:$0x2EE0] =	vst v1  }
0x93: {  	[tilespmem:$0x2EF0] =	vst v1  }
0x94: {  	[tilespmem:$0x2F00] =	vst v1  }
0x95: {  	[tilespmem:$0x2F10] =	vst v1  }
0x96: {  	[tilespmem:$0x2F20] =	vst v1  }
0x97: {  	[tilespmem:$0x2F30] =	vst v1  }
0x98: {  	[tilespmem:$0x2F40] =	vst v1  }
0x99: {  	[tilespmem:$0x2F50] =	vst v1  }
0x9a: {  	[tilespmem:$0x2F60] =	vst v1  }
0x9b: {  	[tilespmem:$0x2F70] =	vst v1  }
0x9c: {  	[tilespmem:$0x2F80] =	vst v1  }
0x9d: {  	[tilespmem:$0x2F90] =	vst v1  }
0x9e: {  	[tilespmem:$0x2FA0] =	vst v1  }
0x9f: {  	[tilespmem:$0x2FB0] =	vst v1  }
0xa0: {  	s28 =	sadd.s32 $0x0, s5;
	[tilespmem:$0x2FC0] =	vst v1  }
0xa1: {  	[spmem:s28] =	stream.linear.scatter [tilespmem:s22], [sflag:$0x1], $0x80, $0x38;
	[tilespmem:$0x5DE0] =	vst v63  }
0xa2: {  	s28 =	simm.s32 $0x200;
	_ =	swait.ge [sflag:s21], $0x80  }
.LBB2_2:
0xa3: {  	s29 =	sshra.s32 s28, $0x2;
	[sflag:s21] =	ssyncset.done $0x0;
	p1 =	sne.s32 s28, $0x9A00  }
.Ltmp0:
0xa4: {  	s29 =	sadd.s32 s29, s5;
	[sflag:s21] =	ssyncadd.s32 $0xFFFFFF80;
	(pc) =	sbr.rel @p1 .LBB2_2-.Ltmp0, $3  }
0xa5: {  	[spmem:s29] =	stream.linear.scatter [tilespmem:s22], [sflag:$0x1], $0x80, $0x38;
	[tilespmem:$0x5DE0] =	vst v63  }
0xa6: {  	s28 =	sadd.s32 $0x200, s28;
	_ =	sdelay $0x1  }
0xa7: {  	_ =	swait.ge [sflag:s21], $0x80  }
0xa8: {  	[sflag:s21] =	ssyncset.done $0x0  }
0xa9: {  	s28 =	simm.s32 @!p0 $0x2FD0;
	[sflag:s21] =	ssyncadd.s32 $0xFFFFFF80  }
0xaa: {  	[spmem:s6] =	stream.linear.scatter @!p0 [tilespmem:s28], [sflag:$0x1], $0x80, $0x38;
	[tilespmem:$0x5DE0] =	vst v63  }
0xab: {  	s28 =	simm.s32 @!p0 $0x1  }
0xac: {  	_ =	swait.ge @!p0 [sflag:s28], $0x80  }
0xad: {  	[sflag:s28] =	ssyncset.done @!p0 $0x0  }
0xae: {  	[sflag:s28] =	ssyncadd.s32 @!p0 $0xFFFFFF80  }
0xaf: {  	s28 =	simm.s32 $0x0;
	[bflag:$0x0] =	sbarrier.arrive $0xFFFF  }
0xb0: {  	[spmem:s2] =	stream.indirect.scatter.add.f32 [tilespmem:s24], [sflag:$0x1], $0x10, s28, s23, $0xb8;
	[tilespmem:$0x5DE0] =	vst v63  }
0xb1: {  	_ =	swait.ge [sflag:s21], $0x7D0  }
0xb2: {  	s28 =	simm.s32 $0x200;
	[sflag:s21] =	ssyncset.done $0x0  }
.LBB2_4:
0xb3: {  	s29 =	sshra.s32 s28, $0x2;
	[sflag:s21] =	ssyncadd.s32 $0xFFFFF830;
	p1 =	sne.s32 s28, $0x9E00  }
0xb4: {  	[spmem:s2] =	stream.indirect.scatter.add.f32 [tilespmem:s24], [sflag:$0x1], $0x10, s29, s23, $0xb8;
	[tilespmem:$0x5DE0] =	vst v63  }
.Ltmp1:
0xb5: {  	_ = 	snop;
	(pc) =	sbr.rel @p1 .LBB2_4-.Ltmp1, $4  }
0xb6: {  	_ = 	snop  }
0xb7: {  	s28 =	sadd.s32 $0x200, s28  }
0xb8: {  	_ =	swait.ge [sflag:s21], $0x7D0  }
0xb9: {  	[sflag:s21] =	ssyncset.done $0x0  }
0xba: {  	[sflag:s21] =	ssyncadd.s32 $0xFFFFF830  }
0xbb: {  	[bflag:$0x0] =	sbarrier.arrive $0xFFFF  }
0xbc: {  	[tilespmem:s25], [sflag:$0x1] =	stream.linear.gather [spmem:s9], $0x680, $0x38;
	[tilespmem:$0x5DE0] =	vst v63  }
0xbd: {  	_ =	swait.ge [sflag:s21], $0x680  }
0xbe: {  	[sflag:s21] =	ssyncset.done $0x0  }
0xbf: {  	[sflag:s21] =	ssyncadd.s32 $0xFFFFF980  }
0xc0: {  	[hbm4b:s10+s3] =	stream.linear.scatter [tilespmem:s25], [sflag:$0x1], $0x680, $0x38;
	[tilespmem:$0x5DE0] =	vst v63  }
0xc1: {  	_ =	swait.ge [sflag:s21], $0x680  }
0xc2: {  	[sflag:s21] =	ssyncset.done $0x0  }
0xc3: {  	[sflag:s21] =	ssyncadd.s32 $0xFFFFF980  }
0xc4: {  	[tilespmem:s25], [sflag:$0x1] =	stream.linear.gather [spmem:s11], $0x680, $0x38;
	[tilespmem:$0x5DE0] =	vst v63  }
0xc5: {  	_ =	swait.ge [sflag:s21], $0x680  }
0xc6: {  	[sflag:s21] =	ssyncset.done $0x0  }
0xc7: {  	[sflag:s21] =	ssyncadd.s32 $0xFFFFF980  }
0xc8: {  	[hbm4b:s12+s3] =	stream.linear.scatter [tilespmem:s25], [sflag:$0x1], $0x680, $0x38;
	[tilespmem:$0x5DE0] =	vst v63  }
0xc9: {  	_ =	swait.ge [sflag:s21], $0x680  }
0xca: {  	[sflag:s21] =	ssyncset.done $0x0  }
0xcb: {  	[sflag:s21] =	ssyncadd.s32 $0xFFFFF980  }
0xcc: {  	[tilespmem:s25], [sflag:$0x1] =	stream.linear.gather [spmem:s13], $0x680, $0x38;
	[tilespmem:$0x5DE0] =	vst v63  }
0xcd: {  	_ =	swait.ge [sflag:s21], $0x680  }
0xce: {  	[sflag:s21] =	ssyncset.done $0x0  }
0xcf: {  	[sflag:s21] =	ssyncadd.s32 $0xFFFFF980  }
0xd0: {  	[hbm4b:s14+s3] =	stream.linear.scatter [tilespmem:s25], [sflag:$0x1], $0x680, $0x38;
	[tilespmem:$0x5DE0] =	vst v63  }
0xd1: {  	_ =	swait.ge [sflag:s21], $0x680  }
0xd2: {  	[sflag:s21] =	ssyncset.done $0x0  }
0xd3: {  	[sflag:s21] =	ssyncadd.s32 $0xFFFFF980  }
0xd4: {  	[tilespmem:s25], [sflag:$0x1] =	stream.linear.gather [spmem:s15], $0x680, $0x38;
	[tilespmem:$0x5DE0] =	vst v63  }
0xd5: {  	_ =	swait.ge [sflag:s21], $0x680  }
0xd6: {  	[sflag:s21] =	ssyncset.done $0x0  }
0xd7: {  	[sflag:s21] =	ssyncadd.s32 $0xFFFFF980  }
0xd8: {  	[hbm4b:s16+s3] =	stream.linear.scatter [tilespmem:s25], [sflag:$0x1], $0x680, $0x38;
	[tilespmem:$0x5DE0] =	vst v63  }
0xd9: {  	_ =	swait.ge [sflag:s21], $0x680  }
0xda: {  	[sflag:s21] =	ssyncset.done $0x0  }
0xdb: {  	[sflag:s21] =	ssyncadd.s32 $0xFFFFF980  }
0xdc: {  	[tilespmem:s25], [sflag:$0x1] =	stream.linear.gather [spmem:s17], $0x680, $0x38;
	[tilespmem:$0x5DE0] =	vst v63  }
0xdd: {  	_ =	swait.ge [sflag:s21], $0x680  }
0xde: {  	[sflag:s21] =	ssyncset.done $0x0  }
0xdf: {  	[sflag:s21] =	ssyncadd.s32 $0xFFFFF980  }
0xe0: {  	[hbm4b:s18+s3] =	stream.linear.scatter [tilespmem:s25], [sflag:$0x1], $0x680, $0x38;
	[tilespmem:$0x5DE0] =	vst v63  }
0xe1: {  	_ =	swait.ge [sflag:s21], $0x680  }
0xe2: {  	[sflag:s21] =	ssyncset.done $0x0  }
0xe3: {  	[sflag:s21] =	ssyncadd.s32 $0xFFFFF980  }
0xe4: {  	[tilespmem:s25], [sflag:$0x1] =	stream.linear.gather [spmem:s19], $0x680, $0x38;
	[tilespmem:$0x5DE0] =	vst v63  }
0xe5: {  	_ =	swait.ge [sflag:s21], $0x680  }
0xe6: {  	[sflag:s21] =	ssyncset.done $0x0  }
0xe7: {  	[sflag:s21] =	ssyncadd.s32 $0xFFFFF980  }
0xe8: {  	[hbm4b:s20+s3] =	stream.linear.scatter [tilespmem:s25], [sflag:$0x1], $0x680, $0x38;
	[tilespmem:$0x5DE0] =	vst v63  }
0xe9: {  	_ =	swait.ge [sflag:s21], $0x680  }
0xea: {  	[sflag:s21] =	ssyncset.done $0x0  }
0xeb: {  	s28 =	simm.s32 @!p0 $0x2FD0;
	s29 =	simm.s32 @!p0 $0x1;
	[sflag:s21] =	ssyncadd.s32 $0xFFFFF980  }
0xec: {  	[tilespmem:s28], [sflag:$0x1] =	stream.linear.gather @!p0 [spmem:s6], $0x80, $0x38;
	[tilespmem:$0x5DE0] =	vst v63  }
0xed: {  	s26 =	sadd.s32 $0x1, s26;
	_ =	swait.ge @!p0 [sflag:s29], $0x80  }
0xee: {  	p1 =	sne.s32 s26, s8;
	[sflag:s29] =	ssyncset.done @!p0 $0x0  }
.Ltmp2:
0xef: {  	s30 =	simm.s32 @!p0 $0x0;
	[sflag:s29] =	ssyncadd.s32 @!p0 $0xFFFFFF80;
	(pc) =	sbr.rel @p1 .LBB2_1-.Ltmp2, $4  }
0xf0: {  	[hbm4b:s7+s30] =	stream.linear.scatter @!p0 [tilespmem:s28], [sflag:$0x1], $0x80, $0x38;
	[tilespmem:$0x5DE0] =	vst v63  }
0xf1: {  	_ =	swait.ge @!p0 [sflag:s29], $0x80  }
0xf2: {  	[sflag:s29] =	ssyncset.done @!p0 $0x0  }
0xf3: {  	[sflag:s29] =	ssyncadd.s32 @!p0 $0xFFFFFF80  }
0xf4: {  	_ =	sfence.sel $0x180000  }
0xf5: {  	[bflag:$0x0] =	sbarrier.arrive $0xFFFF  }
0xf6: {  	p0 =	sne.s32 s1, $0x0;
	_ =	strace $0x9000004A  }
0xf7: {  	s0 =	sadd.s32 @!p0 $0x100000, s0;
	[bflag:$0x2] =	sbarrier.arrive $0xFFFF  }
0xf8: {  	[sflag:s0] =	ssyncadd.tile.s32 @!p0 $0x1;
	_ =	shalt  }
.Lfunc_end2:
_tile_overlayer_lowered:
.L_overlay_start_2:
0xf9: {  	(tag) =	ssettag $0x2  }
0xfa: {  	s0 =	rddreg [dreg:$0x0];
	s2 =	stileid.u32  }
0xfb: {  	s1 =	rddreg [dreg:$0x1];
	p0 =	sne.s32 s2, $0x0  }
0xfc: {  	s3 =	rddreg [dreg:$0x2];
	[bflag:$0x3] =	sbarrier.arrive $0xFFFF;
	s2 =	simm.s32 @!p0 $0x1C01  }
0xfd: {  	[timem:s3], [sflag:s2] =	dma.local @!p0 [hbm:s0], s1  }
0xfe: {  	s0 =	simm.s32 @!p0 $0x1  }
0xff: {  	_ =	swait.ge @!p0 [sflag:s0], s1  }
0x100: {  	s1 =	ssub.s32 @!p0 $0x0, s1;
	[sflag:s0] =	ssyncset.done @!p0 $0x0  }
0x101: {  	[sflag:s0] =	ssyncadd.s32 @!p0 s1  }
0x102: {  	[bflag:$0x3] =	sbarrier.arrive $0xFFFF  }
0x103: {  	_ =	shalt  }

// kernel: kernel.13.cloned.1.call-start
scs
__scs_entry_jumppad:
0x0: {  	(pc) =	sbr.rel $0x88, $3  }
0x1: {  	(tag) =	ssettag $0x0;
	lr =	simm.s32 $0x1  }
0x2: {  	[smem:$0x3F8B] =	sst lr;
	_ =	strace $0xD0000000  }
0x3: {  	_ = 	snop  }
0x4: {  	_ = 	snop  }
0x5: {  	_ = 	snop  }
0x6: {  	_ = 	snop  }
0x7: {  	_ = 	snop  }
__scs_overlays_trampoline_lowered:
0x8: {  	[smem:$0x3F9A] =	sst s0  }
0x9: {  	[smem:$0x3F9B] =	sst s1  }
0xa: {  	[smem:$0x3F9C] =	sst s2  }
0xb: {  	[smem:$0x3F9D] =	sst s3  }
0xc: {  	[smem:$0x3F9E] =	sst s4  }
0xd: {  	[smem:$0x3F9F] =	sst s5  }
0xe: {  	[smem:$0x3FA0] =	sst s6  }
0xf: {  	[smem:$0x3FA1] =	sst s7  }
0x10: {  	[smem:$0x3FA2] =	sst s8  }
0x11: {  	[smem:$0x3FA3] =	sst s9;
	s0 =	simm.s32 @!p0 $0x0  }
0x12: {  	s1 =	sld [smem:$0x3F89];
	s0 =	simm.s32 @p0 $0x1  }
0x13: {  	[smem:$0x3FA4] =	sst s0;
	s0 =	simm.s32 @!p1 $0x0  }
0x14: {  	s2 =	sld [smem:$0x3F88];
	s0 =	simm.s32 @p1 $0x1  }
0x15: {  	[smem:$0x3FA5] =	sst s0;
	s0 =	simm.s32 @!p2 $0x0  }
0x16: {  	s3 =	sld [smem:$0x3FDB];
	s0 =	simm.s32 @p2 $0x1  }
0x17: {  	s4 =	simm.s32 $0x1BF5;
	[smem:$0x3FA7] =	sst s0  }
0x18: {  	s0 =	sld [smem:$0x3F8A];
	_ =	swait.ge [sflag:s4], $0x0  }
0x19: {  	s7 =	sld [smem:$0x3F8B]  }
0x1a: {  	s8 =	sadd.s32 $0xFFFFE003, lr  }
0x1b: {  	s9 =	sadd.s32 $0xFFFFFEF7, lr;
	s5 =	simm.s32 $0xFFFFFFFF;
	p2 =	slt.u32 s8, $0xFFFFF086  }
0x1c: {  	p1 =	slt.u32 s9, $0xF7A;
	s5 =	simm.s32 @!p2 $0x0  }
0x1d: {  	s5 =	simm.s32 @p1 $0x1;
	p0 =	seq.s32 s7, s2  }
0x1e: {  	s7 =	smul.u32 @!p0 $0xF7A, s2;
	p2 =	seq.s32 @!p0 s5, $0x0  }
0x1f: {  	s9 =	smul.u32 $0xF7A, s1;
	s8 =	simm.s32 @!p0 $0x1BF5;
	p2 =	por !p2, p0  }
0x20: {  	[sflag:s8] =	ssyncset.s32 @!p0 $0xFFFFF086;
	s6 =	sadd.s32 @!p0 s3, s7;
	s7 =	simm.s32 @!p0 $0x108  }
0x21: {  	s3 =	sadd.s32 s3, s9;
	s6 =	sadd.s32 @!p0 $0x88, s6;
	s7 =	simm.s32 @p2 $0x1082  }
0x22: {  	[simem:s7], [sflag:s8] =	dma.local @!p0 [hbm:s6], $0xF7A  }
0x23: {  	s9 =	sor.u32 $0xD0000000, s2;
	s6 =	simm.s32 $0x108;
	_ =	swait.ge @!p0 [sflag:s8], $0x0  }
0x24: {  	s3 =	sadd.s32 $0x88, s3;
	s6 =	simm.s32 @!p1 $0x1082;
	[sflag:s4] =	ssyncset.s32 $0xFFFFF086  }
0x25: {  	[simem:s6], [sflag:s4] =	dma.local [hbm:s3], $0xF7A  }
0x26: {  	[smem:$0x3F8B] =	sst s1;
	(tag) =	ssettag s2;
	_ =	strace s9  }
0x27: {  	s1 =	sld [smem:$0x3F9B]  }
0x28: {  	s2 =	sld [smem:$0x3F9C]  }
0x29: {  	s4 =	sld [smem:$0x3F9E]  }
0x2a: {  	p0 =	seq.s32 s5, $0x0;
	s5 =	sld [smem:$0x3F9F]  }
0x2b: {  	s6 =	sld [smem:$0x3FA0]  }
0x2c: {  	s7 =	sld [smem:$0x3FA1]  }
0x2d: {  	s3 =	simm.s32 $0x108;
	s8 =	sld [smem:$0x3FA2]  }
0x2e: {  	s3 =	simm.s32 @!p0 $0x1082;
	s9 =	sld [smem:$0x3FA3]  }
0x2f: {  	lr =	sadd.s32 s0, s3;
	s0 =	sld [smem:$0x3F9A]  }
0x30: {  	s3 =	sld [smem:$0x3F9D]  }
0x31: {  	[smem:$0x3FA6] =	sst s10  }
0x32: {  	s10 =	sld [smem:$0x3FA4];
	_ =	sdelay $0x3  }
0x33: {  	p0 =	seq.s32 s10, $0x1;
	s10 =	sld [smem:$0x3FA6];
	_ =	sdelay $0x3  }
0x34: {  	[smem:$0x3FA6] =	sst s10  }
0x35: {  	s10 =	sld [smem:$0x3FA5];
	_ =	sdelay $0x3  }
0x36: {  	p1 =	seq.s32 s10, $0x1;
	s10 =	sld [smem:$0x3FA6];
	_ =	sdelay $0x3  }
0x37: {  	[smem:$0x3FA6] =	sst s10  }
0x38: {  	s10 =	sld [smem:$0x3FA7]  }
0x39: {  	_ = 	snop;
	(pc) =	sbr.ind lr, $3  }
0x3a: {  	_ = 	snop  }
0x3b: {  	_ = 	snop  }
0x3c: {  	p2 =	seq.s32 s10, $0x1;
	s10 =	sld [smem:$0x3FA6]  }
0x3d: {  	_ =	shalt  }
0x3e: {  	_ =	shalt  }
0x3f: {  	_ =	shalt  }
0x40: {  	_ =	shalt  }
0x41: {  	_ =	shalt  }
0x42: {  	_ =	shalt  }
0x43: {  	_ =	shalt  }
0x44: {  	_ =	shalt  }
0x45: {  	_ =	shalt  }
0x46: {  	_ =	shalt  }
0x47: {  	_ =	shalt  }
0x48: {  	_ =	shalt  }
0x49: {  	_ =	shalt  }
0x4a: {  	_ =	shalt  }
0x4b: {  	_ =	shalt  }
0x4c: {  	_ =	shalt  }
0x4d: {  	_ =	shalt  }
0x4e: {  	_ =	shalt  }
0x4f: {  	_ =	shalt  }
0x50: {  	_ =	shalt  }
0x51: {  	_ =	shalt  }
0x52: {  	_ =	shalt  }
0x53: {  	_ =	shalt  }
0x54: {  	_ =	shalt  }
0x55: {  	_ =	shalt  }
0x56: {  	_ =	shalt  }
0x57: {  	_ =	shalt  }
0x58: {  	_ =	shalt  }
0x59: {  	_ =	shalt  }
0x5a: {  	_ =	shalt  }
0x5b: {  	_ =	shalt  }
0x5c: {  	_ =	shalt  }
0x5d: {  	_ =	shalt  }
0x5e: {  	_ =	shalt  }
0x5f: {  	_ =	shalt  }
0x60: {  	_ =	shalt  }
0x61: {  	_ =	shalt  }
0x62: {  	_ =	shalt  }
0x63: {  	_ =	shalt  }
0x64: {  	_ =	shalt  }
0x65: {  	_ =	shalt  }
0x66: {  	_ =	shalt  }
0x67: {  	_ =	shalt  }
0x68: {  	_ =	shalt  }
0x69: {  	_ =	shalt  }
0x6a: {  	_ =	shalt  }
0x6b: {  	_ =	shalt  }
0x6c: {  	_ =	shalt  }
0x6d: {  	_ =	shalt  }
0x6e: {  	_ =	shalt  }
0x6f: {  	_ =	shalt  }
0x70: {  	_ =	shalt  }
0x71: {  	_ =	shalt  }
0x72: {  	_ =	shalt  }
0x73: {  	_ =	shalt  }
0x74: {  	_ =	shalt  }
0x75: {  	_ =	shalt  }
0x76: {  	_ =	shalt  }
0x77: {  	_ =	shalt  }
0x78: {  	_ =	shalt  }
0x79: {  	_ =	shalt  }
0x7a: {  	_ =	shalt  }
0x7b: {  	_ =	shalt  }
0x7c: {  	_ =	shalt  }
0x7d: {  	_ =	shalt  }
0x7e: {  	_ =	shalt  }
0x7f: {  	_ =	shalt  }
0x80: {  	_ =	shalt  }
0x81: {  	_ =	shalt  }
0x82: {  	_ =	shalt  }
0x83: {  	_ =	shalt  }
0x84: {  	_ =	shalt  }
0x85: {  	_ =	shalt  }
0x86: {  	_ =	shalt  }
0x87: {  	_ =	shalt  }
.Lfunc_end0:
.L_simem_size_0:
called_computation.1_lowered:
.L_overlay_start_0:
0x88: {  	s2 =	sld [smem:$0x3FD9]  }
0x89: {  	s3 =	sld [smem:$0x3FFE];
	_ =	sdelay $0x1  }
0x8a: {  	s1 =	srdreg.scid  }
0x8b: {  	s0 =	sand.u32 $0x1, s1  }
0x8c: {  	s16 =	sshll.u32 s0, $0xA;
	s2 =	sadd.s32 s3, s2  }
0x8d: {  	s2 =	sadd.s32 s2, s16  }
0x8e: {  	[smem:$0x3FB2] =	sst s2  }
0x8f: {  	_ = 	snop  }
0x90: {  	(tm) =	ssettm $0x1  }
0x91: {  	s17 =	sld [smem:$0x3FFB];
	_ =	sdelay $0x3  }
0x92: {  	_ =	strace s17  }
0x93: {  	s2 =	sld [smem:$0x3FFC];
	_ =	sdelay $0x3  }
0x94: {  	_ =	strace s2  }
0x95: {  	s2 =	sld [smem:$0x3FFD];
	_ =	sdelay $0x3  }
0x96: {  	_ =	strace s2  }
0x97: {  	_ =	strace $0x8FFFFFFF  }
0x98: {  	s18 =	sld [smem:$0x3FDB];
	_ =	sdelay $0x1  }
0x99: {  	s19 =	simm.s32 $_scs_section_size  }
0x9a: {  	s4 =	simm.s32 $_size__tile_overlayer_lowered;
	s5 =	simm.s32 $_tile_overlayer_lowered  }
0x9b: {  	s22 =	simm.s32 $0x1BFF;
	s21 =	sshll.u32 s5, $0x1;
	s2 =	sadd.s32 s19, s18  }
0x9c: {  	s6 =	simm.s32 $0x0;
	s20 =	sshll.u32 s4, $0x1;
	s4 =	sadd.s32 s21, s2  }
0x9d: {  	[timem:s6], [sflag:s22] =	dma.local [hbm:s4], s20  }
0x9e: {  	_ =	swait.ge [sflag:s22], s20  }
0x9f: {  	s3 =	ssub.s32 $0x0, s20;
	[sflag:s22] =	ssyncset.done $0x0  }
0xa0: {  	[sflag:s22] =	ssyncadd.s32 s3;
	_ =	sdelay $0x1  }
0xa1: {  	s23 =	simm.s32 $0x1B8B  }
0xa2: {  	_ =	swait.ge [sflag:s23], $0x1  }
0xa3: {  	[sflag:s23] =	ssyncset.done $0x0  }
0xa4: {  	s25 =	simm.s32 $0x1B8E;
	s24 =	sld [smem:$0x3FFE];
	[sflag:s23] =	ssyncadd.s32 $0xFFFFFFFF  }
0xa5: {  	s26 =	simm.s32 $execute0_lowered;
	[smem:$0x3FD2] =	sst s25  }
0xa6: {  	s4 =	sshll.u32 s26, $0x1;
	_ =	strace $0x80000046;
	[dreg:$0x1] =	wrdreg $0xFFFFFFFF  }
0xa7: {  	s28 =	simm.s32 $_size_execute0_lowered;
	s2 =	sadd.s32 s2, s4;
	[dreg:$0x0] =	wrdreg $0x0  }
0xa8: {  	s4 =	sshll.u32 s28, $0x1;
	[dreg:$0x2] =	wrdreg s2  }
0xa9: {  	[dreg:$0x3] =	wrdreg s4  }
0xaa: {  	[dreg:$0x4] =	wrdreg $0xC0  }
0xab: {  	_ =	task [dreg:s6], $0x5FFFF  }
0xac: {  	[dreg:$0x1] =	wrdreg $0xFFFFFFFF  }
0xad: {  	[dreg:$0x0] =	wrdreg $0x60  }
0xae: {  	[dreg:$0x2] =	wrdreg s24  }
0xaf: {  	[dreg:$0x3] =	wrdreg $0xE9000  }
0xb0: {  	[dreg:$0x4] =	wrdreg $0xA  }
0xb1: {  	_ =	task.clear_ibuf [dreg:s6], $0x5FFFF;
	_ =	strace $0x90000046  }
0xb2: {  	s29 =	simm.s32 $0xA;
	_ =	strace $0x80000048  }
0xb3: {  	_ =	swait.ge [sflag:s29], $0x1  }
0xb4: {  	[sflag:s29] =	ssyncadd.s32 $0xFFFFFFFF  }
0xb5: {  	_ =	strace $0x90000048  }
0xb6: {  	_ =	sfence  }
0xb7: {  	s30 =	sld [smem:$0x0];
	_ =	sdelay $0x2  }
0xb8: {  	s31 =	sshll.u32 s1, $0xD;
	s1 =	sshrl.u32 s1, $0x2  }
0xb9: {  	s3 =	sand.u32 $0x4000, s31;
	s1 =	sadd.s32 s1, s30  }
0xba: {  	s0 =	sor.u32 s3, s0;
	s1 =	sshll.u32 s1, $0x11  }
0xbb: {  	s0 =	sor.u32 s1, s0  }
0xbc: {  	s0 =	sadd.s32 $0x8F2B, s0  }
0xbd: {  	[sflag:s0] =	ssyncadd.remote.s32 $0x1  }
0xbe: {  	_ =	sfence.sel $0xFFFF  }
0xbf: {  	[dreg:$0x0] =	wrdreg $0xFFFFFFFF;
	(pc) =	sbr.abs _section_cstart, $3  }
0xc0: {  	[dreg:$0x1] =	wrdreg $0xFFFFFFFF  }
0xc1: {  	_ =	task.clear_ibuf [dreg:s6], $0x2FFFF;
	_ =	strace $0x9FFFFFFF  }
0xc2: {  	(tm) =	ssettm $0x7FFFFFFF  }
0xc3: {  	_ =	shalt  }
tec
execute0_lowered:
.L_overlay_start_1:
0x0: {  	(tag) =	ssettag $0x1  }
0x1: {  	s0 =	srdreg.scid;
	s1 =	rddreg [dreg:$0x0]  }
0x2: {  	s12 =	stileid.u32;
	s2 =	rddreg [dreg:$0x1];
	s28 =	simm.s32 $0x5000  }
0x3: {  	s29 =	simm.s32 $0x80;
	s30 =	simm.s32 $0x6F40;
	s31 =	simm.s32 $0x100  }
0x4: {  	s0 =	sand.u32 $0x1, s0;
	s7 =	smul.u32 $0x27000, s12;
	s9 =	sshll.u32 s12, $0x9  }
0x5: {  	s14 =	smul.u32 $0x9C00, s12;
	p0 =	sgt.u32 s12, $0x1;
	s3 =	sshll.u32 s0, $0x4  }
0x6: {  	s6 =	ssub.s32 $0x2, s0;
	s0 =	smul.u32 $0x9C400, s0;
	s10 =	sor.u32 $0x9C000, s9  }
0x7: {  	s4 =	sor.u32 s12, s3;
	s3 =	simm.s32 $0x0;
	s8 =	sshrl.u32 s6, $0x1  }
0x8: {  	s11 =	sshrl.u32 s7, $0x2;
	s16 =	sadd.s32 s14, s2;
	s18 =	sadd.s32 $0x1A00, s14  }
0x9: {  	s23 =	sadd.s32 $0x4E00, s14;
	s24 =	sadd.s32 $0x6800, s14;
	s5 =	smul.u32 $0x500, s4  }
0xa: {  	[smem:$0x7FF] =	sst s3;
	s4 =	sadd.s32 $0x17E00, s1;
	s6 =	ssub.s32 s6, s8  }
0xb: {  	s9 =	sadd.s32 s0, s10;
	s7 =	sadd.s32 s11, s2;
	s8 =	sadd.s32 s10, s2  }
0xc: {  	s17 =	sadd.s32 s0, s14;
	s10 =	sadd.s32 s0, s18;
	s11 =	sadd.s32 $0x3400, s14  }
0xd: {  	s25 =	sadd.s32 s0, s24;
	_ =	strace $0x80000047;
	s13 =	sshrl.u32 s9, $0x3  }
0xe: {  	s15 =	smax.u32 s6, $0x1;
	[dreg:$0x7] =	wrdreg s16;
	s19 =	sshrl.u32 s10, $0x3  }
0xf: {  	s20 =	sadd.s32 s0, s11;
	s6 =	sadd.s32 s18, s2;
	s22 =	sadd.s32 s11, s2  }
0x10: {  	s9 =	sadd.s32 $0x8200, s14;
	s10 =	simm.s32 $0xCF00;
	[dreg:$0x6] =	wrdreg s15  }
0x11: {  	s11 =	simm.s32 $0x0;
	s5 =	sadd.s32 s5, s1;
	[dreg:$0x9] =	wrdreg s6  }
0x12: {  	s1 =	sadd.s32 $0x2B800, s1;
	[dreg:$0xb] =	wrdreg s22;
	s26 =	sadd.s32 $0xDE00, s5  }
0x13: {  	s21 =	sshrl.u32 s20, $0x3;
	s5 =	sadd.s32 $0x3E00, s5;
	[dreg:$0x3] =	wrdreg s26  }
0x14: {  	s6 =	simm.s32 $0x3;
	[dreg:$0x4] =	wrdreg s5;
	s5 =	sadd.s32 s1, s13  }
0x15: {  	s26 =	sshrl.u32 s25, $0x3;
	[dreg:$0x5] =	wrdreg s5;
	s5 =	sshrl.u32 s17, $0x3  }
0x16: {  	s25 =	simm.s32 $0xCD00;
	s17 =	sadd.s32 s23, s2;
	s5 =	sadd.s32 s1, s5  }
0x17: {  	s20 =	sadd.s32 s1, s26;
	s26 =	simm.s32 $0x7D;
	[dreg:$0x8] =	wrdreg s5  }
0x18: {  	s5 =	sadd.s32 s1, s19;
	s19 =	sadd.s32 s24, s2;
	s24 =	simm.s32 $0x1  }
0x19: {  	[dreg:$0xa] =	wrdreg s5;
	s5 =	sadd.s32 s1, s21;
	s21 =	sadd.s32 s9, s2  }
0x1a: {  	[dreg:$0xc] =	wrdreg s5;
	s5 =	sadd.s32 s0, s23;
	s0 =	sadd.s32 s0, s9  }
0x1b: {  	s23 =	simm.s32 $0x5;
	s5 =	sshrl.u32 s5, $0x3;
	s0 =	sshrl.u32 s0, $0x3  }
0x1c: {  	s9 =	simm.s32 $0x4;
	s18 =	sadd.s32 s1, s5;
	s22 =	sadd.s32 s1, s0  }
0x1d: {  	v0 =	vimm.f32 $0.0e+00;
	s1 =	simm.s32 $0x8E80;
	s0 =	simm.s32 $0xADC0;
	s5 =	simm.s32 $0x2  }
.LBB2_1:
0x1e: {  	s12 =	rddreg [dreg:$0x3]  }
0x1f: {  	[tilespmem:s3], [sflag:$0x5] =	stream.linear.gather [hbm4b:s12+s3], $0x2800, $0x38;
	[tilespmem:$0x18540] =	vst v63  }
0x20: {  	_ =	swait.ge [sflag:s23], $0x2800  }
0x21: {  	[sflag:s23] =	ssyncset.done $0x0  }
0x22: {  	s13 =	simm.s32 $0x2800;
	s15 =	rddreg [dreg:$0x4];
	[sflag:s23] =	ssyncadd.s32 $0xFFFFD800  }
0x23: {  	[tilespmem:s13], [sflag:$0x5] =	stream.linear.gather [hbm4b:s15+s3], $0x2800, $0x38;
	[tilespmem:$0x18540] =	vst v63  }
0x24: {  	_ =	swait.ge [sflag:s23], $0x2800  }
0x25: {  	[sflag:s23] =	ssyncset.done $0x0  }
0x26: {  	[sflag:s23] =	ssyncadd.s32 $0xFFFFD800  }
0x27: {  	[tilespmem:$0xCD00] =	vst v0  }
0x28: {  	[tilespmem:$0xCD10] =	vst v0  }
0x29: {  	[tilespmem:$0xCD20] =	vst v0  }
0x2a: {  	[tilespmem:$0xCD30] =	vst v0  }
0x2b: {  	[tilespmem:$0xCD40] =	vst v0  }
0x2c: {  	[tilespmem:$0xCD50] =	vst v0  }
0x2d: {  	[tilespmem:$0xCD60] =	vst v0  }
0x2e: {  	[tilespmem:$0xCD70] =	vst v0  }
0x2f: {  	[tilespmem:$0xCD80] =	vst v0  }
0x30: {  	[tilespmem:$0xCD90] =	vst v0  }
0x31: {  	[tilespmem:$0xCDA0] =	vst v0  }
0x32: {  	[tilespmem:$0xCDB0] =	vst v0  }
0x33: {  	[tilespmem:$0xCDC0] =	vst v0  }
0x34: {  	[tilespmem:$0xCDD0] =	vst v0  }
0x35: {  	[tilespmem:$0xCDE0] =	vst v0  }
0x36: {  	[tilespmem:$0xCDF0] =	vst v0  }
0x37: {  	[tilespmem:$0xCE00] =	vst v0  }
0x38: {  	[tilespmem:$0xCE10] =	vst v0  }
0x39: {  	[tilespmem:$0xCE20] =	vst v0  }
0x3a: {  	[tilespmem:$0xCE30] =	vst v0  }
0x3b: {  	[tilespmem:$0xCE40] =	vst v0  }
0x3c: {  	[tilespmem:$0xCE50] =	vst v0  }
0x3d: {  	[tilespmem:$0xCE60] =	vst v0  }
0x3e: {  	[tilespmem:$0xCE70] =	vst v0  }
0x3f: {  	[tilespmem:$0xCE80] =	vst v0  }
0x40: {  	[tilespmem:$0xCE90] =	vst v0  }
0x41: {  	[tilespmem:$0xCEA0] =	vst v0  }
0x42: {  	[tilespmem:$0xCEB0] =	vst v0  }
0x43: {  	[tilespmem:$0xCEC0] =	vst v0  }
0x44: {  	[tilespmem:$0xCED0] =	vst v0  }
0x45: {  	[tilespmem:$0xCEE0] =	vst v0  }
0x46: {  	s16 =	sadd.s32 $0x0, s7;
	[tilespmem:$0xCEF0] =	vst v0  }
0x47: {  	[spmem:s16] =	stream.linear.scatter [tilespmem:s25], [sflag:$0x5], $0x200, $0x38;
	[tilespmem:$0x18540] =	vst v63  }
0x48: {  	s12 =	simm.s32 $0x800;
	_ =	swait.ge [sflag:s23], $0x200  }
.LBB2_2:
0x49: {  	s13 =	sshra.s32 s12, $0x2;
	[sflag:s23] =	ssyncset.done $0x0;
	p1 =	sne.s32 s12, $0x26800  }
.Ltmp0:
0x4a: {  	s13 =	sadd.s32 s13, s7;
	[sflag:s23] =	ssyncadd.s32 $0xFFFFFE00;
	(pc) =	sbr.rel @p1 .LBB2_2-.Ltmp0, $3  }
0x4b: {  	[spmem:s13] =	stream.linear.scatter [tilespmem:s25], [sflag:$0x5], $0x200, $0x38;
	[tilespmem:$0x18540] =	vst v63  }
0x4c: {  	s12 =	sadd.s32 $0x800, s12;
	_ =	sdelay $0x1  }
0x4d: {  	_ =	swait.ge [sflag:s23], $0x200  }
0x4e: {  	[sflag:s23] =	ssyncset.done $0x0  }
0x4f: {  	s12 =	simm.s32 @!p0 $0xCD00;
	[sflag:s23] =	ssyncadd.s32 $0xFFFFFE00  }
0x50: {  	[spmem:s8] =	stream.linear.scatter @!p0 [tilespmem:s12], [sflag:$0x5], $0x200, $0x38;
	[tilespmem:$0x18540] =	vst v63  }
0x51: {  	s12 =	simm.s32 @!p0 $0x5  }
0x52: {  	_ =	swait.ge @!p0 [sflag:s12], $0x200  }
0x53: {  	[sflag:s12] =	ssyncset.done @!p0 $0x0  }
0x54: {  	[sflag:s12] =	ssyncadd.s32 @!p0 $0xFFFFFE00  }
0x55: {  	s16 =	simm.s32 $0x0;
	[bflag:$0x0] =	sbarrier.arrive $0xFFFF  }
0x56: {  	[tilespmem:s28], [sflag:$0x1] =	stream.indirect.gather [hbm4b:s4+s26], $0x40, s16, s26, $0xb8;
	[tilespmem:$0x18540] =	vst v63  }
0x57: {  	_ = 	snop  }
0x58: {  	[tilespmem:s30], [sflag:$0x2] =	stream.indirect.gather [hbm4b:s4+s26], $0x40, s29, s26, $0xb8;
	[tilespmem:$0x18540] =	vst v63  }
0x59: {  	_ = 	snop  }
0x5a: {  	[tilespmem:s1], [sflag:$0x3] =	stream.indirect.gather [hbm4b:s4+s26], $0x40, s31, s26, $0xb8;
	[tilespmem:$0x18540] =	vst v63  }
0x5b: {  	s13 =	simm.s32 $0x180  }
0x5c: {  	[tilespmem:s0], [sflag:$0x4] =	stream.indirect.gather [hbm4b:s4+s26], $0x40, s13, s26, $0xb8;
	[tilespmem:$0x18540] =	vst v63  }
0x5d: {  	_ =	swait.ge [sflag:s24], $0x1F40  }
0x5e: {  	[sflag:s24] =	ssyncset.done $0x0  }
0x5f: {  	s14 =	simm.s32 $0x2800;
	[sflag:s24] =	ssyncadd.s32 $0xFFFFE0C0  }
0x60: {  	[spmem:s2] =	stream.indirect.scatter.add.f32 [tilespmem:s28], [sflag:$0x5], $0x40, s14, s26, $0xb8;
	[tilespmem:$0x18540] =	vst v63  }
0x61: {  	_ =	swait.ge [sflag:s23], $0x1F40  }
0x62: {  	[sflag:s23] =	ssyncset.done $0x0  }
0x63: {  	s15 =	simm.s32 $0x200;
	[sflag:s23] =	ssyncadd.s32 $0xFFFFE0C0  }
0x64: {  	[tilespmem:s28], [sflag:$0x1] =	stream.indirect.gather [hbm4b:s4+s26], $0x40, s15, s26, $0xb8;
	[tilespmem:$0x18540] =	vst v63  }
0x65: {  	_ =	swait.ge [sflag:s5], $0x1F40  }
0x66: {  	[sflag:s5] =	ssyncset.done $0x0  }
0x67: {  	s16 =	simm.s32 $0x2880;
	[sflag:s5] =	ssyncadd.s32 $0xFFFFE0C0  }
0x68: {  	[spmem:s2] =	stream.indirect.scatter.add.f32 [tilespmem:s30], [sflag:$0x5], $0x40, s16, s26, $0xb8;
	[tilespmem:$0x18540] =	vst v63  }
0x69: {  	_ =	swait.ge [sflag:s23], $0x1F40  }
0x6a: {  	[sflag:s23] =	ssyncset.done $0x0  }
0x6b: {  	s13 =	simm.s32 $0x280;
	[sflag:s23] =	ssyncadd.s32 $0xFFFFE0C0  }
0x6c: {  	[tilespmem:s30], [sflag:$0x2] =	stream.indirect.gather [hbm4b:s4+s26], $0x40, s13, s26, $0xb8;
	[tilespmem:$0x18540] =	vst v63  }
0x6d: {  	_ =	swait.ge [sflag:s6], $0x1F40  }
0x6e: {  	[sflag:s6] =	ssyncset.done $0x0  }
0x6f: {  	s14 =	simm.s32 $0x2900;
	[sflag:s6] =	ssyncadd.s32 $0xFFFFE0C0  }
0x70: {  	[spmem:s2] =	stream.indirect.scatter.add.f32 [tilespmem:s1], [sflag:$0x5], $0x40, s14, s26, $0xb8;
	[tilespmem:$0x18540] =	vst v63  }
0x71: {  	_ =	swait.ge [sflag:s23], $0x1F40  }
0x72: {  	[sflag:s23] =	ssyncset.done $0x0  }
0x73: {  	s15 =	simm.s32 $0x300;
	[sflag:s23] =	ssyncadd.s32 $0xFFFFE0C0  }
0x74: {  	[tilespmem:s1], [sflag:$0x3] =	stream.indirect.gather [hbm4b:s4+s26], $0x40, s15, s26, $0xb8;
	[tilespmem:$0x18540] =	vst v63  }
0x75: {  	_ =	swait.ge [sflag:s9], $0x1F40  }
0x76: {  	[sflag:s9] =	ssyncset.done $0x0  }
0x77: {  	s16 =	simm.s32 $0x2980;
	[sflag:s9] =	ssyncadd.s32 $0xFFFFE0C0  }
0x78: {  	[spmem:s2] =	stream.indirect.scatter.add.f32 [tilespmem:s0], [sflag:$0x5], $0x40, s16, s26, $0xb8;
	[tilespmem:$0x18540] =	vst v63  }
0x79: {  	_ =	swait.ge [sflag:s23], $0x1F40  }
0x7a: {  	s12 =	simm.s32 $0x200;
	s13 =	simm.s32 $0x1000;
	[sflag:s23] =	ssyncset.done $0x0  }
.LBB2_4:
0x7b: {  	s16 =	sadd.s32 $0x180, s12  }
0x7c: {  	[sflag:s23] =	ssyncadd.s32 $0xFFFFE0C0;
	s14 =	smov.u32 s13;
	s15 =	sadd.s32 $0x800, s13  }
0x7d: {  	[tilespmem:s0], [sflag:$0x4] =	stream.indirect.gather [hbm4b:s4+s26], $0x40, s16, s26, $0xb8;
	[tilespmem:$0x18540] =	vst v63  }
0x7e: {  	p1 =	sne.s32 s13, $0x9000;
	_ =	swait.ge [sflag:s24], $0x1F40  }
0x7f: {  	[sflag:s24] =	ssyncset.done $0x0  }
0x80: {  	s13 =	sadd.s32 $0x2800, s12;
	[sflag:s24] =	ssyncadd.s32 $0xFFFFE0C0  }
0x81: {  	[spmem:s2] =	stream.indirect.scatter.add.f32 [tilespmem:s28], [sflag:$0x5], $0x40, s13, s26, $0xb8;
	[tilespmem:$0x18540] =	vst v63  }
0x82: {  	_ =	swait.ge [sflag:s23], $0x1F40  }
0x83: {  	[sflag:s23] =	ssyncset.done $0x0  }
0x84: {  	s13 =	sadd.s32 $0x200, s12;
	[sflag:s23] =	ssyncadd.s32 $0xFFFFE0C0  }
0x85: {  	[tilespmem:s28], [sflag:$0x1] =	stream.indirect.gather [hbm4b:s4+s26], $0x40, s13, s26, $0xb8;
	[tilespmem:$0x18540] =	vst v63  }
0x86: {  	_ =	swait.ge [sflag:s5], $0x1F40  }
0x87: {  	[sflag:s5] =	ssyncset.done $0x0  }
0x88: {  	s13 =	sadd.s32 $0x2880, s12;
	[sflag:s5] =	ssyncadd.s32 $0xFFFFE0C0  }
0x89: {  	[spmem:s2] =	stream.indirect.scatter.add.f32 [tilespmem:s30], [sflag:$0x5], $0x40, s13, s26, $0xb8;
	[tilespmem:$0x18540] =	vst v63  }
0x8a: {  	_ =	swait.ge [sflag:s23], $0x1F40  }
0x8b: {  	[sflag:s23] =	ssyncset.done $0x0  }
0x8c: {  	s13 =	sadd.s32 $0x280, s12;
	[sflag:s23] =	ssyncadd.s32 $0xFFFFE0C0  }
0x8d: {  	[tilespmem:s30], [sflag:$0x2] =	stream.indirect.gather [hbm4b:s4+s26], $0x40, s13, s26, $0xb8;
	[tilespmem:$0x18540] =	vst v63  }
0x8e: {  	_ =	swait.ge [sflag:s6], $0x1F40  }
0x8f: {  	[sflag:s6] =	ssyncset.done $0x0  }
0x90: {  	s13 =	sadd.s32 $0x2900, s12;
	[sflag:s6] =	ssyncadd.s32 $0xFFFFE0C0  }
0x91: {  	[spmem:s2] =	stream.indirect.scatter.add.f32 [tilespmem:s1], [sflag:$0x5], $0x40, s13, s26, $0xb8;
	[tilespmem:$0x18540] =	vst v63  }
0x92: {  	_ =	swait.ge [sflag:s23], $0x1F40  }
0x93: {  	[sflag:s23] =	ssyncset.done $0x0  }
0x94: {  	s13 =	sadd.s32 $0x300, s12;
	[sflag:s23] =	ssyncadd.s32 $0xFFFFE0C0  }
0x95: {  	[tilespmem:s1], [sflag:$0x3] =	stream.indirect.gather [hbm4b:s4+s26], $0x40, s13, s26, $0xb8;
	[tilespmem:$0x18540] =	vst v63  }
0x96: {  	_ =	swait.ge [sflag:s9], $0x1F40  }
.Ltmp1:
0x97: {  	[sflag:s9] =	ssyncset.done $0x0;
	(pc) =	sbr.rel @p1 .LBB2_4-.Ltmp1, $4  }
0x98: {  	s12 =	sadd.s32 $0x2980, s12;
	[sflag:s9] =	ssyncadd.s32 $0xFFFFE0C0  }
0x99: {  	[spmem:s2] =	stream.indirect.scatter.add.f32 [tilespmem:s0], [sflag:$0x5], $0x40, s12, s26, $0xb8;
	[tilespmem:$0x18540] =	vst v63  }
0x9a: {  	_ =	swait.ge [sflag:s23], $0x1F40  }
0x9b: {  	s13 =	smov.u32 s15;
	s12 =	sshra.s32 s14, $0x2;
	[sflag:s23] =	ssyncset.done $0x0  }
0x9c: {  	s13 =	sadd.s32 $0x180, s12;
	[sflag:s23] =	ssyncadd.s32 $0xFFFFE0C0  }
0x9d: {  	[tilespmem:s0], [sflag:$0x4] =	stream.indirect.gather [hbm4b:s4+s26], $0x40, s13, s26, $0xb8;
	[tilespmem:$0x18540] =	vst v63  }
0x9e: {  	_ =	swait.ge [sflag:s24], $0x1F40  }
0x9f: {  	[sflag:s24] =	ssyncset.done $0x0  }
0xa0: {  	s16 =	sadd.s32 $0x2800, s12;
	[sflag:s24] =	ssyncadd.s32 $0xFFFFE0C0  }
0xa1: {  	[spmem:s2] =	stream.indirect.scatter.add.f32 [tilespmem:s28], [sflag:$0x5], $0x40, s16, s26, $0xb8;
	[tilespmem:$0x18540] =	vst v63  }
0xa2: {  	_ =	swait.ge [sflag:s23], $0x1F40  }
0xa3: {  	[sflag:s23] =	ssyncset.done $0x0  }
0xa4: {  	s14 =	sadd.s32 $0x200, s12;
	[sflag:s23] =	ssyncadd.s32 $0xFFFFE0C0  }
0xa5: {  	[tilespmem:s28], [sflag:$0x1] =	stream.indirect.gather [hbm4b:s4+s26], $0x40, s14, s26, $0xb8;
	[tilespmem:$0x18540] =	vst v63  }
0xa6: {  	_ =	swait.ge [sflag:s5], $0x1F40  }
0xa7: {  	[sflag:s5] =	ssyncset.done $0x0  }
0xa8: {  	s15 =	sadd.s32 $0x2880, s12;
	[sflag:s5] =	ssyncadd.s32 $0xFFFFE0C0  }
0xa9: {  	[spmem:s2] =	stream.indirect.scatter.add.f32 [tilespmem:s30], [sflag:$0x5], $0x40, s15, s26, $0xb8;
	[tilespmem:$0x18540] =	vst v63  }
0xaa: {  	_ =	swait.ge [sflag:s23], $0x1F40  }
0xab: {  	[sflag:s23] =	ssyncset.done $0x0  }
0xac: {  	s16 =	sadd.s32 $0x280, s12;
	[sflag:s23] =	ssyncadd.s32 $0xFFFFE0C0  }
0xad: {  	[tilespmem:s30], [sflag:$0x2] =	stream.indirect.gather [hbm4b:s4+s26], $0x40, s16, s26, $0xb8;
	[tilespmem:$0x18540] =	vst v63  }
0xae: {  	_ =	swait.ge [sflag:s6], $0x1F40  }
0xaf: {  	[sflag:s6] =	ssyncset.done $0x0  }
0xb0: {  	s14 =	sadd.s32 $0x2900, s12;
	[sflag:s6] =	ssyncadd.s32 $0xFFFFE0C0  }
0xb1: {  	[spmem:s2] =	stream.indirect.scatter.add.f32 [tilespmem:s1], [sflag:$0x5], $0x40, s14, s26, $0xb8;
	[tilespmem:$0x18540] =	vst v63  }
0xb2: {  	_ =	swait.ge [sflag:s23], $0x1F40  }
0xb3: {  	[sflag:s23] =	ssyncset.done $0x0  }
0xb4: {  	s15 =	sadd.s32 $0x300, s12;
	[sflag:s23] =	ssyncadd.s32 $0xFFFFE0C0  }
0xb5: {  	[tilespmem:s1], [sflag:$0x3] =	stream.indirect.gather [hbm4b:s4+s26], $0x40, s15, s26, $0xb8;
	[tilespmem:$0x18540] =	vst v63  }
0xb6: {  	_ =	swait.ge [sflag:s9], $0x1F40  }
0xb7: {  	[sflag:s9] =	ssyncset.done $0x0  }
0xb8: {  	s16 =	sadd.s32 $0x2980, s12;
	[sflag:s9] =	ssyncadd.s32 $0xFFFFE0C0  }
0xb9: {  	[spmem:s2] =	stream.indirect.scatter.add.f32 [tilespmem:s0], [sflag:$0x5], $0x40, s16, s26, $0xb8;
	[tilespmem:$0x18540] =	vst v63  }
0xba: {  	_ =	swait.ge [sflag:s23], $0x1F40  }
0xbb: {  	[sflag:s23] =	ssyncset.done $0x0  }
0xbc: {  	s13 =	simm.s32 $0x2780;
	[sflag:s23] =	ssyncadd.s32 $0xFFFFE0C0  }
0xbd: {  	[tilespmem:s0], [sflag:$0x4] =	stream.indirect.gather [hbm4b:s4+s26], $0x40, s13, s26, $0xb8;
	[tilespmem:$0x18540] =	vst v63  }
0xbe: {  	_ =	swait.ge [sflag:s24], $0x1F40  }
0xbf: {  	[sflag:s24] =	ssyncset.done $0x0  }
0xc0: {  	s14 =	simm.s32 $0x4E00;
	[sflag:s24] =	ssyncadd.s32 $0xFFFFE0C0  }
0xc1: {  	[spmem:s2] =	stream.indirect.scatter.add.f32 [tilespmem:s28], [sflag:$0x5], $0x40, s14, s26, $0xb8;
	[tilespmem:$0x18540] =	vst v63  }
0xc2: {  	_ =	swait.ge [sflag:s23], $0x1F40  }
0xc3: {  	[sflag:s23] =	ssyncset.done $0x0  }
0xc4: {  	[sflag:s23] =	ssyncadd.s32 $0xFFFFE0C0  }
0xc5: {  	[tilespmem:s28], [sflag:$0x1] =	stream.indirect.gather [hbm4b:s4+s26], $0x40, s3, s26, $0xb8;
	[tilespmem:$0x18540] =	vst v63  }
0xc6: {  	_ =	swait.ge [sflag:s5], $0x1F40  }
0xc7: {  	[sflag:s5] =	ssyncset.done $0x0  }
0xc8: {  	s15 =	simm.s32 $0x4E80;
	[sflag:s5] =	ssyncadd.s32 $0xFFFFE0C0  }
0xc9: {  	[spmem:s2] =	stream.indirect.scatter.add.f32 [tilespmem:s30], [sflag:$0x5], $0x40, s15, s26, $0xb8;
	[tilespmem:$0x18540] =	vst v63  }
0xca: {  	_ =	swait.ge [sflag:s23], $0x1F40  }
0xcb: {  	[sflag:s23] =	ssyncset.done $0x0  }
0xcc: {  	[sflag:s23] =	ssyncadd.s32 $0xFFFFE0C0  }
0xcd: {  	[tilespmem:s30], [sflag:$0x2] =	stream.indirect.gather [hbm4b:s4+s26], $0x40, s29, s26, $0xb8;
	[tilespmem:$0x18540] =	vst v63  }
0xce: {  	_ =	swait.ge [sflag:s6], $0x1F40  }
0xcf: {  	[sflag:s6] =	ssyncset.done $0x0  }
0xd0: {  	s16 =	simm.s32 $0x4F00;
	[sflag:s6] =	ssyncadd.s32 $0xFFFFE0C0  }
0xd1: {  	[spmem:s2] =	stream.indirect.scatter.add.f32 [tilespmem:s1], [sflag:$0x5], $0x40, s16, s26, $0xb8;
	[tilespmem:$0x18540] =	vst v63  }
0xd2: {  	_ =	swait.ge [sflag:s23], $0x1F40  }
0xd3: {  	[sflag:s23] =	ssyncset.done $0x0  }
0xd4: {  	[sflag:s23] =	ssyncadd.s32 $0xFFFFE0C0  }
0xd5: {  	[tilespmem:s1], [sflag:$0x3] =	stream.indirect.gather [hbm4b:s4+s26], $0x40, s31, s26, $0xb8;
	[tilespmem:$0x18540] =	vst v63  }
0xd6: {  	_ =	swait.ge [sflag:s9], $0x1F40  }
0xd7: {  	[sflag:s9] =	ssyncset.done $0x0  }
0xd8: {  	s13 =	simm.s32 $0x4F80;
	[sflag:s9] =	ssyncadd.s32 $0xFFFFE0C0  }
0xd9: {  	[spmem:s2] =	stream.indirect.scatter.add.f32 [tilespmem:s0], [sflag:$0x5], $0x40, s13, s26, $0xb8;
	[tilespmem:$0x18540] =	vst v63  }
0xda: {  	_ =	swait.ge [sflag:s23], $0x1F40  }
0xdb: {  	[sflag:s23] =	ssyncset.done $0x0  }
0xdc: {  	[sflag:s23] =	ssyncadd.s32 $0xFFFFE0C0  }
0xdd: {  	_ =	swait.ge [sflag:s24], $0x1F40  }
0xde: {  	[sflag:s24] =	ssyncset.done $0x0  }
0xdf: {  	[sflag:s24] =	ssyncadd.s32 $0xFFFFE0C0  }
0xe0: {  	_ =	swait.ge [sflag:s5], $0x1F40  }
0xe1: {  	[sflag:s5] =	ssyncset.done $0x0  }
0xe2: {  	[sflag:s5] =	ssyncadd.s32 $0xFFFFE0C0  }
0xe3: {  	_ =	swait.ge [sflag:s6], $0x1F40  }
0xe4: {  	[sflag:s6] =	ssyncset.done $0x0  }
0xe5: {  	[sflag:s6] =	ssyncadd.s32 $0xFFFFE0C0  }
0xe6: {  	[bflag:$0x0] =	sbarrier.arrive $0xFFFF  }
0xe7: {  	s14 =	rddreg [dreg:$0x7]  }
0xe8: {  	[tilespmem:s10], [sflag:$0x5] =	stream.linear.gather [spmem:s14], $0x1A00, $0x38;
	[tilespmem:$0x18540] =	vst v63  }
0xe9: {  	_ =	swait.ge [sflag:s23], $0x1A00  }
0xea: {  	[sflag:s23] =	ssyncset.done $0x0  }
0xeb: {  	s15 =	rddreg [dreg:$0x8];
	[sflag:s23] =	ssyncadd.s32 $0xFFFFE600  }
0xec: {  	[hbm4b:s15+s3] =	stream.linear.scatter [tilespmem:s10], [sflag:$0x5], $0x1A00, $0x38;
	[tilespmem:$0x18540] =	vst v63  }
0xed: {  	_ =	swait.ge [sflag:s23], $0x1A00  }
0xee: {  	[sflag:s23] =	ssyncset.done $0x0  }
0xef: {  	s16 =	rddreg [dreg:$0x9];
	[sflag:s23] =	ssyncadd.s32 $0xFFFFE600  }
0xf0: {  	[tilespmem:s10], [sflag:$0x5] =	stream.linear.gather [spmem:s16], $0x1A00, $0x38;
	[tilespmem:$0x18540] =	vst v63  }
0xf1: {  	_ =	swait.ge [sflag:s23], $0x1A00  }
0xf2: {  	[sflag:s23] =	ssyncset.done $0x0  }
0xf3: {  	s13 =	rddreg [dreg:$0xa];
	[sflag:s23] =	ssyncadd.s32 $0xFFFFE600  }
0xf4: {  	[hbm4b:s13+s3] =	stream.linear.scatter [tilespmem:s10], [sflag:$0x5], $0x1A00, $0x38;
	[tilespmem:$0x18540] =	vst v63  }
0xf5: {  	_ =	swait.ge [sflag:s23], $0x1A00  }
0xf6: {  	[sflag:s23] =	ssyncset.done $0x0  }
0xf7: {  	s14 =	rddreg [dreg:$0xb];
	[sflag:s23] =	ssyncadd.s32 $0xFFFFE600  }
0xf8: {  	[tilespmem:s10], [sflag:$0x5] =	stream.linear.gather [spmem:s14], $0x1A00, $0x38;
	[tilespmem:$0x18540] =	vst v63  }
0xf9: {  	_ =	swait.ge [sflag:s23], $0x1A00  }
0xfa: {  	[sflag:s23] =	ssyncset.done $0x0  }
0xfb: {  	s15 =	rddreg [dreg:$0xc];
	[sflag:s23] =	ssyncadd.s32 $0xFFFFE600  }
0xfc: {  	[hbm4b:s15+s3] =	stream.linear.scatter [tilespmem:s10], [sflag:$0x5], $0x1A00, $0x38;
	[tilespmem:$0x18540] =	vst v63  }
0xfd: {  	_ =	swait.ge [sflag:s23], $0x1A00  }
0xfe: {  	[sflag:s23] =	ssyncset.done $0x0  }
0xff: {  	[sflag:s23] =	ssyncadd.s32 $0xFFFFE600  }
0x100: {  	[tilespmem:s10], [sflag:$0x5] =	stream.linear.gather [spmem:s17], $0x1A00, $0x38;
	[tilespmem:$0x18540] =	vst v63  }
0x101: {  	_ =	swait.ge [sflag:s23], $0x1A00  }
0x102: {  	[sflag:s23] =	ssyncset.done $0x0  }
0x103: {  	[sflag:s23] =	ssyncadd.s32 $0xFFFFE600  }
0x104: {  	[hbm4b:s18+s3] =	stream.linear.scatter [tilespmem:s10], [sflag:$0x5], $0x1A00, $0x38;
	[tilespmem:$0x18540] =	vst v63  }
0x105: {  	_ =	swait.ge [sflag:s23], $0x1A00  }
0x106: {  	[sflag:s23] =	ssyncset.done $0x0  }
0x107: {  	[sflag:s23] =	ssyncadd.s32 $0xFFFFE600  }
0x108: {  	[tilespmem:s10], [sflag:$0x5] =	stream.linear.gather [spmem:s19], $0x1A00, $0x38;
	[tilespmem:$0x18540] =	vst v63  }
0x109: {  	_ =	swait.ge [sflag:s23], $0x1A00  }
0x10a: {  	[sflag:s23] =	ssyncset.done $0x0  }
0x10b: {  	[sflag:s23] =	ssyncadd.s32 $0xFFFFE600  }
0x10c: {  	[hbm4b:s20+s3] =	stream.linear.scatter [tilespmem:s10], [sflag:$0x5], $0x1A00, $0x38;
	[tilespmem:$0x18540] =	vst v63  }
0x10d: {  	_ =	swait.ge [sflag:s23], $0x1A00  }
0x10e: {  	[sflag:s23] =	ssyncset.done $0x0  }
0x10f: {  	[sflag:s23] =	ssyncadd.s32 $0xFFFFE600  }
0x110: {  	[tilespmem:s10], [sflag:$0x5] =	stream.linear.gather [spmem:s21], $0x1A00, $0x38;
	[tilespmem:$0x18540] =	vst v63  }
0x111: {  	_ =	swait.ge [sflag:s23], $0x1A00  }
0x112: {  	[sflag:s23] =	ssyncset.done $0x0  }
0x113: {  	[sflag:s23] =	ssyncadd.s32 $0xFFFFE600  }
0x114: {  	[hbm4b:s22+s3] =	stream.linear.scatter [tilespmem:s10], [sflag:$0x5], $0x1A00, $0x38;
	[tilespmem:$0x18540] =	vst v63  }
0x115: {  	_ =	swait.ge [sflag:s23], $0x1A00  }
0x116: {  	[sflag:s23] =	ssyncset.done $0x0  }
0x117: {  	s12 =	simm.s32 @!p0 $0xCD00;
	s13 =	simm.s32 @!p0 $0x5;
	[sflag:s23] =	ssyncadd.s32 $0xFFFFE600  }
0x118: {  	[tilespmem:s12], [sflag:$0x5] =	stream.linear.gather @!p0 [spmem:s8], $0x200, $0x38;
	[tilespmem:$0x18540] =	vst v63  }
0x119: {  	_ =	swait.ge @!p0 [sflag:s13], $0x200  }
0x11a: {  	[sflag:s13] =	ssyncset.done @!p0 $0x0  }
0x11b: {  	s14 =	simm.s32 @!p0 $0x0;
	s15 =	rddreg [dreg:$0x5];
	[sflag:s13] =	ssyncadd.s32 @!p0 $0xFFFFFE00  }
0x11c: {  	[hbm4b:s15+s14] =	stream.linear.scatter @!p0 [tilespmem:s12], [sflag:$0x5], $0x200, $0x38;
	[tilespmem:$0x18540] =	vst v63  }
0x11d: {  	_ =	swait.ge @!p0 [sflag:s13], $0x200  }
0x11e: {  	s11 =	sadd.s32 $0x1, s11;
	s16 =	rddreg [dreg:$0x6]  }
0x11f: {  	p1 =	sne.s32 s11, s16  }
.Ltmp2:
0x120: {  	_ = 	snop;
	(pc) =	sbr.rel @p1 .LBB2_1-.Ltmp2, $3  }
0x121: {  	_ =	sdelay $0x1  }
0x122: {  	[sflag:s13] =	ssyncset.done @!p0 $0x0  }
0x123: {  	[sflag:s13] =	ssyncadd.s32 @!p0 $0xFFFFFE00  }
0x124: {  	_ =	sfence.sel $0x180000  }
0x125: {  	[bflag:$0x0] =	sbarrier.arrive $0xFFFF  }
0x126: {  	_ =	strace $0x90000047  }
0x127: {  	s0 =	stileid.u32;
	[bflag:$0x2] =	sbarrier.arrive $0xFFFF  }
0x128: {  	p0 =	sne.s32 s0, $0x0;
	s0 =	rddreg [dreg:$0x2]  }
0x129: {  	s0 =	sadd.s32 @!p0 $0x100000, s0  }
0x12a: {  	[sflag:s0] =	ssyncadd.tile.s32 @!p0 $0x1;
	_ =	shalt  }
.Lfunc_end2:
_tile_overlayer_lowered:
.L_overlay_start_2:
0x12b: {  	(tag) =	ssettag $0x2  }
0x12c: {  	s0 =	rddreg [dreg:$0x0];
	s2 =	stileid.u32  }
0x12d: {  	s1 =	rddreg [dreg:$0x1];
	p0 =	sne.s32 s2, $0x0  }
0x12e: {  	s3 =	rddreg [dreg:$0x2];
	[bflag:$0x3] =	sbarrier.arrive $0xFFFF;
	s2 =	simm.s32 @!p0 $0x1C05  }
0x12f: {  	[timem:s3], [sflag:s2] =	dma.local @!p0 [hbm:s0], s1  }
0x130: {  	s0 =	simm.s32 @!p0 $0x5  }
0x131: {  	_ =	swait.ge @!p0 [sflag:s0], s1  }
0x132: {  	s1 =	ssub.s32 @!p0 $0x0, s1;
	[sflag:s0] =	ssyncset.done @!p0 $0x0  }
0x133: {  	[sflag:s0] =	ssyncadd.s32 @!p0 s1  }
0x134: {  	[bflag:$0x3] =	sbarrier.arrive $0xFFFF  }
0x135: {  	_ =	shalt  }

// kernel: kernel.16.cloned.1.call-start
scs
__scs_entry_jumppad:
0x0: {  	(pc) =	sbr.rel $0x88, $3  }
0x1: {  	(tag) =	ssettag $0x0;
	lr =	simm.s32 $0x1  }
0x2: {  	[smem:$0x3F8B] =	sst lr;
	_ =	strace $0xD0000000  }
0x3: {  	_ = 	snop  }
0x4: {  	_ = 	snop  }
0x5: {  	_ = 	snop  }
0x6: {  	_ = 	snop  }
0x7: {  	_ = 	snop  }
__scs_overlays_trampoline_lowered:
0x8: {  	[smem:$0x3F9A] =	sst s0  }
0x9: {  	[smem:$0x3F9B] =	sst s1  }
0xa: {  	[smem:$0x3F9C] =	sst s2  }
0xb: {  	[smem:$0x3F9D] =	sst s3  }
0xc: {  	[smem:$0x3F9E] =	sst s4  }
0xd: {  	[smem:$0x3F9F] =	sst s5  }
0xe: {  	[smem:$0x3FA0] =	sst s6  }
0xf: {  	[smem:$0x3FA1] =	sst s7  }
0x10: {  	[smem:$0x3FA2] =	sst s8  }
0x11: {  	[smem:$0x3FA3] =	sst s9;
	s0 =	simm.s32 @!p0 $0x0  }
0x12: {  	s1 =	sld [smem:$0x3F89];
	s0 =	simm.s32 @p0 $0x1  }
0x13: {  	[smem:$0x3FA4] =	sst s0;
	s0 =	simm.s32 @!p1 $0x0  }
0x14: {  	s2 =	sld [smem:$0x3F88];
	s0 =	simm.s32 @p1 $0x1  }
0x15: {  	[smem:$0x3FA5] =	sst s0;
	s0 =	simm.s32 @!p2 $0x0  }
0x16: {  	s3 =	sld [smem:$0x3FDB];
	s0 =	simm.s32 @p2 $0x1  }
0x17: {  	s4 =	simm.s32 $0x1BF5;
	[smem:$0x3FA7] =	sst s0  }
0x18: {  	s0 =	sld [smem:$0x3F8A];
	_ =	swait.ge [sflag:s4], $0x0  }
0x19: {  	s7 =	sld [smem:$0x3F8B]  }
0x1a: {  	s8 =	sadd.s32 $0xFFFFE003, lr  }
0x1b: {  	s9 =	sadd.s32 $0xFFFFFEF7, lr;
	s5 =	simm.s32 $0xFFFFFFFF;
	p2 =	slt.u32 s8, $0xFFFFF086  }
0x1c: {  	p1 =	slt.u32 s9, $0xF7A;
	s5 =	simm.s32 @!p2 $0x0  }
0x1d: {  	s5 =	simm.s32 @p1 $0x1;
	p0 =	seq.s32 s7, s2  }
0x1e: {  	s7 =	smul.u32 @!p0 $0xF7A, s2;
	p2 =	seq.s32 @!p0 s5, $0x0  }
0x1f: {  	s9 =	smul.u32 $0xF7A, s1;
	s8 =	simm.s32 @!p0 $0x1BF5;
	p2 =	por !p2, p0  }
0x20: {  	[sflag:s8] =	ssyncset.s32 @!p0 $0xFFFFF086;
	s6 =	sadd.s32 @!p0 s3, s7;
	s7 =	simm.s32 @!p0 $0x108  }
0x21: {  	s3 =	sadd.s32 s3, s9;
	s6 =	sadd.s32 @!p0 $0x88, s6;
	s7 =	simm.s32 @p2 $0x1082  }
0x22: {  	[simem:s7], [sflag:s8] =	dma.local @!p0 [hbm:s6], $0xF7A  }
0x23: {  	s9 =	sor.u32 $0xD0000000, s2;
	s6 =	simm.s32 $0x108;
	_ =	swait.ge @!p0 [sflag:s8], $0x0  }
0x24: {  	s3 =	sadd.s32 $0x88, s3;
	s6 =	simm.s32 @!p1 $0x1082;
	[sflag:s4] =	ssyncset.s32 $0xFFFFF086  }
0x25: {  	[simem:s6], [sflag:s4] =	dma.local [hbm:s3], $0xF7A  }
0x26: {  	[smem:$0x3F8B] =	sst s1;
	(tag) =	ssettag s2;
	_ =	strace s9  }
0x27: {  	s1 =	sld [smem:$0x3F9B]  }
0x28: {  	s2 =	sld [smem:$0x3F9C]  }
0x29: {  	s4 =	sld [smem:$0x3F9E]  }
0x2a: {  	p0 =	seq.s32 s5, $0x0;
	s5 =	sld [smem:$0x3F9F]  }
0x2b: {  	s6 =	sld [smem:$0x3FA0]  }
0x2c: {  	s7 =	sld [smem:$0x3FA1]  }
0x2d: {  	s3 =	simm.s32 $0x108;
	s8 =	sld [smem:$0x3FA2]  }
0x2e: {  	s3 =	simm.s32 @!p0 $0x1082;
	s9 =	sld [smem:$0x3FA3]  }
0x2f: {  	lr =	sadd.s32 s0, s3;
	s0 =	sld [smem:$0x3F9A]  }
0x30: {  	s3 =	sld [smem:$0x3F9D]  }
0x31: {  	[smem:$0x3FA6] =	sst s10  }
0x32: {  	s10 =	sld [smem:$0x3FA4];
	_ =	sdelay $0x3  }
0x33: {  	p0 =	seq.s32 s10, $0x1;
	s10 =	sld [smem:$0x3FA6];
	_ =	sdelay $0x3  }
0x34: {  	[smem:$0x3FA6] =	sst s10  }
0x35: {  	s10 =	sld [smem:$0x3FA5];
	_ =	sdelay $0x3  }
0x36: {  	p1 =	seq.s32 s10, $0x1;
	s10 =	sld [smem:$0x3FA6];
	_ =	sdelay $0x3  }
0x37: {  	[smem:$0x3FA6] =	sst s10  }
0x38: {  	s10 =	sld [smem:$0x3FA7]  }
0x39: {  	_ = 	snop;
	(pc) =	sbr.ind lr, $3  }
0x3a: {  	_ = 	snop  }
0x3b: {  	_ = 	snop  }
0x3c: {  	p2 =	seq.s32 s10, $0x1;
	s10 =	sld [smem:$0x3FA6]  }
0x3d: {  	_ =	shalt  }
0x3e: {  	_ =	shalt  }
0x3f: {  	_ =	shalt  }
0x40: {  	_ =	shalt  }
0x41: {  	_ =	shalt  }
0x42: {  	_ =	shalt  }
0x43: {  	_ =	shalt  }
0x44: {  	_ =	shalt  }
0x45: {  	_ =	shalt  }
0x46: {  	_ =	shalt  }
0x47: {  	_ =	shalt  }
0x48: {  	_ =	shalt  }
0x49: {  	_ =	shalt  }
0x4a: {  	_ =	shalt  }
0x4b: {  	_ =	shalt  }
0x4c: {  	_ =	shalt  }
0x4d: {  	_ =	shalt  }
0x4e: {  	_ =	shalt  }
0x4f: {  	_ =	shalt  }
0x50: {  	_ =	shalt  }
0x51: {  	_ =	shalt  }
0x52: {  	_ =	shalt  }
0x53: {  	_ =	shalt  }
0x54: {  	_ =	shalt  }
0x55: {  	_ =	shalt  }
0x56: {  	_ =	shalt  }
0x57: {  	_ =	shalt  }
0x58: {  	_ =	shalt  }
0x59: {  	_ =	shalt  }
0x5a: {  	_ =	shalt  }
0x5b: {  	_ =	shalt  }
0x5c: {  	_ =	shalt  }
0x5d: {  	_ =	shalt  }
0x5e: {  	_ =	shalt  }
0x5f: {  	_ =	shalt  }
0x60: {  	_ =	shalt  }
0x61: {  	_ =	shalt  }
0x62: {  	_ =	shalt  }
0x63: {  	_ =	shalt  }
0x64: {  	_ =	shalt  }
0x65: {  	_ =	shalt  }
0x66: {  	_ =	shalt  }
0x67: {  	_ =	shalt  }
0x68: {  	_ =	shalt  }
0x69: {  	_ =	shalt  }
0x6a: {  	_ =	shalt  }
0x6b: {  	_ =	shalt  }
0x6c: {  	_ =	shalt  }
0x6d: {  	_ =	shalt  }
0x6e: {  	_ =	shalt  }
0x6f: {  	_ =	shalt  }
0x70: {  	_ =	shalt  }
0x71: {  	_ =	shalt  }
0x72: {  	_ =	shalt  }
0x73: {  	_ =	shalt  }
0x74: {  	_ =	shalt  }
0x75: {  	_ =	shalt  }
0x76: {  	_ =	shalt  }
0x77: {  	_ =	shalt  }
0x78: {  	_ =	shalt  }
0x79: {  	_ =	shalt  }
0x7a: {  	_ =	shalt  }
0x7b: {  	_ =	shalt  }
0x7c: {  	_ =	shalt  }
0x7d: {  	_ =	shalt  }
0x7e: {  	_ =	shalt  }
0x7f: {  	_ =	shalt  }
0x80: {  	_ =	shalt  }
0x81: {  	_ =	shalt  }
0x82: {  	_ =	shalt  }
0x83: {  	_ =	shalt  }
0x84: {  	_ =	shalt  }
0x85: {  	_ =	shalt  }
0x86: {  	_ =	shalt  }
0x87: {  	_ =	shalt  }
.Lfunc_end0:
.L_simem_size_0:
called_computation.2_lowered:
.L_overlay_start_0:
0x88: {  	s2 =	sld [smem:$0x3FD9]  }
0x89: {  	s3 =	sld [smem:$0x3FFE];
	_ =	sdelay $0x1  }
0x8a: {  	s1 =	srdreg.scid  }
0x8b: {  	s0 =	sand.u32 $0x1, s1  }
0x8c: {  	s16 =	sshll.u32 s0, $0xA;
	s2 =	sadd.s32 s3, s2  }
0x8d: {  	s2 =	sadd.s32 s2, s16  }
0x8e: {  	[smem:$0x3FB2] =	sst s2  }
0x8f: {  	_ = 	snop  }
0x90: {  	(tm) =	ssettm $0x1  }
0x91: {  	s17 =	sld [smem:$0x3FFB];
	_ =	sdelay $0x3  }
0x92: {  	_ =	strace s17  }
0x93: {  	s2 =	sld [smem:$0x3FFC];
	_ =	sdelay $0x3  }
0x94: {  	_ =	strace s2  }
0x95: {  	s2 =	sld [smem:$0x3FFD];
	_ =	sdelay $0x3  }
0x96: {  	_ =	strace s2  }
0x97: {  	_ =	strace $0x8FFFFFFF  }
0x98: {  	s18 =	sld [smem:$0x3FDB];
	_ =	sdelay $0x1  }
0x99: {  	s19 =	simm.s32 $_scs_section_size  }
0x9a: {  	s4 =	simm.s32 $_size__tile_overlayer_lowered;
	s5 =	simm.s32 $_tile_overlayer_lowered  }
0x9b: {  	s22 =	simm.s32 $0x1BFF;
	s21 =	sshll.u32 s5, $0x1;
	s2 =	sadd.s32 s19, s18  }
0x9c: {  	s6 =	simm.s32 $0x0;
	s20 =	sshll.u32 s4, $0x1;
	s4 =	sadd.s32 s21, s2  }
0x9d: {  	[timem:s6], [sflag:s22] =	dma.local [hbm:s4], s20  }
0x9e: {  	_ =	swait.ge [sflag:s22], s20  }
0x9f: {  	s3 =	ssub.s32 $0x0, s20;
	[sflag:s22] =	ssyncset.done $0x0  }
0xa0: {  	[sflag:s22] =	ssyncadd.s32 s3;
	_ =	sdelay $0x1  }
0xa1: {  	s23 =	simm.s32 $0x1B8B  }
0xa2: {  	_ =	swait.ge [sflag:s23], $0x1  }
0xa3: {  	[sflag:s23] =	ssyncset.done $0x0  }
0xa4: {  	s25 =	simm.s32 $0x1B8E;
	s24 =	sld [smem:$0x3FFE];
	[sflag:s23] =	ssyncadd.s32 $0xFFFFFFFF  }
0xa5: {  	s26 =	simm.s32 $execute0_lowered;
	[smem:$0x3FD2] =	sst s25  }
0xa6: {  	s4 =	sshll.u32 s26, $0x1;
	_ =	strace $0x8000004C;
	[dreg:$0x1] =	wrdreg $0xFFFFFFFF  }
0xa7: {  	s28 =	simm.s32 $_size_execute0_lowered;
	s2 =	sadd.s32 s2, s4;
	[dreg:$0x0] =	wrdreg $0x0  }
0xa8: {  	s4 =	sshll.u32 s28, $0x1;
	[dreg:$0x2] =	wrdreg s2  }
0xa9: {  	[dreg:$0x3] =	wrdreg s4  }
0xaa: {  	[dreg:$0x4] =	wrdreg $0xC0  }
0xab: {  	_ =	task [dreg:s6], $0x5FFFF  }
0xac: {  	[dreg:$0x1] =	wrdreg $0xFFFFFFFF  }
0xad: {  	[dreg:$0x0] =	wrdreg $0x60  }
0xae: {  	[dreg:$0x2] =	wrdreg s24  }
0xaf: {  	[dreg:$0x3] =	wrdreg $0xE9000  }
0xb0: {  	[dreg:$0x4] =	wrdreg $0x9  }
0xb1: {  	_ =	task.clear_ibuf [dreg:s6], $0x5FFFF;
	_ =	strace $0x9000004C  }
0xb2: {  	s29 =	simm.s32 $0x9;
	_ =	strace $0x8000004E  }
0xb3: {  	_ =	swait.ge [sflag:s29], $0x1  }
0xb4: {  	[sflag:s29] =	ssyncadd.s32 $0xFFFFFFFF  }
0xb5: {  	_ =	strace $0x9000004E  }
0xb6: {  	_ =	sfence  }
0xb7: {  	s30 =	sld [smem:$0x0];
	_ =	sdelay $0x2  }
0xb8: {  	s31 =	sshll.u32 s1, $0xD;
	s1 =	sshrl.u32 s1, $0x2  }
0xb9: {  	s3 =	sand.u32 $0x4000, s31;
	s1 =	sadd.s32 s1, s30  }
0xba: {  	s0 =	sor.u32 s3, s0;
	s1 =	sshll.u32 s1, $0x11  }
0xbb: {  	s0 =	sor.u32 s1, s0  }
0xbc: {  	s0 =	sadd.s32 $0x8F2B, s0  }
0xbd: {  	[sflag:s0] =	ssyncadd.remote.s32 $0x1  }
0xbe: {  	_ =	sfence.sel $0xFFFF  }
0xbf: {  	[dreg:$0x0] =	wrdreg $0xFFFFFFFF;
	(pc) =	sbr.abs _section_cstart, $3  }
0xc0: {  	[dreg:$0x1] =	wrdreg $0xFFFFFFFF  }
0xc1: {  	_ =	task.clear_ibuf [dreg:s6], $0x2FFFF;
	_ =	strace $0x9FFFFFFF  }
0xc2: {  	(tm) =	ssettm $0x7FFFFFFF  }
0xc3: {  	_ =	shalt  }
tec
execute0_lowered:
.L_overlay_start_1:
0x0: {  	(tag) =	ssettag $0x1  }
0x1: {  	s0 =	srdreg.scid;
	s1 =	rddreg [dreg:$0x0]  }
0x2: {  	s12 =	stileid.u32;
	s2 =	rddreg [dreg:$0x1];
	s28 =	simm.s32 $0x5000  }
0x3: {  	s29 =	simm.s32 $0x80;
	s30 =	simm.s32 $0x6F40;
	s31 =	simm.s32 $0x100  }
0x4: {  	s0 =	sand.u32 $0x1, s0;
	s7 =	smul.u32 $0x27000, s12;
	s9 =	sshll.u32 s12, $0x9  }
0x5: {  	s14 =	smul.u32 $0x9C00, s12;
	p0 =	sgt.u32 s12, $0x1;
	s3 =	sshll.u32 s0, $0x4  }
0x6: {  	s6 =	ssub.s32 $0x2, s0;
	s0 =	smul.u32 $0x9C400, s0;
	s10 =	sor.u32 $0x9C000, s9  }
0x7: {  	s4 =	sor.u32 s12, s3;
	s3 =	simm.s32 $0x0;
	s8 =	sshrl.u32 s6, $0x1  }
0x8: {  	s11 =	sshrl.u32 s7, $0x2;
	s16 =	sadd.s32 s14, s2;
	s18 =	sadd.s32 $0x1A00, s14  }
0x9: {  	s23 =	sadd.s32 $0x4E00, s14;
	s24 =	sadd.s32 $0x6800, s14;
	s5 =	smul.u32 $0x500, s4  }
0xa: {  	[smem:$0x7FF] =	sst s3;
	s4 =	sadd.s32 $0x17E00, s1;
	s6 =	ssub.s32 s6, s8  }
0xb: {  	s9 =	sadd.s32 s0, s10;
	s7 =	sadd.s32 s11, s2;
	s8 =	sadd.s32 s10, s2  }
0xc: {  	s17 =	sadd.s32 s0, s14;
	s10 =	sadd.s32 s0, s18;
	s11 =	sadd.s32 $0x3400, s14  }
0xd: {  	s25 =	sadd.s32 s0, s24;
	_ =	strace $0x8000004D;
	s13 =	sshrl.u32 s9, $0x3  }
0xe: {  	s15 =	smax.u32 s6, $0x1;
	[dreg:$0x7] =	wrdreg s16;
	s19 =	sshrl.u32 s10, $0x3  }
0xf: {  	s20 =	sadd.s32 s0, s11;
	s6 =	sadd.s32 s18, s2;
	s22 =	sadd.s32 s11, s2  }
0x10: {  	s9 =	sadd.s32 $0x8200, s14;
	s10 =	simm.s32 $0xCF00;
	[dreg:$0x6] =	wrdreg s15  }
0x11: {  	s11 =	simm.s32 $0x0;
	s5 =	sadd.s32 s5, s1;
	[dreg:$0x9] =	wrdreg s6  }
0x12: {  	s1 =	sadd.s32 $0x2B800, s1;
	[dreg:$0xb] =	wrdreg s22;
	s26 =	sadd.s32 $0xDE00, s5  }
0x13: {  	s21 =	sshrl.u32 s20, $0x3;
	s5 =	sadd.s32 $0x3E00, s5;
	[dreg:$0x3] =	wrdreg s26  }
0x14: {  	s6 =	simm.s32 $0x3;
	[dreg:$0x4] =	wrdreg s5;
	s5 =	sadd.s32 s1, s13  }
0x15: {  	s26 =	sshrl.u32 s25, $0x3;
	[dreg:$0x5] =	wrdreg s5;
	s5 =	sshrl.u32 s17, $0x3  }
0x16: {  	s25 =	simm.s32 $0xCD00;
	s17 =	sadd.s32 s23, s2;
	s5 =	sadd.s32 s1, s5  }
0x17: {  	s20 =	sadd.s32 s1, s26;
	s26 =	simm.s32 $0x7D;
	[dreg:$0x8] =	wrdreg s5  }
0x18: {  	s5 =	sadd.s32 s1, s19;
	s19 =	sadd.s32 s24, s2;
	s24 =	simm.s32 $0x1  }
0x19: {  	[dreg:$0xa] =	wrdreg s5;
	s5 =	sadd.s32 s1, s21;
	s21 =	sadd.s32 s9, s2  }
0x1a: {  	[dreg:$0xc] =	wrdreg s5;
	s5 =	sadd.s32 s0, s23;
	s0 =	sadd.s32 s0, s9  }
0x1b: {  	s23 =	simm.s32 $0x5;
	s5 =	sshrl.u32 s5, $0x3;
	s0 =	sshrl.u32 s0, $0x3  }
0x1c: {  	s9 =	simm.s32 $0x4;
	s18 =	sadd.s32 s1, s5;
	s22 =	sadd.s32 s1, s0  }
0x1d: {  	v0 =	vimm.f32 $0.0e+00;
	s1 =	simm.s32 $0x8E80;
	s0 =	simm.s32 $0xADC0;
	s5 =	simm.s32 $0x2  }
.LBB2_1:
0x1e: {  	s12 =	rddreg [dreg:$0x3]  }
0x1f: {  	[tilespmem:s3], [sflag:$0x5] =	stream.linear.gather [hbm4b:s12+s3], $0x2800, $0x38;
	[tilespmem:$0x18540] =	vst v63  }
0x20: {  	_ =	swait.ge [sflag:s23], $0x2800  }
0x21: {  	[sflag:s23] =	ssyncset.done $0x0  }
0x22: {  	s13 =	simm.s32 $0x2800;
	s15 =	rddreg [dreg:$0x4];
	[sflag:s23] =	ssyncadd.s32 $0xFFFFD800  }
0x23: {  	[tilespmem:s13], [sflag:$0x5] =	stream.linear.gather [hbm4b:s15+s3], $0x2800, $0x38;
	[tilespmem:$0x18540] =	vst v63  }
0x24: {  	_ =	swait.ge [sflag:s23], $0x2800  }
0x25: {  	[sflag:s23] =	ssyncset.done $0x0  }
0x26: {  	[sflag:s23] =	ssyncadd.s32 $0xFFFFD800  }
0x27: {  	[tilespmem:$0xCD00] =	vst v0  }
0x28: {  	[tilespmem:$0xCD10] =	vst v0  }
0x29: {  	[tilespmem:$0xCD20] =	vst v0  }
0x2a: {  	[tilespmem:$0xCD30] =	vst v0  }
0x2b: {  	[tilespmem:$0xCD40] =	vst v0  }
0x2c: {  	[tilespmem:$0xCD50] =	vst v0  }
0x2d: {  	[tilespmem:$0xCD60] =	vst v0  }
0x2e: {  	[tilespmem:$0xCD70] =	vst v0  }
0x2f: {  	[tilespmem:$0xCD80] =	vst v0  }
0x30: {  	[tilespmem:$0xCD90] =	vst v0  }
0x31: {  	[tilespmem:$0xCDA0] =	vst v0  }
0x32: {  	[tilespmem:$0xCDB0] =	vst v0  }
0x33: {  	[tilespmem:$0xCDC0] =	vst v0  }
0x34: {  	[tilespmem:$0xCDD0] =	vst v0  }
0x35: {  	[tilespmem:$0xCDE0] =	vst v0  }
0x36: {  	[tilespmem:$0xCDF0] =	vst v0  }
0x37: {  	[tilespmem:$0xCE00] =	vst v0  }
0x38: {  	[tilespmem:$0xCE10] =	vst v0  }
0x39: {  	[tilespmem:$0xCE20] =	vst v0  }
0x3a: {  	[tilespmem:$0xCE30] =	vst v0  }
0x3b: {  	[tilespmem:$0xCE40] =	vst v0  }
0x3c: {  	[tilespmem:$0xCE50] =	vst v0  }
0x3d: {  	[tilespmem:$0xCE60] =	vst v0  }
0x3e: {  	[tilespmem:$0xCE70] =	vst v0  }
0x3f: {  	[tilespmem:$0xCE80] =	vst v0  }
0x40: {  	[tilespmem:$0xCE90] =	vst v0  }
0x41: {  	[tilespmem:$0xCEA0] =	vst v0  }
0x42: {  	[tilespmem:$0xCEB0] =	vst v0  }
0x43: {  	[tilespmem:$0xCEC0] =	vst v0  }
0x44: {  	[tilespmem:$0xCED0] =	vst v0  }
0x45: {  	[tilespmem:$0xCEE0] =	vst v0  }
0x46: {  	s16 =	sadd.s32 $0x0, s7;
	[tilespmem:$0xCEF0] =	vst v0  }
0x47: {  	[spmem:s16] =	stream.linear.scatter [tilespmem:s25], [sflag:$0x5], $0x200, $0x38;
	[tilespmem:$0x18540] =	vst v63  }
0x48: {  	s12 =	simm.s32 $0x800;
	_ =	swait.ge [sflag:s23], $0x200  }
.LBB2_2:
0x49: {  	s13 =	sshra.s32 s12, $0x2;
	[sflag:s23] =	ssyncset.done $0x0;
	p1 =	sne.s32 s12, $0x26800  }
.Ltmp0:
0x4a: {  	s13 =	sadd.s32 s13, s7;
	[sflag:s23] =	ssyncadd.s32 $0xFFFFFE00;
	(pc) =	sbr.rel @p1 .LBB2_2-.Ltmp0, $3  }
0x4b: {  	[spmem:s13] =	stream.linear.scatter [tilespmem:s25], [sflag:$0x5], $0x200, $0x38;
	[tilespmem:$0x18540] =	vst v63  }
0x4c: {  	s12 =	sadd.s32 $0x800, s12;
	_ =	sdelay $0x1  }
0x4d: {  	_ =	swait.ge [sflag:s23], $0x200  }
0x4e: {  	[sflag:s23] =	ssyncset.done $0x0  }
0x4f: {  	s12 =	simm.s32 @!p0 $0xCD00;
	[sflag:s23] =	ssyncadd.s32 $0xFFFFFE00  }
0x50: {  	[spmem:s8] =	stream.linear.scatter @!p0 [tilespmem:s12], [sflag:$0x5], $0x200, $0x38;
	[tilespmem:$0x18540] =	vst v63  }
0x51: {  	s12 =	simm.s32 @!p0 $0x5  }
0x52: {  	_ =	swait.ge @!p0 [sflag:s12], $0x200  }
0x53: {  	[sflag:s12] =	ssyncset.done @!p0 $0x0  }
0x54: {  	[sflag:s12] =	ssyncadd.s32 @!p0 $0xFFFFFE00  }
0x55: {  	s16 =	simm.s32 $0x0;
	[bflag:$0x0] =	sbarrier.arrive $0xFFFF  }
0x56: {  	[tilespmem:s28], [sflag:$0x1] =	stream.indirect.gather [hbm4b:s4+s26], $0x40, s16, s26, $0xb8;
	[tilespmem:$0x18540] =	vst v63  }
0x57: {  	_ = 	snop  }
0x58: {  	[tilespmem:s30], [sflag:$0x2] =	stream.indirect.gather [hbm4b:s4+s26], $0x40, s29, s26, $0xb8;
	[tilespmem:$0x18540] =	vst v63  }
0x59: {  	_ = 	snop  }
0x5a: {  	[tilespmem:s1], [sflag:$0x3] =	stream.indirect.gather [hbm4b:s4+s26], $0x40, s31, s26, $0xb8;
	[tilespmem:$0x18540] =	vst v63  }
0x5b: {  	s13 =	simm.s32 $0x180  }
0x5c: {  	[tilespmem:s0], [sflag:$0x4] =	stream.indirect.gather [hbm4b:s4+s26], $0x40, s13, s26, $0xb8;
	[tilespmem:$0x18540] =	vst v63  }
0x5d: {  	_ =	swait.ge [sflag:s24], $0x1F40  }
0x5e: {  	[sflag:s24] =	ssyncset.done $0x0  }
0x5f: {  	s14 =	simm.s32 $0x2800;
	[sflag:s24] =	ssyncadd.s32 $0xFFFFE0C0  }
0x60: {  	[spmem:s2] =	stream.indirect.scatter.add.f32 [tilespmem:s28], [sflag:$0x5], $0x40, s14, s26, $0xb8;
	[tilespmem:$0x18540] =	vst v63  }
0x61: {  	_ =	swait.ge [sflag:s23], $0x1F40  }
0x62: {  	[sflag:s23] =	ssyncset.done $0x0  }
0x63: {  	s15 =	simm.s32 $0x200;
	[sflag:s23] =	ssyncadd.s32 $0xFFFFE0C0  }
0x64: {  	[tilespmem:s28], [sflag:$0x1] =	stream.indirect.gather [hbm4b:s4+s26], $0x40, s15, s26, $0xb8;
	[tilespmem:$0x18540] =	vst v63  }
0x65: {  	_ =	swait.ge [sflag:s5], $0x1F40  }
0x66: {  	[sflag:s5] =	ssyncset.done $0x0  }
0x67: {  	s16 =	simm.s32 $0x2880;
	[sflag:s5] =	ssyncadd.s32 $0xFFFFE0C0  }
0x68: {  	[spmem:s2] =	stream.indirect.scatter.add.f32 [tilespmem:s30], [sflag:$0x5], $0x40, s16, s26, $0xb8;
	[tilespmem:$0x18540] =	vst v63  }
0x69: {  	_ =	swait.ge [sflag:s23], $0x1F40  }
0x6a: {  	[sflag:s23] =	ssyncset.done $0x0  }
0x6b: {  	s13 =	simm.s32 $0x280;
	[sflag:s23] =	ssyncadd.s32 $0xFFFFE0C0  }
0x6c: {  	[tilespmem:s30], [sflag:$0x2] =	stream.indirect.gather [hbm4b:s4+s26], $0x40, s13, s26, $0xb8;
	[tilespmem:$0x18540] =	vst v63  }
0x6d: {  	_ =	swait.ge [sflag:s6], $0x1F40  }
0x6e: {  	[sflag:s6] =	ssyncset.done $0x0  }
0x6f: {  	s14 =	simm.s32 $0x2900;
	[sflag:s6] =	ssyncadd.s32 $0xFFFFE0C0  }
0x70: {  	[spmem:s2] =	stream.indirect.scatter.add.f32 [tilespmem:s1], [sflag:$0x5], $0x40, s14, s26, $0xb8;
	[tilespmem:$0x18540] =	vst v63  }
0x71: {  	_ =	swait.ge [sflag:s23], $0x1F40  }
0x72: {  	[sflag:s23] =	ssyncset.done $0x0  }
0x73: {  	s15 =	simm.s32 $0x300;
	[sflag:s23] =	ssyncadd.s32 $0xFFFFE0C0  }
0x74: {  	[tilespmem:s1], [sflag:$0x3] =	stream.indirect.gather [hbm4b:s4+s26], $0x40, s15, s26, $0xb8;
	[tilespmem:$0x18540] =	vst v63  }
0x75: {  	_ =	swait.ge [sflag:s9], $0x1F40  }
0x76: {  	[sflag:s9] =	ssyncset.done $0x0  }
0x77: {  	s16 =	simm.s32 $0x2980;
	[sflag:s9] =	ssyncadd.s32 $0xFFFFE0C0  }
0x78: {  	[spmem:s2] =	stream.indirect.scatter.add.f32 [tilespmem:s0], [sflag:$0x5], $0x40, s16, s26, $0xb8;
	[tilespmem:$0x18540] =	vst v63  }
0x79: {  	_ =	swait.ge [sflag:s23], $0x1F40  }
0x7a: {  	s12 =	simm.s32 $0x200;
	s13 =	simm.s32 $0x1000;
	[sflag:s23] =	ssyncset.done $0x0  }
.LBB2_4:
0x7b: {  	s16 =	sadd.s32 $0x180, s12  }
0x7c: {  	[sflag:s23] =	ssyncadd.s32 $0xFFFFE0C0;
	s14 =	smov.u32 s13;
	s15 =	sadd.s32 $0x800, s13  }
0x7d: {  	[tilespmem:s0], [sflag:$0x4] =	stream.indirect.gather [hbm4b:s4+s26], $0x40, s16, s26, $0xb8;
	[tilespmem:$0x18540] =	vst v63  }
0x7e: {  	p1 =	sne.s32 s13, $0x9000;
	_ =	swait.ge [sflag:s24], $0x1F40  }
0x7f: {  	[sflag:s24] =	ssyncset.done $0x0  }
0x80: {  	s13 =	sadd.s32 $0x2800, s12;
	[sflag:s24] =	ssyncadd.s32 $0xFFFFE0C0  }
0x81: {  	[spmem:s2] =	stream.indirect.scatter.add.f32 [tilespmem:s28], [sflag:$0x5], $0x40, s13, s26, $0xb8;
	[tilespmem:$0x18540] =	vst v63  }
0x82: {  	_ =	swait.ge [sflag:s23], $0x1F40  }
0x83: {  	[sflag:s23] =	ssyncset.done $0x0  }
0x84: {  	s13 =	sadd.s32 $0x200, s12;
	[sflag:s23] =	ssyncadd.s32 $0xFFFFE0C0  }
0x85: {  	[tilespmem:s28], [sflag:$0x1] =	stream.indirect.gather [hbm4b:s4+s26], $0x40, s13, s26, $0xb8;
	[tilespmem:$0x18540] =	vst v63  }
0x86: {  	_ =	swait.ge [sflag:s5], $0x1F40  }
0x87: {  	[sflag:s5] =	ssyncset.done $0x0  }
0x88: {  	s13 =	sadd.s32 $0x2880, s12;
	[sflag:s5] =	ssyncadd.s32 $0xFFFFE0C0  }
0x89: {  	[spmem:s2] =	stream.indirect.scatter.add.f32 [tilespmem:s30], [sflag:$0x5], $0x40, s13, s26, $0xb8;
	[tilespmem:$0x18540] =	vst v63  }
0x8a: {  	_ =	swait.ge [sflag:s23], $0x1F40  }
0x8b: {  	[sflag:s23] =	ssyncset.done $0x0  }
0x8c: {  	s13 =	sadd.s32 $0x280, s12;
	[sflag:s23] =	ssyncadd.s32 $0xFFFFE0C0  }
0x8d: {  	[tilespmem:s30], [sflag:$0x2] =	stream.indirect.gather [hbm4b:s4+s26], $0x40, s13, s26, $0xb8;
	[tilespmem:$0x18540] =	vst v63  }
0x8e: {  	_ =	swait.ge [sflag:s6], $0x1F40  }
0x8f: {  	[sflag:s6] =	ssyncset.done $0x0  }
0x90: {  	s13 =	sadd.s32 $0x2900, s12;
	[sflag:s6] =	ssyncadd.s32 $0xFFFFE0C0  }
0x91: {  	[spmem:s2] =	stream.indirect.scatter.add.f32 [tilespmem:s1], [sflag:$0x5], $0x40, s13, s26, $0xb8;
	[tilespmem:$0x18540] =	vst v63  }
0x92: {  	_ =	swait.ge [sflag:s23], $0x1F40  }
0x93: {  	[sflag:s23] =	ssyncset.done $0x0  }
0x94: {  	s13 =	sadd.s32 $0x300, s12;
	[sflag:s23] =	ssyncadd.s32 $0xFFFFE0C0  }
0x95: {  	[tilespmem:s1], [sflag:$0x3] =	stream.indirect.gather [hbm4b:s4+s26], $0x40, s13, s26, $0xb8;
	[tilespmem:$0x18540] =	vst v63  }
0x96: {  	_ =	swait.ge [sflag:s9], $0x1F40  }
.Ltmp1:
0x97: {  	[sflag:s9] =	ssyncset.done $0x0;
	(pc) =	sbr.rel @p1 .LBB2_4-.Ltmp1, $4  }
0x98: {  	s12 =	sadd.s32 $0x2980, s12;
	[sflag:s9] =	ssyncadd.s32 $0xFFFFE0C0  }
0x99: {  	[spmem:s2] =	stream.indirect.scatter.add.f32 [tilespmem:s0], [sflag:$0x5], $0x40, s12, s26, $0xb8;
	[tilespmem:$0x18540] =	vst v63  }
0x9a: {  	_ =	swait.ge [sflag:s23], $0x1F40  }
0x9b: {  	s13 =	smov.u32 s15;
	s12 =	sshra.s32 s14, $0x2;
	[sflag:s23] =	ssyncset.done $0x0  }
0x9c: {  	s13 =	sadd.s32 $0x180, s12;
	[sflag:s23] =	ssyncadd.s32 $0xFFFFE0C0  }
0x9d: {  	[tilespmem:s0], [sflag:$0x4] =	stream.indirect.gather [hbm4b:s4+s26], $0x40, s13, s26, $0xb8;
	[tilespmem:$0x18540] =	vst v63  }
0x9e: {  	_ =	swait.ge [sflag:s24], $0x1F40  }
0x9f: {  	[sflag:s24] =	ssyncset.done $0x0  }
0xa0: {  	s16 =	sadd.s32 $0x2800, s12;
	[sflag:s24] =	ssyncadd.s32 $0xFFFFE0C0  }
0xa1: {  	[spmem:s2] =	stream.indirect.scatter.add.f32 [tilespmem:s28], [sflag:$0x5], $0x40, s16, s26, $0xb8;
	[tilespmem:$0x18540] =	vst v63  }
0xa2: {  	_ =	swait.ge [sflag:s23], $0x1F40  }
0xa3: {  	[sflag:s23] =	ssyncset.done $0x0  }
0xa4: {  	s14 =	sadd.s32 $0x200, s12;
	[sflag:s23] =	ssyncadd.s32 $0xFFFFE0C0  }
0xa5: {  	[tilespmem:s28], [sflag:$0x1] =	stream.indirect.gather [hbm4b:s4+s26], $0x40, s14, s26, $0xb8;
	[tilespmem:$0x18540] =	vst v63  }
0xa6: {  	_ =	swait.ge [sflag:s5], $0x1F40  }
0xa7: {  	[sflag:s5] =	ssyncset.done $0x0  }
0xa8: {  	s15 =	sadd.s32 $0x2880, s12;
	[sflag:s5] =	ssyncadd.s32 $0xFFFFE0C0  }
0xa9: {  	[spmem:s2] =	stream.indirect.scatter.add.f32 [tilespmem:s30], [sflag:$0x5], $0x40, s15, s26, $0xb8;
	[tilespmem:$0x18540] =	vst v63  }
0xaa: {  	_ =	swait.ge [sflag:s23], $0x1F40  }
0xab: {  	[sflag:s23] =	ssyncset.done $0x0  }
0xac: {  	s16 =	sadd.s32 $0x280, s12;
	[sflag:s23] =	ssyncadd.s32 $0xFFFFE0C0  }
0xad: {  	[tilespmem:s30], [sflag:$0x2] =	stream.indirect.gather [hbm4b:s4+s26], $0x40, s16, s26, $0xb8;
	[tilespmem:$0x18540] =	vst v63  }
0xae: {  	_ =	swait.ge [sflag:s6], $0x1F40  }
0xaf: {  	[sflag:s6] =	ssyncset.done $0x0  }
0xb0: {  	s14 =	sadd.s32 $0x2900, s12;
	[sflag:s6] =	ssyncadd.s32 $0xFFFFE0C0  }
0xb1: {  	[spmem:s2] =	stream.indirect.scatter.add.f32 [tilespmem:s1], [sflag:$0x5], $0x40, s14, s26, $0xb8;
	[tilespmem:$0x18540] =	vst v63  }
0xb2: {  	_ =	swait.ge [sflag:s23], $0x1F40  }
0xb3: {  	[sflag:s23] =	ssyncset.done $0x0  }
0xb4: {  	s15 =	sadd.s32 $0x300, s12;
	[sflag:s23] =	ssyncadd.s32 $0xFFFFE0C0  }
0xb5: {  	[tilespmem:s1], [sflag:$0x3] =	stream.indirect.gather [hbm4b:s4+s26], $0x40, s15, s26, $0xb8;
	[tilespmem:$0x18540] =	vst v63  }
0xb6: {  	_ =	swait.ge [sflag:s9], $0x1F40  }
0xb7: {  	[sflag:s9] =	ssyncset.done $0x0  }
0xb8: {  	s16 =	sadd.s32 $0x2980, s12;
	[sflag:s9] =	ssyncadd.s32 $0xFFFFE0C0  }
0xb9: {  	[spmem:s2] =	stream.indirect.scatter.add.f32 [tilespmem:s0], [sflag:$0x5], $0x40, s16, s26, $0xb8;
	[tilespmem:$0x18540] =	vst v63  }
0xba: {  	_ =	swait.ge [sflag:s23], $0x1F40  }
0xbb: {  	[sflag:s23] =	ssyncset.done $0x0  }
0xbc: {  	s13 =	simm.s32 $0x2780;
	[sflag:s23] =	ssyncadd.s32 $0xFFFFE0C0  }
0xbd: {  	[tilespmem:s0], [sflag:$0x4] =	stream.indirect.gather [hbm4b:s4+s26], $0x40, s13, s26, $0xb8;
	[tilespmem:$0x18540] =	vst v63  }
0xbe: {  	_ =	swait.ge [sflag:s24], $0x1F40  }
0xbf: {  	[sflag:s24] =	ssyncset.done $0x0  }
0xc0: {  	s14 =	simm.s32 $0x4E00;
	[sflag:s24] =	ssyncadd.s32 $0xFFFFE0C0  }
0xc1: {  	[spmem:s2] =	stream.indirect.scatter.add.f32 [tilespmem:s28], [sflag:$0x5], $0x40, s14, s26, $0xb8;
	[tilespmem:$0x18540] =	vst v63  }
0xc2: {  	_ =	swait.ge [sflag:s23], $0x1F40  }
0xc3: {  	[sflag:s23] =	ssyncset.done $0x0  }
0xc4: {  	[sflag:s23] =	ssyncadd.s32 $0xFFFFE0C0  }
0xc5: {  	[tilespmem:s28], [sflag:$0x1] =	stream.indirect.gather [hbm4b:s4+s26], $0x40, s3, s26, $0xb8;
	[tilespmem:$0x18540] =	vst v63  }
0xc6: {  	_ =	swait.ge [sflag:s5], $0x1F40  }
0xc7: {  	[sflag:s5] =	ssyncset.done $0x0  }
0xc8: {  	s15 =	simm.s32 $0x4E80;
	[sflag:s5] =	ssyncadd.s32 $0xFFFFE0C0  }
0xc9: {  	[spmem:s2] =	stream.indirect.scatter.add.f32 [tilespmem:s30], [sflag:$0x5], $0x40, s15, s26, $0xb8;
	[tilespmem:$0x18540] =	vst v63  }
0xca: {  	_ =	swait.ge [sflag:s23], $0x1F40  }
0xcb: {  	[sflag:s23] =	ssyncset.done $0x0  }
0xcc: {  	[sflag:s23] =	ssyncadd.s32 $0xFFFFE0C0  }
0xcd: {  	[tilespmem:s30], [sflag:$0x2] =	stream.indirect.gather [hbm4b:s4+s26], $0x40, s29, s26, $0xb8;
	[tilespmem:$0x18540] =	vst v63  }
0xce: {  	_ =	swait.ge [sflag:s6], $0x1F40  }
0xcf: {  	[sflag:s6] =	ssyncset.done $0x0  }
0xd0: {  	s16 =	simm.s32 $0x4F00;
	[sflag:s6] =	ssyncadd.s32 $0xFFFFE0C0  }
0xd1: {  	[spmem:s2] =	stream.indirect.scatter.add.f32 [tilespmem:s1], [sflag:$0x5], $0x40, s16, s26, $0xb8;
	[tilespmem:$0x18540] =	vst v63  }
0xd2: {  	_ =	swait.ge [sflag:s23], $0x1F40  }
0xd3: {  	[sflag:s23] =	ssyncset.done $0x0  }
0xd4: {  	[sflag:s23] =	ssyncadd.s32 $0xFFFFE0C0  }
0xd5: {  	[tilespmem:s1], [sflag:$0x3] =	stream.indirect.gather [hbm4b:s4+s26], $0x40, s31, s26, $0xb8;
	[tilespmem:$0x18540] =	vst v63  }
0xd6: {  	_ =	swait.ge [sflag:s9], $0x1F40  }
0xd7: {  	[sflag:s9] =	ssyncset.done $0x0  }
0xd8: {  	s13 =	simm.s32 $0x4F80;
	[sflag:s9] =	ssyncadd.s32 $0xFFFFE0C0  }
0xd9: {  	[spmem:s2] =	stream.indirect.scatter.add.f32 [tilespmem:s0], [sflag:$0x5], $0x40, s13, s26, $0xb8;
	[tilespmem:$0x18540] =	vst v63  }
0xda: {  	_ =	swait.ge [sflag:s23], $0x1F40  }
0xdb: {  	[sflag:s23] =	ssyncset.done $0x0  }
0xdc: {  	[sflag:s23] =	ssyncadd.s32 $0xFFFFE0C0  }
0xdd: {  	_ =	swait.ge [sflag:s24], $0x1F40  }
0xde: {  	[sflag:s24] =	ssyncset.done $0x0  }
0xdf: {  	[sflag:s24] =	ssyncadd.s32 $0xFFFFE0C0  }
0xe0: {  	_ =	swait.ge [sflag:s5], $0x1F40  }
0xe1: {  	[sflag:s5] =	ssyncset.done $0x0  }
0xe2: {  	[sflag:s5] =	ssyncadd.s32 $0xFFFFE0C0  }
0xe3: {  	_ =	swait.ge [sflag:s6], $0x1F40  }
0xe4: {  	[sflag:s6] =	ssyncset.done $0x0  }
0xe5: {  	[sflag:s6] =	ssyncadd.s32 $0xFFFFE0C0  }
0xe6: {  	[bflag:$0x0] =	sbarrier.arrive $0xFFFF  }
0xe7: {  	s14 =	rddreg [dreg:$0x7]  }
0xe8: {  	[tilespmem:s10], [sflag:$0x5] =	stream.linear.gather [spmem:s14], $0x1A00, $0x38;
	[tilespmem:$0x18540] =	vst v63  }
0xe9: {  	_ =	swait.ge [sflag:s23], $0x1A00  }
0xea: {  	[sflag:s23] =	ssyncset.done $0x0  }
0xeb: {  	s15 =	rddreg [dreg:$0x8];
	[sflag:s23] =	ssyncadd.s32 $0xFFFFE600  }
0xec: {  	[hbm4b:s15+s3] =	stream.linear.scatter [tilespmem:s10], [sflag:$0x5], $0x1A00, $0x38;
	[tilespmem:$0x18540] =	vst v63  }
0xed: {  	_ =	swait.ge [sflag:s23], $0x1A00  }
0xee: {  	[sflag:s23] =	ssyncset.done $0x0  }
0xef: {  	s16 =	rddreg [dreg:$0x9];
	[sflag:s23] =	ssyncadd.s32 $0xFFFFE600  }
0xf0: {  	[tilespmem:s10], [sflag:$0x5] =	stream.linear.gather [spmem:s16], $0x1A00, $0x38;
	[tilespmem:$0x18540] =	vst v63  }
0xf1: {  	_ =	swait.ge [sflag:s23], $0x1A00  }
0xf2: {  	[sflag:s23] =	ssyncset.done $0x0  }
0xf3: {  	s13 =	rddreg [dreg:$0xa];
	[sflag:s23] =	ssyncadd.s32 $0xFFFFE600  }
0xf4: {  	[hbm4b:s13+s3] =	stream.linear.scatter [tilespmem:s10], [sflag:$0x5], $0x1A00, $0x38;
	[tilespmem:$0x18540] =	vst v63  }
0xf5: {  	_ =	swait.ge [sflag:s23], $0x1A00  }
0xf6: {  	[sflag:s23] =	ssyncset.done $0x0  }
0xf7: {  	s14 =	rddreg [dreg:$0xb];
	[sflag:s23] =	ssyncadd.s32 $0xFFFFE600  }
0xf8: {  	[tilespmem:s10], [sflag:$0x5] =	stream.linear.gather [spmem:s14], $0x1A00, $0x38;
	[tilespmem:$0x18540] =	vst v63  }
0xf9: {  	_ =	swait.ge [sflag:s23], $0x1A00  }
0xfa: {  	[sflag:s23] =	ssyncset.done $0x0  }
0xfb: {  	s15 =	rddreg [dreg:$0xc];
	[sflag:s23] =	ssyncadd.s32 $0xFFFFE600  }
0xfc: {  	[hbm4b:s15+s3] =	stream.linear.scatter [tilespmem:s10], [sflag:$0x5], $0x1A00, $0x38;
	[tilespmem:$0x18540] =	vst v63  }
0xfd: {  	_ =	swait.ge [sflag:s23], $0x1A00  }
0xfe: {  	[sflag:s23] =	ssyncset.done $0x0  }
0xff: {  	[sflag:s23] =	ssyncadd.s32 $0xFFFFE600  }
0x100: {  	[tilespmem:s10], [sflag:$0x5] =	stream.linear.gather [spmem:s17], $0x1A00, $0x38;
	[tilespmem:$0x18540] =	vst v63  }
0x101: {  	_ =	swait.ge [sflag:s23], $0x1A00  }
0x102: {  	[sflag:s23] =	ssyncset.done $0x0  }
0x103: {  	[sflag:s23] =	ssyncadd.s32 $0xFFFFE600  }
0x104: {  	[hbm4b:s18+s3] =	stream.linear.scatter [tilespmem:s10], [sflag:$0x5], $0x1A00, $0x38;
	[tilespmem:$0x18540] =	vst v63  }
0x105: {  	_ =	swait.ge [sflag:s23], $0x1A00  }
0x106: {  	[sflag:s23] =	ssyncset.done $0x0  }
0x107: {  	[sflag:s23] =	ssyncadd.s32 $0xFFFFE600  }
0x108: {  	[tilespmem:s10], [sflag:$0x5] =	stream.linear.gather [spmem:s19], $0x1A00, $0x38;
	[tilespmem:$0x18540] =	vst v63  }
0x109: {  	_ =	swait.ge [sflag:s23], $0x1A00  }
0x10a: {  	[sflag:s23] =	ssyncset.done $0x0  }
0x10b: {  	[sflag:s23] =	ssyncadd.s32 $0xFFFFE600  }
0x10c: {  	[hbm4b:s20+s3] =	stream.linear.scatter [tilespmem:s10], [sflag:$0x5], $0x1A00, $0x38;
	[tilespmem:$0x18540] =	vst v63  }
0x10d: {  	_ =	swait.ge [sflag:s23], $0x1A00  }
0x10e: {  	[sflag:s23] =	ssyncset.done $0x0  }
0x10f: {  	[sflag:s23] =	ssyncadd.s32 $0xFFFFE600  }
0x110: {  	[tilespmem:s10], [sflag:$0x5] =	stream.linear.gather [spmem:s21], $0x1A00, $0x38;
	[tilespmem:$0x18540] =	vst v63  }
0x111: {  	_ =	swait.ge [sflag:s23], $0x1A00  }
0x112: {  	[sflag:s23] =	ssyncset.done $0x0  }
0x113: {  	[sflag:s23] =	ssyncadd.s32 $0xFFFFE600  }
0x114: {  	[hbm4b:s22+s3] =	stream.linear.scatter [tilespmem:s10], [sflag:$0x5], $0x1A00, $0x38;
	[tilespmem:$0x18540] =	vst v63  }
0x115: {  	_ =	swait.ge [sflag:s23], $0x1A00  }
0x116: {  	[sflag:s23] =	ssyncset.done $0x0  }
0x117: {  	s12 =	simm.s32 @!p0 $0xCD00;
	s13 =	simm.s32 @!p0 $0x5;
	[sflag:s23] =	ssyncadd.s32 $0xFFFFE600  }
0x118: {  	[tilespmem:s12], [sflag:$0x5] =	stream.linear.gather @!p0 [spmem:s8], $0x200, $0x38;
	[tilespmem:$0x18540] =	vst v63  }
0x119: {  	_ =	swait.ge @!p0 [sflag:s13], $0x200  }
0x11a: {  	[sflag:s13] =	ssyncset.done @!p0 $0x0  }
0x11b: {  	s14 =	simm.s32 @!p0 $0x0;
	s15 =	rddreg [dreg:$0x5];
	[sflag:s13] =	ssyncadd.s32 @!p0 $0xFFFFFE00  }
0x11c: {  	[hbm4b:s15+s14] =	stream.linear.scatter @!p0 [tilespmem:s12], [sflag:$0x5], $0x200, $0x38;
	[tilespmem:$0x18540] =	vst v63  }
0x11d: {  	_ =	swait.ge @!p0 [sflag:s13], $0x200  }
0x11e: {  	s11 =	sadd.s32 $0x1, s11;
	s16 =	rddreg [dreg:$0x6]  }
0x11f: {  	p1 =	sne.s32 s11, s16  }
.Ltmp2:
0x120: {  	_ = 	snop;
	(pc) =	sbr.rel @p1 .LBB2_1-.Ltmp2, $3  }
0x121: {  	_ =	sdelay $0x1  }
0x122: {  	[sflag:s13] =	ssyncset.done @!p0 $0x0  }
0x123: {  	[sflag:s13] =	ssyncadd.s32 @!p0 $0xFFFFFE00  }
0x124: {  	_ =	sfence.sel $0x180000  }
0x125: {  	[bflag:$0x0] =	sbarrier.arrive $0xFFFF  }
0x126: {  	_ =	strace $0x9000004D  }
0x127: {  	s0 =	stileid.u32;
	[bflag:$0x2] =	sbarrier.arrive $0xFFFF  }
0x128: {  	p0 =	sne.s32 s0, $0x0;
	s0 =	rddreg [dreg:$0x2]  }
0x129: {  	s0 =	sadd.s32 @!p0 $0x100000, s0  }
0x12a: {  	[sflag:s0] =	ssyncadd.tile.s32 @!p0 $0x1;
	_ =	shalt  }
.Lfunc_end2:
_tile_overlayer_lowered:
.L_overlay_start_2:
0x12b: {  	(tag) =	ssettag $0x2  }
0x12c: {  	s0 =	rddreg [dreg:$0x0];
	s2 =	stileid.u32  }
0x12d: {  	s1 =	rddreg [dreg:$0x1];
	p0 =	sne.s32 s2, $0x0  }
0x12e: {  	s3 =	rddreg [dreg:$0x2];
	[bflag:$0x3] =	sbarrier.arrive $0xFFFF;
	s2 =	simm.s32 @!p0 $0x1C05  }
0x12f: {  	[timem:s3], [sflag:s2] =	dma.local @!p0 [hbm:s0], s1  }
0x130: {  	s0 =	simm.s32 @!p0 $0x5  }
0x131: {  	_ =	swait.ge @!p0 [sflag:s0], s1  }
0x132: {  	s1 =	ssub.s32 @!p0 $0x0, s1;
	[sflag:s0] =	ssyncset.done @!p0 $0x0  }
0x133: {  	[sflag:s0] =	ssyncadd.s32 @!p0 s1  }
0x134: {  	[bflag:$0x3] =	sbarrier.arrive $0xFFFF  }
0x135: {  	_ =	shalt  }

// kernel: kernel.19.cloned.1.call-start
scs
__scs_entry_jumppad:
0x0: {  	(pc) =	sbr.rel $0x88, $3  }
0x1: {  	(tag) =	ssettag $0x0;
	lr =	simm.s32 $0x1  }
0x2: {  	[smem:$0x3F8B] =	sst lr;
	_ =	strace $0xD0000000  }
0x3: {  	_ = 	snop  }
0x4: {  	_ = 	snop  }
0x5: {  	_ = 	snop  }
0x6: {  	_ = 	snop  }
0x7: {  	_ = 	snop  }
__scs_overlays_trampoline_lowered:
0x8: {  	[smem:$0x3F9A] =	sst s0  }
0x9: {  	[smem:$0x3F9B] =	sst s1  }
0xa: {  	[smem:$0x3F9C] =	sst s2  }
0xb: {  	[smem:$0x3F9D] =	sst s3  }
0xc: {  	[smem:$0x3F9E] =	sst s4  }
0xd: {  	[smem:$0x3F9F] =	sst s5  }
0xe: {  	[smem:$0x3FA0] =	sst s6  }
0xf: {  	[smem:$0x3FA1] =	sst s7  }
0x10: {  	[smem:$0x3FA2] =	sst s8  }
0x11: {  	[smem:$0x3FA3] =	sst s9;
	s0 =	simm.s32 @!p0 $0x0  }
0x12: {  	s1 =	sld [smem:$0x3F89];
	s0 =	simm.s32 @p0 $0x1  }
0x13: {  	[smem:$0x3FA4] =	sst s0;
	s0 =	simm.s32 @!p1 $0x0  }
0x14: {  	s2 =	sld [smem:$0x3F88];
	s0 =	simm.s32 @p1 $0x1  }
0x15: {  	[smem:$0x3FA5] =	sst s0;
	s0 =	simm.s32 @!p2 $0x0  }
0x16: {  	s3 =	sld [smem:$0x3FDB];
	s0 =	simm.s32 @p2 $0x1  }
0x17: {  	s4 =	simm.s32 $0x1BF5;
	[smem:$0x3FA7] =	sst s0  }
0x18: {  	s0 =	sld [smem:$0x3F8A];
	_ =	swait.ge [sflag:s4], $0x0  }
0x19: {  	s7 =	sld [smem:$0x3F8B]  }
0x1a: {  	s8 =	sadd.s32 $0xFFFFE003, lr  }
0x1b: {  	s9 =	sadd.s32 $0xFFFFFEF7, lr;
	s5 =	simm.s32 $0xFFFFFFFF;
	p2 =	slt.u32 s8, $0xFFFFF086  }
0x1c: {  	p1 =	slt.u32 s9, $0xF7A;
	s5 =	simm.s32 @!p2 $0x0  }
0x1d: {  	s5 =	simm.s32 @p1 $0x1;
	p0 =	seq.s32 s7, s2  }
0x1e: {  	s7 =	smul.u32 @!p0 $0xF7A, s2;
	p2 =	seq.s32 @!p0 s5, $0x0  }
0x1f: {  	s9 =	smul.u32 $0xF7A, s1;
	s8 =	simm.s32 @!p0 $0x1BF5;
	p2 =	por !p2, p0  }
0x20: {  	[sflag:s8] =	ssyncset.s32 @!p0 $0xFFFFF086;
	s6 =	sadd.s32 @!p0 s3, s7;
	s7 =	simm.s32 @!p0 $0x108  }
0x21: {  	s3 =	sadd.s32 s3, s9;
	s6 =	sadd.s32 @!p0 $0x88, s6;
	s7 =	simm.s32 @p2 $0x1082  }
0x22: {  	[simem:s7], [sflag:s8] =	dma.local @!p0 [hbm:s6], $0xF7A  }
0x23: {  	s9 =	sor.u32 $0xD0000000, s2;
	s6 =	simm.s32 $0x108;
	_ =	swait.ge @!p0 [sflag:s8], $0x0  }
0x24: {  	s3 =	sadd.s32 $0x88, s3;
	s6 =	simm.s32 @!p1 $0x1082;
	[sflag:s4] =	ssyncset.s32 $0xFFFFF086  }
0x25: {  	[simem:s6], [sflag:s4] =	dma.local [hbm:s3], $0xF7A  }
0x26: {  	[smem:$0x3F8B] =	sst s1;
	(tag) =	ssettag s2;
	_ =	strace s9  }
0x27: {  	s1 =	sld [smem:$0x3F9B]  }
0x28: {  	s2 =	sld [smem:$0x3F9C]  }
0x29: {  	s4 =	sld [smem:$0x3F9E]  }
0x2a: {  	p0 =	seq.s32 s5, $0x0;
	s5 =	sld [smem:$0x3F9F]  }
0x2b: {  	s6 =	sld [smem:$0x3FA0]  }
0x2c: {  	s7 =	sld [smem:$0x3FA1]  }
0x2d: {  	s3 =	simm.s32 $0x108;
	s8 =	sld [smem:$0x3FA2]  }
0x2e: {  	s3 =	simm.s32 @!p0 $0x1082;
	s9 =	sld [smem:$0x3FA3]  }
0x2f: {  	lr =	sadd.s32 s0, s3;
	s0 =	sld [smem:$0x3F9A]  }
0x30: {  	s3 =	sld [smem:$0x3F9D]  }
0x31: {  	[smem:$0x3FA6] =	sst s10  }
0x32: {  	s10 =	sld [smem:$0x3FA4];
	_ =	sdelay $0x3  }
0x33: {  	p0 =	seq.s32 s10, $0x1;
	s10 =	sld [smem:$0x3FA6];
	_ =	sdelay $0x3  }
0x34: {  	[smem:$0x3FA6] =	sst s10  }
0x35: {  	s10 =	sld [smem:$0x3FA5];
	_ =	sdelay $0x3  }
0x36: {  	p1 =	seq.s32 s10, $0x1;
	s10 =	sld [smem:$0x3FA6];
	_ =	sdelay $0x3  }
0x37: {  	[smem:$0x3FA6] =	sst s10  }
0x38: {  	s10 =	sld [smem:$0x3FA7]  }
0x39: {  	_ = 	snop;
	(pc) =	sbr.ind lr, $3  }
0x3a: {  	_ = 	snop  }
0x3b: {  	_ = 	snop  }
0x3c: {  	p2 =	seq.s32 s10, $0x1;
	s10 =	sld [smem:$0x3FA6]  }
0x3d: {  	_ =	shalt  }
0x3e: {  	_ =	shalt  }
0x3f: {  	_ =	shalt  }
0x40: {  	_ =	shalt  }
0x41: {  	_ =	shalt  }
0x42: {  	_ =	shalt  }
0x43: {  	_ =	shalt  }
0x44: {  	_ =	shalt  }
0x45: {  	_ =	shalt  }
0x46: {  	_ =	shalt  }
0x47: {  	_ =	shalt  }
0x48: {  	_ =	shalt  }
0x49: {  	_ =	shalt  }
0x4a: {  	_ =	shalt  }
0x4b: {  	_ =	shalt  }
0x4c: {  	_ =	shalt  }
0x4d: {  	_ =	shalt  }
0x4e: {  	_ =	shalt  }
0x4f: {  	_ =	shalt  }
0x50: {  	_ =	shalt  }
0x51: {  	_ =	shalt  }
0x52: {  	_ =	shalt  }
0x53: {  	_ =	shalt  }
0x54: {  	_ =	shalt  }
0x55: {  	_ =	shalt  }
0x56: {  	_ =	shalt  }
0x57: {  	_ =	shalt  }
0x58: {  	_ =	shalt  }
0x59: {  	_ =	shalt  }
0x5a: {  	_ =	shalt  }
0x5b: {  	_ =	shalt  }
0x5c: {  	_ =	shalt  }
0x5d: {  	_ =	shalt  }
0x5e: {  	_ =	shalt  }
0x5f: {  	_ =	shalt  }
0x60: {  	_ =	shalt  }
0x61: {  	_ =	shalt  }
0x62: {  	_ =	shalt  }
0x63: {  	_ =	shalt  }
0x64: {  	_ =	shalt  }
0x65: {  	_ =	shalt  }
0x66: {  	_ =	shalt  }
0x67: {  	_ =	shalt  }
0x68: {  	_ =	shalt  }
0x69: {  	_ =	shalt  }
0x6a: {  	_ =	shalt  }
0x6b: {  	_ =	shalt  }
0x6c: {  	_ =	shalt  }
0x6d: {  	_ =	shalt  }
0x6e: {  	_ =	shalt  }
0x6f: {  	_ =	shalt  }
0x70: {  	_ =	shalt  }
0x71: {  	_ =	shalt  }
0x72: {  	_ =	shalt  }
0x73: {  	_ =	shalt  }
0x74: {  	_ =	shalt  }
0x75: {  	_ =	shalt  }
0x76: {  	_ =	shalt  }
0x77: {  	_ =	shalt  }
0x78: {  	_ =	shalt  }
0x79: {  	_ =	shalt  }
0x7a: {  	_ =	shalt  }
0x7b: {  	_ =	shalt  }
0x7c: {  	_ =	shalt  }
0x7d: {  	_ =	shalt  }
0x7e: {  	_ =	shalt  }
0x7f: {  	_ =	shalt  }
0x80: {  	_ =	shalt  }
0x81: {  	_ =	shalt  }
0x82: {  	_ =	shalt  }
0x83: {  	_ =	shalt  }
0x84: {  	_ =	shalt  }
0x85: {  	_ =	shalt  }
0x86: {  	_ =	shalt  }
0x87: {  	_ =	shalt  }
.Lfunc_end0:
.L_simem_size_0:
called_computation.3_lowered:
.L_overlay_start_0:
0x88: {  	s2 =	sld [smem:$0x3FD9]  }
0x89: {  	s3 =	sld [smem:$0x3FFE];
	_ =	sdelay $0x1  }
0x8a: {  	s1 =	srdreg.scid  }
0x8b: {  	s0 =	sand.u32 $0x1, s1  }
0x8c: {  	s16 =	sshll.u32 s0, $0xA;
	s2 =	sadd.s32 s3, s2  }
0x8d: {  	s2 =	sadd.s32 s2, s16  }
0x8e: {  	[smem:$0x3FB2] =	sst s2  }
0x8f: {  	_ = 	snop  }
0x90: {  	(tm) =	ssettm $0x1  }
0x91: {  	s17 =	sld [smem:$0x3FFB];
	_ =	sdelay $0x3  }
0x92: {  	_ =	strace s17  }
0x93: {  	s2 =	sld [smem:$0x3FFC];
	_ =	sdelay $0x3  }
0x94: {  	_ =	strace s2  }
0x95: {  	s2 =	sld [smem:$0x3FFD];
	_ =	sdelay $0x3  }
0x96: {  	_ =	strace s2  }
0x97: {  	_ =	strace $0x8FFFFFFF  }
0x98: {  	s18 =	sld [smem:$0x3FDB];
	_ =	sdelay $0x1  }
0x99: {  	s19 =	simm.s32 $_scs_section_size  }
0x9a: {  	s4 =	simm.s32 $_size__tile_overlayer_lowered;
	s5 =	simm.s32 $_tile_overlayer_lowered  }
0x9b: {  	s22 =	simm.s32 $0x1BFF;
	s21 =	sshll.u32 s5, $0x1;
	s2 =	sadd.s32 s19, s18  }
0x9c: {  	s6 =	simm.s32 $0x0;
	s20 =	sshll.u32 s4, $0x1;
	s4 =	sadd.s32 s21, s2  }
0x9d: {  	[timem:s6], [sflag:s22] =	dma.local [hbm:s4], s20  }
0x9e: {  	_ =	swait.ge [sflag:s22], s20  }
0x9f: {  	s3 =	ssub.s32 $0x0, s20;
	[sflag:s22] =	ssyncset.done $0x0  }
0xa0: {  	[sflag:s22] =	ssyncadd.s32 s3;
	_ =	sdelay $0x1  }
0xa1: {  	s23 =	simm.s32 $0x1B8B  }
0xa2: {  	_ =	swait.ge [sflag:s23], $0x1  }
0xa3: {  	[sflag:s23] =	ssyncset.done $0x0  }
0xa4: {  	s25 =	simm.s32 $0x1B8E;
	s24 =	sld [smem:$0x3FFE];
	[sflag:s23] =	ssyncadd.s32 $0xFFFFFFFF  }
0xa5: {  	s26 =	simm.s32 $execute0_lowered;
	[smem:$0x3FD2] =	sst s25  }
0xa6: {  	s4 =	sshll.u32 s26, $0x1;
	_ =	strace $0x8000004F;
	[dreg:$0x1] =	wrdreg $0xFFFFFFFF  }
0xa7: {  	s28 =	simm.s32 $_size_execute0_lowered;
	s2 =	sadd.s32 s2, s4;
	[dreg:$0x0] =	wrdreg $0x0  }
0xa8: {  	s4 =	sshll.u32 s28, $0x1;
	[dreg:$0x2] =	wrdreg s2  }
0xa9: {  	[dreg:$0x3] =	wrdreg s4  }
0xaa: {  	[dreg:$0x4] =	wrdreg $0xC0  }
0xab: {  	_ =	task [dreg:s6], $0x5FFFF  }
0xac: {  	[dreg:$0x1] =	wrdreg $0xFFFFFFFF  }
0xad: {  	[dreg:$0x0] =	wrdreg $0x60  }
0xae: {  	[dreg:$0x2] =	wrdreg s24  }
0xaf: {  	[dreg:$0x3] =	wrdreg $0xE9000  }
0xb0: {  	[dreg:$0x4] =	wrdreg $0x9  }
0xb1: {  	_ =	task.clear_ibuf [dreg:s6], $0x5FFFF;
	_ =	strace $0x9000004F  }
0xb2: {  	s29 =	simm.s32 $0x9;
	_ =	strace $0x80000051  }
0xb3: {  	_ =	swait.ge [sflag:s29], $0x1  }
0xb4: {  	[sflag:s29] =	ssyncadd.s32 $0xFFFFFFFF  }
0xb5: {  	_ =	strace $0x90000051  }
0xb6: {  	_ =	sfence  }
0xb7: {  	s30 =	sld [smem:$0x0];
	_ =	sdelay $0x2  }
0xb8: {  	s31 =	sshll.u32 s1, $0xD;
	s1 =	sshrl.u32 s1, $0x2  }
0xb9: {  	s3 =	sand.u32 $0x4000, s31;
	s1 =	sadd.s32 s1, s30  }
0xba: {  	s0 =	sor.u32 s3, s0;
	s1 =	sshll.u32 s1, $0x11  }
0xbb: {  	s0 =	sor.u32 s1, s0  }
0xbc: {  	s0 =	sadd.s32 $0x8F2B, s0  }
0xbd: {  	[sflag:s0] =	ssyncadd.remote.s32 $0x1  }
0xbe: {  	_ =	sfence.sel $0xFFFF  }
0xbf: {  	[dreg:$0x0] =	wrdreg $0xFFFFFFFF;
	(pc) =	sbr.abs _section_cstart, $3  }
0xc0: {  	[dreg:$0x1] =	wrdreg $0xFFFFFFFF  }
0xc1: {  	_ =	task.clear_ibuf [dreg:s6], $0x2FFFF;
	_ =	strace $0x9FFFFFFF  }
0xc2: {  	(tm) =	ssettm $0x7FFFFFFF  }
0xc3: {  	_ =	shalt  }
tec
execute0_lowered:
.L_overlay_start_1:
0x0: {  	(tag) =	ssettag $0x1  }
0x1: {  	s0 =	srdreg.scid;
	s1 =	rddreg [dreg:$0x0]  }
0x2: {  	s12 =	stileid.u32;
	s2 =	rddreg [dreg:$0x1];
	s28 =	simm.s32 $0x5000  }
0x3: {  	s29 =	simm.s32 $0x80;
	s30 =	simm.s32 $0x6F40;
	s31 =	simm.s32 $0x100  }
0x4: {  	s0 =	sand.u32 $0x1, s0;
	s7 =	smul.u32 $0x27000, s12;
	s9 =	sshll.u32 s12, $0x9  }
0x5: {  	s14 =	smul.u32 $0x9C00, s12;
	p0 =	sgt.u32 s12, $0x1;
	s3 =	sshll.u32 s0, $0x4  }
0x6: {  	s6 =	ssub.s32 $0x2, s0;
	s0 =	smul.u32 $0x9C400, s0;
	s10 =	sor.u32 $0x9C000, s9  }
0x7: {  	s4 =	sor.u32 s12, s3;
	s3 =	simm.s32 $0x0;
	s8 =	sshrl.u32 s6, $0x1  }
0x8: {  	s11 =	sshrl.u32 s7, $0x2;
	s16 =	sadd.s32 s14, s2;
	s18 =	sadd.s32 $0x1A00, s14  }
0x9: {  	s23 =	sadd.s32 $0x4E00, s14;
	s24 =	sadd.s32 $0x6800, s14;
	s5 =	smul.u32 $0x500, s4  }
0xa: {  	[smem:$0x7FF] =	sst s3;
	s4 =	sadd.s32 $0x17E00, s1;
	s6 =	ssub.s32 s6, s8  }
0xb: {  	s9 =	sadd.s32 s0, s10;
	s7 =	sadd.s32 s11, s2;
	s8 =	sadd.s32 s10, s2  }
0xc: {  	s17 =	sadd.s32 s0, s14;
	s10 =	sadd.s32 s0, s18;
	s11 =	sadd.s32 $0x3400, s14  }
0xd: {  	s25 =	sadd.s32 s0, s24;
	_ =	strace $0x80000050;
	s13 =	sshrl.u32 s9, $0x3  }
0xe: {  	s15 =	smax.u32 s6, $0x1;
	[dreg:$0x7] =	wrdreg s16;
	s19 =	sshrl.u32 s10, $0x3  }
0xf: {  	s20 =	sadd.s32 s0, s11;
	s6 =	sadd.s32 s18, s2;
	s22 =	sadd.s32 s11, s2  }
0x10: {  	s9 =	sadd.s32 $0x8200, s14;
	s10 =	simm.s32 $0xCF00;
	[dreg:$0x6] =	wrdreg s15  }
0x11: {  	s11 =	simm.s32 $0x0;
	s5 =	sadd.s32 s5, s1;
	[dreg:$0x9] =	wrdreg s6  }
0x12: {  	s1 =	sadd.s32 $0x2B800, s1;
	[dreg:$0xb] =	wrdreg s22;
	s26 =	sadd.s32 $0xDE00, s5  }
0x13: {  	s21 =	sshrl.u32 s20, $0x3;
	s5 =	sadd.s32 $0x3E00, s5;
	[dreg:$0x3] =	wrdreg s26  }
0x14: {  	s6 =	simm.s32 $0x3;
	[dreg:$0x4] =	wrdreg s5;
	s5 =	sadd.s32 s1, s13  }
0x15: {  	s26 =	sshrl.u32 s25, $0x3;
	[dreg:$0x5] =	wrdreg s5;
	s5 =	sshrl.u32 s17, $0x3  }
0x16: {  	s25 =	simm.s32 $0xCD00;
	s17 =	sadd.s32 s23, s2;
	s5 =	sadd.s32 s1, s5  }
0x17: {  	s20 =	sadd.s32 s1, s26;
	s26 =	simm.s32 $0x7D;
	[dreg:$0x8] =	wrdreg s5  }
0x18: {  	s5 =	sadd.s32 s1, s19;
	s19 =	sadd.s32 s24, s2;
	s24 =	simm.s32 $0x1  }
0x19: {  	[dreg:$0xa] =	wrdreg s5;
	s5 =	sadd.s32 s1, s21;
	s21 =	sadd.s32 s9, s2  }
0x1a: {  	[dreg:$0xc] =	wrdreg s5;
	s5 =	sadd.s32 s0, s23;
	s0 =	sadd.s32 s0, s9  }
0x1b: {  	s23 =	simm.s32 $0x5;
	s5 =	sshrl.u32 s5, $0x3;
	s0 =	sshrl.u32 s0, $0x3  }
0x1c: {  	s9 =	simm.s32 $0x4;
	s18 =	sadd.s32 s1, s5;
	s22 =	sadd.s32 s1, s0  }
0x1d: {  	v0 =	vimm.f32 $0.0e+00;
	s1 =	simm.s32 $0x8E80;
	s0 =	simm.s32 $0xADC0;
	s5 =	simm.s32 $0x2  }
.LBB2_1:
0x1e: {  	s12 =	rddreg [dreg:$0x3]  }
0x1f: {  	[tilespmem:s3], [sflag:$0x5] =	stream.linear.gather [hbm4b:s12+s3], $0x2800, $0x38;
	[tilespmem:$0x18540] =	vst v63  }
0x20: {  	_ =	swait.ge [sflag:s23], $0x2800  }
0x21: {  	[sflag:s23] =	ssyncset.done $0x0  }
0x22: {  	s13 =	simm.s32 $0x2800;
	s15 =	rddreg [dreg:$0x4];
	[sflag:s23] =	ssyncadd.s32 $0xFFFFD800  }
0x23: {  	[tilespmem:s13], [sflag:$0x5] =	stream.linear.gather [hbm4b:s15+s3], $0x2800, $0x38;
	[tilespmem:$0x18540] =	vst v63  }
0x24: {  	_ =	swait.ge [sflag:s23], $0x2800  }
0x25: {  	[sflag:s23] =	ssyncset.done $0x0  }
0x26: {  	[sflag:s23] =	ssyncadd.s32 $0xFFFFD800  }
0x27: {  	[tilespmem:$0xCD00] =	vst v0  }
0x28: {  	[tilespmem:$0xCD10] =	vst v0  }
0x29: {  	[tilespmem:$0xCD20] =	vst v0  }
0x2a: {  	[tilespmem:$0xCD30] =	vst v0  }
0x2b: {  	[tilespmem:$0xCD40] =	vst v0  }
0x2c: {  	[tilespmem:$0xCD50] =	vst v0  }
0x2d: {  	[tilespmem:$0xCD60] =	vst v0  }
0x2e: {  	[tilespmem:$0xCD70] =	vst v0  }
0x2f: {  	[tilespmem:$0xCD80] =	vst v0  }
0x30: {  	[tilespmem:$0xCD90] =	vst v0  }
0x31: {  	[tilespmem:$0xCDA0] =	vst v0  }
0x32: {  	[tilespmem:$0xCDB0] =	vst v0  }
0x33: {  	[tilespmem:$0xCDC0] =	vst v0  }
0x34: {  	[tilespmem:$0xCDD0] =	vst v0  }
0x35: {  	[tilespmem:$0xCDE0] =	vst v0  }
0x36: {  	[tilespmem:$0xCDF0] =	vst v0  }
0x37: {  	[tilespmem:$0xCE00] =	vst v0  }
0x38: {  	[tilespmem:$0xCE10] =	vst v0  }
0x39: {  	[tilespmem:$0xCE20] =	vst v0  }
0x3a: {  	[tilespmem:$0xCE30] =	vst v0  }
0x3b: {  	[tilespmem:$0xCE40] =	vst v0  }
0x3c: {  	[tilespmem:$0xCE50] =	vst v0  }
0x3d: {  	[tilespmem:$0xCE60] =	vst v0  }
0x3e: {  	[tilespmem:$0xCE70] =	vst v0  }
0x3f: {  	[tilespmem:$0xCE80] =	vst v0  }
0x40: {  	[tilespmem:$0xCE90] =	vst v0  }
0x41: {  	[tilespmem:$0xCEA0] =	vst v0  }
0x42: {  	[tilespmem:$0xCEB0] =	vst v0  }
0x43: {  	[tilespmem:$0xCEC0] =	vst v0  }
0x44: {  	[tilespmem:$0xCED0] =	vst v0  }
0x45: {  	[tilespmem:$0xCEE0] =	vst v0  }
0x46: {  	s16 =	sadd.s32 $0x0, s7;
	[tilespmem:$0xCEF0] =	vst v0  }
0x47: {  	[spmem:s16] =	stream.linear.scatter [tilespmem:s25], [sflag:$0x5], $0x200, $0x38;
	[tilespmem:$0x18540] =	vst v63  }
0x48: {  	s12 =	simm.s32 $0x800;
	_ =	swait.ge [sflag:s23], $0x200  }
.LBB2_2:
0x49: {  	s13 =	sshra.s32 s12, $0x2;
	[sflag:s23] =	ssyncset.done $0x0;
	p1 =	sne.s32 s12, $0x26800  }
.Ltmp0:
0x4a: {  	s13 =	sadd.s32 s13, s7;
	[sflag:s23] =	ssyncadd.s32 $0xFFFFFE00;
	(pc) =	sbr.rel @p1 .LBB2_2-.Ltmp0, $3  }
0x4b: {  	[spmem:s13] =	stream.linear.scatter [tilespmem:s25], [sflag:$0x5], $0x200, $0x38;
	[tilespmem:$0x18540] =	vst v63  }
0x4c: {  	s12 =	sadd.s32 $0x800, s12;
	_ =	sdelay $0x1  }
0x4d: {  	_ =	swait.ge [sflag:s23], $0x200  }
0x4e: {  	[sflag:s23] =	ssyncset.done $0x0  }
0x4f: {  	s12 =	simm.s32 @!p0 $0xCD00;
	[sflag:s23] =	ssyncadd.s32 $0xFFFFFE00  }
0x50: {  	[spmem:s8] =	stream.linear.scatter @!p0 [tilespmem:s12], [sflag:$0x5], $0x200, $0x38;
	[tilespmem:$0x18540] =	vst v63  }
0x51: {  	s12 =	simm.s32 @!p0 $0x5  }
0x52: {  	_ =	swait.ge @!p0 [sflag:s12], $0x200  }
0x53: {  	[sflag:s12] =	ssyncset.done @!p0 $0x0  }
0x54: {  	[sflag:s12] =	ssyncadd.s32 @!p0 $0xFFFFFE00  }
0x55: {  	s16 =	simm.s32 $0x0;
	[bflag:$0x0] =	sbarrier.arrive $0xFFFF  }
0x56: {  	[tilespmem:s28], [sflag:$0x1] =	stream.indirect.gather [hbm4b:s4+s26], $0x40, s16, s26, $0xb8;
	[tilespmem:$0x18540] =	vst v63  }
0x57: {  	_ = 	snop  }
0x58: {  	[tilespmem:s30], [sflag:$0x2] =	stream.indirect.gather [hbm4b:s4+s26], $0x40, s29, s26, $0xb8;
	[tilespmem:$0x18540] =	vst v63  }
0x59: {  	_ = 	snop  }
0x5a: {  	[tilespmem:s1], [sflag:$0x3] =	stream.indirect.gather [hbm4b:s4+s26], $0x40, s31, s26, $0xb8;
	[tilespmem:$0x18540] =	vst v63  }
0x5b: {  	s13 =	simm.s32 $0x180  }
0x5c: {  	[tilespmem:s0], [sflag:$0x4] =	stream.indirect.gather [hbm4b:s4+s26], $0x40, s13, s26, $0xb8;
	[tilespmem:$0x18540] =	vst v63  }
0x5d: {  	_ =	swait.ge [sflag:s24], $0x1F40  }
0x5e: {  	[sflag:s24] =	ssyncset.done $0x0  }
0x5f: {  	s14 =	simm.s32 $0x2800;
	[sflag:s24] =	ssyncadd.s32 $0xFFFFE0C0  }
0x60: {  	[spmem:s2] =	stream.indirect.scatter.add.f32 [tilespmem:s28], [sflag:$0x5], $0x40, s14, s26, $0xb8;
	[tilespmem:$0x18540] =	vst v63  }
0x61: {  	_ =	swait.ge [sflag:s23], $0x1F40  }
0x62: {  	[sflag:s23] =	ssyncset.done $0x0  }
0x63: {  	s15 =	simm.s32 $0x200;
	[sflag:s23] =	ssyncadd.s32 $0xFFFFE0C0  }
0x64: {  	[tilespmem:s28], [sflag:$0x1] =	stream.indirect.gather [hbm4b:s4+s26], $0x40, s15, s26, $0xb8;
	[tilespmem:$0x18540] =	vst v63  }
0x65: {  	_ =	swait.ge [sflag:s5], $0x1F40  }
0x66: {  	[sflag:s5] =	ssyncset.done $0x0  }
0x67: {  	s16 =	simm.s32 $0x2880;
	[sflag:s5] =	ssyncadd.s32 $0xFFFFE0C0  }
0x68: {  	[spmem:s2] =	stream.indirect.scatter.add.f32 [tilespmem:s30], [sflag:$0x5], $0x40, s16, s26, $0xb8;
	[tilespmem:$0x18540] =	vst v63  }
0x69: {  	_ =	swait.ge [sflag:s23], $0x1F40  }
0x6a: {  	[sflag:s23] =	ssyncset.done $0x0  }
0x6b: {  	s13 =	simm.s32 $0x280;
	[sflag:s23] =	ssyncadd.s32 $0xFFFFE0C0  }
0x6c: {  	[tilespmem:s30], [sflag:$0x2] =	stream.indirect.gather [hbm4b:s4+s26], $0x40, s13, s26, $0xb8;
	[tilespmem:$0x18540] =	vst v63  }
0x6d: {  	_ =	swait.ge [sflag:s6], $0x1F40  }
0x6e: {  	[sflag:s6] =	ssyncset.done $0x0  }
0x6f: {  	s14 =	simm.s32 $0x2900;
	[sflag:s6] =	ssyncadd.s32 $0xFFFFE0C0  }
0x70: {  	[spmem:s2] =	stream.indirect.scatter.add.f32 [tilespmem:s1], [sflag:$0x5], $0x40, s14, s26, $0xb8;
	[tilespmem:$0x18540] =	vst v63  }
0x71: {  	_ =	swait.ge [sflag:s23], $0x1F40  }
0x72: {  	[sflag:s23] =	ssyncset.done $0x0  }
0x73: {  	s15 =	simm.s32 $0x300;
	[sflag:s23] =	ssyncadd.s32 $0xFFFFE0C0  }
0x74: {  	[tilespmem:s1], [sflag:$0x3] =	stream.indirect.gather [hbm4b:s4+s26], $0x40, s15, s26, $0xb8;
	[tilespmem:$0x18540] =	vst v63  }
0x75: {  	_ =	swait.ge [sflag:s9], $0x1F40  }
0x76: {  	[sflag:s9] =	ssyncset.done $0x0  }
0x77: {  	s16 =	simm.s32 $0x2980;
	[sflag:s9] =	ssyncadd.s32 $0xFFFFE0C0  }
0x78: {  	[spmem:s2] =	stream.indirect.scatter.add.f32 [tilespmem:s0], [sflag:$0x5], $0x40, s16, s26, $0xb8;
	[tilespmem:$0x18540] =	vst v63  }
0x79: {  	_ =	swait.ge [sflag:s23], $0x1F40  }
0x7a: {  	s12 =	simm.s32 $0x200;
	s13 =	simm.s32 $0x1000;
	[sflag:s23] =	ssyncset.done $0x0  }
.LBB2_4:
0x7b: {  	s16 =	sadd.s32 $0x180, s12  }
0x7c: {  	[sflag:s23] =	ssyncadd.s32 $0xFFFFE0C0;
	s14 =	smov.u32 s13;
	s15 =	sadd.s32 $0x800, s13  }
0x7d: {  	[tilespmem:s0], [sflag:$0x4] =	stream.indirect.gather [hbm4b:s4+s26], $0x40, s16, s26, $0xb8;
	[tilespmem:$0x18540] =	vst v63  }
0x7e: {  	p1 =	sne.s32 s13, $0x9000;
	_ =	swait.ge [sflag:s24], $0x1F40  }
0x7f: {  	[sflag:s24] =	ssyncset.done $0x0  }
0x80: {  	s13 =	sadd.s32 $0x2800, s12;
	[sflag:s24] =	ssyncadd.s32 $0xFFFFE0C0  }
0x81: {  	[spmem:s2] =	stream.indirect.scatter.add.f32 [tilespmem:s28], [sflag:$0x5], $0x40, s13, s26, $0xb8;
	[tilespmem:$0x18540] =	vst v63  }
0x82: {  	_ =	swait.ge [sflag:s23], $0x1F40  }
0x83: {  	[sflag:s23] =	ssyncset.done $0x0  }
0x84: {  	s13 =	sadd.s32 $0x200, s12;
	[sflag:s23] =	ssyncadd.s32 $0xFFFFE0C0  }
0x85: {  	[tilespmem:s28], [sflag:$0x1] =	stream.indirect.gather [hbm4b:s4+s26], $0x40, s13, s26, $0xb8;
	[tilespmem:$0x18540] =	vst v63  }
0x86: {  	_ =	swait.ge [sflag:s5], $0x1F40  }
0x87: {  	[sflag:s5] =	ssyncset.done $0x0  }
0x88: {  	s13 =	sadd.s32 $0x2880, s12;
	[sflag:s5] =	ssyncadd.s32 $0xFFFFE0C0  }
0x89: {  	[spmem:s2] =	stream.indirect.scatter.add.f32 [tilespmem:s30], [sflag:$0x5], $0x40, s13, s26, $0xb8;
	[tilespmem:$0x18540] =	vst v63  }
0x8a: {  	_ =	swait.ge [sflag:s23], $0x1F40  }
0x8b: {  	[sflag:s23] =	ssyncset.done $0x0  }
0x8c: {  	s13 =	sadd.s32 $0x280, s12;
	[sflag:s23] =	ssyncadd.s32 $0xFFFFE0C0  }
0x8d: {  	[tilespmem:s30], [sflag:$0x2] =	stream.indirect.gather [hbm4b:s4+s26], $0x40, s13, s26, $0xb8;
	[tilespmem:$0x18540] =	vst v63  }
0x8e: {  	_ =	swait.ge [sflag:s6], $0x1F40  }
0x8f: {  	[sflag:s6] =	ssyncset.done $0x0  }
0x90: {  	s13 =	sadd.s32 $0x2900, s12;
	[sflag:s6] =	ssyncadd.s32 $0xFFFFE0C0  }
0x91: {  	[spmem:s2] =	stream.indirect.scatter.add.f32 [tilespmem:s1], [sflag:$0x5], $0x40, s13, s26, $0xb8;
	[tilespmem:$0x18540] =	vst v63  }
0x92: {  	_ =	swait.ge [sflag:s23], $0x1F40  }
0x93: {  	[sflag:s23] =	ssyncset.done $0x0  }
0x94: {  	s13 =	sadd.s32 $0x300, s12;
	[sflag:s23] =	ssyncadd.s32 $0xFFFFE0C0  }
0x95: {  	[tilespmem:s1], [sflag:$0x3] =	stream.indirect.gather [hbm4b:s4+s26], $0x40, s13, s26, $0xb8;
	[tilespmem:$0x18540] =	vst v63  }
0x96: {  	_ =	swait.ge [sflag:s9], $0x1F40  }
.Ltmp1:
0x97: {  	[sflag:s9] =	ssyncset.done $0x0;
	(pc) =	sbr.rel @p1 .LBB2_4-.Ltmp1, $4  }
0x98: {  	s12 =	sadd.s32 $0x2980, s12;
	[sflag:s9] =	ssyncadd.s32 $0xFFFFE0C0  }
0x99: {  	[spmem:s2] =	stream.indirect.scatter.add.f32 [tilespmem:s0], [sflag:$0x5], $0x40, s12, s26, $0xb8;
	[tilespmem:$0x18540] =	vst v63  }
0x9a: {  	_ =	swait.ge [sflag:s23], $0x1F40  }
0x9b: {  	s13 =	smov.u32 s15;
	s12 =	sshra.s32 s14, $0x2;
	[sflag:s23] =	ssyncset.done $0x0  }
0x9c: {  	s13 =	sadd.s32 $0x180, s12;
	[sflag:s23] =	ssyncadd.s32 $0xFFFFE0C0  }
0x9d: {  	[tilespmem:s0], [sflag:$0x4] =	stream.indirect.gather [hbm4b:s4+s26], $0x40, s13, s26, $0xb8;
	[tilespmem:$0x18540] =	vst v63  }
0x9e: {  	_ =	swait.ge [sflag:s24], $0x1F40  }
0x9f: {  	[sflag:s24] =	ssyncset.done $0x0  }
0xa0: {  	s16 =	sadd.s32 $0x2800, s12;
	[sflag:s24] =	ssyncadd.s32 $0xFFFFE0C0  }
0xa1: {  	[spmem:s2] =	stream.indirect.scatter.add.f32 [tilespmem:s28], [sflag:$0x5], $0x40, s16, s26, $0xb8;
	[tilespmem:$0x18540] =	vst v63  }
0xa2: {  	_ =	swait.ge [sflag:s23], $0x1F40  }
0xa3: {  	[sflag:s23] =	ssyncset.done $0x0  }
0xa4: {  	s14 =	sadd.s32 $0x200, s12;
	[sflag:s23] =	ssyncadd.s32 $0xFFFFE0C0  }
0xa5: {  	[tilespmem:s28], [sflag:$0x1] =	stream.indirect.gather [hbm4b:s4+s26], $0x40, s14, s26, $0xb8;
	[tilespmem:$0x18540] =	vst v63  }
0xa6: {  	_ =	swait.ge [sflag:s5], $0x1F40  }
0xa7: {  	[sflag:s5] =	ssyncset.done $0x0  }
0xa8: {  	s15 =	sadd.s32 $0x2880, s12;
	[sflag:s5] =	ssyncadd.s32 $0xFFFFE0C0  }
0xa9: {  	[spmem:s2] =	stream.indirect.scatter.add.f32 [tilespmem:s30], [sflag:$0x5], $0x40, s15, s26, $0xb8;
	[tilespmem:$0x18540] =	vst v63  }
0xaa: {  	_ =	swait.ge [sflag:s23], $0x1F40  }
0xab: {  	[sflag:s23] =	ssyncset.done $0x0  }
0xac: {  	s16 =	sadd.s32 $0x280, s12;
	[sflag:s23] =	ssyncadd.s32 $0xFFFFE0C0  }
0xad: {  	[tilespmem:s30], [sflag:$0x2] =	stream.indirect.gather [hbm4b:s4+s26], $0x40, s16, s26, $0xb8;
	[tilespmem:$0x18540] =	vst v63  }
0xae: {  	_ =	swait.ge [sflag:s6], $0x1F40  }
0xaf: {  	[sflag:s6] =	ssyncset.done $0x0  }
0xb0: {  	s14 =	sadd.s32 $0x2900, s12;
	[sflag:s6] =	ssyncadd.s32 $0xFFFFE0C0  }
0xb1: {  	[spmem:s2] =	stream.indirect.scatter.add.f32 [tilespmem:s1], [sflag:$0x5], $0x40, s14, s26, $0xb8;
	[tilespmem:$0x18540] =	vst v63  }
0xb2: {  	_ =	swait.ge [sflag:s23], $0x1F40  }
0xb3: {  	[sflag:s23] =	ssyncset.done $0x0  }
0xb4: {  	s15 =	sadd.s32 $0x300, s12;
	[sflag:s23] =	ssyncadd.s32 $0xFFFFE0C0  }
0xb5: {  	[tilespmem:s1], [sflag:$0x3] =	stream.indirect.gather [hbm4b:s4+s26], $0x40, s15, s26, $0xb8;
	[tilespmem:$0x18540] =	vst v63  }
0xb6: {  	_ =	swait.ge [sflag:s9], $0x1F40  }
0xb7: {  	[sflag:s9] =	ssyncset.done $0x0  }
0xb8: {  	s16 =	sadd.s32 $0x2980, s12;
	[sflag:s9] =	ssyncadd.s32 $0xFFFFE0C0  }
0xb9: {  	[spmem:s2] =	stream.indirect.scatter.add.f32 [tilespmem:s0], [sflag:$0x5], $0x40, s16, s26, $0xb8;
	[tilespmem:$0x18540] =	vst v63  }
0xba: {  	_ =	swait.ge [sflag:s23], $0x1F40  }
0xbb: {  	[sflag:s23] =	ssyncset.done $0x0  }
0xbc: {  	s13 =	simm.s32 $0x2780;
	[sflag:s23] =	ssyncadd.s32 $0xFFFFE0C0  }
0xbd: {  	[tilespmem:s0], [sflag:$0x4] =	stream.indirect.gather [hbm4b:s4+s26], $0x40, s13, s26, $0xb8;
	[tilespmem:$0x18540] =	vst v63  }
0xbe: {  	_ =	swait.ge [sflag:s24], $0x1F40  }
0xbf: {  	[sflag:s24] =	ssyncset.done $0x0  }
0xc0: {  	s14 =	simm.s32 $0x4E00;
	[sflag:s24] =	ssyncadd.s32 $0xFFFFE0C0  }
0xc1: {  	[spmem:s2] =	stream.indirect.scatter.add.f32 [tilespmem:s28], [sflag:$0x5], $0x40, s14, s26, $0xb8;
	[tilespmem:$0x18540] =	vst v63  }
0xc2: {  	_ =	swait.ge [sflag:s23], $0x1F40  }
0xc3: {  	[sflag:s23] =	ssyncset.done $0x0  }
0xc4: {  	[sflag:s23] =	ssyncadd.s32 $0xFFFFE0C0  }
0xc5: {  	[tilespmem:s28], [sflag:$0x1] =	stream.indirect.gather [hbm4b:s4+s26], $0x40, s3, s26, $0xb8;
	[tilespmem:$0x18540] =	vst v63  }
0xc6: {  	_ =	swait.ge [sflag:s5], $0x1F40  }
0xc7: {  	[sflag:s5] =	ssyncset.done $0x0  }
0xc8: {  	s15 =	simm.s32 $0x4E80;
	[sflag:s5] =	ssyncadd.s32 $0xFFFFE0C0  }
0xc9: {  	[spmem:s2] =	stream.indirect.scatter.add.f32 [tilespmem:s30], [sflag:$0x5], $0x40, s15, s26, $0xb8;
	[tilespmem:$0x18540] =	vst v63  }
0xca: {  	_ =	swait.ge [sflag:s23], $0x1F40  }
0xcb: {  	[sflag:s23] =	ssyncset.done $0x0  }
0xcc: {  	[sflag:s23] =	ssyncadd.s32 $0xFFFFE0C0  }
0xcd: {  	[tilespmem:s30], [sflag:$0x2] =	stream.indirect.gather [hbm4b:s4+s26], $0x40, s29, s26, $0xb8;
	[tilespmem:$0x18540] =	vst v63  }
0xce: {  	_ =	swait.ge [sflag:s6], $0x1F40  }
0xcf: {  	[sflag:s6] =	ssyncset.done $0x0  }
0xd0: {  	s16 =	simm.s32 $0x4F00;
	[sflag:s6] =	ssyncadd.s32 $0xFFFFE0C0  }
0xd1: {  	[spmem:s2] =	stream.indirect.scatter.add.f32 [tilespmem:s1], [sflag:$0x5], $0x40, s16, s26, $0xb8;
	[tilespmem:$0x18540] =	vst v63  }
0xd2: {  	_ =	swait.ge [sflag:s23], $0x1F40  }
0xd3: {  	[sflag:s23] =	ssyncset.done $0x0  }
0xd4: {  	[sflag:s23] =	ssyncadd.s32 $0xFFFFE0C0  }
0xd5: {  	[tilespmem:s1], [sflag:$0x3] =	stream.indirect.gather [hbm4b:s4+s26], $0x40, s31, s26, $0xb8;
	[tilespmem:$0x18540] =	vst v63  }
0xd6: {  	_ =	swait.ge [sflag:s9], $0x1F40  }
0xd7: {  	[sflag:s9] =	ssyncset.done $0x0  }
0xd8: {  	s13 =	simm.s32 $0x4F80;
	[sflag:s9] =	ssyncadd.s32 $0xFFFFE0C0  }
0xd9: {  	[spmem:s2] =	stream.indirect.scatter.add.f32 [tilespmem:s0], [sflag:$0x5], $0x40, s13, s26, $0xb8;
	[tilespmem:$0x18540] =	vst v63  }
0xda: {  	_ =	swait.ge [sflag:s23], $0x1F40  }
0xdb: {  	[sflag:s23] =	ssyncset.done $0x0  }
0xdc: {  	[sflag:s23] =	ssyncadd.s32 $0xFFFFE0C0  }
0xdd: {  	_ =	swait.ge [sflag:s24], $0x1F40  }
0xde: {  	[sflag:s24] =	ssyncset.done $0x0  }
0xdf: {  	[sflag:s24] =	ssyncadd.s32 $0xFFFFE0C0  }
0xe0: {  	_ =	swait.ge [sflag:s5], $0x1F40  }
0xe1: {  	[sflag:s5] =	ssyncset.done $0x0  }
0xe2: {  	[sflag:s5] =	ssyncadd.s32 $0xFFFFE0C0  }
0xe3: {  	_ =	swait.ge [sflag:s6], $0x1F40  }
0xe4: {  	[sflag:s6] =	ssyncset.done $0x0  }
0xe5: {  	[sflag:s6] =	ssyncadd.s32 $0xFFFFE0C0  }
0xe6: {  	[bflag:$0x0] =	sbarrier.arrive $0xFFFF  }
0xe7: {  	s14 =	rddreg [dreg:$0x7]  }
0xe8: {  	[tilespmem:s10], [sflag:$0x5] =	stream.linear.gather [spmem:s14], $0x1A00, $0x38;
	[tilespmem:$0x18540] =	vst v63  }
0xe9: {  	_ =	swait.ge [sflag:s23], $0x1A00  }
0xea: {  	[sflag:s23] =	ssyncset.done $0x0  }
0xeb: {  	s15 =	rddreg [dreg:$0x8];
	[sflag:s23] =	ssyncadd.s32 $0xFFFFE600  }
0xec: {  	[hbm4b:s15+s3] =	stream.linear.scatter [tilespmem:s10], [sflag:$0x5], $0x1A00, $0x38;
	[tilespmem:$0x18540] =	vst v63  }
0xed: {  	_ =	swait.ge [sflag:s23], $0x1A00  }
0xee: {  	[sflag:s23] =	ssyncset.done $0x0  }
0xef: {  	s16 =	rddreg [dreg:$0x9];
	[sflag:s23] =	ssyncadd.s32 $0xFFFFE600  }
0xf0: {  	[tilespmem:s10], [sflag:$0x5] =	stream.linear.gather [spmem:s16], $0x1A00, $0x38;
	[tilespmem:$0x18540] =	vst v63  }
0xf1: {  	_ =	swait.ge [sflag:s23], $0x1A00  }
0xf2: {  	[sflag:s23] =	ssyncset.done $0x0  }
0xf3: {  	s13 =	rddreg [dreg:$0xa];
	[sflag:s23] =	ssyncadd.s32 $0xFFFFE600  }
0xf4: {  	[hbm4b:s13+s3] =	stream.linear.scatter [tilespmem:s10], [sflag:$0x5], $0x1A00, $0x38;
	[tilespmem:$0x18540] =	vst v63  }
0xf5: {  	_ =	swait.ge [sflag:s23], $0x1A00  }
0xf6: {  	[sflag:s23] =	ssyncset.done $0x0  }
0xf7: {  	s14 =	rddreg [dreg:$0xb];
	[sflag:s23] =	ssyncadd.s32 $0xFFFFE600  }
0xf8: {  	[tilespmem:s10], [sflag:$0x5] =	stream.linear.gather [spmem:s14], $0x1A00, $0x38;
	[tilespmem:$0x18540] =	vst v63  }
0xf9: {  	_ =	swait.ge [sflag:s23], $0x1A00  }
0xfa: {  	[sflag:s23] =	ssyncset.done $0x0  }
0xfb: {  	s15 =	rddreg [dreg:$0xc];
	[sflag:s23] =	ssyncadd.s32 $0xFFFFE600  }
0xfc: {  	[hbm4b:s15+s3] =	stream.linear.scatter [tilespmem:s10], [sflag:$0x5], $0x1A00, $0x38;
	[tilespmem:$0x18540] =	vst v63  }
0xfd: {  	_ =	swait.ge [sflag:s23], $0x1A00  }
0xfe: {  	[sflag:s23] =	ssyncset.done $0x0  }
0xff: {  	[sflag:s23] =	ssyncadd.s32 $0xFFFFE600  }
0x100: {  	[tilespmem:s10], [sflag:$0x5] =	stream.linear.gather [spmem:s17], $0x1A00, $0x38;
	[tilespmem:$0x18540] =	vst v63  }
0x101: {  	_ =	swait.ge [sflag:s23], $0x1A00  }
0x102: {  	[sflag:s23] =	ssyncset.done $0x0  }
0x103: {  	[sflag:s23] =	ssyncadd.s32 $0xFFFFE600  }
0x104: {  	[hbm4b:s18+s3] =	stream.linear.scatter [tilespmem:s10], [sflag:$0x5], $0x1A00, $0x38;
	[tilespmem:$0x18540] =	vst v63  }
0x105: {  	_ =	swait.ge [sflag:s23], $0x1A00  }
0x106: {  	[sflag:s23] =	ssyncset.done $0x0  }
0x107: {  	[sflag:s23] =	ssyncadd.s32 $0xFFFFE600  }
0x108: {  	[tilespmem:s10], [sflag:$0x5] =	stream.linear.gather [spmem:s19], $0x1A00, $0x38;
	[tilespmem:$0x18540] =	vst v63  }
0x109: {  	_ =	swait.ge [sflag:s23], $0x1A00  }
0x10a: {  	[sflag:s23] =	ssyncset.done $0x0  }
0x10b: {  	[sflag:s23] =	ssyncadd.s32 $0xFFFFE600  }
0x10c: {  	[hbm4b:s20+s3] =	stream.linear.scatter [tilespmem:s10], [sflag:$0x5], $0x1A00, $0x38;
	[tilespmem:$0x18540] =	vst v63  }
0x10d: {  	_ =	swait.ge [sflag:s23], $0x1A00  }
0x10e: {  	[sflag:s23] =	ssyncset.done $0x0  }
0x10f: {  	[sflag:s23] =	ssyncadd.s32 $0xFFFFE600  }
0x110: {  	[tilespmem:s10], [sflag:$0x5] =	stream.linear.gather [spmem:s21], $0x1A00, $0x38;
	[tilespmem:$0x18540] =	vst v63  }
0x111: {  	_ =	swait.ge [sflag:s23], $0x1A00  }
0x112: {  	[sflag:s23] =	ssyncset.done $0x0  }
0x113: {  	[sflag:s23] =	ssyncadd.s32 $0xFFFFE600  }
0x114: {  	[hbm4b:s22+s3] =	stream.linear.scatter [tilespmem:s10], [sflag:$0x5], $0x1A00, $0x38;
	[tilespmem:$0x18540] =	vst v63  }
0x115: {  	_ =	swait.ge [sflag:s23], $0x1A00  }
0x116: {  	[sflag:s23] =	ssyncset.done $0x0  }
0x117: {  	s12 =	simm.s32 @!p0 $0xCD00;
	s13 =	simm.s32 @!p0 $0x5;
	[sflag:s23] =	ssyncadd.s32 $0xFFFFE600  }
0x118: {  	[tilespmem:s12], [sflag:$0x5] =	stream.linear.gather @!p0 [spmem:s8], $0x200, $0x38;
	[tilespmem:$0x18540] =	vst v63  }
0x119: {  	_ =	swait.ge @!p0 [sflag:s13], $0x200  }
0x11a: {  	[sflag:s13] =	ssyncset.done @!p0 $0x0  }
0x11b: {  	s14 =	simm.s32 @!p0 $0x0;
	s15 =	rddreg [dreg:$0x5];
	[sflag:s13] =	ssyncadd.s32 @!p0 $0xFFFFFE00  }
0x11c: {  	[hbm4b:s15+s14] =	stream.linear.scatter @!p0 [tilespmem:s12], [sflag:$0x5], $0x200, $0x38;
	[tilespmem:$0x18540] =	vst v63  }
0x11d: {  	_ =	swait.ge @!p0 [sflag:s13], $0x200  }
0x11e: {  	s11 =	sadd.s32 $0x1, s11;
	s16 =	rddreg [dreg:$0x6]  }
0x11f: {  	p1 =	sne.s32 s11, s16  }
.Ltmp2:
0x120: {  	_ = 	snop;
	(pc) =	sbr.rel @p1 .LBB2_1-.Ltmp2, $3  }
0x121: {  	_ =	sdelay $0x1  }
0x122: {  	[sflag:s13] =	ssyncset.done @!p0 $0x0  }
0x123: {  	[sflag:s13] =	ssyncadd.s32 @!p0 $0xFFFFFE00  }
0x124: {  	_ =	sfence.sel $0x180000  }
0x125: {  	[bflag:$0x0] =	sbarrier.arrive $0xFFFF  }
0x126: {  	_ =	strace $0x90000050  }
0x127: {  	s0 =	stileid.u32;
	[bflag:$0x2] =	sbarrier.arrive $0xFFFF  }
0x128: {  	p0 =	sne.s32 s0, $0x0;
	s0 =	rddreg [dreg:$0x2]  }
0x129: {  	s0 =	sadd.s32 @!p0 $0x100000, s0  }
0x12a: {  	[sflag:s0] =	ssyncadd.tile.s32 @!p0 $0x1;
	_ =	shalt  }
.Lfunc_end2:
_tile_overlayer_lowered:
.L_overlay_start_2:
0x12b: {  	(tag) =	ssettag $0x2  }
0x12c: {  	s0 =	rddreg [dreg:$0x0];
	s2 =	stileid.u32  }
0x12d: {  	s1 =	rddreg [dreg:$0x1];
	p0 =	sne.s32 s2, $0x0  }
0x12e: {  	s3 =	rddreg [dreg:$0x2];
	[bflag:$0x3] =	sbarrier.arrive $0xFFFF;
	s2 =	simm.s32 @!p0 $0x1C05  }
0x12f: {  	[timem:s3], [sflag:s2] =	dma.local @!p0 [hbm:s0], s1  }
0x130: {  	s0 =	simm.s32 @!p0 $0x5  }
0x131: {  	_ =	swait.ge @!p0 [sflag:s0], s1  }
0x132: {  	s1 =	ssub.s32 @!p0 $0x0, s1;
	[sflag:s0] =	ssyncset.done @!p0 $0x0  }
0x133: {  	[sflag:s0] =	ssyncadd.s32 @!p0 s1  }
0x134: {  	[bflag:$0x3] =	sbarrier.arrive $0xFFFF  }
0x135: {  	_ =	shalt  }

</sc_bundles>
